<compile_context>
chip_gen: v7x
topology: tpu7x:2x2x1
jax: 0.10.2.dev20260603
libtpu: 0.0.44.dev20260713+nightly
codegen_flags: <defaults>
</compile_context>

<pallas_src>
import jax
import jax.numpy as jnp
from jax import lax
from jax.experimental import pallas as pl
from jax.experimental.pallas import tpu as pltpu
from jax.experimental.pallas import tpu_sc as plsc


def kernel(node_features, edge_features, edge_indices, edge_indices_reverse,
           Wf, Wef, a_src_f, a_dst_f, a_edge_f, bf,
           Wb, Web, a_src_b, a_dst_b, a_edge_b, bb,
           Wo, bo, gamma):
    f32 = jnp.float32
    x = node_features
    N, D = x.shape
    E = edge_indices.shape[1]
    H, DH = a_src_f.shape

    NS = 16
    C = 64
    CH_TOT = E // C
    NCH = CH_TOT // NS
    NTAIL = CH_TOT - NS * NCH
    RPW = N // NS
    NSETS = 3

    Wf2 = Wf.reshape(D, D)
    Wb2 = Wb.reshape(D, D)
    wsc = jnp.concatenate([
        jnp.einsum('dhk,hk->dh', Wf, a_src_f),
        jnp.einsum('dhk,hk->dh', Wf, a_dst_f),
        jnp.einsum('dhk,hk->dh', Wb, a_src_b),
        jnp.einsum('dhk,hk->dh', Wb, a_dst_b)], axis=1)
    Cf = jnp.einsum('dhk,hk->dh', Wef, a_edge_f)
    Cb = jnp.einsum('dhk,hk->dh', Web, a_edge_b)
    eye16 = jnp.eye(16, dtype=f32)
    wef16 = jnp.kron(eye16, Cf)
    web16 = jnp.kron(eye16, Cb)
    erep = jnp.kron(jnp.eye(8, dtype=f32), jnp.ones((1, 16), f32))
    bsum = (bf + bb).reshape(1, D)
    bo2 = bo.reshape(1, D)
    gamma2 = gamma.reshape(1, D)

    NB = 10
    BN = N // NB
    E16 = E // 16
    BE = E16 // NB
    ef16 = edge_features.reshape(E16, 256)

    def pre_body(x_ref, ef_ref, wf_ref, wb_ref, wsc_ref, cf_ref, cb_ref,
                 h_ref, tab_ref, es_ref):
        xb = x_ref[...]
        h_ref[0] = jnp.dot(xb, wf_ref[...], preferred_element_type=f32)
        h_ref[1] = jnp.dot(xb, wb_ref[...], preferred_element_type=f32)
        sc = jnp.dot(xb, wsc_ref[...], preferred_element_type=f32)
        tab_ref[0] = sc[:, :16]
        tab_ref[1] = sc[:, 16:]
        efb = ef_ref[...]
        es_ref[0] = jnp.dot(efb, cf_ref[...], preferred_element_type=f32)
        es_ref[1] = jnp.dot(efb, cb_ref[...], preferred_element_type=f32)

    h3, tab3, es8 = pl.pallas_call(
        pre_body,
        grid=(NB,),
        in_specs=[
            pl.BlockSpec((BN, D), lambda i: (i, 0)),
            pl.BlockSpec((BE, 256), lambda i: (i, 0)),
            pl.BlockSpec((D, D), lambda i: (0, 0)),
            pl.BlockSpec((D, D), lambda i: (0, 0)),
            pl.BlockSpec((D, 32), lambda i: (0, 0)),
            pl.BlockSpec((256, 128), lambda i: (0, 0)),
            pl.BlockSpec((256, 128), lambda i: (0, 0)),
        ],
        out_specs=[
            pl.BlockSpec((2, BN, D), lambda i: (0, i, 0)),
            pl.BlockSpec((2, BN, 16), lambda i: (0, i, 0)),
            pl.BlockSpec((2, BE, 128), lambda i: (0, i, 0)),
        ],
        out_shape=[
            jax.ShapeDtypeStruct((2, N, D), f32),
            jax.ShapeDtypeStruct((2, N, 16), f32),
            jax.ShapeDtypeStruct((2, E16, 128), f32),
        ],
    )(x, ef16, Wf2, Wb2, wsc, wef16, web16)

    src3 = jnp.stack([edge_indices[0], edge_indices_reverse[0]]
                     ).reshape(2, CH_TOT, C)
    dst3 = jnp.stack([edge_indices[1], edge_indices_reverse[1]]
                     ).reshape(2, CH_TOT, C)

    def sc_body(src_hbm, dst_hbm, tab_hbm, es_hbm, h_hbm, raw_hbm, den_hbm,
                *scr):
        sets = [tuple(scr[i * 7:(i + 1) * 7]) for i in range(NSETS)]
        out_sh, den_sh = scr[NSETS * 7:NSETS * 7 + 2]
        sems = scr[NSETS * 7 + 2:NSETS * 7 + 2 + NSETS]
        semD = scr[NSETS * 7 + 2 + NSETS]
        c = lax.axis_index("c")
        s = lax.axis_index("s")

        zero16 = jnp.zeros((16,), f32)
        iota16 = lax.iota(jnp.int32, 16)

        zbuf, zbuf8, zidx = sets[0][6], sets[0][5], sets[0][0]
        NZB = -(-N // C)

        @pl.loop(0, C)
        def _zb(r):
            for g in range(D // 16):
                zbuf[r, pl.ds(16 * g, 16)] = zero16
            zbuf8[r, pl.ds(0, 16)] = zero16

        for t in range(10):
            b = s + 16 * t

            @pl.when(b < NZB)
            def _zs():
                for g in range(C // 16):
                    zidx[pl.ds(16 * g, 16)] = jnp.minimum(
                        iota16 + (16 * g) + b * C, N - 1)
                pltpu.async_copy(zbuf, out_sh.at[zidx], semD).wait()
                pltpu.async_copy(zbuf8, den_sh.at[zidx], semD).wait()

        plsc.subcore_barrier()

        def loads_issue(r, st, sem):
            pltpu.async_copy(src_hbm.at[c].at[r], st[0], sem)
            pltpu.async_copy(dst_hbm.at[c].at[r], st[1], sem)
            pltpu.async_copy(es_hbm.at[c].at[pl.ds(r * (C // 16), C // 16)],
                             st[2], sem)

        def loads_wait(r, st, sem):
            pltpu.make_async_copy(src_hbm.at[c].at[r], st[0], sem).wait()
            pltpu.make_async_copy(dst_hbm.at[c].at[r], st[1], sem).wait()
            pltpu.make_async_copy(es_hbm.at[c].at[pl.ds(r * (C // 16),
                                                        C // 16)],
                                  st[2], sem).wait()

        def gathers_issue(st, sem):
            pltpu.async_copy(tab_hbm.at[c].at[st[0]], st[3], sem)
            pltpu.async_copy(tab_hbm.at[c].at[st[1]], st[4], sem)
            pltpu.async_copy(h_hbm.at[c].at[st[0]], st[6], sem)

        def gathers_wait(st, sem):
            pltpu.make_async_copy(tab_hbm.at[c].at[st[0]], st[3], sem).wait()
            pltpu.make_async_copy(tab_hbm.at[c].at[st[1]], st[4], sem).wait()
            pltpu.make_async_copy(h_hbm.at[c].at[st[0]], st[6], sem).wait()

        def scat_issue(st, sem):
            pltpu.async_copy(st[5], den_sh.at[st[1]], sem, add=True)

        def scat_wait(st, sem):
            pltpu.make_async_copy(st[5], den_sh.at[st[1]], sem).wait()
            pltpu.make_async_copy(st[6], out_sh.at[st[1]], sem).wait()

        rot8 = lax.bitwise_and(iota16 + 8, 15)
        hsplat = [jnp.full((16,), hh, jnp.int32) for hh in range(H)]

        def process(st, sem):
            ssb, sdb, esb, exb, hrb = st[3], st[4], st[2], st[5], st[6]

            @plsc.parallel_loop(0, C, unroll=4)
            def _ce(e):
                ssv = ssb[e, pl.ds(0, 16)]
                sdv = sdb[e, pl.ds(0, 16)]
                sdsh = sdv.at[rot8].get(mode='promise_in_bounds')
                cc = lax.bitwise_and(e, 15) * 8
                q = jnp.minimum(cc, 112)
                er = lax.shift_right_logical(e, 4)
                esv0 = esb[er, pl.ds(q, 16)]
                esv = esv0.at[lax.bitwise_and(iota16 + (cc - q), 15)].get(
                    mode='promise_in_bounds')
                v = ssv + sdsh + esv
                v = jnp.where(v >= 0.0, v, 0.2 * v)
                exv = jnp.exp(v)
                exb[e, pl.ds(0, 16)] = exv
                for hh in range(H):
                    a = exv.at[hsplat[hh]].get(mode='promise_in_bounds')
                    sl = pl.ds(16 * hh, 16)
                    hrb[e, sl] = hrb[e, sl] * a

            scat_issue(st, sem)
            pltpu.async_copy(st[6], out_sh.at[st[1]], sem, add=True)

        loads_issue(s, sets[0], sems[0])
        loads_issue(s + NS, sets[1], sems[1])
        loads_wait(s, sets[0], sems[0])
        gathers_issue(sets[0], sems[0])

        @pl.loop(0, NCH // NSETS)
        def _main(kk):
            kbase = kk * NSETS
            for u in range(NSETS):
                st, sem = sets[u], sems[u]
                stp, semp = sets[(u + 2) % NSETS], sems[(u + 2) % NSETS]
                stn, semn = sets[(u + 1) % NSETS], sems[(u + 1) % NSETS]
                k = kbase + u
                gathers_wait(st, sem)

                @pl.when(k < NCH - 1)
                def _g():
                    loads_wait(s + (k + 1) * NS, stn, semn)
                    gathers_issue(stn, semn)

                @pl.when(k >= 1)
                def _d():
                    scat_wait(stp, semp)

                @pl.when(k < NCH - 2)
                def _l():
                    loads_issue(s + (k + 2) * NS, stp, semp)

                process(st, sem)

        scat_wait(sets[(NCH - 1) % NSETS], sems[(NCH - 1) % NSETS])

        @pl.when(s < NTAIL)
        def _tail():
            rt = NS * NCH + s
            loads_issue(rt, sets[0], sems[0])
            loads_wait(rt, sets[0], sems[0])
            gathers_issue(sets[0], sems[0])
            gathers_wait(sets[0], sems[0])
            process(sets[0], sems[0])
            scat_wait(sets[0], sems[0])

        plsc.subcore_barrier()
        DRW = (N // NS) // 8 * 8
        dbase = s * DRW
        pltpu.async_copy(out_sh.at[pl.ds(dbase, DRW)],
                         raw_hbm.at[c].at[pl.ds(dbase, DRW)], semD)
        pltpu.async_copy(den_sh.at[pl.ds(dbase, DRW)],
                         den_hbm.at[c].at[pl.ds(dbase, DRW)], semD)

        NREM = N - NS * DRW
        @pl.when(s == 0)
        def _remdrain():
            pltpu.async_copy(out_sh.at[pl.ds(NS * DRW, NREM)],
                             raw_hbm.at[c].at[pl.ds(NS * DRW, NREM)], semD)
            pltpu.async_copy(den_sh.at[pl.ds(NS * DRW, NREM)],
                             den_hbm.at[c].at[pl.ds(NS * DRW, NREM)], semD)

        pltpu.make_async_copy(out_sh.at[pl.ds(dbase, DRW)],
                              raw_hbm.at[c].at[pl.ds(dbase, DRW)],
                              semD).wait()
        pltpu.make_async_copy(den_sh.at[pl.ds(dbase, DRW)],
                              den_hbm.at[c].at[pl.ds(dbase, DRW)],
                              semD).wait()

        @pl.when(s == 0)
        def _remwait():
            pltpu.make_async_copy(out_sh.at[pl.ds(NS * DRW, NREM)],
                                  raw_hbm.at[c].at[pl.ds(NS * DRW, NREM)],
                                  semD).wait()
            pltpu.make_async_copy(den_sh.at[pl.ds(NS * DRW, NREM)],
                                  den_hbm.at[c].at[pl.ds(NS * DRW, NREM)],
                                  semD).wait()

    set_scratch = []
    for _ in range(NSETS):
        set_scratch += [
            pltpu.VMEM((C,), jnp.int32),
            pltpu.VMEM((C,), jnp.int32),
            pltpu.VMEM((C // 16, 128), f32),
            pltpu.VMEM((C, 16), f32),
            pltpu.VMEM((C, 16), f32),
            pltpu.VMEM((C, 16), f32),
            pltpu.VMEM((C, D), f32),
        ]
    scratch = set_scratch + [
        pltpu.VMEM_SHARED((N, D), f32),
        pltpu.VMEM_SHARED((N, 16), f32),
    ] + [pltpu.SemaphoreType.DMA] * (NSETS + 1)

    mesh = plsc.VectorSubcoreMesh(core_axis_name="c", subcore_axis_name="s")
    raw3, den3 = pl.kernel(
        sc_body,
        out_type=[jax.ShapeDtypeStruct((2, N, D), f32),
                  jax.ShapeDtypeStruct((2, N, 16), f32)],
        mesh=mesh,
        scratch_types=scratch,
        compiler_params=pltpu.CompilerParams(use_tc_tiling_on_sc=False),
    )(src3, dst3, tab3, es8, h3)

    def fin_body(raw_ref, den_ref, x_ref, wo_ref, erep_ref, bsum_ref,
                 bo_ref, g_ref, o_ref):
        rec_f = 1.0 / (den_ref[0][:, :8] + 1e-9)
        rec_b = 1.0 / (den_ref[1][:, :8] + 1e-9)
        mf = jnp.dot(rec_f, erep_ref[...], preferred_element_type=f32)
        mb = jnp.dot(rec_b, erep_ref[...], preferred_element_type=f32)
        comb = raw_ref[0] * mf + raw_ref[1] * mb + bsum_ref[...]
        out = jnp.dot(comb, wo_ref[...], preferred_element_type=f32)
        out = out + bo_ref[...] + x_ref[...]
        rms = jnp.sqrt(jnp.mean(out * out, axis=-1, keepdims=True) + 1e-6)
        o_ref[...] = out / rms * g_ref[...]

    y = pl.pallas_call(
        fin_body,
        grid=(NB,),
        in_specs=[
            pl.BlockSpec((2, BN, D), lambda i: (0, i, 0)),
            pl.BlockSpec((2, BN, 16), lambda i: (0, i, 0)),
            pl.BlockSpec((BN, D), lambda i: (i, 0)),
            pl.BlockSpec((D, D), lambda i: (0, 0)),
            pl.BlockSpec((8, D), lambda i: (0, 0)),
            pl.BlockSpec((1, D), lambda i: (0, 0)),
            pl.BlockSpec((1, D), lambda i: (0, 0)),
            pl.BlockSpec((1, D), lambda i: (0, 0)),
        ],
        out_specs=pl.BlockSpec((BN, D), lambda i: (i, 0)),
        out_shape=jax.ShapeDtypeStruct((N, D), f32),
    )(raw3, den3, x, Wo, erep, bsum, bo2, gamma2)

    return y

# --- scband reference (transcript-rebuilt; emitter-appended) ---
"""Pipeline reference for scband-directed-gatlayer-1116691497068 (READ-ONLY COPY).

The authoritative reference and input builder live on the scoring server;
editing this copy changes nothing except your own understanding.
"""

import jax, jax.numpy as jnp
import numpy as np

N = 10000
E = 320000
D = 128
DE = 16
H = 8
DH = 16


def setup_inputs(seed: int = 0):
    key = jax.random.key(seed)
    ks = jax.random.split(key, 20)
    s = 0.1
    inp = {}
    inp['node_features'] = jax.random.normal(ks[0], (N, D), jnp.float32)
    inp['edge_features'] = jax.random.normal(ks[1], (E, DE), jnp.float32)
    inp['edge_indices'] = jax.random.randint(ks[2], (2, E), 0, N, dtype=jnp.int32)
    inp['edge_indices_reverse'] = jax.random.randint(ks[3], (2, E), 0, N, dtype=jnp.int32)
    inp['Wf'] = jax.random.normal(ks[4], (D, H, DH), jnp.float32) * s
    inp['Wef'] = jax.random.normal(ks[5], (DE, H, DH), jnp.float32) * s
    inp['a_src_f'] = jax.random.normal(ks[6], (H, DH), jnp.float32) * s
    inp['a_dst_f'] = jax.random.normal(ks[7], (H, DH), jnp.float32) * s
    inp['a_edge_f'] = jax.random.normal(ks[8], (H, DH), jnp.float32) * s
    inp['bf'] = jnp.zeros((H * DH,), jnp.float32)
    inp['Wb'] = jax.random.normal(ks[9], (D, H, DH), jnp.float32) * s
    inp['Web'] = jax.random.normal(ks[10], (DE, H, DH), jnp.float32) * s
    inp['a_src_b'] = jax.random.normal(ks[11], (H, DH), jnp.float32) * s
    inp['a_dst_b'] = jax.random.normal(ks[12], (H, DH), jnp.float32) * s
    inp['a_edge_b'] = jax.random.normal(ks[13], (H, DH), jnp.float32) * s
    inp['bb'] = jnp.zeros((H * DH,), jnp.float32)
    inp['Wo'] = jax.random.normal(ks[14], (H * DH, D), jnp.float32) * s
    inp['bo'] = jnp.zeros((D,), jnp.float32)
    inp['gamma'] = jnp.ones((D,), jnp.float32)
    return inp


def _gat_head(x, ef, src, dst, W, We, a_src, a_dst, a_edge, b):
    n = x.shape[0]
    h = jnp.einsum('nd,dhk->nhk', x, W)
    ep = jnp.einsum('ed,dhk->ehk', ef, We)
    hs = h[src]
    hd = h[dst]
    score = jnp.sum(hs * a_src + hd * a_dst + ep * a_edge, axis=-1)
    score = jax.nn.leaky_relu(score, 0.2)
    smax = jax.ops.segment_max(score, dst, num_segments=n)
    smax = jnp.where(jnp.isfinite(smax), smax, 0.0)
    ex = jnp.exp(score - smax[dst])
    denom = jax.ops.segment_sum(ex, dst, num_segments=n)
    alpha = ex / (denom[dst] + 1e-9)
    out = jax.ops.segment_sum(hs * alpha[:, :, None], dst, num_segments=n)
    return out.reshape(n, H * DH) + b


def reference(node_features, edge_features, edge_indices, edge_indices_reverse, Wf, Wef, a_src_f, a_dst_f, a_edge_f, bf, Wb, Web, a_src_b, a_dst_b, a_edge_b, bb, Wo, bo, gamma):
    fwd = _gat_head(node_features, edge_features, edge_indices[0], edge_indices[1], Wf, Wef, a_src_f, a_dst_f, a_edge_f, bf)
    bwd = _gat_head(node_features, edge_features, edge_indices_reverse[0], edge_indices_reverse[1], Wb, Web, a_src_b, a_dst_b, a_edge_b, bb)
    combined = fwd + bwd
    out = combined @ Wo + bo
    out = out + node_features
    rms = jnp.sqrt(jnp.mean(jnp.square(out), axis=-1, keepdims=True) + 1e-6)
    out = out / rms * gamma
    return out

if __name__ == "__main__":
    import jax
    _d = setup_inputs()
    print(jax.jit(kernel)(*tuple(_d.values())))

</pallas_src>

<mosaic_0001>
#map = affine_map<(d0, d1) -> (0, 0, 0)>
module attributes {stable_mosaic.version = 14 : i64} {
  func.func @sc_body(%arg0: i32, %arg1: i32, %arg2: memref<2x5000x64xi32, #tpu.memory_space<hbm>>, %arg3: memref<2x5000x64xi32, #tpu.memory_space<hbm>>, %arg4: memref<2x10000x16xf32, #tpu.memory_space<hbm>>, %arg5: memref<2x20000x128xf32, #tpu.memory_space<hbm>>, %arg6: memref<2x10000x128xf32, #tpu.memory_space<hbm>>, %arg7: memref<2x10000x128xf32, #tpu.memory_space<hbm>>, %arg8: memref<2x10000x16xf32, #tpu.memory_space<hbm>>, %arg9: memref<64xi32, #tpu.memory_space<vmem>>, %arg10: memref<64xi32, #tpu.memory_space<vmem>>, %arg11: memref<4x128xf32, #tpu.memory_space<vmem>>, %arg12: memref<64x16xf32, #tpu.memory_space<vmem>>, %arg13: memref<64x16xf32, #tpu.memory_space<vmem>>, %arg14: memref<64x16xf32, #tpu.memory_space<vmem>>, %arg15: memref<64x128xf32, #tpu.memory_space<vmem>>, %arg16: memref<64xi32, #tpu.memory_space<vmem>>, %arg17: memref<64xi32, #tpu.memory_space<vmem>>, %arg18: memref<4x128xf32, #tpu.memory_space<vmem>>, %arg19: memref<64x16xf32, #tpu.memory_space<vmem>>, %arg20: memref<64x16xf32, #tpu.memory_space<vmem>>, %arg21: memref<64x16xf32, #tpu.memory_space<vmem>>, %arg22: memref<64x128xf32, #tpu.memory_space<vmem>>, %arg23: memref<64xi32, #tpu.memory_space<vmem>>, %arg24: memref<64xi32, #tpu.memory_space<vmem>>, %arg25: memref<4x128xf32, #tpu.memory_space<vmem>>, %arg26: memref<64x16xf32, #tpu.memory_space<vmem>>, %arg27: memref<64x16xf32, #tpu.memory_space<vmem>>, %arg28: memref<64x16xf32, #tpu.memory_space<vmem>>, %arg29: memref<64x128xf32, #tpu.memory_space<vmem>>, %arg30: memref<10000x128xf32, #tpu.memory_space<vmem_shared>>, %arg31: memref<10000x16xf32, #tpu.memory_space<vmem_shared>>, %arg32: memref<!tpu.dma_semaphore, #tpu.memory_space<semaphore_mem>>, %arg33: memref<!tpu.dma_semaphore, #tpu.memory_space<semaphore_mem>>, %arg34: memref<!tpu.dma_semaphore, #tpu.memory_space<semaphore_mem>>, %arg35: memref<!tpu.dma_semaphore, #tpu.memory_space<semaphore_mem>>) attributes {dimension_semantics = [#tpu.dimension_semantics<core_parallel>, #tpu.dimension_semantics<subcore_parallel>], iteration_bounds = array<i64: 2, 16>, scalar_prefetch = 0 : i64, scratch_operands = 27 : i64, tpu.core_type = #tpu.core_type<sc_vector_subcore>, window_params = [{transform_indices = #map}, {transform_indices = #map}, {transform_indices = #map}, {transform_indices = #map}, {transform_indices = #map}, {transform_indices = #map}, {transform_indices = #map}]} {
    %broadcast_in_dim3A = arith.constant 0.000000e+00 : f32
    %broadcast_in_dim3A_0 = vector.broadcast %broadcast_in_dim3A : f32 to vector<16xf32>
    %iota3A = tpu.iota {dimensions = array<i32: 0>} : vector<16xi32>
    %scan3A = arith.constant 0 : i32
    %scan3A_1 = arith.constant 64 : i32
    %scan3A_2 = arith.addi %scan3A, %scan3A_1 : i32
    %scan3A_3 = arith.constant 1 : i32
    scf.for %scan3A_298 = %scan3A to %scan3A_2 step %scan3A_3  : i32 {
      %mul3A_299 = arith.constant 1 : i32
      %mul3A_300 = arith.muli %scan3A_298, %mul3A_299 : i32
      %add3A_301 = arith.constant 0 : i32
      %add3A_302 = arith.addi %add3A_301, %mul3A_300 : i32
      %swap3A = arith.index_cast %add3A_302 : i32 to index
      %swap3A_303 = arith.constant 0 : index
      %swap3A_304 = tpu.vector_load %arg15[%swap3A, %swap3A_303] {strides = array<i32>} : memref<64x128xf32, #tpu.memory_space<vmem>>, vector<1x16xf32>,
      %swap3A_305 = vector.shape_cast %swap3A_304 : vector<1x16xf32> to vector<16xf32>
      %swap3A_306 = vector.shape_cast %broadcast_in_dim3A_0 : vector<16xf32> to vector<1x16xf32>
      tpu.vector_store %arg15[%swap3A, %swap3A_303], %swap3A_306 {strides = array<i32>} : memref<64x128xf32, #tpu.memory_space<vmem>>, vector<1x16xf32>,
      %swap3A_307 = arith.index_cast %add3A_302 : i32 to index
      %swap3A_308 = arith.constant 16 : index
      %swap3A_309 = tpu.vector_load %arg15[%swap3A_307, %swap3A_308] {strides = array<i32>} : memref<64x128xf32, #tpu.memory_space<vmem>>, vector<1x16xf32>,
      %swap3A_310 = vector.shape_cast %swap3A_309 : vector<1x16xf32> to vector<16xf32>
      %swap3A_311 = vector.shape_cast %broadcast_in_dim3A_0 : vector<16xf32> to vector<1x16xf32>
      tpu.vector_store %arg15[%swap3A_307, %swap3A_308], %swap3A_311 {strides = array<i32>} : memref<64x128xf32, #tpu.memory_space<vmem>>, vector<1x16xf32>,
      %swap3A_312 = arith.index_cast %add3A_302 : i32 to index
      %swap3A_313 = arith.constant 32 : index
      %swap3A_314 = tpu.vector_load %arg15[%swap3A_312, %swap3A_313] {strides = array<i32>} : memref<64x128xf32, #tpu.memory_space<vmem>>, vector<1x16xf32>,
      %swap3A_315 = vector.shape_cast %swap3A_314 : vector<1x16xf32> to vector<16xf32>
      %swap3A_316 = vector.shape_cast %broadcast_in_dim3A_0 : vector<16xf32> to vector<1x16xf32>
      tpu.vector_store %arg15[%swap3A_312, %swap3A_313], %swap3A_316 {strides = array<i32>} : memref<64x128xf32, #tpu.memory_space<vmem>>, vector<1x16xf32>,
      %swap3A_317 = arith.index_cast %add3A_302 : i32 to index
      %swap3A_318 = arith.constant 48 : index
      %swap3A_319 = tpu.vector_load %arg15[%swap3A_317, %swap3A_318] {strides = array<i32>} : memref<64x128xf32, #tpu.memory_space<vmem>>, vector<1x16xf32>,
      %swap3A_320 = vector.shape_cast %swap3A_319 : vector<1x16xf32> to vector<16xf32>
      %swap3A_321 = vector.shape_cast %broadcast_in_dim3A_0 : vector<16xf32> to vector<1x16xf32>
      tpu.vector_store %arg15[%swap3A_317, %swap3A_318], %swap3A_321 {strides = array<i32>} : memref<64x128xf32, #tpu.memory_space<vmem>>, vector<1x16xf32>,
      %swap3A_322 = arith.index_cast %add3A_302 : i32 to index
      %swap3A_323 = arith.constant 64 : index
      %swap3A_324 = tpu.vector_load %arg15[%swap3A_322, %swap3A_323] {strides = array<i32>} : memref<64x128xf32, #tpu.memory_space<vmem>>, vector<1x16xf32>,
      %swap3A_325 = vector.shape_cast %swap3A_324 : vector<1x16xf32> to vector<16xf32>
      %swap3A_326 = vector.shape_cast %broadcast_in_dim3A_0 : vector<16xf32> to vector<1x16xf32>
      tpu.vector_store %arg15[%swap3A_322, %swap3A_323], %swap3A_326 {strides = array<i32>} : memref<64x128xf32, #tpu.memory_space<vmem>>, vector<1x16xf32>,
      %swap3A_327 = arith.index_cast %add3A_302 : i32 to index
      %swap3A_328 = arith.constant 80 : index
      %swap3A_329 = tpu.vector_load %arg15[%swap3A_327, %swap3A_328] {strides = array<i32>} : memref<64x128xf32, #tpu.memory_space<vmem>>, vector<1x16xf32>,
      %swap3A_330 = vector.shape_cast %swap3A_329 : vector<1x16xf32> to vector<16xf32>
      %swap3A_331 = vector.shape_cast %broadcast_in_dim3A_0 : vector<16xf32> to vector<1x16xf32>
      tpu.vector_store %arg15[%swap3A_327, %swap3A_328], %swap3A_331 {strides = array<i32>} : memref<64x128xf32, #tpu.memory_space<vmem>>, vector<1x16xf32>,
      %swap3A_332 = arith.index_cast %add3A_302 : i32 to index
      %swap3A_333 = arith.constant 96 : index
      %swap3A_334 = tpu.vector_load %arg15[%swap3A_332, %swap3A_333] {strides = array<i32>} : memref<64x128xf32, #tpu.memory_space<vmem>>, vector<1x16xf32>,
      %swap3A_335 = vector.shape_cast %swap3A_334 : vector<1x16xf32> to vector<16xf32>
      %swap3A_336 = vector.shape_cast %broadcast_in_dim3A_0 : vector<16xf32> to vector<1x16xf32>
      tpu.vector_store %arg15[%swap3A_332, %swap3A_333], %swap3A_336 {strides = array<i32>} : memref<64x128xf32, #tpu.memory_space<vmem>>, vector<1x16xf32>,
      %swap3A_337 = arith.index_cast %add3A_302 : i32 to index
      %swap3A_338 = arith.constant 112 : index
      %swap3A_339 = tpu.vector_load %arg15[%swap3A_337, %swap3A_338] {strides = array<i32>} : memref<64x128xf32, #tpu.memory_space<vmem>>, vector<1x16xf32>,
      %swap3A_340 = vector.shape_cast %swap3A_339 : vector<1x16xf32> to vector<16xf32>
      %swap3A_341 = vector.shape_cast %broadcast_in_dim3A_0 : vector<16xf32> to vector<1x16xf32>
      tpu.vector_store %arg15[%swap3A_337, %swap3A_338], %swap3A_341 {strides = array<i32>} : memref<64x128xf32, #tpu.memory_space<vmem>>, vector<1x16xf32>,
      %swap3A_342 = arith.index_cast %add3A_302 : i32 to index
      %swap3A_343 = arith.constant 0 : index
      %swap3A_344 = tpu.vector_load %arg14[%swap3A_342, %swap3A_343] {strides = array<i32>} : memref<64x16xf32, #tpu.memory_space<vmem>>, vector<1x16xf32>,
      %swap3A_345 = vector.shape_cast %swap3A_344 : vector<1x16xf32> to vector<16xf32>
      %swap3A_346 = vector.shape_cast %broadcast_in_dim3A_0 : vector<16xf32> to vector<1x16xf32>
      tpu.vector_store %arg14[%swap3A_342, %swap3A_343], %swap3A_346 {strides = array<i32>} : memref<64x16xf32, #tpu.memory_space<vmem>>, vector<1x16xf32>,
    }
    %scan3A_4 = arith.constant 64 : i32
    %add3A = arith.constant 0 : i32
    %add3A_5 = arith.addi %arg1, %add3A : i32
    %lt3A = arith.constant 157 : i32
    %lt3A_6 = arith.cmpi slt, %add3A_5, %lt3A : i32
    %convert_element_type3A = arith.extui %lt3A_6 : i1 to i32
    %cond3A = arith.constant 0 : i32
    %cond3A_7 = arith.cmpi ne, %convert_element_type3A, %cond3A : i32
    scf.if %cond3A_7 {
      %add3A_298 = arith.constant 0 : i32
      %add3A_299 = vector.broadcast %add3A_298 : i32 to vector<16xi32>
      %add3A_300 = arith.addi %iota3A, %add3A_299 : vector<16xi32>
      %mul3A_301 = arith.constant 64 : i32
      %mul3A_302 = arith.muli %add3A_5, %mul3A_301 : i32
      %add3A_303 = vector.broadcast %mul3A_302 : i32 to vector<16xi32>
      %add3A_304 = arith.addi %add3A_300, %add3A_303 : vector<16xi32>
      %min3A = arith.constant 9999 : i32
      %min3A_305 = vector.broadcast %min3A : i32 to vector<16xi32>
      %min3A_306 = arith.minsi %add3A_304, %min3A_305 : vector<16xi32>
      %swap3A = arith.constant 0 : index
      %swap3A_307 = tpu.vector_load %arg9[%swap3A] {strides = array<i32>} : memref<64xi32, #tpu.memory_space<vmem>>, vector<16xi32>,
      %swap3A_308 = vector.shape_cast %swap3A_307 : vector<16xi32> to vector<16xi32>
      %swap3A_309 = vector.shape_cast %min3A_306 : vector<16xi32> to vector<16xi32>
      tpu.vector_store %arg9[%swap3A], %swap3A_309 {strides = array<i32>} : memref<64xi32, #tpu.memory_space<vmem>>, vector<16xi32>,
      %add3A_310 = arith.constant 16 : i32
      %add3A_311 = vector.broadcast %add3A_310 : i32 to vector<16xi32>
      %add3A_312 = arith.addi %iota3A, %add3A_311 : vector<16xi32>
      %mul3A_313 = arith.constant 64 : i32
      %mul3A_314 = arith.muli %add3A_5, %mul3A_313 : i32
      %add3A_315 = vector.broadcast %mul3A_314 : i32 to vector<16xi32>
      %add3A_316 = arith.addi %add3A_312, %add3A_315 : vector<16xi32>
      %min3A_317 = arith.constant 9999 : i32
      %min3A_318 = vector.broadcast %min3A_317 : i32 to vector<16xi32>
      %min3A_319 = arith.minsi %add3A_316, %min3A_318 : vector<16xi32>
      %swap3A_320 = arith.constant 16 : index
      %swap3A_321 = tpu.vector_load %arg9[%swap3A_320] {strides = array<i32>} : memref<64xi32, #tpu.memory_space<vmem>>, vector<16xi32>,
      %swap3A_322 = vector.shape_cast %swap3A_321 : vector<16xi32> to vector<16xi32>
      %swap3A_323 = vector.shape_cast %min3A_319 : vector<16xi32> to vector<16xi32>
      tpu.vector_store %arg9[%swap3A_320], %swap3A_323 {strides = array<i32>} : memref<64xi32, #tpu.memory_space<vmem>>, vector<16xi32>,
      %add3A_324 = arith.constant 32 : i32
      %add3A_325 = vector.broadcast %add3A_324 : i32 to vector<16xi32>
      %add3A_326 = arith.addi %iota3A, %add3A_325 : vector<16xi32>
      %mul3A_327 = arith.constant 64 : i32
      %mul3A_328 = arith.muli %add3A_5, %mul3A_327 : i32
      %add3A_329 = vector.broadcast %mul3A_328 : i32 to vector<16xi32>
      %add3A_330 = arith.addi %add3A_326, %add3A_329 : vector<16xi32>
      %min3A_331 = arith.constant 9999 : i32
      %min3A_332 = vector.broadcast %min3A_331 : i32 to vector<16xi32>
      %min3A_333 = arith.minsi %add3A_330, %min3A_332 : vector<16xi32>
      %swap3A_334 = arith.constant 32 : index
      %swap3A_335 = tpu.vector_load %arg9[%swap3A_334] {strides = array<i32>} : memref<64xi32, #tpu.memory_space<vmem>>, vector<16xi32>,
      %swap3A_336 = vector.shape_cast %swap3A_335 : vector<16xi32> to vector<16xi32>
      %swap3A_337 = vector.shape_cast %min3A_333 : vector<16xi32> to vector<16xi32>
      tpu.vector_store %arg9[%swap3A_334], %swap3A_337 {strides = array<i32>} : memref<64xi32, #tpu.memory_space<vmem>>, vector<16xi32>,
      %add3A_338 = arith.constant 48 : i32
      %add3A_339 = vector.broadcast %add3A_338 : i32 to vector<16xi32>
      %add3A_340 = arith.addi %iota3A, %add3A_339 : vector<16xi32>
      %mul3A_341 = arith.constant 64 : i32
      %mul3A_342 = arith.muli %add3A_5, %mul3A_341 : i32
      %add3A_343 = vector.broadcast %mul3A_342 : i32 to vector<16xi32>
      %add3A_344 = arith.addi %add3A_340, %add3A_343 : vector<16xi32>
      %min3A_345 = arith.constant 9999 : i32
      %min3A_346 = vector.broadcast %min3A_345 : i32 to vector<16xi32>
      %min3A_347 = arith.minsi %add3A_344, %min3A_346 : vector<16xi32>
      %swap3A_348 = arith.constant 48 : index
      %swap3A_349 = tpu.vector_load %arg9[%swap3A_348] {strides = array<i32>} : memref<64xi32, #tpu.memory_space<vmem>>, vector<16xi32>,
      %swap3A_350 = vector.shape_cast %swap3A_349 : vector<16xi32> to vector<16xi32>
      %swap3A_351 = vector.shape_cast %min3A_347 : vector<16xi32> to vector<16xi32>
      tpu.vector_store %arg9[%swap3A_348], %swap3A_351 {strides = array<i32>} : memref<64xi32, #tpu.memory_space<vmem>>, vector<16xi32>,
      %dma_start3A_352 = arith.constant 0 : i32
      %dma_start3A_353 = arith.constant 0 : i32
      %dma_start3A_354 = tpu.memref_slice %arg30[%dma_start3A_352, %dma_start3A_353] : memref<10000x128xf32, #tpu.memory_space<vmem_shared>> -> memref<10000x128xf32, #tpu.memory_space<vmem_shared>>
      tpu.enqueue_indirect_dma source(%arg15 : memref<64x128xf32, #tpu.memory_space<vmem>>) target(%dma_start3A_354 : memref<10000x128xf32, #tpu.memory_space<vmem_shared>>) offsets(%arg9 : memref<64xi32, #tpu.memory_space<vmem>>) semaphore(%arg35 : memref<!tpu.dma_semaphore, #tpu.memory_space<semaphore_mem>>)
      %dma_wait3A_355 = arith.constant 0 : i32
      %dma_wait3A_356 = arith.constant 0 : i32
      %dma_wait3A_357 = tpu.memref_slice %arg30[%dma_wait3A_355, %dma_wait3A_356] : memref<10000x128xf32, #tpu.memory_space<vmem_shared>> -> memref<10000x128xf32, #tpu.memory_space<vmem_shared>>
      tpu.wait_indirect_dma semaphore(%arg35 : memref<!tpu.dma_semaphore, #tpu.memory_space<semaphore_mem>>) src(%arg15 : memref<64x128xf32, #tpu.memory_space<vmem>>) dst(%dma_wait3A_357 : memref<10000x128xf32, #tpu.memory_space<vmem_shared>>)
      %dma_start3A_358 = arith.constant 0 : i32
      %dma_start3A_359 = arith.constant 0 : i32
      %dma_start3A_360 = tpu.memref_slice %arg31[%dma_start3A_358, %dma_start3A_359] : memref<10000x16xf32, #tpu.memory_space<vmem_shared>> -> memref<10000x16xf32, #tpu.memory_space<vmem_shared>>
      tpu.enqueue_indirect_dma source(%arg14 : memref<64x16xf32, #tpu.memory_space<vmem>>) target(%dma_start3A_360 : memref<10000x16xf32, #tpu.memory_space<vmem_shared>>) offsets(%arg9 : memref<64xi32, #tpu.memory_space<vmem>>) semaphore(%arg35 : memref<!tpu.dma_semaphore, #tpu.memory_space<semaphore_mem>>)
      %dma_wait3A_361 = arith.constant 0 : i32
      %dma_wait3A_362 = arith.constant 0 : i32
      %dma_wait3A_363 = tpu.memref_slice %arg31[%dma_wait3A_361, %dma_wait3A_362] : memref<10000x16xf32, #tpu.memory_space<vmem_shared>> -> memref<10000x16xf32, #tpu.memory_space<vmem_shared>>
      tpu.wait_indirect_dma semaphore(%arg35 : memref<!tpu.dma_semaphore, #tpu.memory_space<semaphore_mem>>) src(%arg14 : memref<64x16xf32, #tpu.memory_space<vmem>>) dst(%dma_wait3A_363 : memref<10000x16xf32, #tpu.memory_space<vmem_shared>>)
    } else {
    }
    %add3A_8 = arith.constant 16 : i32
    %add3A_9 = arith.addi %arg1, %add3A_8 : i32
    %lt3A_10 = arith.constant 157 : i32
    %lt3A_11 = arith.cmpi slt, %add3A_9, %lt3A_10 : i32
    %convert_element_type3A_12 = arith.extui %lt3A_11 : i1 to i32
    %cond3A_13 = arith.constant 0 : i32
    %cond3A_14 = arith.cmpi ne, %convert_element_type3A_12, %cond3A_13 : i32
    scf.if %cond3A_14 {
      %add3A_298 = arith.constant 0 : i32
      %add3A_299 = vector.broadcast %add3A_298 : i32 to vector<16xi32>
      %add3A_300 = arith.addi %iota3A, %add3A_299 : vector<16xi32>
      %mul3A_301 = arith.constant 64 : i32
      %mul3A_302 = arith.muli %add3A_9, %mul3A_301 : i32
      %add3A_303 = vector.broadcast %mul3A_302 : i32 to vector<16xi32>
      %add3A_304 = arith.addi %add3A_300, %add3A_303 : vector<16xi32>
      %min3A = arith.constant 9999 : i32
      %min3A_305 = vector.broadcast %min3A : i32 to vector<16xi32>
      %min3A_306 = arith.minsi %add3A_304, %min3A_305 : vector<16xi32>
      %swap3A = arith.constant 0 : index
      %swap3A_307 = tpu.vector_load %arg9[%swap3A] {strides = array<i32>} : memref<64xi32, #tpu.memory_space<vmem>>, vector<16xi32>,
      %swap3A_308 = vector.shape_cast %swap3A_307 : vector<16xi32> to vector<16xi32>
      %swap3A_309 = vector.shape_cast %min3A_306 : vector<16xi32> to vector<16xi32>
      tpu.vector_store %arg9[%swap3A], %swap3A_309 {strides = array<i32>} : memref<64xi32, #tpu.memory_space<vmem>>, vector<16xi32>,
      %add3A_310 = arith.constant 16 : i32
      %add3A_311 = vector.broadcast %add3A_310 : i32 to vector<16xi32>
      %add3A_312 = arith.addi %iota3A, %add3A_311 : vector<16xi32>
      %mul3A_313 = arith.constant 64 : i32
      %mul3A_314 = arith.muli %add3A_9, %mul3A_313 : i32
      %add3A_315 = vector.broadcast %mul3A_314 : i32 to vector<16xi32>
      %add3A_316 = arith.addi %add3A_312, %add3A_315 : vector<16xi32>
      %min3A_317 = arith.constant 9999 : i32
      %min3A_318 = vector.broadcast %min3A_317 : i32 to vector<16xi32>
      %min3A_319 = arith.minsi %add3A_316, %min3A_318 : vector<16xi32>
      %swap3A_320 = arith.constant 16 : index
      %swap3A_321 = tpu.vector_load %arg9[%swap3A_320] {strides = array<i32>} : memref<64xi32, #tpu.memory_space<vmem>>, vector<16xi32>,
      %swap3A_322 = vector.shape_cast %swap3A_321 : vector<16xi32> to vector<16xi32>
      %swap3A_323 = vector.shape_cast %min3A_319 : vector<16xi32> to vector<16xi32>
      tpu.vector_store %arg9[%swap3A_320], %swap3A_323 {strides = array<i32>} : memref<64xi32, #tpu.memory_space<vmem>>, vector<16xi32>,
      %add3A_324 = arith.constant 32 : i32
      %add3A_325 = vector.broadcast %add3A_324 : i32 to vector<16xi32>
      %add3A_326 = arith.addi %iota3A, %add3A_325 : vector<16xi32>
      %mul3A_327 = arith.constant 64 : i32
      %mul3A_328 = arith.muli %add3A_9, %mul3A_327 : i32
      %add3A_329 = vector.broadcast %mul3A_328 : i32 to vector<16xi32>
      %add3A_330 = arith.addi %add3A_326, %add3A_329 : vector<16xi32>
      %min3A_331 = arith.constant 9999 : i32
      %min3A_332 = vector.broadcast %min3A_331 : i32 to vector<16xi32>
      %min3A_333 = arith.minsi %add3A_330, %min3A_332 : vector<16xi32>
      %swap3A_334 = arith.constant 32 : index
      %swap3A_335 = tpu.vector_load %arg9[%swap3A_334] {strides = array<i32>} : memref<64xi32, #tpu.memory_space<vmem>>, vector<16xi32>,
      %swap3A_336 = vector.shape_cast %swap3A_335 : vector<16xi32> to vector<16xi32>
      %swap3A_337 = vector.shape_cast %min3A_333 : vector<16xi32> to vector<16xi32>
      tpu.vector_store %arg9[%swap3A_334], %swap3A_337 {strides = array<i32>} : memref<64xi32, #tpu.memory_space<vmem>>, vector<16xi32>,
      %add3A_338 = arith.constant 48 : i32
      %add3A_339 = vector.broadcast %add3A_338 : i32 to vector<16xi32>
      %add3A_340 = arith.addi %iota3A, %add3A_339 : vector<16xi32>
      %mul3A_341 = arith.constant 64 : i32
      %mul3A_342 = arith.muli %add3A_9, %mul3A_341 : i32
      %add3A_343 = vector.broadcast %mul3A_342 : i32 to vector<16xi32>
      %add3A_344 = arith.addi %add3A_340, %add3A_343 : vector<16xi32>
      %min3A_345 = arith.constant 9999 : i32
      %min3A_346 = vector.broadcast %min3A_345 : i32 to vector<16xi32>
      %min3A_347 = arith.minsi %add3A_344, %min3A_346 : vector<16xi32>
      %swap3A_348 = arith.constant 48 : index
      %swap3A_349 = tpu.vector_load %arg9[%swap3A_348] {strides = array<i32>} : memref<64xi32, #tpu.memory_space<vmem>>, vector<16xi32>,
      %swap3A_350 = vector.shape_cast %swap3A_349 : vector<16xi32> to vector<16xi32>
      %swap3A_351 = vector.shape_cast %min3A_347 : vector<16xi32> to vector<16xi32>
      tpu.vector_store %arg9[%swap3A_348], %swap3A_351 {strides = array<i32>} : memref<64xi32, #tpu.memory_space<vmem>>, vector<16xi32>,
      %dma_start3A_352 = arith.constant 0 : i32
      %dma_start3A_353 = arith.constant 0 : i32
      %dma_start3A_354 = tpu.memref_slice %arg30[%dma_start3A_352, %dma_start3A_353] : memref<10000x128xf32, #tpu.memory_space<vmem_shared>> -> memref<10000x128xf32, #tpu.memory_space<vmem_shared>>
      tpu.enqueue_indirect_dma source(%arg15 : memref<64x128xf32, #tpu.memory_space<vmem>>) target(%dma_start3A_354 : memref<10000x128xf32, #tpu.memory_space<vmem_shared>>) offsets(%arg9 : memref<64xi32, #tpu.memory_space<vmem>>) semaphore(%arg35 : memref<!tpu.dma_semaphore, #tpu.memory_space<semaphore_mem>>)
      %dma_wait3A_355 = arith.constant 0 : i32
      %dma_wait3A_356 = arith.constant 0 : i32
      %dma_wait3A_357 = tpu.memref_slice %arg30[%dma_wait3A_355, %dma_wait3A_356] : memref<10000x128xf32, #tpu.memory_space<vmem_shared>> -> memref<10000x128xf32, #tpu.memory_space<vmem_shared>>
      tpu.wait_indirect_dma semaphore(%arg35 : memref<!tpu.dma_semaphore, #tpu.memory_space<semaphore_mem>>) src(%arg15 : memref<64x128xf32, #tpu.memory_space<vmem>>) dst(%dma_wait3A_357 : memref<10000x128xf32, #tpu.memory_space<vmem_shared>>)
      %dma_start3A_358 = arith.constant 0 : i32
      %dma_start3A_359 = arith.constant 0 : i32
      %dma_start3A_360 = tpu.memref_slice %arg31[%dma_start3A_358, %dma_start3A_359] : memref<10000x16xf32, #tpu.memory_space<vmem_shared>> -> memref<10000x16xf32, #tpu.memory_space<vmem_shared>>
      tpu.enqueue_indirect_dma source(%arg14 : memref<64x16xf32, #tpu.memory_space<vmem>>) target(%dma_start3A_360 : memref<10000x16xf32, #tpu.memory_space<vmem_shared>>) offsets(%arg9 : memref<64xi32, #tpu.memory_space<vmem>>) semaphore(%arg35 : memref<!tpu.dma_semaphore, #tpu.memory_space<semaphore_mem>>)
      %dma_wait3A_361 = arith.constant 0 : i32
      %dma_wait3A_362 = arith.constant 0 : i32
      %dma_wait3A_363 = tpu.memref_slice %arg31[%dma_wait3A_361, %dma_wait3A_362] : memref<10000x16xf32, #tpu.memory_space<vmem_shared>> -> memref<10000x16xf32, #tpu.memory_space<vmem_shared>>
      tpu.wait_indirect_dma semaphore(%arg35 : memref<!tpu.dma_semaphore, #tpu.memory_space<semaphore_mem>>) src(%arg14 : memref<64x16xf32, #tpu.memory_space<vmem>>) dst(%dma_wait3A_363 : memref<10000x16xf32, #tpu.memory_space<vmem_shared>>)
    } else {
    }
    %add3A_15 = arith.constant 32 : i32
    %add3A_16 = arith.addi %arg1, %add3A_15 : i32
    %lt3A_17 = arith.constant 157 : i32
    %lt3A_18 = arith.cmpi slt, %add3A_16, %lt3A_17 : i32
    %convert_element_type3A_19 = arith.extui %lt3A_18 : i1 to i32
    %cond3A_20 = arith.constant 0 : i32
    %cond3A_21 = arith.cmpi ne, %convert_element_type3A_19, %cond3A_20 : i32
    scf.if %cond3A_21 {
      %add3A_298 = arith.constant 0 : i32
      %add3A_299 = vector.broadcast %add3A_298 : i32 to vector<16xi32>
      %add3A_300 = arith.addi %iota3A, %add3A_299 : vector<16xi32>
      %mul3A_301 = arith.constant 64 : i32
      %mul3A_302 = arith.muli %add3A_16, %mul3A_301 : i32
      %add3A_303 = vector.broadcast %mul3A_302 : i32 to vector<16xi32>
      %add3A_304 = arith.addi %add3A_300, %add3A_303 : vector<16xi32>
      %min3A = arith.constant 9999 : i32
      %min3A_305 = vector.broadcast %min3A : i32 to vector<16xi32>
      %min3A_306 = arith.minsi %add3A_304, %min3A_305 : vector<16xi32>
      %swap3A = arith.constant 0 : index
      %swap3A_307 = tpu.vector_load %arg9[%swap3A] {strides = array<i32>} : memref<64xi32, #tpu.memory_space<vmem>>, vector<16xi32>,
      %swap3A_308 = vector.shape_cast %swap3A_307 : vector<16xi32> to vector<16xi32>
      %swap3A_309 = vector.shape_cast %min3A_306 : vector<16xi32> to vector<16xi32>
      tpu.vector_store %arg9[%swap3A], %swap3A_309 {strides = array<i32>} : memref<64xi32, #tpu.memory_space<vmem>>, vector<16xi32>,
      %add3A_310 = arith.constant 16 : i32
      %add3A_311 = vector.broadcast %add3A_310 : i32 to vector<16xi32>
      %add3A_312 = arith.addi %iota3A, %add3A_311 : vector<16xi32>
      %mul3A_313 = arith.constant 64 : i32
      %mul3A_314 = arith.muli %add3A_16, %mul3A_313 : i32
      %add3A_315 = vector.broadcast %mul3A_314 : i32 to vector<16xi32>
      %add3A_316 = arith.addi %add3A_312, %add3A_315 : vector<16xi32>
      %min3A_317 = arith.constant 9999 : i32
      %min3A_318 = vector.broadcast %min3A_317 : i32 to vector<16xi32>
      %min3A_319 = arith.minsi %add3A_316, %min3A_318 : vector<16xi32>
      %swap3A_320 = arith.constant 16 : index
      %swap3A_321 = tpu.vector_load %arg9[%swap3A_320] {strides = array<i32>} : memref<64xi32, #tpu.memory_space<vmem>>, vector<16xi32>,
      %swap3A_322 = vector.shape_cast %swap3A_321 : vector<16xi32> to vector<16xi32>
      %swap3A_323 = vector.shape_cast %min3A_319 : vector<16xi32> to vector<16xi32>
      tpu.vector_store %arg9[%swap3A_320], %swap3A_323 {strides = array<i32>} : memref<64xi32, #tpu.memory_space<vmem>>, vector<16xi32>,
      %add3A_324 = arith.constant 32 : i32
      %add3A_325 = vector.broadcast %add3A_324 : i32 to vector<16xi32>
      %add3A_326 = arith.addi %iota3A, %add3A_325 : vector<16xi32>
      %mul3A_327 = arith.constant 64 : i32
      %mul3A_328 = arith.muli %add3A_16, %mul3A_327 : i32
      %add3A_329 = vector.broadcast %mul3A_328 : i32 to vector<16xi32>
      %add3A_330 = arith.addi %add3A_326, %add3A_329 : vector<16xi32>
      %min3A_331 = arith.constant 9999 : i32
      %min3A_332 = vector.broadcast %min3A_331 : i32 to vector<16xi32>
      %min3A_333 = arith.minsi %add3A_330, %min3A_332 : vector<16xi32>
      %swap3A_334 = arith.constant 32 : index
      %swap3A_335 = tpu.vector_load %arg9[%swap3A_334] {strides = array<i32>} : memref<64xi32, #tpu.memory_space<vmem>>, vector<16xi32>,
      %swap3A_336 = vector.shape_cast %swap3A_335 : vector<16xi32> to vector<16xi32>
      %swap3A_337 = vector.shape_cast %min3A_333 : vector<16xi32> to vector<16xi32>
      tpu.vector_store %arg9[%swap3A_334], %swap3A_337 {strides = array<i32>} : memref<64xi32, #tpu.memory_space<vmem>>, vector<16xi32>,
      %add3A_338 = arith.constant 48 : i32
      %add3A_339 = vector.broadcast %add3A_338 : i32 to vector<16xi32>
      %add3A_340 = arith.addi %iota3A, %add3A_339 : vector<16xi32>
      %mul3A_341 = arith.constant 64 : i32
      %mul3A_342 = arith.muli %add3A_16, %mul3A_341 : i32
      %add3A_343 = vector.broadcast %mul3A_342 : i32 to vector<16xi32>
      %add3A_344 = arith.addi %add3A_340, %add3A_343 : vector<16xi32>
      %min3A_345 = arith.constant 9999 : i32
      %min3A_346 = vector.broadcast %min3A_345 : i32 to vector<16xi32>
      %min3A_347 = arith.minsi %add3A_344, %min3A_346 : vector<16xi32>
      %swap3A_348 = arith.constant 48 : index
      %swap3A_349 = tpu.vector_load %arg9[%swap3A_348] {strides = array<i32>} : memref<64xi32, #tpu.memory_space<vmem>>, vector<16xi32>,
      %swap3A_350 = vector.shape_cast %swap3A_349 : vector<16xi32> to vector<16xi32>
      %swap3A_351 = vector.shape_cast %min3A_347 : vector<16xi32> to vector<16xi32>
      tpu.vector_store %arg9[%swap3A_348], %swap3A_351 {strides = array<i32>} : memref<64xi32, #tpu.memory_space<vmem>>, vector<16xi32>,
      %dma_start3A_352 = arith.constant 0 : i32
      %dma_start3A_353 = arith.constant 0 : i32
      %dma_start3A_354 = tpu.memref_slice %arg30[%dma_start3A_352, %dma_start3A_353] : memref<10000x128xf32, #tpu.memory_space<vmem_shared>> -> memref<10000x128xf32, #tpu.memory_space<vmem_shared>>
      tpu.enqueue_indirect_dma source(%arg15 : memref<64x128xf32, #tpu.memory_space<vmem>>) target(%dma_start3A_354 : memref<10000x128xf32, #tpu.memory_space<vmem_shared>>) offsets(%arg9 : memref<64xi32, #tpu.memory_space<vmem>>) semaphore(%arg35 : memref<!tpu.dma_semaphore, #tpu.memory_space<semaphore_mem>>)
      %dma_wait3A_355 = arith.constant 0 : i32
      %dma_wait3A_356 = arith.constant 0 : i32
      %dma_wait3A_357 = tpu.memref_slice %arg30[%dma_wait3A_355, %dma_wait3A_356] : memref<10000x128xf32, #tpu.memory_space<vmem_shared>> -> memref<10000x128xf32, #tpu.memory_space<vmem_shared>>
      tpu.wait_indirect_dma semaphore(%arg35 : memref<!tpu.dma_semaphore, #tpu.memory_space<semaphore_mem>>) src(%arg15 : memref<64x128xf32, #tpu.memory_space<vmem>>) dst(%dma_wait3A_357 : memref<10000x128xf32, #tpu.memory_space<vmem_shared>>)
      %dma_start3A_358 = arith.constant 0 : i32
      %dma_start3A_359 = arith.constant 0 : i32
      %dma_start3A_360 = tpu.memref_slice %arg31[%dma_start3A_358, %dma_start3A_359] : memref<10000x16xf32, #tpu.memory_space<vmem_shared>> -> memref<10000x16xf32, #tpu.memory_space<vmem_shared>>
      tpu.enqueue_indirect_dma source(%arg14 : memref<64x16xf32, #tpu.memory_space<vmem>>) target(%dma_start3A_360 : memref<10000x16xf32, #tpu.memory_space<vmem_shared>>) offsets(%arg9 : memref<64xi32, #tpu.memory_space<vmem>>) semaphore(%arg35 : memref<!tpu.dma_semaphore, #tpu.memory_space<semaphore_mem>>)
      %dma_wait3A_361 = arith.constant 0 : i32
      %dma_wait3A_362 = arith.constant 0 : i32
      %dma_wait3A_363 = tpu.memref_slice %arg31[%dma_wait3A_361, %dma_wait3A_362] : memref<10000x16xf32, #tpu.memory_space<vmem_shared>> -> memref<10000x16xf32, #tpu.memory_space<vmem_shared>>
      tpu.wait_indirect_dma semaphore(%arg35 : memref<!tpu.dma_semaphore, #tpu.memory_space<semaphore_mem>>) src(%arg14 : memref<64x16xf32, #tpu.memory_space<vmem>>) dst(%dma_wait3A_363 : memref<10000x16xf32, #tpu.memory_space<vmem_shared>>)
    } else {
    }
    %add3A_22 = arith.constant 48 : i32
    %add3A_23 = arith.addi %arg1, %add3A_22 : i32
    %lt3A_24 = arith.constant 157 : i32
    %lt3A_25 = arith.cmpi slt, %add3A_23, %lt3A_24 : i32
    %convert_element_type3A_26 = arith.extui %lt3A_25 : i1 to i32
    %cond3A_27 = arith.constant 0 : i32
    %cond3A_28 = arith.cmpi ne, %convert_element_type3A_26, %cond3A_27 : i32
    scf.if %cond3A_28 {
      %add3A_298 = arith.constant 0 : i32
      %add3A_299 = vector.broadcast %add3A_298 : i32 to vector<16xi32>
      %add3A_300 = arith.addi %iota3A, %add3A_299 : vector<16xi32>
      %mul3A_301 = arith.constant 64 : i32
      %mul3A_302 = arith.muli %add3A_23, %mul3A_301 : i32
      %add3A_303 = vector.broadcast %mul3A_302 : i32 to vector<16xi32>
      %add3A_304 = arith.addi %add3A_300, %add3A_303 : vector<16xi32>
      %min3A = arith.constant 9999 : i32
      %min3A_305 = vector.broadcast %min3A : i32 to vector<16xi32>
      %min3A_306 = arith.minsi %add3A_304, %min3A_305 : vector<16xi32>
      %swap3A = arith.constant 0 : index
      %swap3A_307 = tpu.vector_load %arg9[%swap3A] {strides = array<i32>} : memref<64xi32, #tpu.memory_space<vmem>>, vector<16xi32>,
      %swap3A_308 = vector.shape_cast %swap3A_307 : vector<16xi32> to vector<16xi32>
      %swap3A_309 = vector.shape_cast %min3A_306 : vector<16xi32> to vector<16xi32>
      tpu.vector_store %arg9[%swap3A], %swap3A_309 {strides = array<i32>} : memref<64xi32, #tpu.memory_space<vmem>>, vector<16xi32>,
      %add3A_310 = arith.constant 16 : i32
      %add3A_311 = vector.broadcast %add3A_310 : i32 to vector<16xi32>
      %add3A_312 = arith.addi %iota3A, %add3A_311 : vector<16xi32>
      %mul3A_313 = arith.constant 64 : i32
      %mul3A_314 = arith.muli %add3A_23, %mul3A_313 : i32
      %add3A_315 = vector.broadcast %mul3A_314 : i32 to vector<16xi32>
      %add3A_316 = arith.addi %add3A_312, %add3A_315 : vector<16xi32>
      %min3A_317 = arith.constant 9999 : i32
      %min3A_318 = vector.broadcast %min3A_317 : i32 to vector<16xi32>
      %min3A_319 = arith.minsi %add3A_316, %min3A_318 : vector<16xi32>
      %swap3A_320 = arith.constant 16 : index
      %swap3A_321 = tpu.vector_load %arg9[%swap3A_320] {strides = array<i32>} : memref<64xi32, #tpu.memory_space<vmem>>, vector<16xi32>,
      %swap3A_322 = vector.shape_cast %swap3A_321 : vector<16xi32> to vector<16xi32>
      %swap3A_323 = vector.shape_cast %min3A_319 : vector<16xi32> to vector<16xi32>
      tpu.vector_store %arg9[%swap3A_320], %swap3A_323 {strides = array<i32>} : memref<64xi32, #tpu.memory_space<vmem>>, vector<16xi32>,
      %add3A_324 = arith.constant 32 : i32
      %add3A_325 = vector.broadcast %add3A_324 : i32 to vector<16xi32>
      %add3A_326 = arith.addi %iota3A, %add3A_325 : vector<16xi32>
      %mul3A_327 = arith.constant 64 : i32
      %mul3A_328 = arith.muli %add3A_23, %mul3A_327 : i32
      %add3A_329 = vector.broadcast %mul3A_328 : i32 to vector<16xi32>
      %add3A_330 = arith.addi %add3A_326, %add3A_329 : vector<16xi32>
      %min3A_331 = arith.constant 9999 : i32
      %min3A_332 = vector.broadcast %min3A_331 : i32 to vector<16xi32>
      %min3A_333 = arith.minsi %add3A_330, %min3A_332 : vector<16xi32>
      %swap3A_334 = arith.constant 32 : index
      %swap3A_335 = tpu.vector_load %arg9[%swap3A_334] {strides = array<i32>} : memref<64xi32, #tpu.memory_space<vmem>>, vector<16xi32>,
      %swap3A_336 = vector.shape_cast %swap3A_335 : vector<16xi32> to vector<16xi32>
      %swap3A_337 = vector.shape_cast %min3A_333 : vector<16xi32> to vector<16xi32>
      tpu.vector_store %arg9[%swap3A_334], %swap3A_337 {strides = array<i32>} : memref<64xi32, #tpu.memory_space<vmem>>, vector<16xi32>,
      %add3A_338 = arith.constant 48 : i32
      %add3A_339 = vector.broadcast %add3A_338 : i32 to vector<16xi32>
      %add3A_340 = arith.addi %iota3A, %add3A_339 : vector<16xi32>
      %mul3A_341 = arith.constant 64 : i32
      %mul3A_342 = arith.muli %add3A_23, %mul3A_341 : i32
      %add3A_343 = vector.broadcast %mul3A_342 : i32 to vector<16xi32>
      %add3A_344 = arith.addi %add3A_340, %add3A_343 : vector<16xi32>
      %min3A_345 = arith.constant 9999 : i32
      %min3A_346 = vector.broadcast %min3A_345 : i32 to vector<16xi32>
      %min3A_347 = arith.minsi %add3A_344, %min3A_346 : vector<16xi32>
      %swap3A_348 = arith.constant 48 : index
      %swap3A_349 = tpu.vector_load %arg9[%swap3A_348] {strides = array<i32>} : memref<64xi32, #tpu.memory_space<vmem>>, vector<16xi32>,
      %swap3A_350 = vector.shape_cast %swap3A_349 : vector<16xi32> to vector<16xi32>
      %swap3A_351 = vector.shape_cast %min3A_347 : vector<16xi32> to vector<16xi32>
      tpu.vector_store %arg9[%swap3A_348], %swap3A_351 {strides = array<i32>} : memref<64xi32, #tpu.memory_space<vmem>>, vector<16xi32>,
      %dma_start3A_352 = arith.constant 0 : i32
      %dma_start3A_353 = arith.constant 0 : i32
      %dma_start3A_354 = tpu.memref_slice %arg30[%dma_start3A_352, %dma_start3A_353] : memref<10000x128xf32, #tpu.memory_space<vmem_shared>> -> memref<10000x128xf32, #tpu.memory_space<vmem_shared>>
      tpu.enqueue_indirect_dma source(%arg15 : memref<64x128xf32, #tpu.memory_space<vmem>>) target(%dma_start3A_354 : memref<10000x128xf32, #tpu.memory_space<vmem_shared>>) offsets(%arg9 : memref<64xi32, #tpu.memory_space<vmem>>) semaphore(%arg35 : memref<!tpu.dma_semaphore, #tpu.memory_space<semaphore_mem>>)
      %dma_wait3A_355 = arith.constant 0 : i32
      %dma_wait3A_356 = arith.constant 0 : i32
      %dma_wait3A_357 = tpu.memref_slice %arg30[%dma_wait3A_355, %dma_wait3A_356] : memref<10000x128xf32, #tpu.memory_space<vmem_shared>> -> memref<10000x128xf32, #tpu.memory_space<vmem_shared>>
      tpu.wait_indirect_dma semaphore(%arg35 : memref<!tpu.dma_semaphore, #tpu.memory_space<semaphore_mem>>) src(%arg15 : memref<64x128xf32, #tpu.memory_space<vmem>>) dst(%dma_wait3A_357 : memref<10000x128xf32, #tpu.memory_space<vmem_shared>>)
      %dma_start3A_358 = arith.constant 0 : i32
      %dma_start3A_359 = arith.constant 0 : i32
      %dma_start3A_360 = tpu.memref_slice %arg31[%dma_start3A_358, %dma_start3A_359] : memref<10000x16xf32, #tpu.memory_space<vmem_shared>> -> memref<10000x16xf32, #tpu.memory_space<vmem_shared>>
      tpu.enqueue_indirect_dma source(%arg14 : memref<64x16xf32, #tpu.memory_space<vmem>>) target(%dma_start3A_360 : memref<10000x16xf32, #tpu.memory_space<vmem_shared>>) offsets(%arg9 : memref<64xi32, #tpu.memory_space<vmem>>) semaphore(%arg35 : memref<!tpu.dma_semaphore, #tpu.memory_space<semaphore_mem>>)
      %dma_wait3A_361 = arith.constant 0 : i32
      %dma_wait3A_362 = arith.constant 0 : i32
      %dma_wait3A_363 = tpu.memref_slice %arg31[%dma_wait3A_361, %dma_wait3A_362] : memref<10000x16xf32, #tpu.memory_space<vmem_shared>> -> memref<10000x16xf32, #tpu.memory_space<vmem_shared>>
      tpu.wait_indirect_dma semaphore(%arg35 : memref<!tpu.dma_semaphore, #tpu.memory_space<semaphore_mem>>) src(%arg14 : memref<64x16xf32, #tpu.memory_space<vmem>>) dst(%dma_wait3A_363 : memref<10000x16xf32, #tpu.memory_space<vmem_shared>>)
    } else {
    }
    %add3A_29 = arith.constant 64 : i32
    %add3A_30 = arith.addi %arg1, %add3A_29 : i32
    %lt3A_31 = arith.constant 157 : i32
    %lt3A_32 = arith.cmpi slt, %add3A_30, %lt3A_31 : i32
    %convert_element_type3A_33 = arith.extui %lt3A_32 : i1 to i32
    %cond3A_34 = arith.constant 0 : i32
    %cond3A_35 = arith.cmpi ne, %convert_element_type3A_33, %cond3A_34 : i32
    scf.if %cond3A_35 {
      %add3A_298 = arith.constant 0 : i32
      %add3A_299 = vector.broadcast %add3A_298 : i32 to vector<16xi32>
      %add3A_300 = arith.addi %iota3A, %add3A_299 : vector<16xi32>
      %mul3A_301 = arith.constant 64 : i32
      %mul3A_302 = arith.muli %add3A_30, %mul3A_301 : i32
      %add3A_303 = vector.broadcast %mul3A_302 : i32 to vector<16xi32>
      %add3A_304 = arith.addi %add3A_300, %add3A_303 : vector<16xi32>
      %min3A = arith.constant 9999 : i32
      %min3A_305 = vector.broadcast %min3A : i32 to vector<16xi32>
      %min3A_306 = arith.minsi %add3A_304, %min3A_305 : vector<16xi32>
      %swap3A = arith.constant 0 : index
      %swap3A_307 = tpu.vector_load %arg9[%swap3A] {strides = array<i32>} : memref<64xi32, #tpu.memory_space<vmem>>, vector<16xi32>,
      %swap3A_308 = vector.shape_cast %swap3A_307 : vector<16xi32> to vector<16xi32>
      %swap3A_309 = vector.shape_cast %min3A_306 : vector<16xi32> to vector<16xi32>
      tpu.vector_store %arg9[%swap3A], %swap3A_309 {strides = array<i32>} : memref<64xi32, #tpu.memory_space<vmem>>, vector<16xi32>,
      %add3A_310 = arith.constant 16 : i32
      %add3A_311 = vector.broadcast %add3A_310 : i32 to vector<16xi32>
      %add3A_312 = arith.addi %iota3A, %add3A_311 : vector<16xi32>
      %mul3A_313 = arith.constant 64 : i32
      %mul3A_314 = arith.muli %add3A_30, %mul3A_313 : i32
      %add3A_315 = vector.broadcast %mul3A_314 : i32 to vector<16xi32>
      %add3A_316 = arith.addi %add3A_312, %add3A_315 : vector<16xi32>
      %min3A_317 = arith.constant 9999 : i32
      %min3A_318 = vector.broadcast %min3A_317 : i32 to vector<16xi32>
      %min3A_319 = arith.minsi %add3A_316, %min3A_318 : vector<16xi32>
      %swap3A_320 = arith.constant 16 : index
      %swap3A_321 = tpu.vector_load %arg9[%swap3A_320] {strides = array<i32>} : memref<64xi32, #tpu.memory_space<vmem>>, vector<16xi32>,
      %swap3A_322 = vector.shape_cast %swap3A_321 : vector<16xi32> to vector<16xi32>
      %swap3A_323 = vector.shape_cast %min3A_319 : vector<16xi32> to vector<16xi32>
      tpu.vector_store %arg9[%swap3A_320], %swap3A_323 {strides = array<i32>} : memref<64xi32, #tpu.memory_space<vmem>>, vector<16xi32>,
      %add3A_324 = arith.constant 32 : i32
      %add3A_325 = vector.broadcast %add3A_324 : i32 to vector<16xi32>
      %add3A_326 = arith.addi %iota3A, %add3A_325 : vector<16xi32>
      %mul3A_327 = arith.constant 64 : i32
      %mul3A_328 = arith.muli %add3A_30, %mul3A_327 : i32
      %add3A_329 = vector.broadcast %mul3A_328 : i32 to vector<16xi32>
      %add3A_330 = arith.addi %add3A_326, %add3A_329 : vector<16xi32>
      %min3A_331 = arith.constant 9999 : i32
      %min3A_332 = vector.broadcast %min3A_331 : i32 to vector<16xi32>
      %min3A_333 = arith.minsi %add3A_330, %min3A_332 : vector<16xi32>
      %swap3A_334 = arith.constant 32 : index
      %swap3A_335 = tpu.vector_load %arg9[%swap3A_334] {strides = array<i32>} : memref<64xi32, #tpu.memory_space<vmem>>, vector<16xi32>,
      %swap3A_336 = vector.shape_cast %swap3A_335 : vector<16xi32> to vector<16xi32>
      %swap3A_337 = vector.shape_cast %min3A_333 : vector<16xi32> to vector<16xi32>
      tpu.vector_store %arg9[%swap3A_334], %swap3A_337 {strides = array<i32>} : memref<64xi32, #tpu.memory_space<vmem>>, vector<16xi32>,
      %add3A_338 = arith.constant 48 : i32
      %add3A_339 = vector.broadcast %add3A_338 : i32 to vector<16xi32>
      %add3A_340 = arith.addi %iota3A, %add3A_339 : vector<16xi32>
      %mul3A_341 = arith.constant 64 : i32
      %mul3A_342 = arith.muli %add3A_30, %mul3A_341 : i32
      %add3A_343 = vector.broadcast %mul3A_342 : i32 to vector<16xi32>
      %add3A_344 = arith.addi %add3A_340, %add3A_343 : vector<16xi32>
      %min3A_345 = arith.constant 9999 : i32
      %min3A_346 = vector.broadcast %min3A_345 : i32 to vector<16xi32>
      %min3A_347 = arith.minsi %add3A_344, %min3A_346 : vector<16xi32>
      %swap3A_348 = arith.constant 48 : index
      %swap3A_349 = tpu.vector_load %arg9[%swap3A_348] {strides = array<i32>} : memref<64xi32, #tpu.memory_space<vmem>>, vector<16xi32>,
      %swap3A_350 = vector.shape_cast %swap3A_349 : vector<16xi32> to vector<16xi32>
      %swap3A_351 = vector.shape_cast %min3A_347 : vector<16xi32> to vector<16xi32>
      tpu.vector_store %arg9[%swap3A_348], %swap3A_351 {strides = array<i32>} : memref<64xi32, #tpu.memory_space<vmem>>, vector<16xi32>,
      %dma_start3A_352 = arith.constant 0 : i32
      %dma_start3A_353 = arith.constant 0 : i32
      %dma_start3A_354 = tpu.memref_slice %arg30[%dma_start3A_352, %dma_start3A_353] : memref<10000x128xf32, #tpu.memory_space<vmem_shared>> -> memref<10000x128xf32, #tpu.memory_space<vmem_shared>>
      tpu.enqueue_indirect_dma source(%arg15 : memref<64x128xf32, #tpu.memory_space<vmem>>) target(%dma_start3A_354 : memref<10000x128xf32, #tpu.memory_space<vmem_shared>>) offsets(%arg9 : memref<64xi32, #tpu.memory_space<vmem>>) semaphore(%arg35 : memref<!tpu.dma_semaphore, #tpu.memory_space<semaphore_mem>>)
      %dma_wait3A_355 = arith.constant 0 : i32
      %dma_wait3A_356 = arith.constant 0 : i32
      %dma_wait3A_357 = tpu.memref_slice %arg30[%dma_wait3A_355, %dma_wait3A_356] : memref<10000x128xf32, #tpu.memory_space<vmem_shared>> -> memref<10000x128xf32, #tpu.memory_space<vmem_shared>>
      tpu.wait_indirect_dma semaphore(%arg35 : memref<!tpu.dma_semaphore, #tpu.memory_space<semaphore_mem>>) src(%arg15 : memref<64x128xf32, #tpu.memory_space<vmem>>) dst(%dma_wait3A_357 : memref<10000x128xf32, #tpu.memory_space<vmem_shared>>)
      %dma_start3A_358 = arith.constant 0 : i32
      %dma_start3A_359 = arith.constant 0 : i32
      %dma_start3A_360 = tpu.memref_slice %arg31[%dma_start3A_358, %dma_start3A_359] : memref<10000x16xf32, #tpu.memory_space<vmem_shared>> -> memref<10000x16xf32, #tpu.memory_space<vmem_shared>>
      tpu.enqueue_indirect_dma source(%arg14 : memref<64x16xf32, #tpu.memory_space<vmem>>) target(%dma_start3A_360 : memref<10000x16xf32, #tpu.memory_space<vmem_shared>>) offsets(%arg9 : memref<64xi32, #tpu.memory_space<vmem>>) semaphore(%arg35 : memref<!tpu.dma_semaphore, #tpu.memory_space<semaphore_mem>>)
      %dma_wait3A_361 = arith.constant 0 : i32
      %dma_wait3A_362 = arith.constant 0 : i32
      %dma_wait3A_363 = tpu.memref_slice %arg31[%dma_wait3A_361, %dma_wait3A_362] : memref<10000x16xf32, #tpu.memory_space<vmem_shared>> -> memref<10000x16xf32, #tpu.memory_space<vmem_shared>>
      tpu.wait_indirect_dma semaphore(%arg35 : memref<!tpu.dma_semaphore, #tpu.memory_space<semaphore_mem>>) src(%arg14 : memref<64x16xf32, #tpu.memory_space<vmem>>) dst(%dma_wait3A_363 : memref<10000x16xf32, #tpu.memory_space<vmem_shared>>)
    } else {
    }
    %add3A_36 = arith.constant 80 : i32
    %add3A_37 = arith.addi %arg1, %add3A_36 : i32
    %lt3A_38 = arith.constant 157 : i32
    %lt3A_39 = arith.cmpi slt, %add3A_37, %lt3A_38 : i32
    %convert_element_type3A_40 = arith.extui %lt3A_39 : i1 to i32
    %cond3A_41 = arith.constant 0 : i32
    %cond3A_42 = arith.cmpi ne, %convert_element_type3A_40, %cond3A_41 : i32
    scf.if %cond3A_42 {
      %add3A_298 = arith.constant 0 : i32
      %add3A_299 = vector.broadcast %add3A_298 : i32 to vector<16xi32>
      %add3A_300 = arith.addi %iota3A, %add3A_299 : vector<16xi32>
      %mul3A_301 = arith.constant 64 : i32
      %mul3A_302 = arith.muli %add3A_37, %mul3A_301 : i32
      %add3A_303 = vector.broadcast %mul3A_302 : i32 to vector<16xi32>
      %add3A_304 = arith.addi %add3A_300, %add3A_303 : vector<16xi32>
      %min3A = arith.constant 9999 : i32
      %min3A_305 = vector.broadcast %min3A : i32 to vector<16xi32>
      %min3A_306 = arith.minsi %add3A_304, %min3A_305 : vector<16xi32>
      %swap3A = arith.constant 0 : index
      %swap3A_307 = tpu.vector_load %arg9[%swap3A] {strides = array<i32>} : memref<64xi32, #tpu.memory_space<vmem>>, vector<16xi32>,
      %swap3A_308 = vector.shape_cast %swap3A_307 : vector<16xi32> to vector<16xi32>
      %swap3A_309 = vector.shape_cast %min3A_306 : vector<16xi32> to vector<16xi32>
      tpu.vector_store %arg9[%swap3A], %swap3A_309 {strides = array<i32>} : memref<64xi32, #tpu.memory_space<vmem>>, vector<16xi32>,
      %add3A_310 = arith.constant 16 : i32
      %add3A_311 = vector.broadcast %add3A_310 : i32 to vector<16xi32>
      %add3A_312 = arith.addi %iota3A, %add3A_311 : vector<16xi32>
      %mul3A_313 = arith.constant 64 : i32
      %mul3A_314 = arith.muli %add3A_37, %mul3A_313 : i32
      %add3A_315 = vector.broadcast %mul3A_314 : i32 to vector<16xi32>
      %add3A_316 = arith.addi %add3A_312, %add3A_315 : vector<16xi32>
      %min3A_317 = arith.constant 9999 : i32
      %min3A_318 = vector.broadcast %min3A_317 : i32 to vector<16xi32>
      %min3A_319 = arith.minsi %add3A_316, %min3A_318 : vector<16xi32>
      %swap3A_320 = arith.constant 16 : index
      %swap3A_321 = tpu.vector_load %arg9[%swap3A_320] {strides = array<i32>} : memref<64xi32, #tpu.memory_space<vmem>>, vector<16xi32>,
      %swap3A_322 = vector.shape_cast %swap3A_321 : vector<16xi32> to vector<16xi32>
      %swap3A_323 = vector.shape_cast %min3A_319 : vector<16xi32> to vector<16xi32>
      tpu.vector_store %arg9[%swap3A_320], %swap3A_323 {strides = array<i32>} : memref<64xi32, #tpu.memory_space<vmem>>, vector<16xi32>,
      %add3A_324 = arith.constant 32 : i32
      %add3A_325 = vector.broadcast %add3A_324 : i32 to vector<16xi32>
      %add3A_326 = arith.addi %iota3A, %add3A_325 : vector<16xi32>
      %mul3A_327 = arith.constant 64 : i32
      %mul3A_328 = arith.muli %add3A_37, %mul3A_327 : i32
      %add3A_329 = vector.broadcast %mul3A_328 : i32 to vector<16xi32>
      %add3A_330 = arith.addi %add3A_326, %add3A_329 : vector<16xi32>
      %min3A_331 = arith.constant 9999 : i32
      %min3A_332 = vector.broadcast %min3A_331 : i32 to vector<16xi32>
      %min3A_333 = arith.minsi %add3A_330, %min3A_332 : vector<16xi32>
      %swap3A_334 = arith.constant 32 : index
      %swap3A_335 = tpu.vector_load %arg9[%swap3A_334] {strides = array<i32>} : memref<64xi32, #tpu.memory_space<vmem>>, vector<16xi32>,
      %swap3A_336 = vector.shape_cast %swap3A_335 : vector<16xi32> to vector<16xi32>
      %swap3A_337 = vector.shape_cast %min3A_333 : vector<16xi32> to vector<16xi32>
      tpu.vector_store %arg9[%swap3A_334], %swap3A_337 {strides = array<i32>} : memref<64xi32, #tpu.memory_space<vmem>>, vector<16xi32>,
      %add3A_338 = arith.constant 48 : i32
      %add3A_339 = vector.broadcast %add3A_338 : i32 to vector<16xi32>
      %add3A_340 = arith.addi %iota3A, %add3A_339 : vector<16xi32>
      %mul3A_341 = arith.constant 64 : i32
      %mul3A_342 = arith.muli %add3A_37, %mul3A_341 : i32
      %add3A_343 = vector.broadcast %mul3A_342 : i32 to vector<16xi32>
      %add3A_344 = arith.addi %add3A_340, %add3A_343 : vector<16xi32>
      %min3A_345 = arith.constant 9999 : i32
      %min3A_346 = vector.broadcast %min3A_345 : i32 to vector<16xi32>
      %min3A_347 = arith.minsi %add3A_344, %min3A_346 : vector<16xi32>
      %swap3A_348 = arith.constant 48 : index
      %swap3A_349 = tpu.vector_load %arg9[%swap3A_348] {strides = array<i32>} : memref<64xi32, #tpu.memory_space<vmem>>, vector<16xi32>,
      %swap3A_350 = vector.shape_cast %swap3A_349 : vector<16xi32> to vector<16xi32>
      %swap3A_351 = vector.shape_cast %min3A_347 : vector<16xi32> to vector<16xi32>
      tpu.vector_store %arg9[%swap3A_348], %swap3A_351 {strides = array<i32>} : memref<64xi32, #tpu.memory_space<vmem>>, vector<16xi32>,
      %dma_start3A_352 = arith.constant 0 : i32
      %dma_start3A_353 = arith.constant 0 : i32
      %dma_start3A_354 = tpu.memref_slice %arg30[%dma_start3A_352, %dma_start3A_353] : memref<10000x128xf32, #tpu.memory_space<vmem_shared>> -> memref<10000x128xf32, #tpu.memory_space<vmem_shared>>
      tpu.enqueue_indirect_dma source(%arg15 : memref<64x128xf32, #tpu.memory_space<vmem>>) target(%dma_start3A_354 : memref<10000x128xf32, #tpu.memory_space<vmem_shared>>) offsets(%arg9 : memref<64xi32, #tpu.memory_space<vmem>>) semaphore(%arg35 : memref<!tpu.dma_semaphore, #tpu.memory_space<semaphore_mem>>)
      %dma_wait3A_355 = arith.constant 0 : i32
      %dma_wait3A_356 = arith.constant 0 : i32
      %dma_wait3A_357 = tpu.memref_slice %arg30[%dma_wait3A_355, %dma_wait3A_356] : memref<10000x128xf32, #tpu.memory_space<vmem_shared>> -> memref<10000x128xf32, #tpu.memory_space<vmem_shared>>
      tpu.wait_indirect_dma semaphore(%arg35 : memref<!tpu.dma_semaphore, #tpu.memory_space<semaphore_mem>>) src(%arg15 : memref<64x128xf32, #tpu.memory_space<vmem>>) dst(%dma_wait3A_357 : memref<10000x128xf32, #tpu.memory_space<vmem_shared>>)
      %dma_start3A_358 = arith.constant 0 : i32
      %dma_start3A_359 = arith.constant 0 : i32
      %dma_start3A_360 = tpu.memref_slice %arg31[%dma_start3A_358, %dma_start3A_359] : memref<10000x16xf32, #tpu.memory_space<vmem_shared>> -> memref<10000x16xf32, #tpu.memory_space<vmem_shared>>
      tpu.enqueue_indirect_dma source(%arg14 : memref<64x16xf32, #tpu.memory_space<vmem>>) target(%dma_start3A_360 : memref<10000x16xf32, #tpu.memory_space<vmem_shared>>) offsets(%arg9 : memref<64xi32, #tpu.memory_space<vmem>>) semaphore(%arg35 : memref<!tpu.dma_semaphore, #tpu.memory_space<semaphore_mem>>)
      %dma_wait3A_361 = arith.constant 0 : i32
      %dma_wait3A_362 = arith.constant 0 : i32
      %dma_wait3A_363 = tpu.memref_slice %arg31[%dma_wait3A_361, %dma_wait3A_362] : memref<10000x16xf32, #tpu.memory_space<vmem_shared>> -> memref<10000x16xf32, #tpu.memory_space<vmem_shared>>
      tpu.wait_indirect_dma semaphore(%arg35 : memref<!tpu.dma_semaphore, #tpu.memory_space<semaphore_mem>>) src(%arg14 : memref<64x16xf32, #tpu.memory_space<vmem>>) dst(%dma_wait3A_363 : memref<10000x16xf32, #tpu.memory_space<vmem_shared>>)
    } else {
    }
    %add3A_43 = arith.constant 96 : i32
    %add3A_44 = arith.addi %arg1, %add3A_43 : i32
    %lt3A_45 = arith.constant 157 : i32
    %lt3A_46 = arith.cmpi slt, %add3A_44, %lt3A_45 : i32
    %convert_element_type3A_47 = arith.extui %lt3A_46 : i1 to i32
    %cond3A_48 = arith.constant 0 : i32
    %cond3A_49 = arith.cmpi ne, %convert_element_type3A_47, %cond3A_48 : i32
    scf.if %cond3A_49 {
      %add3A_298 = arith.constant 0 : i32
      %add3A_299 = vector.broadcast %add3A_298 : i32 to vector<16xi32>
      %add3A_300 = arith.addi %iota3A, %add3A_299 : vector<16xi32>
      %mul3A_301 = arith.constant 64 : i32
      %mul3A_302 = arith.muli %add3A_44, %mul3A_301 : i32
      %add3A_303 = vector.broadcast %mul3A_302 : i32 to vector<16xi32>
      %add3A_304 = arith.addi %add3A_300, %add3A_303 : vector<16xi32>
      %min3A = arith.constant 9999 : i32
      %min3A_305 = vector.broadcast %min3A : i32 to vector<16xi32>
      %min3A_306 = arith.minsi %add3A_304, %min3A_305 : vector<16xi32>
      %swap3A = arith.constant 0 : index
      %swap3A_307 = tpu.vector_load %arg9[%swap3A] {strides = array<i32>} : memref<64xi32, #tpu.memory_space<vmem>>, vector<16xi32>,
      %swap3A_308 = vector.shape_cast %swap3A_307 : vector<16xi32> to vector<16xi32>
      %swap3A_309 = vector.shape_cast %min3A_306 : vector<16xi32> to vector<16xi32>
      tpu.vector_store %arg9[%swap3A], %swap3A_309 {strides = array<i32>} : memref<64xi32, #tpu.memory_space<vmem>>, vector<16xi32>,
      %add3A_310 = arith.constant 16 : i32
      %add3A_311 = vector.broadcast %add3A_310 : i32 to vector<16xi32>
      %add3A_312 = arith.addi %iota3A, %add3A_311 : vector<16xi32>
      %mul3A_313 = arith.constant 64 : i32
      %mul3A_314 = arith.muli %add3A_44, %mul3A_313 : i32
      %add3A_315 = vector.broadcast %mul3A_314 : i32 to vector<16xi32>
      %add3A_316 = arith.addi %add3A_312, %add3A_315 : vector<16xi32>
      %min3A_317 = arith.constant 9999 : i32
      %min3A_318 = vector.broadcast %min3A_317 : i32 to vector<16xi32>
      %min3A_319 = arith.minsi %add3A_316, %min3A_318 : vector<16xi32>
      %swap3A_320 = arith.constant 16 : index
      %swap3A_321 = tpu.vector_load %arg9[%swap3A_320] {strides = array<i32>} : memref<64xi32, #tpu.memory_space<vmem>>, vector<16xi32>,
      %swap3A_322 = vector.shape_cast %swap3A_321 : vector<16xi32> to vector<16xi32>
      %swap3A_323 = vector.shape_cast %min3A_319 : vector<16xi32> to vector<16xi32>
      tpu.vector_store %arg9[%swap3A_320], %swap3A_323 {strides = array<i32>} : memref<64xi32, #tpu.memory_space<vmem>>, vector<16xi32>,
      %add3A_324 = arith.constant 32 : i32
      %add3A_325 = vector.broadcast %add3A_324 : i32 to vector<16xi32>
      %add3A_326 = arith.addi %iota3A, %add3A_325 : vector<16xi32>
      %mul3A_327 = arith.constant 64 : i32
      %mul3A_328 = arith.muli %add3A_44, %mul3A_327 : i32
      %add3A_329 = vector.broadcast %mul3A_328 : i32 to vector<16xi32>
      %add3A_330 = arith.addi %add3A_326, %add3A_329 : vector<16xi32>
      %min3A_331 = arith.constant 9999 : i32
      %min3A_332 = vector.broadcast %min3A_331 : i32 to vector<16xi32>
      %min3A_333 = arith.minsi %add3A_330, %min3A_332 : vector<16xi32>
      %swap3A_334 = arith.constant 32 : index
      %swap3A_335 = tpu.vector_load %arg9[%swap3A_334] {strides = array<i32>} : memref<64xi32, #tpu.memory_space<vmem>>, vector<16xi32>,
      %swap3A_336 = vector.shape_cast %swap3A_335 : vector<16xi32> to vector<16xi32>
      %swap3A_337 = vector.shape_cast %min3A_333 : vector<16xi32> to vector<16xi32>
      tpu.vector_store %arg9[%swap3A_334], %swap3A_337 {strides = array<i32>} : memref<64xi32, #tpu.memory_space<vmem>>, vector<16xi32>,
      %add3A_338 = arith.constant 48 : i32
      %add3A_339 = vector.broadcast %add3A_338 : i32 to vector<16xi32>
      %add3A_340 = arith.addi %iota3A, %add3A_339 : vector<16xi32>
      %mul3A_341 = arith.constant 64 : i32
      %mul3A_342 = arith.muli %add3A_44, %mul3A_341 : i32
      %add3A_343 = vector.broadcast %mul3A_342 : i32 to vector<16xi32>
      %add3A_344 = arith.addi %add3A_340, %add3A_343 : vector<16xi32>
      %min3A_345 = arith.constant 9999 : i32
      %min3A_346 = vector.broadcast %min3A_345 : i32 to vector<16xi32>
      %min3A_347 = arith.minsi %add3A_344, %min3A_346 : vector<16xi32>
      %swap3A_348 = arith.constant 48 : index
      %swap3A_349 = tpu.vector_load %arg9[%swap3A_348] {strides = array<i32>} : memref<64xi32, #tpu.memory_space<vmem>>, vector<16xi32>,
      %swap3A_350 = vector.shape_cast %swap3A_349 : vector<16xi32> to vector<16xi32>
      %swap3A_351 = vector.shape_cast %min3A_347 : vector<16xi32> to vector<16xi32>
      tpu.vector_store %arg9[%swap3A_348], %swap3A_351 {strides = array<i32>} : memref<64xi32, #tpu.memory_space<vmem>>, vector<16xi32>,
      %dma_start3A_352 = arith.constant 0 : i32
      %dma_start3A_353 = arith.constant 0 : i32
      %dma_start3A_354 = tpu.memref_slice %arg30[%dma_start3A_352, %dma_start3A_353] : memref<10000x128xf32, #tpu.memory_space<vmem_shared>> -> memref<10000x128xf32, #tpu.memory_space<vmem_shared>>
      tpu.enqueue_indirect_dma source(%arg15 : memref<64x128xf32, #tpu.memory_space<vmem>>) target(%dma_start3A_354 : memref<10000x128xf32, #tpu.memory_space<vmem_shared>>) offsets(%arg9 : memref<64xi32, #tpu.memory_space<vmem>>) semaphore(%arg35 : memref<!tpu.dma_semaphore, #tpu.memory_space<semaphore_mem>>)
      %dma_wait3A_355 = arith.constant 0 : i32
      %dma_wait3A_356 = arith.constant 0 : i32
      %dma_wait3A_357 = tpu.memref_slice %arg30[%dma_wait3A_355, %dma_wait3A_356] : memref<10000x128xf32, #tpu.memory_space<vmem_shared>> -> memref<10000x128xf32, #tpu.memory_space<vmem_shared>>
      tpu.wait_indirect_dma semaphore(%arg35 : memref<!tpu.dma_semaphore, #tpu.memory_space<semaphore_mem>>) src(%arg15 : memref<64x128xf32, #tpu.memory_space<vmem>>) dst(%dma_wait3A_357 : memref<10000x128xf32, #tpu.memory_space<vmem_shared>>)
      %dma_start3A_358 = arith.constant 0 : i32
      %dma_start3A_359 = arith.constant 0 : i32
      %dma_start3A_360 = tpu.memref_slice %arg31[%dma_start3A_358, %dma_start3A_359] : memref<10000x16xf32, #tpu.memory_space<vmem_shared>> -> memref<10000x16xf32, #tpu.memory_space<vmem_shared>>
      tpu.enqueue_indirect_dma source(%arg14 : memref<64x16xf32, #tpu.memory_space<vmem>>) target(%dma_start3A_360 : memref<10000x16xf32, #tpu.memory_space<vmem_shared>>) offsets(%arg9 : memref<64xi32, #tpu.memory_space<vmem>>) semaphore(%arg35 : memref<!tpu.dma_semaphore, #tpu.memory_space<semaphore_mem>>)
      %dma_wait3A_361 = arith.constant 0 : i32
      %dma_wait3A_362 = arith.constant 0 : i32
      %dma_wait3A_363 = tpu.memref_slice %arg31[%dma_wait3A_361, %dma_wait3A_362] : memref<10000x16xf32, #tpu.memory_space<vmem_shared>> -> memref<10000x16xf32, #tpu.memory_space<vmem_shared>>
      tpu.wait_indirect_dma semaphore(%arg35 : memref<!tpu.dma_semaphore, #tpu.memory_space<semaphore_mem>>) src(%arg14 : memref<64x16xf32, #tpu.memory_space<vmem>>) dst(%dma_wait3A_363 : memref<10000x16xf32, #tpu.memory_space<vmem_shared>>)
    } else {
    }
    %add3A_50 = arith.constant 112 : i32
    %add3A_51 = arith.addi %arg1, %add3A_50 : i32
    %lt3A_52 = arith.constant 157 : i32
    %lt3A_53 = arith.cmpi slt, %add3A_51, %lt3A_52 : i32
    %convert_element_type3A_54 = arith.extui %lt3A_53 : i1 to i32
    %cond3A_55 = arith.constant 0 : i32
    %cond3A_56 = arith.cmpi ne, %convert_element_type3A_54, %cond3A_55 : i32
    scf.if %cond3A_56 {
      %add3A_298 = arith.constant 0 : i32
      %add3A_299 = vector.broadcast %add3A_298 : i32 to vector<16xi32>
      %add3A_300 = arith.addi %iota3A, %add3A_299 : vector<16xi32>
      %mul3A_301 = arith.constant 64 : i32
      %mul3A_302 = arith.muli %add3A_51, %mul3A_301 : i32
      %add3A_303 = vector.broadcast %mul3A_302 : i32 to vector<16xi32>
      %add3A_304 = arith.addi %add3A_300, %add3A_303 : vector<16xi32>
      %min3A = arith.constant 9999 : i32
      %min3A_305 = vector.broadcast %min3A : i32 to vector<16xi32>
      %min3A_306 = arith.minsi %add3A_304, %min3A_305 : vector<16xi32>
      %swap3A = arith.constant 0 : index
      %swap3A_307 = tpu.vector_load %arg9[%swap3A] {strides = array<i32>} : memref<64xi32, #tpu.memory_space<vmem>>, vector<16xi32>,
      %swap3A_308 = vector.shape_cast %swap3A_307 : vector<16xi32> to vector<16xi32>
      %swap3A_309 = vector.shape_cast %min3A_306 : vector<16xi32> to vector<16xi32>
      tpu.vector_store %arg9[%swap3A], %swap3A_309 {strides = array<i32>} : memref<64xi32, #tpu.memory_space<vmem>>, vector<16xi32>,
      %add3A_310 = arith.constant 16 : i32
      %add3A_311 = vector.broadcast %add3A_310 : i32 to vector<16xi32>
      %add3A_312 = arith.addi %iota3A, %add3A_311 : vector<16xi32>
      %mul3A_313 = arith.constant 64 : i32
      %mul3A_314 = arith.muli %add3A_51, %mul3A_313 : i32
      %add3A_315 = vector.broadcast %mul3A_314 : i32 to vector<16xi32>
      %add3A_316 = arith.addi %add3A_312, %add3A_315 : vector<16xi32>
      %min3A_317 = arith.constant 9999 : i32
      %min3A_318 = vector.broadcast %min3A_317 : i32 to vector<16xi32>
      %min3A_319 = arith.minsi %add3A_316, %min3A_318 : vector<16xi32>
      %swap3A_320 = arith.constant 16 : index
      %swap3A_321 = tpu.vector_load %arg9[%swap3A_320] {strides = array<i32>} : memref<64xi32, #tpu.memory_space<vmem>>, vector<16xi32>,
      %swap3A_322 = vector.shape_cast %swap3A_321 : vector<16xi32> to vector<16xi32>
      %swap3A_323 = vector.shape_cast %min3A_319 : vector<16xi32> to vector<16xi32>
      tpu.vector_store %arg9[%swap3A_320], %swap3A_323 {strides = array<i32>} : memref<64xi32, #tpu.memory_space<vmem>>, vector<16xi32>,
      %add3A_324 = arith.constant 32 : i32
      %add3A_325 = vector.broadcast %add3A_324 : i32 to vector<16xi32>
      %add3A_326 = arith.addi %iota3A, %add3A_325 : vector<16xi32>
      %mul3A_327 = arith.constant 64 : i32
      %mul3A_328 = arith.muli %add3A_51, %mul3A_327 : i32
      %add3A_329 = vector.broadcast %mul3A_328 : i32 to vector<16xi32>
      %add3A_330 = arith.addi %add3A_326, %add3A_329 : vector<16xi32>
      %min3A_331 = arith.constant 9999 : i32
      %min3A_332 = vector.broadcast %min3A_331 : i32 to vector<16xi32>
      %min3A_333 = arith.minsi %add3A_330, %min3A_332 : vector<16xi32>
      %swap3A_334 = arith.constant 32 : index
      %swap3A_335 = tpu.vector_load %arg9[%swap3A_334] {strides = array<i32>} : memref<64xi32, #tpu.memory_space<vmem>>, vector<16xi32>,
      %swap3A_336 = vector.shape_cast %swap3A_335 : vector<16xi32> to vector<16xi32>
      %swap3A_337 = vector.shape_cast %min3A_333 : vector<16xi32> to vector<16xi32>
      tpu.vector_store %arg9[%swap3A_334], %swap3A_337 {strides = array<i32>} : memref<64xi32, #tpu.memory_space<vmem>>, vector<16xi32>,
      %add3A_338 = arith.constant 48 : i32
      %add3A_339 = vector.broadcast %add3A_338 : i32 to vector<16xi32>
      %add3A_340 = arith.addi %iota3A, %add3A_339 : vector<16xi32>
      %mul3A_341 = arith.constant 64 : i32
      %mul3A_342 = arith.muli %add3A_51, %mul3A_341 : i32
      %add3A_343 = vector.broadcast %mul3A_342 : i32 to vector<16xi32>
      %add3A_344 = arith.addi %add3A_340, %add3A_343 : vector<16xi32>
      %min3A_345 = arith.constant 9999 : i32
      %min3A_346 = vector.broadcast %min3A_345 : i32 to vector<16xi32>
      %min3A_347 = arith.minsi %add3A_344, %min3A_346 : vector<16xi32>
      %swap3A_348 = arith.constant 48 : index
      %swap3A_349 = tpu.vector_load %arg9[%swap3A_348] {strides = array<i32>} : memref<64xi32, #tpu.memory_space<vmem>>, vector<16xi32>,
      %swap3A_350 = vector.shape_cast %swap3A_349 : vector<16xi32> to vector<16xi32>
      %swap3A_351 = vector.shape_cast %min3A_347 : vector<16xi32> to vector<16xi32>
      tpu.vector_store %arg9[%swap3A_348], %swap3A_351 {strides = array<i32>} : memref<64xi32, #tpu.memory_space<vmem>>, vector<16xi32>,
      %dma_start3A_352 = arith.constant 0 : i32
      %dma_start3A_353 = arith.constant 0 : i32
      %dma_start3A_354 = tpu.memref_slice %arg30[%dma_start3A_352, %dma_start3A_353] : memref<10000x128xf32, #tpu.memory_space<vmem_shared>> -> memref<10000x128xf32, #tpu.memory_space<vmem_shared>>
      tpu.enqueue_indirect_dma source(%arg15 : memref<64x128xf32, #tpu.memory_space<vmem>>) target(%dma_start3A_354 : memref<10000x128xf32, #tpu.memory_space<vmem_shared>>) offsets(%arg9 : memref<64xi32, #tpu.memory_space<vmem>>) semaphore(%arg35 : memref<!tpu.dma_semaphore, #tpu.memory_space<semaphore_mem>>)
      %dma_wait3A_355 = arith.constant 0 : i32
      %dma_wait3A_356 = arith.constant 0 : i32
      %dma_wait3A_357 = tpu.memref_slice %arg30[%dma_wait3A_355, %dma_wait3A_356] : memref<10000x128xf32, #tpu.memory_space<vmem_shared>> -> memref<10000x128xf32, #tpu.memory_space<vmem_shared>>
      tpu.wait_indirect_dma semaphore(%arg35 : memref<!tpu.dma_semaphore, #tpu.memory_space<semaphore_mem>>) src(%arg15 : memref<64x128xf32, #tpu.memory_space<vmem>>) dst(%dma_wait3A_357 : memref<10000x128xf32, #tpu.memory_space<vmem_shared>>)
      %dma_start3A_358 = arith.constant 0 : i32
      %dma_start3A_359 = arith.constant 0 : i32
      %dma_start3A_360 = tpu.memref_slice %arg31[%dma_start3A_358, %dma_start3A_359] : memref<10000x16xf32, #tpu.memory_space<vmem_shared>> -> memref<10000x16xf32, #tpu.memory_space<vmem_shared>>
      tpu.enqueue_indirect_dma source(%arg14 : memref<64x16xf32, #tpu.memory_space<vmem>>) target(%dma_start3A_360 : memref<10000x16xf32, #tpu.memory_space<vmem_shared>>) offsets(%arg9 : memref<64xi32, #tpu.memory_space<vmem>>) semaphore(%arg35 : memref<!tpu.dma_semaphore, #tpu.memory_space<semaphore_mem>>)
      %dma_wait3A_361 = arith.constant 0 : i32
      %dma_wait3A_362 = arith.constant 0 : i32
      %dma_wait3A_363 = tpu.memref_slice %arg31[%dma_wait3A_361, %dma_wait3A_362] : memref<10000x16xf32, #tpu.memory_space<vmem_shared>> -> memref<10000x16xf32, #tpu.memory_space<vmem_shared>>
      tpu.wait_indirect_dma semaphore(%arg35 : memref<!tpu.dma_semaphore, #tpu.memory_space<semaphore_mem>>) src(%arg14 : memref<64x16xf32, #tpu.memory_space<vmem>>) dst(%dma_wait3A_363 : memref<10000x16xf32, #tpu.memory_space<vmem_shared>>)
    } else {
    }
    %add3A_57 = arith.constant 128 : i32
    %add3A_58 = arith.addi %arg1, %add3A_57 : i32
    %lt3A_59 = arith.constant 157 : i32
    %lt3A_60 = arith.cmpi slt, %add3A_58, %lt3A_59 : i32
    %convert_element_type3A_61 = arith.extui %lt3A_60 : i1 to i32
    %cond3A_62 = arith.constant 0 : i32
    %cond3A_63 = arith.cmpi ne, %convert_element_type3A_61, %cond3A_62 : i32
    scf.if %cond3A_63 {
      %add3A_298 = arith.constant 0 : i32
      %add3A_299 = vector.broadcast %add3A_298 : i32 to vector<16xi32>
      %add3A_300 = arith.addi %iota3A, %add3A_299 : vector<16xi32>
      %mul3A_301 = arith.constant 64 : i32
      %mul3A_302 = arith.muli %add3A_58, %mul3A_301 : i32
      %add3A_303 = vector.broadcast %mul3A_302 : i32 to vector<16xi32>
      %add3A_304 = arith.addi %add3A_300, %add3A_303 : vector<16xi32>
      %min3A = arith.constant 9999 : i32
      %min3A_305 = vector.broadcast %min3A : i32 to vector<16xi32>
      %min3A_306 = arith.minsi %add3A_304, %min3A_305 : vector<16xi32>
      %swap3A = arith.constant 0 : index
      %swap3A_307 = tpu.vector_load %arg9[%swap3A] {strides = array<i32>} : memref<64xi32, #tpu.memory_space<vmem>>, vector<16xi32>,
      %swap3A_308 = vector.shape_cast %swap3A_307 : vector<16xi32> to vector<16xi32>
      %swap3A_309 = vector.shape_cast %min3A_306 : vector<16xi32> to vector<16xi32>
      tpu.vector_store %arg9[%swap3A], %swap3A_309 {strides = array<i32>} : memref<64xi32, #tpu.memory_space<vmem>>, vector<16xi32>,
      %add3A_310 = arith.constant 16 : i32
      %add3A_311 = vector.broadcast %add3A_310 : i32 to vector<16xi32>
      %add3A_312 = arith.addi %iota3A, %add3A_311 : vector<16xi32>
      %mul3A_313 = arith.constant 64 : i32
      %mul3A_314 = arith.muli %add3A_58, %mul3A_313 : i32
      %add3A_315 = vector.broadcast %mul3A_314 : i32 to vector<16xi32>
      %add3A_316 = arith.addi %add3A_312, %add3A_315 : vector<16xi32>
      %min3A_317 = arith.constant 9999 : i32
      %min3A_318 = vector.broadcast %min3A_317 : i32 to vector<16xi32>
      %min3A_319 = arith.minsi %add3A_316, %min3A_318 : vector<16xi32>
      %swap3A_320 = arith.constant 16 : index
      %swap3A_321 = tpu.vector_load %arg9[%swap3A_320] {strides = array<i32>} : memref<64xi32, #tpu.memory_space<vmem>>, vector<16xi32>,
      %swap3A_322 = vector.shape_cast %swap3A_321 : vector<16xi32> to vector<16xi32>
      %swap3A_323 = vector.shape_cast %min3A_319 : vector<16xi32> to vector<16xi32>
      tpu.vector_store %arg9[%swap3A_320], %swap3A_323 {strides = array<i32>} : memref<64xi32, #tpu.memory_space<vmem>>, vector<16xi32>,
      %add3A_324 = arith.constant 32 : i32
      %add3A_325 = vector.broadcast %add3A_324 : i32 to vector<16xi32>
      %add3A_326 = arith.addi %iota3A, %add3A_325 : vector<16xi32>
      %mul3A_327 = arith.constant 64 : i32
      %mul3A_328 = arith.muli %add3A_58, %mul3A_327 : i32
      %add3A_329 = vector.broadcast %mul3A_328 : i32 to vector<16xi32>
      %add3A_330 = arith.addi %add3A_326, %add3A_329 : vector<16xi32>
      %min3A_331 = arith.constant 9999 : i32
      %min3A_332 = vector.broadcast %min3A_331 : i32 to vector<16xi32>
      %min3A_333 = arith.minsi %add3A_330, %min3A_332 : vector<16xi32>
      %swap3A_334 = arith.constant 32 : index
      %swap3A_335 = tpu.vector_load %arg9[%swap3A_334] {strides = array<i32>} : memref<64xi32, #tpu.memory_space<vmem>>, vector<16xi32>,
      %swap3A_336 = vector.shape_cast %swap3A_335 : vector<16xi32> to vector<16xi32>
      %swap3A_337 = vector.shape_cast %min3A_333 : vector<16xi32> to vector<16xi32>
      tpu.vector_store %arg9[%swap3A_334], %swap3A_337 {strides = array<i32>} : memref<64xi32, #tpu.memory_space<vmem>>, vector<16xi32>,
      %add3A_338 = arith.constant 48 : i32
      %add3A_339 = vector.broadcast %add3A_338 : i32 to vector<16xi32>
      %add3A_340 = arith.addi %iota3A, %add3A_339 : vector<16xi32>
      %mul3A_341 = arith.constant 64 : i32
      %mul3A_342 = arith.muli %add3A_58, %mul3A_341 : i32
      %add3A_343 = vector.broadcast %mul3A_342 : i32 to vector<16xi32>
      %add3A_344 = arith.addi %add3A_340, %add3A_343 : vector<16xi32>
      %min3A_345 = arith.constant 9999 : i32
      %min3A_346 = vector.broadcast %min3A_345 : i32 to vector<16xi32>
      %min3A_347 = arith.minsi %add3A_344, %min3A_346 : vector<16xi32>
      %swap3A_348 = arith.constant 48 : index
      %swap3A_349 = tpu.vector_load %arg9[%swap3A_348] {strides = array<i32>} : memref<64xi32, #tpu.memory_space<vmem>>, vector<16xi32>,
      %swap3A_350 = vector.shape_cast %swap3A_349 : vector<16xi32> to vector<16xi32>
      %swap3A_351 = vector.shape_cast %min3A_347 : vector<16xi32> to vector<16xi32>
      tpu.vector_store %arg9[%swap3A_348], %swap3A_351 {strides = array<i32>} : memref<64xi32, #tpu.memory_space<vmem>>, vector<16xi32>,
      %dma_start3A_352 = arith.constant 0 : i32
      %dma_start3A_353 = arith.constant 0 : i32
      %dma_start3A_354 = tpu.memref_slice %arg30[%dma_start3A_352, %dma_start3A_353] : memref<10000x128xf32, #tpu.memory_space<vmem_shared>> -> memref<10000x128xf32, #tpu.memory_space<vmem_shared>>
      tpu.enqueue_indirect_dma source(%arg15 : memref<64x128xf32, #tpu.memory_space<vmem>>) target(%dma_start3A_354 : memref<10000x128xf32, #tpu.memory_space<vmem_shared>>) offsets(%arg9 : memref<64xi32, #tpu.memory_space<vmem>>) semaphore(%arg35 : memref<!tpu.dma_semaphore, #tpu.memory_space<semaphore_mem>>)
      %dma_wait3A_355 = arith.constant 0 : i32
      %dma_wait3A_356 = arith.constant 0 : i32
      %dma_wait3A_357 = tpu.memref_slice %arg30[%dma_wait3A_355, %dma_wait3A_356] : memref<10000x128xf32, #tpu.memory_space<vmem_shared>> -> memref<10000x128xf32, #tpu.memory_space<vmem_shared>>
      tpu.wait_indirect_dma semaphore(%arg35 : memref<!tpu.dma_semaphore, #tpu.memory_space<semaphore_mem>>) src(%arg15 : memref<64x128xf32, #tpu.memory_space<vmem>>) dst(%dma_wait3A_357 : memref<10000x128xf32, #tpu.memory_space<vmem_shared>>)
      %dma_start3A_358 = arith.constant 0 : i32
      %dma_start3A_359 = arith.constant 0 : i32
      %dma_start3A_360 = tpu.memref_slice %arg31[%dma_start3A_358, %dma_start3A_359] : memref<10000x16xf32, #tpu.memory_space<vmem_shared>> -> memref<10000x16xf32, #tpu.memory_space<vmem_shared>>
      tpu.enqueue_indirect_dma source(%arg14 : memref<64x16xf32, #tpu.memory_space<vmem>>) target(%dma_start3A_360 : memref<10000x16xf32, #tpu.memory_space<vmem_shared>>) offsets(%arg9 : memref<64xi32, #tpu.memory_space<vmem>>) semaphore(%arg35 : memref<!tpu.dma_semaphore, #tpu.memory_space<semaphore_mem>>)
      %dma_wait3A_361 = arith.constant 0 : i32
      %dma_wait3A_362 = arith.constant 0 : i32
      %dma_wait3A_363 = tpu.memref_slice %arg31[%dma_wait3A_361, %dma_wait3A_362] : memref<10000x16xf32, #tpu.memory_space<vmem_shared>> -> memref<10000x16xf32, #tpu.memory_space<vmem_shared>>
      tpu.wait_indirect_dma semaphore(%arg35 : memref<!tpu.dma_semaphore, #tpu.memory_space<semaphore_mem>>) src(%arg14 : memref<64x16xf32, #tpu.memory_space<vmem>>) dst(%dma_wait3A_363 : memref<10000x16xf32, #tpu.memory_space<vmem_shared>>)
    } else {
    }
    %add3A_64 = arith.constant 144 : i32
    %add3A_65 = arith.addi %arg1, %add3A_64 : i32
    %lt3A_66 = arith.constant 157 : i32
    %lt3A_67 = arith.cmpi slt, %add3A_65, %lt3A_66 : i32
    %convert_element_type3A_68 = arith.extui %lt3A_67 : i1 to i32
    %cond3A_69 = arith.constant 0 : i32
    %cond3A_70 = arith.cmpi ne, %convert_element_type3A_68, %cond3A_69 : i32
    scf.if %cond3A_70 {
      %add3A_298 = arith.constant 0 : i32
      %add3A_299 = vector.broadcast %add3A_298 : i32 to vector<16xi32>
      %add3A_300 = arith.addi %iota3A, %add3A_299 : vector<16xi32>
      %mul3A_301 = arith.constant 64 : i32
      %mul3A_302 = arith.muli %add3A_65, %mul3A_301 : i32
      %add3A_303 = vector.broadcast %mul3A_302 : i32 to vector<16xi32>
      %add3A_304 = arith.addi %add3A_300, %add3A_303 : vector<16xi32>
      %min3A = arith.constant 9999 : i32
      %min3A_305 = vector.broadcast %min3A : i32 to vector<16xi32>
      %min3A_306 = arith.minsi %add3A_304, %min3A_305 : vector<16xi32>
      %swap3A = arith.constant 0 : index
      %swap3A_307 = tpu.vector_load %arg9[%swap3A] {strides = array<i32>} : memref<64xi32, #tpu.memory_space<vmem>>, vector<16xi32>,
      %swap3A_308 = vector.shape_cast %swap3A_307 : vector<16xi32> to vector<16xi32>
      %swap3A_309 = vector.shape_cast %min3A_306 : vector<16xi32> to vector<16xi32>
      tpu.vector_store %arg9[%swap3A], %swap3A_309 {strides = array<i32>} : memref<64xi32, #tpu.memory_space<vmem>>, vector<16xi32>,
      %add3A_310 = arith.constant 16 : i32
      %add3A_311 = vector.broadcast %add3A_310 : i32 to vector<16xi32>
      %add3A_312 = arith.addi %iota3A, %add3A_311 : vector<16xi32>
      %mul3A_313 = arith.constant 64 : i32
      %mul3A_314 = arith.muli %add3A_65, %mul3A_313 : i32
      %add3A_315 = vector.broadcast %mul3A_314 : i32 to vector<16xi32>
      %add3A_316 = arith.addi %add3A_312, %add3A_315 : vector<16xi32>
      %min3A_317 = arith.constant 9999 : i32
      %min3A_318 = vector.broadcast %min3A_317 : i32 to vector<16xi32>
      %min3A_319 = arith.minsi %add3A_316, %min3A_318 : vector<16xi32>
      %swap3A_320 = arith.constant 16 : index
      %swap3A_321 = tpu.vector_load %arg9[%swap3A_320] {strides = array<i32>} : memref<64xi32, #tpu.memory_space<vmem>>, vector<16xi32>,
      %swap3A_322 = vector.shape_cast %swap3A_321 : vector<16xi32> to vector<16xi32>
      %swap3A_323 = vector.shape_cast %min3A_319 : vector<16xi32> to vector<16xi32>
      tpu.vector_store %arg9[%swap3A_320], %swap3A_323 {strides = array<i32>} : memref<64xi32, #tpu.memory_space<vmem>>, vector<16xi32>,
      %add3A_324 = arith.constant 32 : i32
      %add3A_325 = vector.broadcast %add3A_324 : i32 to vector<16xi32>
      %add3A_326 = arith.addi %iota3A, %add3A_325 : vector<16xi32>
      %mul3A_327 = arith.constant 64 : i32
      %mul3A_328 = arith.muli %add3A_65, %mul3A_327 : i32
      %add3A_329 = vector.broadcast %mul3A_328 : i32 to vector<16xi32>
      %add3A_330 = arith.addi %add3A_326, %add3A_329 : vector<16xi32>
      %min3A_331 = arith.constant 9999 : i32
      %min3A_332 = vector.broadcast %min3A_331 : i32 to vector<16xi32>
      %min3A_333 = arith.minsi %add3A_330, %min3A_332 : vector<16xi32>
      %swap3A_334 = arith.constant 32 : index
      %swap3A_335 = tpu.vector_load %arg9[%swap3A_334] {strides = array<i32>} : memref<64xi32, #tpu.memory_space<vmem>>, vector<16xi32>,
      %swap3A_336 = vector.shape_cast %swap3A_335 : vector<16xi32> to vector<16xi32>
      %swap3A_337 = vector.shape_cast %min3A_333 : vector<16xi32> to vector<16xi32>
      tpu.vector_store %arg9[%swap3A_334], %swap3A_337 {strides = array<i32>} : memref<64xi32, #tpu.memory_space<vmem>>, vector<16xi32>,
      %add3A_338 = arith.constant 48 : i32
      %add3A_339 = vector.broadcast %add3A_338 : i32 to vector<16xi32>
      %add3A_340 = arith.addi %iota3A, %add3A_339 : vector<16xi32>
      %mul3A_341 = arith.constant 64 : i32
      %mul3A_342 = arith.muli %add3A_65, %mul3A_341 : i32
      %add3A_343 = vector.broadcast %mul3A_342 : i32 to vector<16xi32>
      %add3A_344 = arith.addi %add3A_340, %add3A_343 : vector<16xi32>
      %min3A_345 = arith.constant 9999 : i32
      %min3A_346 = vector.broadcast %min3A_345 : i32 to vector<16xi32>
      %min3A_347 = arith.minsi %add3A_344, %min3A_346 : vector<16xi32>
      %swap3A_348 = arith.constant 48 : index
      %swap3A_349 = tpu.vector_load %arg9[%swap3A_348] {strides = array<i32>} : memref<64xi32, #tpu.memory_space<vmem>>, vector<16xi32>,
      %swap3A_350 = vector.shape_cast %swap3A_349 : vector<16xi32> to vector<16xi32>
      %swap3A_351 = vector.shape_cast %min3A_347 : vector<16xi32> to vector<16xi32>
      tpu.vector_store %arg9[%swap3A_348], %swap3A_351 {strides = array<i32>} : memref<64xi32, #tpu.memory_space<vmem>>, vector<16xi32>,
      %dma_start3A_352 = arith.constant 0 : i32
      %dma_start3A_353 = arith.constant 0 : i32
      %dma_start3A_354 = tpu.memref_slice %arg30[%dma_start3A_352, %dma_start3A_353] : memref<10000x128xf32, #tpu.memory_space<vmem_shared>> -> memref<10000x128xf32, #tpu.memory_space<vmem_shared>>
      tpu.enqueue_indirect_dma source(%arg15 : memref<64x128xf32, #tpu.memory_space<vmem>>) target(%dma_start3A_354 : memref<10000x128xf32, #tpu.memory_space<vmem_shared>>) offsets(%arg9 : memref<64xi32, #tpu.memory_space<vmem>>) semaphore(%arg35 : memref<!tpu.dma_semaphore, #tpu.memory_space<semaphore_mem>>)
      %dma_wait3A_355 = arith.constant 0 : i32
      %dma_wait3A_356 = arith.constant 0 : i32
      %dma_wait3A_357 = tpu.memref_slice %arg30[%dma_wait3A_355, %dma_wait3A_356] : memref<10000x128xf32, #tpu.memory_space<vmem_shared>> -> memref<10000x128xf32, #tpu.memory_space<vmem_shared>>
      tpu.wait_indirect_dma semaphore(%arg35 : memref<!tpu.dma_semaphore, #tpu.memory_space<semaphore_mem>>) src(%arg15 : memref<64x128xf32, #tpu.memory_space<vmem>>) dst(%dma_wait3A_357 : memref<10000x128xf32, #tpu.memory_space<vmem_shared>>)
      %dma_start3A_358 = arith.constant 0 : i32
      %dma_start3A_359 = arith.constant 0 : i32
      %dma_start3A_360 = tpu.memref_slice %arg31[%dma_start3A_358, %dma_start3A_359] : memref<10000x16xf32, #tpu.memory_space<vmem_shared>> -> memref<10000x16xf32, #tpu.memory_space<vmem_shared>>
      tpu.enqueue_indirect_dma source(%arg14 : memref<64x16xf32, #tpu.memory_space<vmem>>) target(%dma_start3A_360 : memref<10000x16xf32, #tpu.memory_space<vmem_shared>>) offsets(%arg9 : memref<64xi32, #tpu.memory_space<vmem>>) semaphore(%arg35 : memref<!tpu.dma_semaphore, #tpu.memory_space<semaphore_mem>>)
      %dma_wait3A_361 = arith.constant 0 : i32
      %dma_wait3A_362 = arith.constant 0 : i32
      %dma_wait3A_363 = tpu.memref_slice %arg31[%dma_wait3A_361, %dma_wait3A_362] : memref<10000x16xf32, #tpu.memory_space<vmem_shared>> -> memref<10000x16xf32, #tpu.memory_space<vmem_shared>>
      tpu.wait_indirect_dma semaphore(%arg35 : memref<!tpu.dma_semaphore, #tpu.memory_space<semaphore_mem>>) src(%arg14 : memref<64x16xf32, #tpu.memory_space<vmem>>) dst(%dma_wait3A_363 : memref<10000x16xf32, #tpu.memory_space<vmem_shared>>)
    } else {
    }
    %barrier3A = arith.constant 0 : index
    tpu.barrier barrier_id(%barrier3A)
    %add3A_71 = arith.constant 8 : i32
    %add3A_72 = vector.broadcast %add3A_71 : i32 to vector<16xi32>
    %add3A_73 = arith.addi %iota3A, %add3A_72 : vector<16xi32>
    %and3A = arith.constant 15 : i32
    %and3A_74 = vector.broadcast %and3A : i32 to vector<16xi32>
    %and3A_75 = arith.andi %add3A_73, %and3A_74 : vector<16xi32>
    %broadcast_in_dim3A_76 = arith.constant 0 : i32
    %broadcast_in_dim3A_77 = vector.broadcast %broadcast_in_dim3A_76 : i32 to vector<16xi32>
    %broadcast_in_dim3A_78 = arith.constant 1 : i32
    %broadcast_in_dim3A_79 = vector.broadcast %broadcast_in_dim3A_78 : i32 to vector<16xi32>
    %broadcast_in_dim3A_80 = arith.constant 2 : i32
    %broadcast_in_dim3A_81 = vector.broadcast %broadcast_in_dim3A_80 : i32 to vector<16xi32>
    %broadcast_in_dim3A_82 = arith.constant 3 : i32
    %broadcast_in_dim3A_83 = vector.broadcast %broadcast_in_dim3A_82 : i32 to vector<16xi32>
    %broadcast_in_dim3A_84 = arith.constant 4 : i32
    %broadcast_in_dim3A_85 = vector.broadcast %broadcast_in_dim3A_84 : i32 to vector<16xi32>
    %broadcast_in_dim3A_86 = arith.constant 5 : i32
    %broadcast_in_dim3A_87 = vector.broadcast %broadcast_in_dim3A_86 : i32 to vector<16xi32>
    %broadcast_in_dim3A_88 = arith.constant 6 : i32
    %broadcast_in_dim3A_89 = vector.broadcast %broadcast_in_dim3A_88 : i32 to vector<16xi32>
    %broadcast_in_dim3A_90 = arith.constant 7 : i32
    %broadcast_in_dim3A_91 = vector.broadcast %broadcast_in_dim3A_90 : i32 to vector<16xi32>
    %dma_start3A = arith.constant 0 : i32
    %dma_start3A_92 = arith.constant 0 : i32
    %dma_start3A_93 = tpu.memref_slice %arg2[%arg0, %dma_start3A, %dma_start3A_92] : memref<2x5000x64xi32, #tpu.memory_space<hbm>> -> memref<1x5000x64xi32, #tpu.memory_space<hbm>>
    %dma_start3A_94 = tpu.memref_squeeze %dma_start3A_93 : memref<1x5000x64xi32, #tpu.memory_space<hbm>> -> memref<5000x64xi32, #tpu.memory_space<hbm>>
    %dma_start3A_95 = arith.constant 0 : i32
    %dma_start3A_96 = tpu.memref_slice %dma_start3A_94[%arg1, %dma_start3A_95] : memref<5000x64xi32, #tpu.memory_space<hbm>> -> memref<1x64xi32, #tpu.memory_space<hbm>>
    %dma_start3A_97 = tpu.memref_squeeze %dma_start3A_96 : memref<1x64xi32, #tpu.memory_space<hbm>> -> memref<64xi32, #tpu.memory_space<hbm>>
    %dma_start3A_98 = arith.constant 0 : i32
    %dma_start3A_99 = arith.constant 0 : i32
    %dma_start3A_100 = tpu.memref_slice %arg2[%arg0, %dma_start3A_98, %dma_start3A_99] : memref<2x5000x64xi32, #tpu.memory_space<hbm>> -> memref<1x5000x64xi32, #tpu.memory_space<hbm>>
    %dma_start3A_101 = tpu.memref_squeeze %dma_start3A_100 : memref<1x5000x64xi32, #tpu.memory_space<hbm>> -> memref<5000x64xi32, #tpu.memory_space<hbm>>
    %dma_start3A_102 = arith.constant 0 : i32
    %dma_start3A_103 = tpu.memref_slice %dma_start3A_101[%arg1, %dma_start3A_102] : memref<5000x64xi32, #tpu.memory_space<hbm>> -> memref<1x64xi32, #tpu.memory_space<hbm>>
    %dma_start3A_104 = tpu.memref_squeeze %dma_start3A_103 : memref<1x64xi32, #tpu.memory_space<hbm>> -> memref<64xi32, #tpu.memory_space<hbm>>
    tpu.enqueue_dma source(%dma_start3A_104 : memref<64xi32, #tpu.memory_space<hbm>>) target(%arg9 : memref<64xi32, #tpu.memory_space<vmem>>) target_semaphore(%arg32 : memref<!tpu.dma_semaphore, #tpu.memory_space<semaphore_mem>>)
    %dma_start3A_105 = arith.constant 0 : i32
    %dma_start3A_106 = arith.constant 0 : i32
    %dma_start3A_107 = tpu.memref_slice %arg3[%arg0, %dma_start3A_105, %dma_start3A_106] : memref<2x5000x64xi32, #tpu.memory_space<hbm>> -> memref<1x5000x64xi32, #tpu.memory_space<hbm>>
    %dma_start3A_108 = tpu.memref_squeeze %dma_start3A_107 : memref<1x5000x64xi32, #tpu.memory_space<hbm>> -> memref<5000x64xi32, #tpu.memory_space<hbm>>
    %dma_start3A_109 = arith.constant 0 : i32
    %dma_start3A_110 = tpu.memref_slice %dma_start3A_108[%arg1, %dma_start3A_109] : memref<5000x64xi32, #tpu.memory_space<hbm>> -> memref<1x64xi32, #tpu.memory_space<hbm>>
    %dma_start3A_111 = tpu.memref_squeeze %dma_start3A_110 : memref<1x64xi32, #tpu.memory_space<hbm>> -> memref<64xi32, #tpu.memory_space<hbm>>
    %dma_start3A_112 = arith.constant 0 : i32
    %dma_start3A_113 = arith.constant 0 : i32
    %dma_start3A_114 = tpu.memref_slice %arg3[%arg0, %dma_start3A_112, %dma_start3A_113] : memref<2x5000x64xi32, #tpu.memory_space<hbm>> -> memref<1x5000x64xi32, #tpu.memory_space<hbm>>
    %dma_start3A_115 = tpu.memref_squeeze %dma_start3A_114 : memref<1x5000x64xi32, #tpu.memory_space<hbm>> -> memref<5000x64xi32, #tpu.memory_space<hbm>>
    %dma_start3A_116 = arith.constant 0 : i32
    %dma_start3A_117 = tpu.memref_slice %dma_start3A_115[%arg1, %dma_start3A_116] : memref<5000x64xi32, #tpu.memory_space<hbm>> -> memref<1x64xi32, #tpu.memory_space<hbm>>
    %dma_start3A_118 = tpu.memref_squeeze %dma_start3A_117 : memref<1x64xi32, #tpu.memory_space<hbm>> -> memref<64xi32, #tpu.memory_space<hbm>>
    tpu.enqueue_dma source(%dma_start3A_118 : memref<64xi32, #tpu.memory_space<hbm>>) target(%arg10 : memref<64xi32, #tpu.memory_space<vmem>>) target_semaphore(%arg32 : memref<!tpu.dma_semaphore, #tpu.memory_space<semaphore_mem>>)
    %mul3A = arith.constant 4 : i32
    %mul3A_119 = arith.muli %arg1, %mul3A : i32
    %dma_start3A_120 = arith.constant 0 : i32
    %dma_start3A_121 = arith.constant 0 : i32
    %dma_start3A_122 = tpu.memref_slice %arg5[%arg0, %dma_start3A_120, %dma_start3A_121] : memref<2x20000x128xf32, #tpu.memory_space<hbm>> -> memref<1x20000x128xf32, #tpu.memory_space<hbm>>
    %dma_start3A_123 = tpu.memref_squeeze %dma_start3A_122 : memref<1x20000x128xf32, #tpu.memory_space<hbm>> -> memref<20000x128xf32, #tpu.memory_space<hbm>>
    %dma_start3A_124 = arith.constant 0 : i32
    %dma_start3A_125 = tpu.memref_slice %dma_start3A_123[%mul3A_119, %dma_start3A_124] : memref<20000x128xf32, #tpu.memory_space<hbm>> -> memref<4x128xf32, #tpu.memory_space<hbm>>
    %dma_start3A_126 = arith.constant 0 : i32
    %dma_start3A_127 = arith.constant 0 : i32
    %dma_start3A_128 = tpu.memref_slice %arg5[%arg0, %dma_start3A_126, %dma_start3A_127] : memref<2x20000x128xf32, #tpu.memory_space<hbm>> -> memref<1x20000x128xf32, #tpu.memory_space<hbm>>
    %dma_start3A_129 = tpu.memref_squeeze %dma_start3A_128 : memref<1x20000x128xf32, #tpu.memory_space<hbm>> -> memref<20000x128xf32, #tpu.memory_space<hbm>>
    %dma_start3A_130 = arith.constant 0 : i32
    %dma_start3A_131 = tpu.memref_slice %dma_start3A_129[%mul3A_119, %dma_start3A_130] : memref<20000x128xf32, #tpu.memory_space<hbm>> -> memref<4x128xf32, #tpu.memory_space<hbm>>
    tpu.enqueue_dma source(%dma_start3A_131 : memref<4x128xf32, #tpu.memory_space<hbm>>) target(%arg11 : memref<4x128xf32, #tpu.memory_space<vmem>>) target_semaphore(%arg32 : memref<!tpu.dma_semaphore, #tpu.memory_space<semaphore_mem>>)
    %add3A_132 = arith.constant 16 : i32
    %add3A_133 = arith.addi %arg1, %add3A_132 : i32
    %dma_start3A_134 = arith.constant 0 : i32
    %dma_start3A_135 = arith.constant 0 : i32
    %dma_start3A_136 = tpu.memref_slice %arg2[%arg0, %dma_start3A_134, %dma_start3A_135] : memref<2x5000x64xi32, #tpu.memory_space<hbm>> -> memref<1x5000x64xi32, #tpu.memory_space<hbm>>
    %dma_start3A_137 = tpu.memref_squeeze %dma_start3A_136 : memref<1x5000x64xi32, #tpu.memory_space<hbm>> -> memref<5000x64xi32, #tpu.memory_space<hbm>>
    %dma_start3A_138 = arith.constant 0 : i32
    %dma_start3A_139 = tpu.memref_slice %dma_start3A_137[%add3A_133, %dma_start3A_138] : memref<5000x64xi32, #tpu.memory_space<hbm>> -> memref<1x64xi32, #tpu.memory_space<hbm>>
    %dma_start3A_140 = tpu.memref_squeeze %dma_start3A_139 : memref<1x64xi32, #tpu.memory_space<hbm>> -> memref<64xi32, #tpu.memory_space<hbm>>
    %dma_start3A_141 = arith.constant 0 : i32
    %dma_start3A_142 = arith.constant 0 : i32
    %dma_start3A_143 = tpu.memref_slice %arg2[%arg0, %dma_start3A_141, %dma_start3A_142] : memref<2x5000x64xi32, #tpu.memory_space<hbm>> -> memref<1x5000x64xi32, #tpu.memory_space<hbm>>
    %dma_start3A_144 = tpu.memref_squeeze %dma_start3A_143 : memref<1x5000x64xi32, #tpu.memory_space<hbm>> -> memref<5000x64xi32, #tpu.memory_space<hbm>>
    %dma_start3A_145 = arith.constant 0 : i32
    %dma_start3A_146 = tpu.memref_slice %dma_start3A_144[%add3A_133, %dma_start3A_145] : memref<5000x64xi32, #tpu.memory_space<hbm>> -> memref<1x64xi32, #tpu.memory_space<hbm>>
    %dma_start3A_147 = tpu.memref_squeeze %dma_start3A_146 : memref<1x64xi32, #tpu.memory_space<hbm>> -> memref<64xi32, #tpu.memory_space<hbm>>
    tpu.enqueue_dma source(%dma_start3A_147 : memref<64xi32, #tpu.memory_space<hbm>>) target(%arg16 : memref<64xi32, #tpu.memory_space<vmem>>) target_semaphore(%arg33 : memref<!tpu.dma_semaphore, #tpu.memory_space<semaphore_mem>>)
    %dma_start3A_148 = arith.constant 0 : i32
    %dma_start3A_149 = arith.constant 0 : i32
    %dma_start3A_150 = tpu.memref_slice %arg3[%arg0, %dma_start3A_148, %dma_start3A_149] : memref<2x5000x64xi32, #tpu.memory_space<hbm>> -> memref<1x5000x64xi32, #tpu.memory_space<hbm>>
    %dma_start3A_151 = tpu.memref_squeeze %dma_start3A_150 : memref<1x5000x64xi32, #tpu.memory_space<hbm>> -> memref<5000x64xi32, #tpu.memory_space<hbm>>
    %dma_start3A_152 = arith.constant 0 : i32
    %dma_start3A_153 = tpu.memref_slice %dma_start3A_151[%add3A_133, %dma_start3A_152] : memref<5000x64xi32, #tpu.memory_space<hbm>> -> memref<1x64xi32, #tpu.memory_space<hbm>>
    %dma_start3A_154 = tpu.memref_squeeze %dma_start3A_153 : memref<1x64xi32, #tpu.memory_space<hbm>> -> memref<64xi32, #tpu.memory_space<hbm>>
    %dma_start3A_155 = arith.constant 0 : i32
    %dma_start3A_156 = arith.constant 0 : i32
    %dma_start3A_157 = tpu.memref_slice %arg3[%arg0, %dma_start3A_155, %dma_start3A_156] : memref<2x5000x64xi32, #tpu.memory_space<hbm>> -> memref<1x5000x64xi32, #tpu.memory_space<hbm>>
    %dma_start3A_158 = tpu.memref_squeeze %dma_start3A_157 : memref<1x5000x64xi32, #tpu.memory_space<hbm>> -> memref<5000x64xi32, #tpu.memory_space<hbm>>
    %dma_start3A_159 = arith.constant 0 : i32
    %dma_start3A_160 = tpu.memref_slice %dma_start3A_158[%add3A_133, %dma_start3A_159] : memref<5000x64xi32, #tpu.memory_space<hbm>> -> memref<1x64xi32, #tpu.memory_space<hbm>>
    %dma_start3A_161 = tpu.memref_squeeze %dma_start3A_160 : memref<1x64xi32, #tpu.memory_space<hbm>> -> memref<64xi32, #tpu.memory_space<hbm>>
    tpu.enqueue_dma source(%dma_start3A_161 : memref<64xi32, #tpu.memory_space<hbm>>) target(%arg17 : memref<64xi32, #tpu.memory_space<vmem>>) target_semaphore(%arg33 : memref<!tpu.dma_semaphore, #tpu.memory_space<semaphore_mem>>)
    %mul3A_162 = arith.constant 4 : i32
    %mul3A_163 = arith.muli %add3A_133, %mul3A_162 : i32
    %dma_start3A_164 = arith.constant 0 : i32
    %dma_start3A_165 = arith.constant 0 : i32
    %dma_start3A_166 = tpu.memref_slice %arg5[%arg0, %dma_start3A_164, %dma_start3A_165] : memref<2x20000x128xf32, #tpu.memory_space<hbm>> -> memref<1x20000x128xf32, #tpu.memory_space<hbm>>
    %dma_start3A_167 = tpu.memref_squeeze %dma_start3A_166 : memref<1x20000x128xf32, #tpu.memory_space<hbm>> -> memref<20000x128xf32, #tpu.memory_space<hbm>>
    %dma_start3A_168 = arith.constant 0 : i32
    %dma_start3A_169 = tpu.memref_slice %dma_start3A_167[%mul3A_163, %dma_start3A_168] : memref<20000x128xf32, #tpu.memory_space<hbm>> -> memref<4x128xf32, #tpu.memory_space<hbm>>
    %dma_start3A_170 = arith.constant 0 : i32
    %dma_start3A_171 = arith.constant 0 : i32
    %dma_start3A_172 = tpu.memref_slice %arg5[%arg0, %dma_start3A_170, %dma_start3A_171] : memref<2x20000x128xf32, #tpu.memory_space<hbm>> -> memref<1x20000x128xf32, #tpu.memory_space<hbm>>
    %dma_start3A_173 = tpu.memref_squeeze %dma_start3A_172 : memref<1x20000x128xf32, #tpu.memory_space<hbm>> -> memref<20000x128xf32, #tpu.memory_space<hbm>>
    %dma_start3A_174 = arith.constant 0 : i32
    %dma_start3A_175 = tpu.memref_slice %dma_start3A_173[%mul3A_163, %dma_start3A_174] : memref<20000x128xf32, #tpu.memory_space<hbm>> -> memref<4x128xf32, #tpu.memory_space<hbm>>
    tpu.enqueue_dma source(%dma_start3A_175 : memref<4x128xf32, #tpu.memory_space<hbm>>) target(%arg18 : memref<4x128xf32, #tpu.memory_space<vmem>>) target_semaphore(%arg33 : memref<!tpu.dma_semaphore, #tpu.memory_space<semaphore_mem>>)
    %dma_wait3A = arith.constant 0 : i32
    %dma_wait3A_176 = arith.constant 0 : i32
    %dma_wait3A_177 = tpu.memref_slice %arg2[%arg0, %dma_wait3A, %dma_wait3A_176] : memref<2x5000x64xi32, #tpu.memory_space<hbm>> -> memref<1x5000x64xi32, #tpu.memory_space<hbm>>
    %dma_wait3A_178 = tpu.memref_squeeze %dma_wait3A_177 : memref<1x5000x64xi32, #tpu.memory_space<hbm>> -> memref<5000x64xi32, #tpu.memory_space<hbm>>
    %dma_wait3A_179 = arith.constant 0 : i32
    %dma_wait3A_180 = tpu.memref_slice %dma_wait3A_178[%arg1, %dma_wait3A_179] : memref<5000x64xi32, #tpu.memory_space<hbm>> -> memref<1x64xi32, #tpu.memory_space<hbm>>
    %dma_wait3A_181 = tpu.memref_squeeze %dma_wait3A_180 : memref<1x64xi32, #tpu.memory_space<hbm>> -> memref<64xi32, #tpu.memory_space<hbm>>
    %dma_wait3A_182 = arith.constant 0 : i32
    %dma_wait3A_183 = arith.constant 0 : i32
    %dma_wait3A_184 = tpu.memref_slice %arg2[%arg0, %dma_wait3A_182, %dma_wait3A_183] : memref<2x5000x64xi32, #tpu.memory_space<hbm>> -> memref<1x5000x64xi32, #tpu.memory_space<hbm>>
    %dma_wait3A_185 = tpu.memref_squeeze %dma_wait3A_184 : memref<1x5000x64xi32, #tpu.memory_space<hbm>> -> memref<5000x64xi32, #tpu.memory_space<hbm>>
    %dma_wait3A_186 = arith.constant 0 : i32
    %dma_wait3A_187 = tpu.memref_slice %dma_wait3A_185[%arg1, %dma_wait3A_186] : memref<5000x64xi32, #tpu.memory_space<hbm>> -> memref<1x64xi32, #tpu.memory_space<hbm>>
    %dma_wait3A_188 = tpu.memref_squeeze %dma_wait3A_187 : memref<1x64xi32, #tpu.memory_space<hbm>> -> memref<64xi32, #tpu.memory_space<hbm>>
    tpu.wait_dma2 semaphore(%arg32 : memref<!tpu.dma_semaphore, #tpu.memory_space<semaphore_mem>>) src(%dma_wait3A_188 : memref<64xi32, #tpu.memory_space<hbm>>) dst(%arg9 : memref<64xi32, #tpu.memory_space<vmem>>)
    %dma_wait3A_189 = arith.constant 0 : i32
    %dma_wait3A_190 = arith.constant 0 : i32
    %dma_wait3A_191 = tpu.memref_slice %arg3[%arg0, %dma_wait3A_189, %dma_wait3A_190] : memref<2x5000x64xi32, #tpu.memory_space<hbm>> -> memref<1x5000x64xi32, #tpu.memory_space<hbm>>
    %dma_wait3A_192 = tpu.memref_squeeze %dma_wait3A_191 : memref<1x5000x64xi32, #tpu.memory_space<hbm>> -> memref<5000x64xi32, #tpu.memory_space<hbm>>
    %dma_wait3A_193 = arith.constant 0 : i32
    %dma_wait3A_194 = tpu.memref_slice %dma_wait3A_192[%arg1, %dma_wait3A_193] : memref<5000x64xi32, #tpu.memory_space<hbm>> -> memref<1x64xi32, #tpu.memory_space<hbm>>
    %dma_wait3A_195 = tpu.memref_squeeze %dma_wait3A_194 : memref<1x64xi32, #tpu.memory_space<hbm>> -> memref<64xi32, #tpu.memory_space<hbm>>
    %dma_wait3A_196 = arith.constant 0 : i32
    %dma_wait3A_197 = arith.constant 0 : i32
    %dma_wait3A_198 = tpu.memref_slice %arg3[%arg0, %dma_wait3A_196, %dma_wait3A_197] : memref<2x5000x64xi32, #tpu.memory_space<hbm>> -> memref<1x5000x64xi32, #tpu.memory_space<hbm>>
    %dma_wait3A_199 = tpu.memref_squeeze %dma_wait3A_198 : memref<1x5000x64xi32, #tpu.memory_space<hbm>> -> memref<5000x64xi32, #tpu.memory_space<hbm>>
    %dma_wait3A_200 = arith.constant 0 : i32
    %dma_wait3A_201 = tpu.memref_slice %dma_wait3A_199[%arg1, %dma_wait3A_200] : memref<5000x64xi32, #tpu.memory_space<hbm>> -> memref<1x64xi32, #tpu.memory_space<hbm>>
    %dma_wait3A_202 = tpu.memref_squeeze %dma_wait3A_201 : memref<1x64xi32, #tpu.memory_space<hbm>> -> memref<64xi32, #tpu.memory_space<hbm>>
    tpu.wait_dma2 semaphore(%arg32 : memref<!tpu.dma_semaphore, #tpu.memory_space<semaphore_mem>>) src(%dma_wait3A_202 : memref<64xi32, #tpu.memory_space<hbm>>) dst(%arg10 : memref<64xi32, #tpu.memory_space<vmem>>)
    %mul3A_203 = arith.constant 4 : i32
    %mul3A_204 = arith.muli %arg1, %mul3A_203 : i32
    %dma_wait3A_205 = arith.constant 0 : i32
    %dma_wait3A_206 = arith.constant 0 : i32
    %dma_wait3A_207 = tpu.memref_slice %arg5[%arg0, %dma_wait3A_205, %dma_wait3A_206] : memref<2x20000x128xf32, #tpu.memory_space<hbm>> -> memref<1x20000x128xf32, #tpu.memory_space<hbm>>
    %dma_wait3A_208 = tpu.memref_squeeze %dma_wait3A_207 : memref<1x20000x128xf32, #tpu.memory_space<hbm>> -> memref<20000x128xf32, #tpu.memory_space<hbm>>
    %dma_wait3A_209 = arith.constant 0 : i32
    %dma_wait3A_210 = tpu.memref_slice %dma_wait3A_208[%mul3A_204, %dma_wait3A_209] : memref<20000x128xf32, #tpu.memory_space<hbm>> -> memref<4x128xf32, #tpu.memory_space<hbm>>
    %dma_wait3A_211 = arith.constant 0 : i32
    %dma_wait3A_212 = arith.constant 0 : i32
    %dma_wait3A_213 = tpu.memref_slice %arg5[%arg0, %dma_wait3A_211, %dma_wait3A_212] : memref<2x20000x128xf32, #tpu.memory_space<hbm>> -> memref<1x20000x128xf32, #tpu.memory_space<hbm>>
    %dma_wait3A_214 = tpu.memref_squeeze %dma_wait3A_213 : memref<1x20000x128xf32, #tpu.memory_space<hbm>> -> memref<20000x128xf32, #tpu.memory_space<hbm>>
    %dma_wait3A_215 = arith.constant 0 : i32
    %dma_wait3A_216 = tpu.memref_slice %dma_wait3A_214[%mul3A_204, %dma_wait3A_215] : memref<20000x128xf32, #tpu.memory_space<hbm>> -> memref<4x128xf32, #tpu.memory_space<hbm>>
    tpu.wait_dma2 semaphore(%arg32 : memref<!tpu.dma_semaphore, #tpu.memory_space<semaphore_mem>>) src(%dma_wait3A_216 : memref<4x128xf32, #tpu.memory_space<hbm>>) dst(%arg11 : memref<4x128xf32, #tpu.memory_space<vmem>>)
    %dma_start3A_217 = arith.constant 0 : i32
    %dma_start3A_218 = arith.constant 0 : i32
    %dma_start3A_219 = tpu.memref_slice %arg4[%arg0, %dma_start3A_217, %dma_start3A_218] : memref<2x10000x16xf32, #tpu.memory_space<hbm>> -> memref<1x10000x16xf32, #tpu.memory_space<hbm>>
    %dma_start3A_220 = tpu.memref_squeeze %dma_start3A_219 : memref<1x10000x16xf32, #tpu.memory_space<hbm>> -> memref<10000x16xf32, #tpu.memory_space<hbm>>
    %dma_start3A_221 = arith.constant 0 : i32
    %dma_start3A_222 = arith.constant 0 : i32
    %dma_start3A_223 = tpu.memref_slice %dma_start3A_220[%dma_start3A_221, %dma_start3A_222] : memref<10000x16xf32, #tpu.memory_space<hbm>> -> memref<10000x16xf32, #tpu.memory_space<hbm>>
    tpu.enqueue_indirect_dma source(%dma_start3A_223 : memref<10000x16xf32, #tpu.memory_space<hbm>>) target(%arg12 : memref<64x16xf32, #tpu.memory_space<vmem>>) offsets(%arg9 : memref<64xi32, #tpu.memory_space<vmem>>) semaphore(%arg32 : memref<!tpu.dma_semaphore, #tpu.memory_space<semaphore_mem>>)
    %dma_start3A_224 = arith.constant 0 : i32
    %dma_start3A_225 = arith.constant 0 : i32
    %dma_start3A_226 = tpu.memref_slice %arg4[%arg0, %dma_start3A_224, %dma_start3A_225] : memref<2x10000x16xf32, #tpu.memory_space<hbm>> -> memref<1x10000x16xf32, #tpu.memory_space<hbm>>
    %dma_start3A_227 = tpu.memref_squeeze %dma_start3A_226 : memref<1x10000x16xf32, #tpu.memory_space<hbm>> -> memref<10000x16xf32, #tpu.memory_space<hbm>>
    %dma_start3A_228 = arith.constant 0 : i32
    %dma_start3A_229 = arith.constant 0 : i32
    %dma_start3A_230 = tpu.memref_slice %dma_start3A_227[%dma_start3A_228, %dma_start3A_229] : memref<10000x16xf32, #tpu.memory_space<hbm>> -> memref<10000x16xf32, #tpu.memory_space<hbm>>
    tpu.enqueue_indirect_dma source(%dma_start3A_230 : memref<10000x16xf32, #tpu.memory_space<hbm>>) target(%arg13 : memref<64x16xf32, #tpu.memory_space<vmem>>) offsets(%arg10 : memref<64xi32, #tpu.memory_space<vmem>>) semaphore(%arg32 : memref<!tpu.dma_semaphore, #tpu.memory_space<semaphore_mem>>)
    %dma_start3A_231 = arith.constant 0 : i32
    %dma_start3A_232 = arith.constant 0 : i32
    %dma_start3A_233 = tpu.memref_slice %arg6[%arg0, %dma_start3A_231, %dma_start3A_232] : memref<2x10000x128xf32, #tpu.memory_space<hbm>> -> memref<1x10000x128xf32, #tpu.memory_space<hbm>>
    %dma_start3A_234 = tpu.memref_squeeze %dma_start3A_233 : memref<1x10000x128xf32, #tpu.memory_space<hbm>> -> memref<10000x128xf32, #tpu.memory_space<hbm>>
    %dma_start3A_235 = arith.constant 0 : i32
    %dma_start3A_236 = arith.constant 0 : i32
    %dma_start3A_237 = tpu.memref_slice %dma_start3A_234[%dma_start3A_235, %dma_start3A_236] : memref<10000x128xf32, #tpu.memory_space<hbm>> -> memref<10000x128xf32, #tpu.memory_space<hbm>>
    tpu.enqueue_indirect_dma source(%dma_start3A_237 : memref<10000x128xf32, #tpu.memory_space<hbm>>) target(%arg15 : memref<64x128xf32, #tpu.memory_space<vmem>>) offsets(%arg9 : memref<64xi32, #tpu.memory_space<vmem>>) semaphore(%arg32 : memref<!tpu.dma_semaphore, #tpu.memory_space<semaphore_mem>>)
    %scan3A_238 = arith.constant 0 : i32
    %scan3A_239 = arith.constant 104 : i32
    %scan3A_240 = arith.addi %scan3A_238, %scan3A_239 : i32
    %scan3A_241 = arith.constant 1 : i32
    scf.for %scan3A_298 = %scan3A_238 to %scan3A_240 step %scan3A_241  : i32 {
      %mul3A_299 = arith.constant 1 : i32
      %mul3A_300 = arith.muli %scan3A_298, %mul3A_299 : i32
      %add3A_301 = arith.constant 0 : i32
      %add3A_302 = arith.addi %add3A_301, %mul3A_300 : i32
      %mul3A_303 = arith.constant 3 : i32
      %mul3A_304 = arith.muli %add3A_302, %mul3A_303 : i32
      %add3A_305 = arith.constant 0 : i32
      %add3A_306 = arith.addi %mul3A_304, %add3A_305 : i32
      %dma_wait3A_307 = arith.constant 0 : i32
      %dma_wait3A_308 = arith.constant 0 : i32
      %dma_wait3A_309 = tpu.memref_slice %arg4[%arg0, %dma_wait3A_307, %dma_wait3A_308] : memref<2x10000x16xf32, #tpu.memory_space<hbm>> -> memref<1x10000x16xf32, #tpu.memory_space<hbm>>
      %dma_wait3A_310 = tpu.memref_squeeze %dma_wait3A_309 : memref<1x10000x16xf32, #tpu.memory_space<hbm>> -> memref<10000x16xf32, #tpu.memory_space<hbm>>
      %dma_wait3A_311 = arith.constant 0 : i32
      %dma_wait3A_312 = arith.constant 0 : i32
      %dma_wait3A_313 = tpu.memref_slice %dma_wait3A_310[%dma_wait3A_311, %dma_wait3A_312] : memref<10000x16xf32, #tpu.memory_space<hbm>> -> memref<10000x16xf32, #tpu.memory_space<hbm>>
      tpu.wait_indirect_dma semaphore(%arg32 : memref<!tpu.dma_semaphore, #tpu.memory_space<semaphore_mem>>) src(%dma_wait3A_313 : memref<10000x16xf32, #tpu.memory_space<hbm>>) dst(%arg12 : memref<64x16xf32, #tpu.memory_space<vmem>>)
      %dma_wait3A_314 = arith.constant 0 : i32
      %dma_wait3A_315 = arith.constant 0 : i32
      %dma_wait3A_316 = tpu.memref_slice %arg4[%arg0, %dma_wait3A_314, %dma_wait3A_315] : memref<2x10000x16xf32, #tpu.memory_space<hbm>> -> memref<1x10000x16xf32, #tpu.memory_space<hbm>>
      %dma_wait3A_317 = tpu.memref_squeeze %dma_wait3A_316 : memref<1x10000x16xf32, #tpu.memory_space<hbm>> -> memref<10000x16xf32, #tpu.memory_space<hbm>>
      %dma_wait3A_318 = arith.constant 0 : i32
      %dma_wait3A_319 = arith.constant 0 : i32
      %dma_wait3A_320 = tpu.memref_slice %dma_wait3A_317[%dma_wait3A_318, %dma_wait3A_319] : memref<10000x16xf32, #tpu.memory_space<hbm>> -> memref<10000x16xf32, #tpu.memory_space<hbm>>
      tpu.wait_indirect_dma semaphore(%arg32 : memref<!tpu.dma_semaphore, #tpu.memory_space<semaphore_mem>>) src(%dma_wait3A_320 : memref<10000x16xf32, #tpu.memory_space<hbm>>) dst(%arg13 : memref<64x16xf32, #tpu.memory_space<vmem>>)
      %dma_wait3A_321 = arith.constant 0 : i32
      %dma_wait3A_322 = arith.constant 0 : i32
      %dma_wait3A_323 = tpu.memref_slice %arg6[%arg0, %dma_wait3A_321, %dma_wait3A_322] : memref<2x10000x128xf32, #tpu.memory_space<hbm>> -> memref<1x10000x128xf32, #tpu.memory_space<hbm>>
      %dma_wait3A_324 = tpu.memref_squeeze %dma_wait3A_323 : memref<1x10000x128xf32, #tpu.memory_space<hbm>> -> memref<10000x128xf32, #tpu.memory_space<hbm>>
      %dma_wait3A_325 = arith.constant 0 : i32
      %dma_wait3A_326 = arith.constant 0 : i32
      %dma_wait3A_327 = tpu.memref_slice %dma_wait3A_324[%dma_wait3A_325, %dma_wait3A_326] : memref<10000x128xf32, #tpu.memory_space<hbm>> -> memref<10000x128xf32, #tpu.memory_space<hbm>>
      tpu.wait_indirect_dma semaphore(%arg32 : memref<!tpu.dma_semaphore, #tpu.memory_space<semaphore_mem>>) src(%dma_wait3A_327 : memref<10000x128xf32, #tpu.memory_space<hbm>>) dst(%arg15 : memref<64x128xf32, #tpu.memory_space<vmem>>)
      %lt3A_328 = arith.constant 311 : i32
      %lt3A_329 = arith.cmpi slt, %add3A_306, %lt3A_328 : i32
      %convert_element_type3A_330 = arith.extui %lt3A_329 : i1 to i32
      %cond3A_331 = arith.constant 0 : i32
      %cond3A_332 = arith.cmpi ne, %convert_element_type3A_330, %cond3A_331 : i32
      scf.if %cond3A_332 {
        %add3A_444 = arith.constant 1 : i32
        %add3A_445 = arith.addi %add3A_306, %add3A_444 : i32
        %mul3A_446 = arith.constant 16 : i32
        %mul3A_447 = arith.muli %add3A_445, %mul3A_446 : i32
        %add3A_448 = arith.addi %arg1, %mul3A_447 : i32
        %dma_wait3A_449 = arith.constant 0 : i32
        %dma_wait3A_450 = arith.constant 0 : i32
        %dma_wait3A_451 = tpu.memref_slice %arg2[%arg0, %dma_wait3A_449, %dma_wait3A_450] : memref<2x5000x64xi32, #tpu.memory_space<hbm>> -> memref<1x5000x64xi32, #tpu.memory_space<hbm>>
        %dma_wait3A_452 = tpu.memref_squeeze %dma_wait3A_451 : memref<1x5000x64xi32, #tpu.memory_space<hbm>> -> memref<5000x64xi32, #tpu.memory_space<hbm>>
        %dma_wait3A_453 = arith.constant 0 : i32
        %dma_wait3A_454 = tpu.memref_slice %dma_wait3A_452[%add3A_448, %dma_wait3A_453] : memref<5000x64xi32, #tpu.memory_space<hbm>> -> memref<1x64xi32, #tpu.memory_space<hbm>>
        %dma_wait3A_455 = tpu.memref_squeeze %dma_wait3A_454 : memref<1x64xi32, #tpu.memory_space<hbm>> -> memref<64xi32, #tpu.memory_space<hbm>>
        %dma_wait3A_456 = arith.constant 0 : i32
        %dma_wait3A_457 = arith.constant 0 : i32
        %dma_wait3A_458 = tpu.memref_slice %arg2[%arg0, %dma_wait3A_456, %dma_wait3A_457] : memref<2x5000x64xi32, #tpu.memory_space<hbm>> -> memref<1x5000x64xi32, #tpu.memory_space<hbm>>
        %dma_wait3A_459 = tpu.memref_squeeze %dma_wait3A_458 : memref<1x5000x64xi32, #tpu.memory_space<hbm>> -> memref<5000x64xi32, #tpu.memory_space<hbm>>
        %dma_wait3A_460 = arith.constant 0 : i32
        %dma_wait3A_461 = tpu.memref_slice %dma_wait3A_459[%add3A_448, %dma_wait3A_460] : memref<5000x64xi32, #tpu.memory_space<hbm>> -> memref<1x64xi32, #tpu.memory_space<hbm>>
        %dma_wait3A_462 = tpu.memref_squeeze %dma_wait3A_461 : memref<1x64xi32, #tpu.memory_space<hbm>> -> memref<64xi32, #tpu.memory_space<hbm>>
        tpu.wait_dma2 semaphore(%arg33 : memref<!tpu.dma_semaphore, #tpu.memory_space<semaphore_mem>>) src(%dma_wait3A_462 : memref<64xi32, #tpu.memory_space<hbm>>) dst(%arg16 : memref<64xi32, #tpu.memory_space<vmem>>)
        %dma_wait3A_463 = arith.constant 0 : i32
        %dma_wait3A_464 = arith.constant 0 : i32
        %dma_wait3A_465 = tpu.memref_slice %arg3[%arg0, %dma_wait3A_463, %dma_wait3A_464] : memref<2x5000x64xi32, #tpu.memory_space<hbm>> -> memref<1x5000x64xi32, #tpu.memory_space<hbm>>
        %dma_wait3A_466 = tpu.memref_squeeze %dma_wait3A_465 : memref<1x5000x64xi32, #tpu.memory_space<hbm>> -> memref<5000x64xi32, #tpu.memory_space<hbm>>
        %dma_wait3A_467 = arith.constant 0 : i32
        %dma_wait3A_468 = tpu.memref_slice %dma_wait3A_466[%add3A_448, %dma_wait3A_467] : memref<5000x64xi32, #tpu.memory_space<hbm>> -> memref<1x64xi32, #tpu.memory_space<hbm>>
        %dma_wait3A_469 = tpu.memref_squeeze %dma_wait3A_468 : memref<1x64xi32, #tpu.memory_space<hbm>> -> memref<64xi32, #tpu.memory_space<hbm>>
        %dma_wait3A_470 = arith.constant 0 : i32
        %dma_wait3A_471 = arith.constant 0 : i32
        %dma_wait3A_472 = tpu.memref_slice %arg3[%arg0, %dma_wait3A_470, %dma_wait3A_471] : memref<2x5000x64xi32, #tpu.memory_space<hbm>> -> memref<1x5000x64xi32, #tpu.memory_space<hbm>>
        %dma_wait3A_473 = tpu.memref_squeeze %dma_wait3A_472 : memref<1x5000x64xi32, #tpu.memory_space<hbm>> -> memref<5000x64xi32, #tpu.memory_space<hbm>>
        %dma_wait3A_474 = arith.constant 0 : i32
        %dma_wait3A_475 = tpu.memref_slice %dma_wait3A_473[%add3A_448, %dma_wait3A_474] : memref<5000x64xi32, #tpu.memory_space<hbm>> -> memref<1x64xi32, #tpu.memory_space<hbm>>
        %dma_wait3A_476 = tpu.memref_squeeze %dma_wait3A_475 : memref<1x64xi32, #tpu.memory_space<hbm>> -> memref<64xi32, #tpu.memory_space<hbm>>
        tpu.wait_dma2 semaphore(%arg33 : memref<!tpu.dma_semaphore, #tpu.memory_space<semaphore_mem>>) src(%dma_wait3A_476 : memref<64xi32, #tpu.memory_space<hbm>>) dst(%arg17 : memref<64xi32, #tpu.memory_space<vmem>>)
        %mul3A_477 = arith.constant 4 : i32
        %mul3A_478 = arith.muli %add3A_448, %mul3A_477 : i32
        %dma_wait3A_479 = arith.constant 0 : i32
        %dma_wait3A_480 = arith.constant 0 : i32
        %dma_wait3A_481 = tpu.memref_slice %arg5[%arg0, %dma_wait3A_479, %dma_wait3A_480] : memref<2x20000x128xf32, #tpu.memory_space<hbm>> -> memref<1x20000x128xf32, #tpu.memory_space<hbm>>
        %dma_wait3A_482 = tpu.memref_squeeze %dma_wait3A_481 : memref<1x20000x128xf32, #tpu.memory_space<hbm>> -> memref<20000x128xf32, #tpu.memory_space<hbm>>
        %dma_wait3A_483 = arith.constant 0 : i32
        %dma_wait3A_484 = tpu.memref_slice %dma_wait3A_482[%mul3A_478, %dma_wait3A_483] : memref<20000x128xf32, #tpu.memory_space<hbm>> -> memref<4x128xf32, #tpu.memory_space<hbm>>
        %dma_wait3A_485 = arith.constant 0 : i32
        %dma_wait3A_486 = arith.constant 0 : i32
        %dma_wait3A_487 = tpu.memref_slice %arg5[%arg0, %dma_wait3A_485, %dma_wait3A_486] : memref<2x20000x128xf32, #tpu.memory_space<hbm>> -> memref<1x20000x128xf32, #tpu.memory_space<hbm>>
        %dma_wait3A_488 = tpu.memref_squeeze %dma_wait3A_487 : memref<1x20000x128xf32, #tpu.memory_space<hbm>> -> memref<20000x128xf32, #tpu.memory_space<hbm>>
        %dma_wait3A_489 = arith.constant 0 : i32
        %dma_wait3A_490 = tpu.memref_slice %dma_wait3A_488[%mul3A_478, %dma_wait3A_489] : memref<20000x128xf32, #tpu.memory_space<hbm>> -> memref<4x128xf32, #tpu.memory_space<hbm>>
        tpu.wait_dma2 semaphore(%arg33 : memref<!tpu.dma_semaphore, #tpu.memory_space<semaphore_mem>>) src(%dma_wait3A_490 : memref<4x128xf32, #tpu.memory_space<hbm>>) dst(%arg18 : memref<4x128xf32, #tpu.memory_space<vmem>>)
        %dma_start3A_491 = arith.constant 0 : i32
        %dma_start3A_492 = arith.constant 0 : i32
        %dma_start3A_493 = tpu.memref_slice %arg4[%arg0, %dma_start3A_491, %dma_start3A_492] : memref<2x10000x16xf32, #tpu.memory_space<hbm>> -> memref<1x10000x16xf32, #tpu.memory_space<hbm>>
        %dma_start3A_494 = tpu.memref_squeeze %dma_start3A_493 : memref<1x10000x16xf32, #tpu.memory_space<hbm>> -> memref<10000x16xf32, #tpu.memory_space<hbm>>
        %dma_start3A_495 = arith.constant 0 : i32
        %dma_start3A_496 = arith.constant 0 : i32
        %dma_start3A_497 = tpu.memref_slice %dma_start3A_494[%dma_start3A_495, %dma_start3A_496] : memref<10000x16xf32, #tpu.memory_space<hbm>> -> memref<10000x16xf32, #tpu.memory_space<hbm>>
        tpu.enqueue_indirect_dma source(%dma_start3A_497 : memref<10000x16xf32, #tpu.memory_space<hbm>>) target(%arg19 : memref<64x16xf32, #tpu.memory_space<vmem>>) offsets(%arg16 : memref<64xi32, #tpu.memory_space<vmem>>) semaphore(%arg33 : memref<!tpu.dma_semaphore, #tpu.memory_space<semaphore_mem>>)
        %dma_start3A_498 = arith.constant 0 : i32
        %dma_start3A_499 = arith.constant 0 : i32
        %dma_start3A_500 = tpu.memref_slice %arg4[%arg0, %dma_start3A_498, %dma_start3A_499] : memref<2x10000x16xf32, #tpu.memory_space<hbm>> -> memref<1x10000x16xf32, #tpu.memory_space<hbm>>
        %dma_start3A_501 = tpu.memref_squeeze %dma_start3A_500 : memref<1x10000x16xf32, #tpu.memory_space<hbm>> -> memref<10000x16xf32, #tpu.memory_space<hbm>>
        %dma_start3A_502 = arith.constant 0 : i32
        %dma_start3A_503 = arith.constant 0 : i32
        %dma_start3A_504 = tpu.memref_slice %dma_start3A_501[%dma_start3A_502, %dma_start3A_503] : memref<10000x16xf32, #tpu.memory_space<hbm>> -> memref<10000x16xf32, #tpu.memory_space<hbm>>
        tpu.enqueue_indirect_dma source(%dma_start3A_504 : memref<10000x16xf32, #tpu.memory_space<hbm>>) target(%arg20 : memref<64x16xf32, #tpu.memory_space<vmem>>) offsets(%arg17 : memref<64xi32, #tpu.memory_space<vmem>>) semaphore(%arg33 : memref<!tpu.dma_semaphore, #tpu.memory_space<semaphore_mem>>)
        %dma_start3A_505 = arith.constant 0 : i32
        %dma_start3A_506 = arith.constant 0 : i32
        %dma_start3A_507 = tpu.memref_slice %arg6[%arg0, %dma_start3A_505, %dma_start3A_506] : memref<2x10000x128xf32, #tpu.memory_space<hbm>> -> memref<1x10000x128xf32, #tpu.memory_space<hbm>>
        %dma_start3A_508 = tpu.memref_squeeze %dma_start3A_507 : memref<1x10000x128xf32, #tpu.memory_space<hbm>> -> memref<10000x128xf32, #tpu.memory_space<hbm>>
        %dma_start3A_509 = arith.constant 0 : i32
        %dma_start3A_510 = arith.constant 0 : i32
        %dma_start3A_511 = tpu.memref_slice %dma_start3A_508[%dma_start3A_509, %dma_start3A_510] : memref<10000x128xf32, #tpu.memory_space<hbm>> -> memref<10000x128xf32, #tpu.memory_space<hbm>>
        tpu.enqueue_indirect_dma source(%dma_start3A_511 : memref<10000x128xf32, #tpu.memory_space<hbm>>) target(%arg22 : memref<64x128xf32, #tpu.memory_space<vmem>>) offsets(%arg16 : memref<64xi32, #tpu.memory_space<vmem>>) semaphore(%arg33 : memref<!tpu.dma_semaphore, #tpu.memory_space<semaphore_mem>>)
      } else {
      }
      %ge3A = arith.constant 1 : i32
      %ge3A_333 = arith.cmpi sge, %add3A_306, %ge3A : i32
      %convert_element_type3A_334 = arith.extui %ge3A_333 : i1 to i32
      %cond3A_335 = arith.constant 0 : i32
      %cond3A_336 = arith.cmpi ne, %convert_element_type3A_334, %cond3A_335 : i32
      scf.if %cond3A_336 {
        %dma_wait3A_444 = arith.constant 0 : i32
        %dma_wait3A_445 = arith.constant 0 : i32
        %dma_wait3A_446 = tpu.memref_slice %arg31[%dma_wait3A_444, %dma_wait3A_445] : memref<10000x16xf32, #tpu.memory_space<vmem_shared>> -> memref<10000x16xf32, #tpu.memory_space<vmem_shared>>
        tpu.wait_indirect_dma semaphore(%arg34 : memref<!tpu.dma_semaphore, #tpu.memory_space<semaphore_mem>>) src(%arg28 : memref<64x16xf32, #tpu.memory_space<vmem>>) dst(%dma_wait3A_446 : memref<10000x16xf32, #tpu.memory_space<vmem_shared>>)
        %dma_wait3A_447 = arith.constant 0 : i32
        %dma_wait3A_448 = arith.constant 0 : i32
        %dma_wait3A_449 = tpu.memref_slice %arg30[%dma_wait3A_447, %dma_wait3A_448] : memref<10000x128xf32, #tpu.memory_space<vmem_shared>> -> memref<10000x128xf32, #tpu.memory_space<vmem_shared>>
        tpu.wait_indirect_dma semaphore(%arg34 : memref<!tpu.dma_semaphore, #tpu.memory_space<semaphore_mem>>) src(%arg29 : memref<64x128xf32, #tpu.memory_space<vmem>>) dst(%dma_wait3A_449 : memref<10000x128xf32, #tpu.memory_space<vmem_shared>>)
      } else {
      }
      %lt3A_337 = arith.constant 310 : i32
      %lt3A_338 = arith.cmpi slt, %add3A_306, %lt3A_337 : i32
      %convert_element_type3A_339 = arith.extui %lt3A_338 : i1 to i32
      %cond3A_340 = arith.constant 0 : i32
      %cond3A_341 = arith.cmpi ne, %convert_element_type3A_339, %cond3A_340 : i32
      scf.if %cond3A_341 {
        %add3A_444 = arith.constant 2 : i32
        %add3A_445 = arith.addi %add3A_306, %add3A_444 : i32
        %mul3A_446 = arith.constant 16 : i32
        %mul3A_447 = arith.muli %add3A_445, %mul3A_446 : i32
        %add3A_448 = arith.addi %arg1, %mul3A_447 : i32
        %dma_start3A_449 = arith.constant 0 : i32
        %dma_start3A_450 = arith.constant 0 : i32
        %dma_start3A_451 = tpu.memref_slice %arg2[%arg0, %dma_start3A_449, %dma_start3A_450] : memref<2x5000x64xi32, #tpu.memory_space<hbm>> -> memref<1x5000x64xi32, #tpu.memory_space<hbm>>
        %dma_start3A_452 = tpu.memref_squeeze %dma_start3A_451 : memref<1x5000x64xi32, #tpu.memory_space<hbm>> -> memref<5000x64xi32, #tpu.memory_space<hbm>>
        %dma_start3A_453 = arith.constant 0 : i32
        %dma_start3A_454 = tpu.memref_slice %dma_start3A_452[%add3A_448, %dma_start3A_453] : memref<5000x64xi32, #tpu.memory_space<hbm>> -> memref<1x64xi32, #tpu.memory_space<hbm>>
        %dma_start3A_455 = tpu.memref_squeeze %dma_start3A_454 : memref<1x64xi32, #tpu.memory_space<hbm>> -> memref<64xi32, #tpu.memory_space<hbm>>
        %dma_start3A_456 = arith.constant 0 : i32
        %dma_start3A_457 = arith.constant 0 : i32
        %dma_start3A_458 = tpu.memref_slice %arg2[%arg0, %dma_start3A_456, %dma_start3A_457] : memref<2x5000x64xi32, #tpu.memory_space<hbm>> -> memref<1x5000x64xi32, #tpu.memory_space<hbm>>
        %dma_start3A_459 = tpu.memref_squeeze %dma_start3A_458 : memref<1x5000x64xi32, #tpu.memory_space<hbm>> -> memref<5000x64xi32, #tpu.memory_space<hbm>>
        %dma_start3A_460 = arith.constant 0 : i32
        %dma_start3A_461 = tpu.memref_slice %dma_start3A_459[%add3A_448, %dma_start3A_460] : memref<5000x64xi32, #tpu.memory_space<hbm>> -> memref<1x64xi32, #tpu.memory_space<hbm>>
        %dma_start3A_462 = tpu.memref_squeeze %dma_start3A_461 : memref<1x64xi32, #tpu.memory_space<hbm>> -> memref<64xi32, #tpu.memory_space<hbm>>
        tpu.enqueue_dma source(%dma_start3A_462 : memref<64xi32, #tpu.memory_space<hbm>>) target(%arg23 : memref<64xi32, #tpu.memory_space<vmem>>) target_semaphore(%arg34 : memref<!tpu.dma_semaphore, #tpu.memory_space<semaphore_mem>>)
        %dma_start3A_463 = arith.constant 0 : i32
        %dma_start3A_464 = arith.constant 0 : i32
        %dma_start3A_465 = tpu.memref_slice %arg3[%arg0, %dma_start3A_463, %dma_start3A_464] : memref<2x5000x64xi32, #tpu.memory_space<hbm>> -> memref<1x5000x64xi32, #tpu.memory_space<hbm>>
        %dma_start3A_466 = tpu.memref_squeeze %dma_start3A_465 : memref<1x5000x64xi32, #tpu.memory_space<hbm>> -> memref<5000x64xi32, #tpu.memory_space<hbm>>
        %dma_start3A_467 = arith.constant 0 : i32
        %dma_start3A_468 = tpu.memref_slice %dma_start3A_466[%add3A_448, %dma_start3A_467] : memref<5000x64xi32, #tpu.memory_space<hbm>> -> memref<1x64xi32, #tpu.memory_space<hbm>>
        %dma_start3A_469 = tpu.memref_squeeze %dma_start3A_468 : memref<1x64xi32, #tpu.memory_space<hbm>> -> memref<64xi32, #tpu.memory_space<hbm>>
        %dma_start3A_470 = arith.constant 0 : i32
        %dma_start3A_471 = arith.constant 0 : i32
        %dma_start3A_472 = tpu.memref_slice %arg3[%arg0, %dma_start3A_470, %dma_start3A_471] : memref<2x5000x64xi32, #tpu.memory_space<hbm>> -> memref<1x5000x64xi32, #tpu.memory_space<hbm>>
        %dma_start3A_473 = tpu.memref_squeeze %dma_start3A_472 : memref<1x5000x64xi32, #tpu.memory_space<hbm>> -> memref<5000x64xi32, #tpu.memory_space<hbm>>
        %dma_start3A_474 = arith.constant 0 : i32
        %dma_start3A_475 = tpu.memref_slice %dma_start3A_473[%add3A_448, %dma_start3A_474] : memref<5000x64xi32, #tpu.memory_space<hbm>> -> memref<1x64xi32, #tpu.memory_space<hbm>>
        %dma_start3A_476 = tpu.memref_squeeze %dma_start3A_475 : memref<1x64xi32, #tpu.memory_space<hbm>> -> memref<64xi32, #tpu.memory_space<hbm>>
        tpu.enqueue_dma source(%dma_start3A_476 : memref<64xi32, #tpu.memory_space<hbm>>) target(%arg24 : memref<64xi32, #tpu.memory_space<vmem>>) target_semaphore(%arg34 : memref<!tpu.dma_semaphore, #tpu.memory_space<semaphore_mem>>)
        %mul3A_477 = arith.constant 4 : i32
        %mul3A_478 = arith.muli %add3A_448, %mul3A_477 : i32
        %dma_start3A_479 = arith.constant 0 : i32
        %dma_start3A_480 = arith.constant 0 : i32
        %dma_start3A_481 = tpu.memref_slice %arg5[%arg0, %dma_start3A_479, %dma_start3A_480] : memref<2x20000x128xf32, #tpu.memory_space<hbm>> -> memref<1x20000x128xf32, #tpu.memory_space<hbm>>
        %dma_start3A_482 = tpu.memref_squeeze %dma_start3A_481 : memref<1x20000x128xf32, #tpu.memory_space<hbm>> -> memref<20000x128xf32, #tpu.memory_space<hbm>>
        %dma_start3A_483 = arith.constant 0 : i32
        %dma_start3A_484 = tpu.memref_slice %dma_start3A_482[%mul3A_478, %dma_start3A_483] : memref<20000x128xf32, #tpu.memory_space<hbm>> -> memref<4x128xf32, #tpu.memory_space<hbm>>
        %dma_start3A_485 = arith.constant 0 : i32
        %dma_start3A_486 = arith.constant 0 : i32
        %dma_start3A_487 = tpu.memref_slice %arg5[%arg0, %dma_start3A_485, %dma_start3A_486] : memref<2x20000x128xf32, #tpu.memory_space<hbm>> -> memref<1x20000x128xf32, #tpu.memory_space<hbm>>
        %dma_start3A_488 = tpu.memref_squeeze %dma_start3A_487 : memref<1x20000x128xf32, #tpu.memory_space<hbm>> -> memref<20000x128xf32, #tpu.memory_space<hbm>>
        %dma_start3A_489 = arith.constant 0 : i32
        %dma_start3A_490 = tpu.memref_slice %dma_start3A_488[%mul3A_478, %dma_start3A_489] : memref<20000x128xf32, #tpu.memory_space<hbm>> -> memref<4x128xf32, #tpu.memory_space<hbm>>
        tpu.enqueue_dma source(%dma_start3A_490 : memref<4x128xf32, #tpu.memory_space<hbm>>) target(%arg25 : memref<4x128xf32, #tpu.memory_space<vmem>>) target_semaphore(%arg34 : memref<!tpu.dma_semaphore, #tpu.memory_space<semaphore_mem>>)
      } else {
      }
      %parallel_loop3A = arith.constant 0 : i32
      %parallel_loop3A_342 = arith.constant 64 : i32
      %parallel_loop3A_343 = arith.constant 1 : i32
      scf.for %parallel_loop3A_444 = %parallel_loop3A to %parallel_loop3A_342 step %parallel_loop3A_343  : i32 {
        %parallel_loop3A_445 = arith.index_cast %parallel_loop3A_444 : i32 to index
        %parallel_loop3A_446 = arith.constant 0 : index
        %parallel_loop3A_447 = tpu.vector_load %arg12[%parallel_loop3A_445, %parallel_loop3A_446] {strides = array<i32>} : memref<64x16xf32, #tpu.memory_space<vmem>>, vector<1x16xf32>,
        %parallel_loop3A_448 = vector.shape_cast %parallel_loop3A_447 : vector<1x16xf32> to vector<16xf32>
        %parallel_loop3A_449 = arith.index_cast %parallel_loop3A_444 : i32 to index
        %parallel_loop3A_450 = arith.constant 0 : index
        %parallel_loop3A_451 = tpu.vector_load %arg13[%parallel_loop3A_449, %parallel_loop3A_450] {strides = array<i32>} : memref<64x16xf32, #tpu.memory_space<vmem>>, vector<1x16xf32>,
        %parallel_loop3A_452 = vector.shape_cast %parallel_loop3A_451 : vector<1x16xf32> to vector<16xf32>
        %parallel_loop3A_453 = arith.constant 0 : i32
        %parallel_loop3A_454 = vector.broadcast %parallel_loop3A_453 : i32 to vector<16xi32>
        %parallel_loop3A_455 = arith.cmpi slt, %and3A_75, %parallel_loop3A_454 : vector<16xi32>
        %parallel_loop3A_456 = arith.constant 16 : i32
        %parallel_loop3A_457 = vector.broadcast %parallel_loop3A_456 : i32 to vector<16xi32>
        %parallel_loop3A_458 = arith.addi %and3A_75, %parallel_loop3A_457 : vector<16xi32>
        %parallel_loop3A_459 = arith.select %parallel_loop3A_455, %parallel_loop3A_458, %and3A_75 : vector<16xi1>, vector<16xi32>
        %parallel_loop3A_460 = vector.shape_cast %parallel_loop3A_459 : vector<16xi32> to vector<16x1xi32>
        %parallel_loop3A_461 = vector.shape_cast %parallel_loop3A_460 : vector<16x1xi32> to vector<16xi32>
        %parallel_loop3A_462 = tpu.dynamic_gather %parallel_loop3A_452[%parallel_loop3A_461] in [0] : vector<16xf32>, vector<16xi32> -> vector<16xf32>
        %parallel_loop3A_463 = arith.constant 15 : i32
        %parallel_loop3A_464 = arith.andi %parallel_loop3A_444, %parallel_loop3A_463 : i32
        %parallel_loop3A_465 = arith.constant 8 : i32
        %parallel_loop3A_466 = arith.muli %parallel_loop3A_464, %parallel_loop3A_465 : i32
        %parallel_loop3A_467 = arith.constant 112 : i32
        %parallel_loop3A_468 = arith.minsi %parallel_loop3A_466, %parallel_loop3A_467 : i32
        %parallel_loop3A_469 = arith.constant 4 : i32
        %parallel_loop3A_470 = arith.shrui %parallel_loop3A_444, %parallel_loop3A_469 : i32
        %parallel_loop3A_471 = arith.index_cast %parallel_loop3A_470 : i32 to index
        %parallel_loop3A_472 = arith.index_cast %parallel_loop3A_468 : i32 to index
        %parallel_loop3A_473 = tpu.vector_load %arg11[%parallel_loop3A_471, %parallel_loop3A_472] {strides = array<i32>} : memref<4x128xf32, #tpu.memory_space<vmem>>, vector<1x16xf32>,
        %parallel_loop3A_474 = vector.shape_cast %parallel_loop3A_473 : vector<1x16xf32> to vector<16xf32>
        %parallel_loop3A_475 = arith.subi %parallel_loop3A_466, %parallel_loop3A_468 : i32
        %parallel_loop3A_476 = vector.broadcast %parallel_loop3A_475 : i32 to vector<16xi32>
        %parallel_loop3A_477 = arith.addi %iota3A, %parallel_loop3A_476 : vector<16xi32>
        %parallel_loop3A_478 = arith.constant 15 : i32
        %parallel_loop3A_479 = vector.broadcast %parallel_loop3A_478 : i32 to vector<16xi32>
        %parallel_loop3A_480 = arith.andi %parallel_loop3A_477, %parallel_loop3A_479 : vector<16xi32>
        %parallel_loop3A_481 = arith.constant 0 : i32
        %parallel_loop3A_482 = vector.broadcast %parallel_loop3A_481 : i32 to vector<16xi32>
        %parallel_loop3A_483 = arith.cmpi slt, %parallel_loop3A_480, %parallel_loop3A_482 : vector<16xi32>
        %parallel_loop3A_484 = arith.constant 16 : i32
        %parallel_loop3A_485 = vector.broadcast %parallel_loop3A_484 : i32 to vector<16xi32>
        %parallel_loop3A_486 = arith.addi %parallel_loop3A_480, %parallel_loop3A_485 : vector<16xi32>
        %parallel_loop3A_487 = arith.select %parallel_loop3A_483, %parallel_loop3A_486, %parallel_loop3A_480 : vector<16xi1>, vector<16xi32>
        %parallel_loop3A_488 = vector.shape_cast %parallel_loop3A_487 : vector<16xi32> to vector<16x1xi32>
        %parallel_loop3A_489 = vector.shape_cast %parallel_loop3A_488 : vector<16x1xi32> to vector<16xi32>
        %parallel_loop3A_490 = tpu.dynamic_gather %parallel_loop3A_474[%parallel_loop3A_489] in [0] : vector<16xf32>, vector<16xi32> -> vector<16xf32>
        %parallel_loop3A_491 = arith.addf %parallel_loop3A_448, %parallel_loop3A_462 : vector<16xf32>
        %parallel_loop3A_492 = arith.addf %parallel_loop3A_491, %parallel_loop3A_490 : vector<16xf32>
        %parallel_loop3A_493 = arith.constant 0.000000e+00 : f32
        %parallel_loop3A_494 = vector.broadcast %parallel_loop3A_493 : f32 to vector<16xf32>
        %parallel_loop3A_495 = arith.cmpf oge, %parallel_loop3A_492, %parallel_loop3A_494 : vector<16xf32>
        %parallel_loop3A_496 = arith.constant 2.000000e-01 : f32
        %parallel_loop3A_497 = vector.broadcast %parallel_loop3A_496 : f32 to vector<16xf32>
        %parallel_loop3A_498 = arith.mulf %parallel_loop3A_497, %parallel_loop3A_492 : vector<16xf32>
        %parallel_loop3A_499 = arith.select %parallel_loop3A_495, %parallel_loop3A_492, %parallel_loop3A_498 : vector<16xi1>, vector<16xf32>
        %parallel_loop3A_500 = math.exp %parallel_loop3A_499 : vector<16xf32>
        %parallel_loop3A_501 = arith.index_cast %parallel_loop3A_444 : i32 to index
        %parallel_loop3A_502 = arith.constant 0 : index
        %parallel_loop3A_503 = tpu.vector_load %arg14[%parallel_loop3A_501, %parallel_loop3A_502] {strides = array<i32>} : memref<64x16xf32, #tpu.memory_space<vmem>>, vector<1x16xf32>,
        %parallel_loop3A_504 = vector.shape_cast %parallel_loop3A_503 : vector<1x16xf32> to vector<16xf32>
        %parallel_loop3A_505 = vector.shape_cast %parallel_loop3A_500 : vector<16xf32> to vector<1x16xf32>
        tpu.vector_store %arg14[%parallel_loop3A_501, %parallel_loop3A_502], %parallel_loop3A_505 {strides = array<i32>} : memref<64x16xf32, #tpu.memory_space<vmem>>, vector<1x16xf32>,
        %parallel_loop3A_506 = arith.constant 0 : i32
        %parallel_loop3A_507 = vector.broadcast %parallel_loop3A_506 : i32 to vector<16xi32>
        %parallel_loop3A_508 = arith.cmpi slt, %broadcast_in_dim3A_77, %parallel_loop3A_507 : vector<16xi32>
        %parallel_loop3A_509 = arith.constant 16 : i32
        %parallel_loop3A_510 = vector.broadcast %parallel_loop3A_509 : i32 to vector<16xi32>
        %parallel_loop3A_511 = arith.addi %broadcast_in_dim3A_77, %parallel_loop3A_510 : vector<16xi32>
        %parallel_loop3A_512 = arith.select %parallel_loop3A_508, %parallel_loop3A_511, %broadcast_in_dim3A_77 : vector<16xi1>, vector<16xi32>
        %parallel_loop3A_513 = vector.shape_cast %parallel_loop3A_512 : vector<16xi32> to vector<16x1xi32>
        %parallel_loop3A_514 = vector.shape_cast %parallel_loop3A_513 : vector<16x1xi32> to vector<16xi32>
        %parallel_loop3A_515 = tpu.dynamic_gather %parallel_loop3A_500[%parallel_loop3A_514] in [0] : vector<16xf32>, vector<16xi32> -> vector<16xf32>
        %parallel_loop3A_516 = arith.index_cast %parallel_loop3A_444 : i32 to index
        %parallel_loop3A_517 = arith.constant 0 : index
        %parallel_loop3A_518 = tpu.vector_load %arg15[%parallel_loop3A_516, %parallel_loop3A_517] {strides = array<i32>} : memref<64x128xf32, #tpu.memory_space<vmem>>, vector<1x16xf32>,
        %parallel_loop3A_519 = vector.shape_cast %parallel_loop3A_518 : vector<1x16xf32> to vector<16xf32>
        %parallel_loop3A_520 = arith.mulf %parallel_loop3A_519, %parallel_loop3A_515 : vector<16xf32>
        %parallel_loop3A_521 = arith.index_cast %parallel_loop3A_444 : i32 to index
        %parallel_loop3A_522 = arith.constant 0 : index
        %parallel_loop3A_523 = tpu.vector_load %arg15[%parallel_loop3A_521, %parallel_loop3A_522] {strides = array<i32>} : memref<64x128xf32, #tpu.memory_space<vmem>>, vector<1x16xf32>,
        %parallel_loop3A_524 = vector.shape_cast %parallel_loop3A_523 : vector<1x16xf32> to vector<16xf32>
        %parallel_loop3A_525 = vector.shape_cast %parallel_loop3A_520 : vector<16xf32> to vector<1x16xf32>
        tpu.vector_store %arg15[%parallel_loop3A_521, %parallel_loop3A_522], %parallel_loop3A_525 {strides = array<i32>} : memref<64x128xf32, #tpu.memory_space<vmem>>, vector<1x16xf32>,
        %parallel_loop3A_526 = arith.constant 0 : i32
        %parallel_loop3A_527 = vector.broadcast %parallel_loop3A_526 : i32 to vector<16xi32>
        %parallel_loop3A_528 = arith.cmpi slt, %broadcast_in_dim3A_79, %parallel_loop3A_527 : vector<16xi32>
        %parallel_loop3A_529 = arith.constant 16 : i32
        %parallel_loop3A_530 = vector.broadcast %parallel_loop3A_529 : i32 to vector<16xi32>
        %parallel_loop3A_531 = arith.addi %broadcast_in_dim3A_79, %parallel_loop3A_530 : vector<16xi32>
        %parallel_loop3A_532 = arith.select %parallel_loop3A_528, %parallel_loop3A_531, %broadcast_in_dim3A_79 : vector<16xi1>, vector<16xi32>
        %parallel_loop3A_533 = vector.shape_cast %parallel_loop3A_532 : vector<16xi32> to vector<16x1xi32>
        %parallel_loop3A_534 = vector.shape_cast %parallel_loop3A_533 : vector<16x1xi32> to vector<16xi32>
        %parallel_loop3A_535 = tpu.dynamic_gather %parallel_loop3A_500[%parallel_loop3A_534] in [0] : vector<16xf32>, vector<16xi32> -> vector<16xf32>
        %parallel_loop3A_536 = arith.index_cast %parallel_loop3A_444 : i32 to index
        %parallel_loop3A_537 = arith.constant 16 : index
        %parallel_loop3A_538 = tpu.vector_load %arg15[%parallel_loop3A_536, %parallel_loop3A_537] {strides = array<i32>} : memref<64x128xf32, #tpu.memory_space<vmem>>, vector<1x16xf32>,
        %parallel_loop3A_539 = vector.shape_cast %parallel_loop3A_538 : vector<1x16xf32> to vector<16xf32>
        %parallel_loop3A_540 = arith.mulf %parallel_loop3A_539, %parallel_loop3A_535 : vector<16xf32>
        %parallel_loop3A_541 = arith.index_cast %parallel_loop3A_444 : i32 to index
        %parallel_loop3A_542 = arith.constant 16 : index
        %parallel_loop3A_543 = tpu.vector_load %arg15[%parallel_loop3A_541, %parallel_loop3A_542] {strides = array<i32>} : memref<64x128xf32, #tpu.memory_space<vmem>>, vector<1x16xf32>,
        %parallel_loop3A_544 = vector.shape_cast %parallel_loop3A_543 : vector<1x16xf32> to vector<16xf32>
        %parallel_loop3A_545 = vector.shape_cast %parallel_loop3A_540 : vector<16xf32> to vector<1x16xf32>
        tpu.vector_store %arg15[%parallel_loop3A_541, %parallel_loop3A_542], %parallel_loop3A_545 {strides = array<i32>} : memref<64x128xf32, #tpu.memory_space<vmem>>, vector<1x16xf32>,
        %parallel_loop3A_546 = arith.constant 0 : i32
        %parallel_loop3A_547 = vector.broadcast %parallel_loop3A_546 : i32 to vector<16xi32>
        %parallel_loop3A_548 = arith.cmpi slt, %broadcast_in_dim3A_81, %parallel_loop3A_547 : vector<16xi32>
        %parallel_loop3A_549 = arith.constant 16 : i32
        %parallel_loop3A_550 = vector.broadcast %parallel_loop3A_549 : i32 to vector<16xi32>
        %parallel_loop3A_551 = arith.addi %broadcast_in_dim3A_81, %parallel_loop3A_550 : vector<16xi32>
        %parallel_loop3A_552 = arith.select %parallel_loop3A_548, %parallel_loop3A_551, %broadcast_in_dim3A_81 : vector<16xi1>, vector<16xi32>
        %parallel_loop3A_553 = vector.shape_cast %parallel_loop3A_552 : vector<16xi32> to vector<16x1xi32>
        %parallel_loop3A_554 = vector.shape_cast %parallel_loop3A_553 : vector<16x1xi32> to vector<16xi32>
        %parallel_loop3A_555 = tpu.dynamic_gather %parallel_loop3A_500[%parallel_loop3A_554] in [0] : vector<16xf32>, vector<16xi32> -> vector<16xf32>
        %parallel_loop3A_556 = arith.index_cast %parallel_loop3A_444 : i32 to index
        %parallel_loop3A_557 = arith.constant 32 : index
        %parallel_loop3A_558 = tpu.vector_load %arg15[%parallel_loop3A_556, %parallel_loop3A_557] {strides = array<i32>} : memref<64x128xf32, #tpu.memory_space<vmem>>, vector<1x16xf32>,
        %parallel_loop3A_559 = vector.shape_cast %parallel_loop3A_558 : vector<1x16xf32> to vector<16xf32>
        %parallel_loop3A_560 = arith.mulf %parallel_loop3A_559, %parallel_loop3A_555 : vector<16xf32>
        %parallel_loop3A_561 = arith.index_cast %parallel_loop3A_444 : i32 to index
        %parallel_loop3A_562 = arith.constant 32 : index
        %parallel_loop3A_563 = tpu.vector_load %arg15[%parallel_loop3A_561, %parallel_loop3A_562] {strides = array<i32>} : memref<64x128xf32, #tpu.memory_space<vmem>>, vector<1x16xf32>,
        %parallel_loop3A_564 = vector.shape_cast %parallel_loop3A_563 : vector<1x16xf32> to vector<16xf32>
        %parallel_loop3A_565 = vector.shape_cast %parallel_loop3A_560 : vector<16xf32> to vector<1x16xf32>
        tpu.vector_store %arg15[%parallel_loop3A_561, %parallel_loop3A_562], %parallel_loop3A_565 {strides = array<i32>} : memref<64x128xf32, #tpu.memory_space<vmem>>, vector<1x16xf32>,
        %parallel_loop3A_566 = arith.constant 0 : i32
        %parallel_loop3A_567 = vector.broadcast %parallel_loop3A_566 : i32 to vector<16xi32>
        %parallel_loop3A_568 = arith.cmpi slt, %broadcast_in_dim3A_83, %parallel_loop3A_567 : vector<16xi32>
        %parallel_loop3A_569 = arith.constant 16 : i32
        %parallel_loop3A_570 = vector.broadcast %parallel_loop3A_569 : i32 to vector<16xi32>
        %parallel_loop3A_571 = arith.addi %broadcast_in_dim3A_83, %parallel_loop3A_570 : vector<16xi32>
        %parallel_loop3A_572 = arith.select %parallel_loop3A_568, %parallel_loop3A_571, %broadcast_in_dim3A_83 : vector<16xi1>, vector<16xi32>
        %parallel_loop3A_573 = vector.shape_cast %parallel_loop3A_572 : vector<16xi32> to vector<16x1xi32>
        %parallel_loop3A_574 = vector.shape_cast %parallel_loop3A_573 : vector<16x1xi32> to vector<16xi32>
        %parallel_loop3A_575 = tpu.dynamic_gather %parallel_loop3A_500[%parallel_loop3A_574] in [0] : vector<16xf32>, vector<16xi32> -> vector<16xf32>
        %parallel_loop3A_576 = arith.index_cast %parallel_loop3A_444 : i32 to index
        %parallel_loop3A_577 = arith.constant 48 : index
        %parallel_loop3A_578 = tpu.vector_load %arg15[%parallel_loop3A_576, %parallel_loop3A_577] {strides = array<i32>} : memref<64x128xf32, #tpu.memory_space<vmem>>, vector<1x16xf32>,
        %parallel_loop3A_579 = vector.shape_cast %parallel_loop3A_578 : vector<1x16xf32> to vector<16xf32>
        %parallel_loop3A_580 = arith.mulf %parallel_loop3A_579, %parallel_loop3A_575 : vector<16xf32>
        %parallel_loop3A_581 = arith.index_cast %parallel_loop3A_444 : i32 to index
        %parallel_loop3A_582 = arith.constant 48 : index
        %parallel_loop3A_583 = tpu.vector_load %arg15[%parallel_loop3A_581, %parallel_loop3A_582] {strides = array<i32>} : memref<64x128xf32, #tpu.memory_space<vmem>>, vector<1x16xf32>,
        %parallel_loop3A_584 = vector.shape_cast %parallel_loop3A_583 : vector<1x16xf32> to vector<16xf32>
        %parallel_loop3A_585 = vector.shape_cast %parallel_loop3A_580 : vector<16xf32> to vector<1x16xf32>
        tpu.vector_store %arg15[%parallel_loop3A_581, %parallel_loop3A_582], %parallel_loop3A_585 {strides = array<i32>} : memref<64x128xf32, #tpu.memory_space<vmem>>, vector<1x16xf32>,
        %parallel_loop3A_586 = arith.constant 0 : i32
        %parallel_loop3A_587 = vector.broadcast %parallel_loop3A_586 : i32 to vector<16xi32>
        %parallel_loop3A_588 = arith.cmpi slt, %broadcast_in_dim3A_85, %parallel_loop3A_587 : vector<16xi32>
        %parallel_loop3A_589 = arith.constant 16 : i32
        %parallel_loop3A_590 = vector.broadcast %parallel_loop3A_589 : i32 to vector<16xi32>
        %parallel_loop3A_591 = arith.addi %broadcast_in_dim3A_85, %parallel_loop3A_590 : vector<16xi32>
        %parallel_loop3A_592 = arith.select %parallel_loop3A_588, %parallel_loop3A_591, %broadcast_in_dim3A_85 : vector<16xi1>, vector<16xi32>
        %parallel_loop3A_593 = vector.shape_cast %parallel_loop3A_592 : vector<16xi32> to vector<16x1xi32>
        %parallel_loop3A_594 = vector.shape_cast %parallel_loop3A_593 : vector<16x1xi32> to vector<16xi32>
        %parallel_loop3A_595 = tpu.dynamic_gather %parallel_loop3A_500[%parallel_loop3A_594] in [0] : vector<16xf32>, vector<16xi32> -> vector<16xf32>
        %parallel_loop3A_596 = arith.index_cast %parallel_loop3A_444 : i32 to index
        %parallel_loop3A_597 = arith.constant 64 : index
        %parallel_loop3A_598 = tpu.vector_load %arg15[%parallel_loop3A_596, %parallel_loop3A_597] {strides = array<i32>} : memref<64x128xf32, #tpu.memory_space<vmem>>, vector<1x16xf32>,
        %parallel_loop3A_599 = vector.shape_cast %parallel_loop3A_598 : vector<1x16xf32> to vector<16xf32>
        %parallel_loop3A_600 = arith.mulf %parallel_loop3A_599, %parallel_loop3A_595 : vector<16xf32>
        %parallel_loop3A_601 = arith.index_cast %parallel_loop3A_444 : i32 to index
        %parallel_loop3A_602 = arith.constant 64 : index
        %parallel_loop3A_603 = tpu.vector_load %arg15[%parallel_loop3A_601, %parallel_loop3A_602] {strides = array<i32>} : memref<64x128xf32, #tpu.memory_space<vmem>>, vector<1x16xf32>,
        %parallel_loop3A_604 = vector.shape_cast %parallel_loop3A_603 : vector<1x16xf32> to vector<16xf32>
        %parallel_loop3A_605 = vector.shape_cast %parallel_loop3A_600 : vector<16xf32> to vector<1x16xf32>
        tpu.vector_store %arg15[%parallel_loop3A_601, %parallel_loop3A_602], %parallel_loop3A_605 {strides = array<i32>} : memref<64x128xf32, #tpu.memory_space<vmem>>, vector<1x16xf32>,
        %parallel_loop3A_606 = arith.constant 0 : i32
        %parallel_loop3A_607 = vector.broadcast %parallel_loop3A_606 : i32 to vector<16xi32>
        %parallel_loop3A_608 = arith.cmpi slt, %broadcast_in_dim3A_87, %parallel_loop3A_607 : vector<16xi32>
        %parallel_loop3A_609 = arith.constant 16 : i32
        %parallel_loop3A_610 = vector.broadcast %parallel_loop3A_609 : i32 to vector<16xi32>
        %parallel_loop3A_611 = arith.addi %broadcast_in_dim3A_87, %parallel_loop3A_610 : vector<16xi32>
        %parallel_loop3A_612 = arith.select %parallel_loop3A_608, %parallel_loop3A_611, %broadcast_in_dim3A_87 : vector<16xi1>, vector<16xi32>
        %parallel_loop3A_613 = vector.shape_cast %parallel_loop3A_612 : vector<16xi32> to vector<16x1xi32>
        %parallel_loop3A_614 = vector.shape_cast %parallel_loop3A_613 : vector<16x1xi32> to vector<16xi32>
        %parallel_loop3A_615 = tpu.dynamic_gather %parallel_loop3A_500[%parallel_loop3A_614] in [0] : vector<16xf32>, vector<16xi32> -> vector<16xf32>
        %parallel_loop3A_616 = arith.index_cast %parallel_loop3A_444 : i32 to index
        %parallel_loop3A_617 = arith.constant 80 : index
        %parallel_loop3A_618 = tpu.vector_load %arg15[%parallel_loop3A_616, %parallel_loop3A_617] {strides = array<i32>} : memref<64x128xf32, #tpu.memory_space<vmem>>, vector<1x16xf32>,
        %parallel_loop3A_619 = vector.shape_cast %parallel_loop3A_618 : vector<1x16xf32> to vector<16xf32>
        %parallel_loop3A_620 = arith.mulf %parallel_loop3A_619, %parallel_loop3A_615 : vector<16xf32>
        %parallel_loop3A_621 = arith.index_cast %parallel_loop3A_444 : i32 to index
        %parallel_loop3A_622 = arith.constant 80 : index
        %parallel_loop3A_623 = tpu.vector_load %arg15[%parallel_loop3A_621, %parallel_loop3A_622] {strides = array<i32>} : memref<64x128xf32, #tpu.memory_space<vmem>>, vector<1x16xf32>,
        %parallel_loop3A_624 = vector.shape_cast %parallel_loop3A_623 : vector<1x16xf32> to vector<16xf32>
        %parallel_loop3A_625 = vector.shape_cast %parallel_loop3A_620 : vector<16xf32> to vector<1x16xf32>
        tpu.vector_store %arg15[%parallel_loop3A_621, %parallel_loop3A_622], %parallel_loop3A_625 {strides = array<i32>} : memref<64x128xf32, #tpu.memory_space<vmem>>, vector<1x16xf32>,
        %parallel_loop3A_626 = arith.constant 0 : i32
        %parallel_loop3A_627 = vector.broadcast %parallel_loop3A_626 : i32 to vector<16xi32>
        %parallel_loop3A_628 = arith.cmpi slt, %broadcast_in_dim3A_89, %parallel_loop3A_627 : vector<16xi32>
        %parallel_loop3A_629 = arith.constant 16 : i32
        %parallel_loop3A_630 = vector.broadcast %parallel_loop3A_629 : i32 to vector<16xi32>
        %parallel_loop3A_631 = arith.addi %broadcast_in_dim3A_89, %parallel_loop3A_630 : vector<16xi32>
        %parallel_loop3A_632 = arith.select %parallel_loop3A_628, %parallel_loop3A_631, %broadcast_in_dim3A_89 : vector<16xi1>, vector<16xi32>
        %parallel_loop3A_633 = vector.shape_cast %parallel_loop3A_632 : vector<16xi32> to vector<16x1xi32>
        %parallel_loop3A_634 = vector.shape_cast %parallel_loop3A_633 : vector<16x1xi32> to vector<16xi32>
        %parallel_loop3A_635 = tpu.dynamic_gather %parallel_loop3A_500[%parallel_loop3A_634] in [0] : vector<16xf32>, vector<16xi32> -> vector<16xf32>
        %parallel_loop3A_636 = arith.index_cast %parallel_loop3A_444 : i32 to index
        %parallel_loop3A_637 = arith.constant 96 : index
        %parallel_loop3A_638 = tpu.vector_load %arg15[%parallel_loop3A_636, %parallel_loop3A_637] {strides = array<i32>} : memref<64x128xf32, #tpu.memory_space<vmem>>, vector<1x16xf32>,
        %parallel_loop3A_639 = vector.shape_cast %parallel_loop3A_638 : vector<1x16xf32> to vector<16xf32>
        %parallel_loop3A_640 = arith.mulf %parallel_loop3A_639, %parallel_loop3A_635 : vector<16xf32>
        %parallel_loop3A_641 = arith.index_cast %parallel_loop3A_444 : i32 to index
        %parallel_loop3A_642 = arith.constant 96 : index
        %parallel_loop3A_643 = tpu.vector_load %arg15[%parallel_loop3A_641, %parallel_loop3A_642] {strides = array<i32>} : memref<64x128xf32, #tpu.memory_space<vmem>>, vector<1x16xf32>,
        %parallel_loop3A_644 = vector.shape_cast %parallel_loop3A_643 : vector<1x16xf32> to vector<16xf32>
        %parallel_loop3A_645 = vector.shape_cast %parallel_loop3A_640 : vector<16xf32> to vector<1x16xf32>
        tpu.vector_store %arg15[%parallel_loop3A_641, %parallel_loop3A_642], %parallel_loop3A_645 {strides = array<i32>} : memref<64x128xf32, #tpu.memory_space<vmem>>, vector<1x16xf32>,
        %parallel_loop3A_646 = arith.constant 0 : i32
        %parallel_loop3A_647 = vector.broadcast %parallel_loop3A_646 : i32 to vector<16xi32>
        %parallel_loop3A_648 = arith.cmpi slt, %broadcast_in_dim3A_91, %parallel_loop3A_647 : vector<16xi32>
        %parallel_loop3A_649 = arith.constant 16 : i32
        %parallel_loop3A_650 = vector.broadcast %parallel_loop3A_649 : i32 to vector<16xi32>
        %parallel_loop3A_651 = arith.addi %broadcast_in_dim3A_91, %parallel_loop3A_650 : vector<16xi32>
        %parallel_loop3A_652 = arith.select %parallel_loop3A_648, %parallel_loop3A_651, %broadcast_in_dim3A_91 : vector<16xi1>, vector<16xi32>
        %parallel_loop3A_653 = vector.shape_cast %parallel_loop3A_652 : vector<16xi32> to vector<16x1xi32>
        %parallel_loop3A_654 = vector.shape_cast %parallel_loop3A_653 : vector<16x1xi32> to vector<16xi32>
        %parallel_loop3A_655 = tpu.dynamic_gather %parallel_loop3A_500[%parallel_loop3A_654] in [0] : vector<16xf32>, vector<16xi32> -> vector<16xf32>
        %parallel_loop3A_656 = arith.index_cast %parallel_loop3A_444 : i32 to index
        %parallel_loop3A_657 = arith.constant 112 : index
        %parallel_loop3A_658 = tpu.vector_load %arg15[%parallel_loop3A_656, %parallel_loop3A_657] {strides = array<i32>} : memref<64x128xf32, #tpu.memory_space<vmem>>, vector<1x16xf32>,
        %parallel_loop3A_659 = vector.shape_cast %parallel_loop3A_658 : vector<1x16xf32> to vector<16xf32>
        %parallel_loop3A_660 = arith.mulf %parallel_loop3A_659, %parallel_loop3A_655 : vector<16xf32>
        %parallel_loop3A_661 = arith.index_cast %parallel_loop3A_444 : i32 to index
        %parallel_loop3A_662 = arith.constant 112 : index
        %parallel_loop3A_663 = tpu.vector_load %arg15[%parallel_loop3A_661, %parallel_loop3A_662] {strides = array<i32>} : memref<64x128xf32, #tpu.memory_space<vmem>>, vector<1x16xf32>,
        %parallel_loop3A_664 = vector.shape_cast %parallel_loop3A_663 : vector<1x16xf32> to vector<16xf32>
        %parallel_loop3A_665 = vector.shape_cast %parallel_loop3A_660 : vector<16xf32> to vector<1x16xf32>
        tpu.vector_store %arg15[%parallel_loop3A_661, %parallel_loop3A_662], %parallel_loop3A_665 {strides = array<i32>} : memref<64x128xf32, #tpu.memory_space<vmem>>, vector<1x16xf32>,
      } {sc.loop_unroll_factor = 4 : i64, sc.parallel_access}
      %dma_start3A_344 = arith.constant 0 : i32
      %dma_start3A_345 = arith.constant 0 : i32
      %dma_start3A_346 = tpu.memref_slice %arg31[%dma_start3A_344, %dma_start3A_345] : memref<10000x16xf32, #tpu.memory_space<vmem_shared>> -> memref<10000x16xf32, #tpu.memory_space<vmem_shared>>
      tpu.enqueue_indirect_dma source(%arg14 : memref<64x16xf32, #tpu.memory_space<vmem>>) target(%dma_start3A_346 : memref<10000x16xf32, #tpu.memory_space<vmem_shared>>) offsets(%arg10 : memref<64xi32, #tpu.memory_space<vmem>>) semaphore(%arg32 : memref<!tpu.dma_semaphore, #tpu.memory_space<semaphore_mem>>) {add = true}
      %dma_start3A_347 = arith.constant 0 : i32
      %dma_start3A_348 = arith.constant 0 : i32
      %dma_start3A_349 = tpu.memref_slice %arg30[%dma_start3A_347, %dma_start3A_348] : memref<10000x128xf32, #tpu.memory_space<vmem_shared>> -> memref<10000x128xf32, #tpu.memory_space<vmem_shared>>
      tpu.enqueue_indirect_dma source(%arg15 : memref<64x128xf32, #tpu.memory_space<vmem>>) target(%dma_start3A_349 : memref<10000x128xf32, #tpu.memory_space<vmem_shared>>) offsets(%arg10 : memref<64xi32, #tpu.memory_space<vmem>>) semaphore(%arg32 : memref<!tpu.dma_semaphore, #tpu.memory_space<semaphore_mem>>) {add = true}
      %add3A_350 = arith.constant 1 : i32
      %add3A_351 = arith.addi %mul3A_304, %add3A_350 : i32
      %dma_wait3A_352 = arith.constant 0 : i32
      %dma_wait3A_353 = arith.constant 0 : i32
      %dma_wait3A_354 = tpu.memref_slice %arg4[%arg0, %dma_wait3A_352, %dma_wait3A_353] : memref<2x10000x16xf32, #tpu.memory_space<hbm>> -> memref<1x10000x16xf32, #tpu.memory_space<hbm>>
      %dma_wait3A_355 = tpu.memref_squeeze %dma_wait3A_354 : memref<1x10000x16xf32, #tpu.memory_space<hbm>> -> memref<10000x16xf32, #tpu.memory_space<hbm>>
      %dma_wait3A_356 = arith.constant 0 : i32
      %dma_wait3A_357 = arith.constant 0 : i32
      %dma_wait3A_358 = tpu.memref_slice %dma_wait3A_355[%dma_wait3A_356, %dma_wait3A_357] : memref<10000x16xf32, #tpu.memory_space<hbm>> -> memref<10000x16xf32, #tpu.memory_space<hbm>>
      tpu.wait_indirect_dma semaphore(%arg33 : memref<!tpu.dma_semaphore, #tpu.memory_space<semaphore_mem>>) src(%dma_wait3A_358 : memref<10000x16xf32, #tpu.memory_space<hbm>>) dst(%arg19 : memref<64x16xf32, #tpu.memory_space<vmem>>)
      %dma_wait3A_359 = arith.constant 0 : i32
      %dma_wait3A_360 = arith.constant 0 : i32
      %dma_wait3A_361 = tpu.memref_slice %arg4[%arg0, %dma_wait3A_359, %dma_wait3A_360] : memref<2x10000x16xf32, #tpu.memory_space<hbm>> -> memref<1x10000x16xf32, #tpu.memory_space<hbm>>
      %dma_wait3A_362 = tpu.memref_squeeze %dma_wait3A_361 : memref<1x10000x16xf32, #tpu.memory_space<hbm>> -> memref<10000x16xf32, #tpu.memory_space<hbm>>
      %dma_wait3A_363 = arith.constant 0 : i32
      %dma_wait3A_364 = arith.constant 0 : i32
      %dma_wait3A_365 = tpu.memref_slice %dma_wait3A_362[%dma_wait3A_363, %dma_wait3A_364] : memref<10000x16xf32, #tpu.memory_space<hbm>> -> memref<10000x16xf32, #tpu.memory_space<hbm>>
      tpu.wait_indirect_dma semaphore(%arg33 : memref<!tpu.dma_semaphore, #tpu.memory_space<semaphore_mem>>) src(%dma_wait3A_365 : memref<10000x16xf32, #tpu.memory_space<hbm>>) dst(%arg20 : memref<64x16xf32, #tpu.memory_space<vmem>>)
      %dma_wait3A_366 = arith.constant 0 : i32
      %dma_wait3A_367 = arith.constant 0 : i32
      %dma_wait3A_368 = tpu.memref_slice %arg6[%arg0, %dma_wait3A_366, %dma_wait3A_367] : memref<2x10000x128xf32, #tpu.memory_space<hbm>> -> memref<1x10000x128xf32, #tpu.memory_space<hbm>>
      %dma_wait3A_369 = tpu.memref_squeeze %dma_wait3A_368 : memref<1x10000x128xf32, #tpu.memory_space<hbm>> -> memref<10000x128xf32, #tpu.memory_space<hbm>>
      %dma_wait3A_370 = arith.constant 0 : i32
      %dma_wait3A_371 = arith.constant 0 : i32
      %dma_wait3A_372 = tpu.memref_slice %dma_wait3A_369[%dma_wait3A_370, %dma_wait3A_371] : memref<10000x128xf32, #tpu.memory_space<hbm>> -> memref<10000x128xf32, #tpu.memory_space<hbm>>
      tpu.wait_indirect_dma semaphore(%arg33 : memref<!tpu.dma_semaphore, #tpu.memory_space<semaphore_mem>>) src(%dma_wait3A_372 : memref<10000x128xf32, #tpu.memory_space<hbm>>) dst(%arg22 : memref<64x128xf32, #tpu.memory_space<vmem>>)
      %lt3A_373 = arith.constant 311 : i32
      %lt3A_374 = arith.cmpi slt, %add3A_351, %lt3A_373 : i32
      %convert_element_type3A_375 = arith.extui %lt3A_374 : i1 to i32
      %cond3A_376 = arith.constant 0 : i32
      %cond3A_377 = arith.cmpi ne, %convert_element_type3A_375, %cond3A_376 : i32
      scf.if %cond3A_377 {
        %add3A_444 = arith.constant 1 : i32
        %add3A_445 = arith.addi %add3A_351, %add3A_444 : i32
        %mul3A_446 = arith.constant 16 : i32
        %mul3A_447 = arith.muli %add3A_445, %mul3A_446 : i32
        %add3A_448 = arith.addi %arg1, %mul3A_447 : i32
        %dma_wait3A_449 = arith.constant 0 : i32
        %dma_wait3A_450 = arith.constant 0 : i32
        %dma_wait3A_451 = tpu.memref_slice %arg2[%arg0, %dma_wait3A_449, %dma_wait3A_450] : memref<2x5000x64xi32, #tpu.memory_space<hbm>> -> memref<1x5000x64xi32, #tpu.memory_space<hbm>>
        %dma_wait3A_452 = tpu.memref_squeeze %dma_wait3A_451 : memref<1x5000x64xi32, #tpu.memory_space<hbm>> -> memref<5000x64xi32, #tpu.memory_space<hbm>>
        %dma_wait3A_453 = arith.constant 0 : i32
        %dma_wait3A_454 = tpu.memref_slice %dma_wait3A_452[%add3A_448, %dma_wait3A_453] : memref<5000x64xi32, #tpu.memory_space<hbm>> -> memref<1x64xi32, #tpu.memory_space<hbm>>
        %dma_wait3A_455 = tpu.memref_squeeze %dma_wait3A_454 : memref<1x64xi32, #tpu.memory_space<hbm>> -> memref<64xi32, #tpu.memory_space<hbm>>
        %dma_wait3A_456 = arith.constant 0 : i32
        %dma_wait3A_457 = arith.constant 0 : i32
        %dma_wait3A_458 = tpu.memref_slice %arg2[%arg0, %dma_wait3A_456, %dma_wait3A_457] : memref<2x5000x64xi32, #tpu.memory_space<hbm>> -> memref<1x5000x64xi32, #tpu.memory_space<hbm>>
        %dma_wait3A_459 = tpu.memref_squeeze %dma_wait3A_458 : memref<1x5000x64xi32, #tpu.memory_space<hbm>> -> memref<5000x64xi32, #tpu.memory_space<hbm>>
        %dma_wait3A_460 = arith.constant 0 : i32
        %dma_wait3A_461 = tpu.memref_slice %dma_wait3A_459[%add3A_448, %dma_wait3A_460] : memref<5000x64xi32, #tpu.memory_space<hbm>> -> memref<1x64xi32, #tpu.memory_space<hbm>>
        %dma_wait3A_462 = tpu.memref_squeeze %dma_wait3A_461 : memref<1x64xi32, #tpu.memory_space<hbm>> -> memref<64xi32, #tpu.memory_space<hbm>>
        tpu.wait_dma2 semaphore(%arg34 : memref<!tpu.dma_semaphore, #tpu.memory_space<semaphore_mem>>) src(%dma_wait3A_462 : memref<64xi32, #tpu.memory_space<hbm>>) dst(%arg23 : memref<64xi32, #tpu.memory_space<vmem>>)
        %dma_wait3A_463 = arith.constant 0 : i32
        %dma_wait3A_464 = arith.constant 0 : i32
        %dma_wait3A_465 = tpu.memref_slice %arg3[%arg0, %dma_wait3A_463, %dma_wait3A_464] : memref<2x5000x64xi32, #tpu.memory_space<hbm>> -> memref<1x5000x64xi32, #tpu.memory_space<hbm>>
        %dma_wait3A_466 = tpu.memref_squeeze %dma_wait3A_465 : memref<1x5000x64xi32, #tpu.memory_space<hbm>> -> memref<5000x64xi32, #tpu.memory_space<hbm>>
        %dma_wait3A_467 = arith.constant 0 : i32
        %dma_wait3A_468 = tpu.memref_slice %dma_wait3A_466[%add3A_448, %dma_wait3A_467] : memref<5000x64xi32, #tpu.memory_space<hbm>> -> memref<1x64xi32, #tpu.memory_space<hbm>>
        %dma_wait3A_469 = tpu.memref_squeeze %dma_wait3A_468 : memref<1x64xi32, #tpu.memory_space<hbm>> -> memref<64xi32, #tpu.memory_space<hbm>>
        %dma_wait3A_470 = arith.constant 0 : i32
        %dma_wait3A_471 = arith.constant 0 : i32
        %dma_wait3A_472 = tpu.memref_slice %arg3[%arg0, %dma_wait3A_470, %dma_wait3A_471] : memref<2x5000x64xi32, #tpu.memory_space<hbm>> -> memref<1x5000x64xi32, #tpu.memory_space<hbm>>
        %dma_wait3A_473 = tpu.memref_squeeze %dma_wait3A_472 : memref<1x5000x64xi32, #tpu.memory_space<hbm>> -> memref<5000x64xi32, #tpu.memory_space<hbm>>
        %dma_wait3A_474 = arith.constant 0 : i32
        %dma_wait3A_475 = tpu.memref_slice %dma_wait3A_473[%add3A_448, %dma_wait3A_474] : memref<5000x64xi32, #tpu.memory_space<hbm>> -> memref<1x64xi32, #tpu.memory_space<hbm>>
        %dma_wait3A_476 = tpu.memref_squeeze %dma_wait3A_475 : memref<1x64xi32, #tpu.memory_space<hbm>> -> memref<64xi32, #tpu.memory_space<hbm>>
        tpu.wait_dma2 semaphore(%arg34 : memref<!tpu.dma_semaphore, #tpu.memory_space<semaphore_mem>>) src(%dma_wait3A_476 : memref<64xi32, #tpu.memory_space<hbm>>) dst(%arg24 : memref<64xi32, #tpu.memory_space<vmem>>)
        %mul3A_477 = arith.constant 4 : i32
        %mul3A_478 = arith.muli %add3A_448, %mul3A_477 : i32
        %dma_wait3A_479 = arith.constant 0 : i32
        %dma_wait3A_480 = arith.constant 0 : i32
        %dma_wait3A_481 = tpu.memref_slice %arg5[%arg0, %dma_wait3A_479, %dma_wait3A_480] : memref<2x20000x128xf32, #tpu.memory_space<hbm>> -> memref<1x20000x128xf32, #tpu.memory_space<hbm>>
        %dma_wait3A_482 = tpu.memref_squeeze %dma_wait3A_481 : memref<1x20000x128xf32, #tpu.memory_space<hbm>> -> memref<20000x128xf32, #tpu.memory_space<hbm>>
        %dma_wait3A_483 = arith.constant 0 : i32
        %dma_wait3A_484 = tpu.memref_slice %dma_wait3A_482[%mul3A_478, %dma_wait3A_483] : memref<20000x128xf32, #tpu.memory_space<hbm>> -> memref<4x128xf32, #tpu.memory_space<hbm>>
        %dma_wait3A_485 = arith.constant 0 : i32
        %dma_wait3A_486 = arith.constant 0 : i32
        %dma_wait3A_487 = tpu.memref_slice %arg5[%arg0, %dma_wait3A_485, %dma_wait3A_486] : memref<2x20000x128xf32, #tpu.memory_space<hbm>> -> memref<1x20000x128xf32, #tpu.memory_space<hbm>>
        %dma_wait3A_488 = tpu.memref_squeeze %dma_wait3A_487 : memref<1x20000x128xf32, #tpu.memory_space<hbm>> -> memref<20000x128xf32, #tpu.memory_space<hbm>>
        %dma_wait3A_489 = arith.constant 0 : i32
        %dma_wait3A_490 = tpu.memref_slice %dma_wait3A_488[%mul3A_478, %dma_wait3A_489] : memref<20000x128xf32, #tpu.memory_space<hbm>> -> memref<4x128xf32, #tpu.memory_space<hbm>>
        tpu.wait_dma2 semaphore(%arg34 : memref<!tpu.dma_semaphore, #tpu.memory_space<semaphore_mem>>) src(%dma_wait3A_490 : memref<4x128xf32, #tpu.memory_space<hbm>>) dst(%arg25 : memref<4x128xf32, #tpu.memory_space<vmem>>)
        %dma_start3A_491 = arith.constant 0 : i32
        %dma_start3A_492 = arith.constant 0 : i32
        %dma_start3A_493 = tpu.memref_slice %arg4[%arg0, %dma_start3A_491, %dma_start3A_492] : memref<2x10000x16xf32, #tpu.memory_space<hbm>> -> memref<1x10000x16xf32, #tpu.memory_space<hbm>>
        %dma_start3A_494 = tpu.memref_squeeze %dma_start3A_493 : memref<1x10000x16xf32, #tpu.memory_space<hbm>> -> memref<10000x16xf32, #tpu.memory_space<hbm>>
        %dma_start3A_495 = arith.constant 0 : i32
        %dma_start3A_496 = arith.constant 0 : i32
        %dma_start3A_497 = tpu.memref_slice %dma_start3A_494[%dma_start3A_495, %dma_start3A_496] : memref<10000x16xf32, #tpu.memory_space<hbm>> -> memref<10000x16xf32, #tpu.memory_space<hbm>>
        tpu.enqueue_indirect_dma source(%dma_start3A_497 : memref<10000x16xf32, #tpu.memory_space<hbm>>) target(%arg26 : memref<64x16xf32, #tpu.memory_space<vmem>>) offsets(%arg23 : memref<64xi32, #tpu.memory_space<vmem>>) semaphore(%arg34 : memref<!tpu.dma_semaphore, #tpu.memory_space<semaphore_mem>>)
        %dma_start3A_498 = arith.constant 0 : i32
        %dma_start3A_499 = arith.constant 0 : i32
        %dma_start3A_500 = tpu.memref_slice %arg4[%arg0, %dma_start3A_498, %dma_start3A_499] : memref<2x10000x16xf32, #tpu.memory_space<hbm>> -> memref<1x10000x16xf32, #tpu.memory_space<hbm>>
        %dma_start3A_501 = tpu.memref_squeeze %dma_start3A_500 : memref<1x10000x16xf32, #tpu.memory_space<hbm>> -> memref<10000x16xf32, #tpu.memory_space<hbm>>
        %dma_start3A_502 = arith.constant 0 : i32
        %dma_start3A_503 = arith.constant 0 : i32
        %dma_start3A_504 = tpu.memref_slice %dma_start3A_501[%dma_start3A_502, %dma_start3A_503] : memref<10000x16xf32, #tpu.memory_space<hbm>> -> memref<10000x16xf32, #tpu.memory_space<hbm>>
        tpu.enqueue_indirect_dma source(%dma_start3A_504 : memref<10000x16xf32, #tpu.memory_space<hbm>>) target(%arg27 : memref<64x16xf32, #tpu.memory_space<vmem>>) offsets(%arg24 : memref<64xi32, #tpu.memory_space<vmem>>) semaphore(%arg34 : memref<!tpu.dma_semaphore, #tpu.memory_space<semaphore_mem>>)
        %dma_start3A_505 = arith.constant 0 : i32
        %dma_start3A_506 = arith.constant 0 : i32
        %dma_start3A_507 = tpu.memref_slice %arg6[%arg0, %dma_start3A_505, %dma_start3A_506] : memref<2x10000x128xf32, #tpu.memory_space<hbm>> -> memref<1x10000x128xf32, #tpu.memory_space<hbm>>
        %dma_start3A_508 = tpu.memref_squeeze %dma_start3A_507 : memref<1x10000x128xf32, #tpu.memory_space<hbm>> -> memref<10000x128xf32, #tpu.memory_space<hbm>>
        %dma_start3A_509 = arith.constant 0 : i32
        %dma_start3A_510 = arith.constant 0 : i32
        %dma_start3A_511 = tpu.memref_slice %dma_start3A_508[%dma_start3A_509, %dma_start3A_510] : memref<10000x128xf32, #tpu.memory_space<hbm>> -> memref<10000x128xf32, #tpu.memory_space<hbm>>
        tpu.enqueue_indirect_dma source(%dma_start3A_511 : memref<10000x128xf32, #tpu.memory_space<hbm>>) target(%arg29 : memref<64x128xf32, #tpu.memory_space<vmem>>) offsets(%arg23 : memref<64xi32, #tpu.memory_space<vmem>>) semaphore(%arg34 : memref<!tpu.dma_semaphore, #tpu.memory_space<semaphore_mem>>)
      } else {
      }
      %ge3A_378 = arith.constant 1 : i32
      %ge3A_379 = arith.cmpi sge, %add3A_351, %ge3A_378 : i32
      %convert_element_type3A_380 = arith.extui %ge3A_379 : i1 to i32
      %cond3A_381 = arith.constant 0 : i32
      %cond3A_382 = arith.cmpi ne, %convert_element_type3A_380, %cond3A_381 : i32
      scf.if %cond3A_382 {
        %dma_wait3A_444 = arith.constant 0 : i32
        %dma_wait3A_445 = arith.constant 0 : i32
        %dma_wait3A_446 = tpu.memref_slice %arg31[%dma_wait3A_444, %dma_wait3A_445] : memref<10000x16xf32, #tpu.memory_space<vmem_shared>> -> memref<10000x16xf32, #tpu.memory_space<vmem_shared>>
        tpu.wait_indirect_dma semaphore(%arg32 : memref<!tpu.dma_semaphore, #tpu.memory_space<semaphore_mem>>) src(%arg14 : memref<64x16xf32, #tpu.memory_space<vmem>>) dst(%dma_wait3A_446 : memref<10000x16xf32, #tpu.memory_space<vmem_shared>>)
        %dma_wait3A_447 = arith.constant 0 : i32
        %dma_wait3A_448 = arith.constant 0 : i32
        %dma_wait3A_449 = tpu.memref_slice %arg30[%dma_wait3A_447, %dma_wait3A_448] : memref<10000x128xf32, #tpu.memory_space<vmem_shared>> -> memref<10000x128xf32, #tpu.memory_space<vmem_shared>>
        tpu.wait_indirect_dma semaphore(%arg32 : memref<!tpu.dma_semaphore, #tpu.memory_space<semaphore_mem>>) src(%arg15 : memref<64x128xf32, #tpu.memory_space<vmem>>) dst(%dma_wait3A_449 : memref<10000x128xf32, #tpu.memory_space<vmem_shared>>)
      } else {
      }
      %lt3A_383 = arith.constant 310 : i32
      %lt3A_384 = arith.cmpi slt, %add3A_351, %lt3A_383 : i32
      %convert_element_type3A_385 = arith.extui %lt3A_384 : i1 to i32
      %cond3A_386 = arith.constant 0 : i32
      %cond3A_387 = arith.cmpi ne, %convert_element_type3A_385, %cond3A_386 : i32
      scf.if %cond3A_387 {
        %add3A_444 = arith.constant 2 : i32
        %add3A_445 = arith.addi %add3A_351, %add3A_444 : i32
        %mul3A_446 = arith.constant 16 : i32
        %mul3A_447 = arith.muli %add3A_445, %mul3A_446 : i32
        %add3A_448 = arith.addi %arg1, %mul3A_447 : i32
        %dma_start3A_449 = arith.constant 0 : i32
        %dma_start3A_450 = arith.constant 0 : i32
        %dma_start3A_451 = tpu.memref_slice %arg2[%arg0, %dma_start3A_449, %dma_start3A_450] : memref<2x5000x64xi32, #tpu.memory_space<hbm>> -> memref<1x5000x64xi32, #tpu.memory_space<hbm>>
        %dma_start3A_452 = tpu.memref_squeeze %dma_start3A_451 : memref<1x5000x64xi32, #tpu.memory_space<hbm>> -> memref<5000x64xi32, #tpu.memory_space<hbm>>
        %dma_start3A_453 = arith.constant 0 : i32
        %dma_start3A_454 = tpu.memref_slice %dma_start3A_452[%add3A_448, %dma_start3A_453] : memref<5000x64xi32, #tpu.memory_space<hbm>> -> memref<1x64xi32, #tpu.memory_space<hbm>>
        %dma_start3A_455 = tpu.memref_squeeze %dma_start3A_454 : memref<1x64xi32, #tpu.memory_space<hbm>> -> memref<64xi32, #tpu.memory_space<hbm>>
        %dma_start3A_456 = arith.constant 0 : i32
        %dma_start3A_457 = arith.constant 0 : i32
        %dma_start3A_458 = tpu.memref_slice %arg2[%arg0, %dma_start3A_456, %dma_start3A_457] : memref<2x5000x64xi32, #tpu.memory_space<hbm>> -> memref<1x5000x64xi32, #tpu.memory_space<hbm>>
        %dma_start3A_459 = tpu.memref_squeeze %dma_start3A_458 : memref<1x5000x64xi32, #tpu.memory_space<hbm>> -> memref<5000x64xi32, #tpu.memory_space<hbm>>
        %dma_start3A_460 = arith.constant 0 : i32
        %dma_start3A_461 = tpu.memref_slice %dma_start3A_459[%add3A_448, %dma_start3A_460] : memref<5000x64xi32, #tpu.memory_space<hbm>> -> memref<1x64xi32, #tpu.memory_space<hbm>>
        %dma_start3A_462 = tpu.memref_squeeze %dma_start3A_461 : memref<1x64xi32, #tpu.memory_space<hbm>> -> memref<64xi32, #tpu.memory_space<hbm>>
        tpu.enqueue_dma source(%dma_start3A_462 : memref<64xi32, #tpu.memory_space<hbm>>) target(%arg9 : memref<64xi32, #tpu.memory_space<vmem>>) target_semaphore(%arg32 : memref<!tpu.dma_semaphore, #tpu.memory_space<semaphore_mem>>)
        %dma_start3A_463 = arith.constant 0 : i32
        %dma_start3A_464 = arith.constant 0 : i32
        %dma_start3A_465 = tpu.memref_slice %arg3[%arg0, %dma_start3A_463, %dma_start3A_464] : memref<2x5000x64xi32, #tpu.memory_space<hbm>> -> memref<1x5000x64xi32, #tpu.memory_space<hbm>>
        %dma_start3A_466 = tpu.memref_squeeze %dma_start3A_465 : memref<1x5000x64xi32, #tpu.memory_space<hbm>> -> memref<5000x64xi32, #tpu.memory_space<hbm>>
        %dma_start3A_467 = arith.constant 0 : i32
        %dma_start3A_468 = tpu.memref_slice %dma_start3A_466[%add3A_448, %dma_start3A_467] : memref<5000x64xi32, #tpu.memory_space<hbm>> -> memref<1x64xi32, #tpu.memory_space<hbm>>
        %dma_start3A_469 = tpu.memref_squeeze %dma_start3A_468 : memref<1x64xi32, #tpu.memory_space<hbm>> -> memref<64xi32, #tpu.memory_space<hbm>>
        %dma_start3A_470 = arith.constant 0 : i32
        %dma_start3A_471 = arith.constant 0 : i32
        %dma_start3A_472 = tpu.memref_slice %arg3[%arg0, %dma_start3A_470, %dma_start3A_471] : memref<2x5000x64xi32, #tpu.memory_space<hbm>> -> memref<1x5000x64xi32, #tpu.memory_space<hbm>>
        %dma_start3A_473 = tpu.memref_squeeze %dma_start3A_472 : memref<1x5000x64xi32, #tpu.memory_space<hbm>> -> memref<5000x64xi32, #tpu.memory_space<hbm>>
        %dma_start3A_474 = arith.constant 0 : i32
        %dma_start3A_475 = tpu.memref_slice %dma_start3A_473[%add3A_448, %dma_start3A_474] : memref<5000x64xi32, #tpu.memory_space<hbm>> -> memref<1x64xi32, #tpu.memory_space<hbm>>
        %dma_start3A_476 = tpu.memref_squeeze %dma_start3A_475 : memref<1x64xi32, #tpu.memory_space<hbm>> -> memref<64xi32, #tpu.memory_space<hbm>>
        tpu.enqueue_dma source(%dma_start3A_476 : memref<64xi32, #tpu.memory_space<hbm>>) target(%arg10 : memref<64xi32, #tpu.memory_space<vmem>>) target_semaphore(%arg32 : memref<!tpu.dma_semaphore, #tpu.memory_space<semaphore_mem>>)
        %mul3A_477 = arith.constant 4 : i32
        %mul3A_478 = arith.muli %add3A_448, %mul3A_477 : i32
        %dma_start3A_479 = arith.constant 0 : i32
        %dma_start3A_480 = arith.constant 0 : i32
        %dma_start3A_481 = tpu.memref_slice %arg5[%arg0, %dma_start3A_479, %dma_start3A_480] : memref<2x20000x128xf32, #tpu.memory_space<hbm>> -> memref<1x20000x128xf32, #tpu.memory_space<hbm>>
        %dma_start3A_482 = tpu.memref_squeeze %dma_start3A_481 : memref<1x20000x128xf32, #tpu.memory_space<hbm>> -> memref<20000x128xf32, #tpu.memory_space<hbm>>
        %dma_start3A_483 = arith.constant 0 : i32
        %dma_start3A_484 = tpu.memref_slice %dma_start3A_482[%mul3A_478, %dma_start3A_483] : memref<20000x128xf32, #tpu.memory_space<hbm>> -> memref<4x128xf32, #tpu.memory_space<hbm>>
        %dma_start3A_485 = arith.constant 0 : i32
        %dma_start3A_486 = arith.constant 0 : i32
        %dma_start3A_487 = tpu.memref_slice %arg5[%arg0, %dma_start3A_485, %dma_start3A_486] : memref<2x20000x128xf32, #tpu.memory_space<hbm>> -> memref<1x20000x128xf32, #tpu.memory_space<hbm>>
        %dma_start3A_488 = tpu.memref_squeeze %dma_start3A_487 : memref<1x20000x128xf32, #tpu.memory_space<hbm>> -> memref<20000x128xf32, #tpu.memory_space<hbm>>
        %dma_start3A_489 = arith.constant 0 : i32
        %dma_start3A_490 = tpu.memref_slice %dma_start3A_488[%mul3A_478, %dma_start3A_489] : memref<20000x128xf32, #tpu.memory_space<hbm>> -> memref<4x128xf32, #tpu.memory_space<hbm>>
        tpu.enqueue_dma source(%dma_start3A_490 : memref<4x128xf32, #tpu.memory_space<hbm>>) target(%arg11 : memref<4x128xf32, #tpu.memory_space<vmem>>) target_semaphore(%arg32 : memref<!tpu.dma_semaphore, #tpu.memory_space<semaphore_mem>>)
      } else {
      }
      %parallel_loop3A_388 = arith.constant 0 : i32
      %parallel_loop3A_389 = arith.constant 64 : i32
      %parallel_loop3A_390 = arith.constant 1 : i32
      scf.for %parallel_loop3A_444 = %parallel_loop3A_388 to %parallel_loop3A_389 step %parallel_loop3A_390  : i32 {
        %parallel_loop3A_445 = arith.index_cast %parallel_loop3A_444 : i32 to index
        %parallel_loop3A_446 = arith.constant 0 : index
        %parallel_loop3A_447 = tpu.vector_load %arg19[%parallel_loop3A_445, %parallel_loop3A_446] {strides = array<i32>} : memref<64x16xf32, #tpu.memory_space<vmem>>, vector<1x16xf32>,
        %parallel_loop3A_448 = vector.shape_cast %parallel_loop3A_447 : vector<1x16xf32> to vector<16xf32>
        %parallel_loop3A_449 = arith.index_cast %parallel_loop3A_444 : i32 to index
        %parallel_loop3A_450 = arith.constant 0 : index
        %parallel_loop3A_451 = tpu.vector_load %arg20[%parallel_loop3A_449, %parallel_loop3A_450] {strides = array<i32>} : memref<64x16xf32, #tpu.memory_space<vmem>>, vector<1x16xf32>,
        %parallel_loop3A_452 = vector.shape_cast %parallel_loop3A_451 : vector<1x16xf32> to vector<16xf32>
        %parallel_loop3A_453 = arith.constant 0 : i32
        %parallel_loop3A_454 = vector.broadcast %parallel_loop3A_453 : i32 to vector<16xi32>
        %parallel_loop3A_455 = arith.cmpi slt, %and3A_75, %parallel_loop3A_454 : vector<16xi32>
        %parallel_loop3A_456 = arith.constant 16 : i32
        %parallel_loop3A_457 = vector.broadcast %parallel_loop3A_456 : i32 to vector<16xi32>
        %parallel_loop3A_458 = arith.addi %and3A_75, %parallel_loop3A_457 : vector<16xi32>
        %parallel_loop3A_459 = arith.select %parallel_loop3A_455, %parallel_loop3A_458, %and3A_75 : vector<16xi1>, vector<16xi32>
        %parallel_loop3A_460 = vector.shape_cast %parallel_loop3A_459 : vector<16xi32> to vector<16x1xi32>
        %parallel_loop3A_461 = vector.shape_cast %parallel_loop3A_460 : vector<16x1xi32> to vector<16xi32>
        %parallel_loop3A_462 = tpu.dynamic_gather %parallel_loop3A_452[%parallel_loop3A_461] in [0] : vector<16xf32>, vector<16xi32> -> vector<16xf32>
        %parallel_loop3A_463 = arith.constant 15 : i32
        %parallel_loop3A_464 = arith.andi %parallel_loop3A_444, %parallel_loop3A_463 : i32
        %parallel_loop3A_465 = arith.constant 8 : i32
        %parallel_loop3A_466 = arith.muli %parallel_loop3A_464, %parallel_loop3A_465 : i32
        %parallel_loop3A_467 = arith.constant 112 : i32
        %parallel_loop3A_468 = arith.minsi %parallel_loop3A_466, %parallel_loop3A_467 : i32
        %parallel_loop3A_469 = arith.constant 4 : i32
        %parallel_loop3A_470 = arith.shrui %parallel_loop3A_444, %parallel_loop3A_469 : i32
        %parallel_loop3A_471 = arith.index_cast %parallel_loop3A_470 : i32 to index
        %parallel_loop3A_472 = arith.index_cast %parallel_loop3A_468 : i32 to index
        %parallel_loop3A_473 = tpu.vector_load %arg18[%parallel_loop3A_471, %parallel_loop3A_472] {strides = array<i32>} : memref<4x128xf32, #tpu.memory_space<vmem>>, vector<1x16xf32>,
        %parallel_loop3A_474 = vector.shape_cast %parallel_loop3A_473 : vector<1x16xf32> to vector<16xf32>
        %parallel_loop3A_475 = arith.subi %parallel_loop3A_466, %parallel_loop3A_468 : i32
        %parallel_loop3A_476 = vector.broadcast %parallel_loop3A_475 : i32 to vector<16xi32>
        %parallel_loop3A_477 = arith.addi %iota3A, %parallel_loop3A_476 : vector<16xi32>
        %parallel_loop3A_478 = arith.constant 15 : i32
        %parallel_loop3A_479 = vector.broadcast %parallel_loop3A_478 : i32 to vector<16xi32>
        %parallel_loop3A_480 = arith.andi %parallel_loop3A_477, %parallel_loop3A_479 : vector<16xi32>
        %parallel_loop3A_481 = arith.constant 0 : i32
        %parallel_loop3A_482 = vector.broadcast %parallel_loop3A_481 : i32 to vector<16xi32>
        %parallel_loop3A_483 = arith.cmpi slt, %parallel_loop3A_480, %parallel_loop3A_482 : vector<16xi32>
        %parallel_loop3A_484 = arith.constant 16 : i32
        %parallel_loop3A_485 = vector.broadcast %parallel_loop3A_484 : i32 to vector<16xi32>
        %parallel_loop3A_486 = arith.addi %parallel_loop3A_480, %parallel_loop3A_485 : vector<16xi32>
        %parallel_loop3A_487 = arith.select %parallel_loop3A_483, %parallel_loop3A_486, %parallel_loop3A_480 : vector<16xi1>, vector<16xi32>
        %parallel_loop3A_488 = vector.shape_cast %parallel_loop3A_487 : vector<16xi32> to vector<16x1xi32>
        %parallel_loop3A_489 = vector.shape_cast %parallel_loop3A_488 : vector<16x1xi32> to vector<16xi32>
        %parallel_loop3A_490 = tpu.dynamic_gather %parallel_loop3A_474[%parallel_loop3A_489] in [0] : vector<16xf32>, vector<16xi32> -> vector<16xf32>
        %parallel_loop3A_491 = arith.addf %parallel_loop3A_448, %parallel_loop3A_462 : vector<16xf32>
        %parallel_loop3A_492 = arith.addf %parallel_loop3A_491, %parallel_loop3A_490 : vector<16xf32>
        %parallel_loop3A_493 = arith.constant 0.000000e+00 : f32
        %parallel_loop3A_494 = vector.broadcast %parallel_loop3A_493 : f32 to vector<16xf32>
        %parallel_loop3A_495 = arith.cmpf oge, %parallel_loop3A_492, %parallel_loop3A_494 : vector<16xf32>
        %parallel_loop3A_496 = arith.constant 2.000000e-01 : f32
        %parallel_loop3A_497 = vector.broadcast %parallel_loop3A_496 : f32 to vector<16xf32>
        %parallel_loop3A_498 = arith.mulf %parallel_loop3A_497, %parallel_loop3A_492 : vector<16xf32>
        %parallel_loop3A_499 = arith.select %parallel_loop3A_495, %parallel_loop3A_492, %parallel_loop3A_498 : vector<16xi1>, vector<16xf32>
        %parallel_loop3A_500 = math.exp %parallel_loop3A_499 : vector<16xf32>
        %parallel_loop3A_501 = arith.index_cast %parallel_loop3A_444 : i32 to index
        %parallel_loop3A_502 = arith.constant 0 : index
        %parallel_loop3A_503 = tpu.vector_load %arg21[%parallel_loop3A_501, %parallel_loop3A_502] {strides = array<i32>} : memref<64x16xf32, #tpu.memory_space<vmem>>, vector<1x16xf32>,
        %parallel_loop3A_504 = vector.shape_cast %parallel_loop3A_503 : vector<1x16xf32> to vector<16xf32>
        %parallel_loop3A_505 = vector.shape_cast %parallel_loop3A_500 : vector<16xf32> to vector<1x16xf32>
        tpu.vector_store %arg21[%parallel_loop3A_501, %parallel_loop3A_502], %parallel_loop3A_505 {strides = array<i32>} : memref<64x16xf32, #tpu.memory_space<vmem>>, vector<1x16xf32>,
        %parallel_loop3A_506 = arith.constant 0 : i32
        %parallel_loop3A_507 = vector.broadcast %parallel_loop3A_506 : i32 to vector<16xi32>
        %parallel_loop3A_508 = arith.cmpi slt, %broadcast_in_dim3A_77, %parallel_loop3A_507 : vector<16xi32>
        %parallel_loop3A_509 = arith.constant 16 : i32
        %parallel_loop3A_510 = vector.broadcast %parallel_loop3A_509 : i32 to vector<16xi32>
        %parallel_loop3A_511 = arith.addi %broadcast_in_dim3A_77, %parallel_loop3A_510 : vector<16xi32>
        %parallel_loop3A_512 = arith.select %parallel_loop3A_508, %parallel_loop3A_511, %broadcast_in_dim3A_77 : vector<16xi1>, vector<16xi32>
        %parallel_loop3A_513 = vector.shape_cast %parallel_loop3A_512 : vector<16xi32> to vector<16x1xi32>
        %parallel_loop3A_514 = vector.shape_cast %parallel_loop3A_513 : vector<16x1xi32> to vector<16xi32>
        %parallel_loop3A_515 = tpu.dynamic_gather %parallel_loop3A_500[%parallel_loop3A_514] in [0] : vector<16xf32>, vector<16xi32> -> vector<16xf32>
        %parallel_loop3A_516 = arith.index_cast %parallel_loop3A_444 : i32 to index
        %parallel_loop3A_517 = arith.constant 0 : index
        %parallel_loop3A_518 = tpu.vector_load %arg22[%parallel_loop3A_516, %parallel_loop3A_517] {strides = array<i32>} : memref<64x128xf32, #tpu.memory_space<vmem>>, vector<1x16xf32>,
        %parallel_loop3A_519 = vector.shape_cast %parallel_loop3A_518 : vector<1x16xf32> to vector<16xf32>
        %parallel_loop3A_520 = arith.mulf %parallel_loop3A_519, %parallel_loop3A_515 : vector<16xf32>
        %parallel_loop3A_521 = arith.index_cast %parallel_loop3A_444 : i32 to index
        %parallel_loop3A_522 = arith.constant 0 : index
        %parallel_loop3A_523 = tpu.vector_load %arg22[%parallel_loop3A_521, %parallel_loop3A_522] {strides = array<i32>} : memref<64x128xf32, #tpu.memory_space<vmem>>, vector<1x16xf32>,
        %parallel_loop3A_524 = vector.shape_cast %parallel_loop3A_523 : vector<1x16xf32> to vector<16xf32>
        %parallel_loop3A_525 = vector.shape_cast %parallel_loop3A_520 : vector<16xf32> to vector<1x16xf32>
        tpu.vector_store %arg22[%parallel_loop3A_521, %parallel_loop3A_522], %parallel_loop3A_525 {strides = array<i32>} : memref<64x128xf32, #tpu.memory_space<vmem>>, vector<1x16xf32>,
        %parallel_loop3A_526 = arith.constant 0 : i32
        %parallel_loop3A_527 = vector.broadcast %parallel_loop3A_526 : i32 to vector<16xi32>
        %parallel_loop3A_528 = arith.cmpi slt, %broadcast_in_dim3A_79, %parallel_loop3A_527 : vector<16xi32>
        %parallel_loop3A_529 = arith.constant 16 : i32
        %parallel_loop3A_530 = vector.broadcast %parallel_loop3A_529 : i32 to vector<16xi32>
        %parallel_loop3A_531 = arith.addi %broadcast_in_dim3A_79, %parallel_loop3A_530 : vector<16xi32>
        %parallel_loop3A_532 = arith.select %parallel_loop3A_528, %parallel_loop3A_531, %broadcast_in_dim3A_79 : vector<16xi1>, vector<16xi32>
        %parallel_loop3A_533 = vector.shape_cast %parallel_loop3A_532 : vector<16xi32> to vector<16x1xi32>
        %parallel_loop3A_534 = vector.shape_cast %parallel_loop3A_533 : vector<16x1xi32> to vector<16xi32>
        %parallel_loop3A_535 = tpu.dynamic_gather %parallel_loop3A_500[%parallel_loop3A_534] in [0] : vector<16xf32>, vector<16xi32> -> vector<16xf32>
        %parallel_loop3A_536 = arith.index_cast %parallel_loop3A_444 : i32 to index
        %parallel_loop3A_537 = arith.constant 16 : index
        %parallel_loop3A_538 = tpu.vector_load %arg22[%parallel_loop3A_536, %parallel_loop3A_537] {strides = array<i32>} : memref<64x128xf32, #tpu.memory_space<vmem>>, vector<1x16xf32>,
        %parallel_loop3A_539 = vector.shape_cast %parallel_loop3A_538 : vector<1x16xf32> to vector<16xf32>
        %parallel_loop3A_540 = arith.mulf %parallel_loop3A_539, %parallel_loop3A_535 : vector<16xf32>
        %parallel_loop3A_541 = arith.index_cast %parallel_loop3A_444 : i32 to index
        %parallel_loop3A_542 = arith.constant 16 : index
        %parallel_loop3A_543 = tpu.vector_load %arg22[%parallel_loop3A_541, %parallel_loop3A_542] {strides = array<i32>} : memref<64x128xf32, #tpu.memory_space<vmem>>, vector<1x16xf32>,
        %parallel_loop3A_544 = vector.shape_cast %parallel_loop3A_543 : vector<1x16xf32> to vector<16xf32>
        %parallel_loop3A_545 = vector.shape_cast %parallel_loop3A_540 : vector<16xf32> to vector<1x16xf32>
        tpu.vector_store %arg22[%parallel_loop3A_541, %parallel_loop3A_542], %parallel_loop3A_545 {strides = array<i32>} : memref<64x128xf32, #tpu.memory_space<vmem>>, vector<1x16xf32>,
        %parallel_loop3A_546 = arith.constant 0 : i32
        %parallel_loop3A_547 = vector.broadcast %parallel_loop3A_546 : i32 to vector<16xi32>
        %parallel_loop3A_548 = arith.cmpi slt, %broadcast_in_dim3A_81, %parallel_loop3A_547 : vector<16xi32>
        %parallel_loop3A_549 = arith.constant 16 : i32
        %parallel_loop3A_550 = vector.broadcast %parallel_loop3A_549 : i32 to vector<16xi32>
        %parallel_loop3A_551 = arith.addi %broadcast_in_dim3A_81, %parallel_loop3A_550 : vector<16xi32>
        %parallel_loop3A_552 = arith.select %parallel_loop3A_548, %parallel_loop3A_551, %broadcast_in_dim3A_81 : vector<16xi1>, vector<16xi32>
        %parallel_loop3A_553 = vector.shape_cast %parallel_loop3A_552 : vector<16xi32> to vector<16x1xi32>
        %parallel_loop3A_554 = vector.shape_cast %parallel_loop3A_553 : vector<16x1xi32> to vector<16xi32>
        %parallel_loop3A_555 = tpu.dynamic_gather %parallel_loop3A_500[%parallel_loop3A_554] in [0] : vector<16xf32>, vector<16xi32> -> vector<16xf32>
        %parallel_loop3A_556 = arith.index_cast %parallel_loop3A_444 : i32 to index
        %parallel_loop3A_557 = arith.constant 32 : index
        %parallel_loop3A_558 = tpu.vector_load %arg22[%parallel_loop3A_556, %parallel_loop3A_557] {strides = array<i32>} : memref<64x128xf32, #tpu.memory_space<vmem>>, vector<1x16xf32>,
        %parallel_loop3A_559 = vector.shape_cast %parallel_loop3A_558 : vector<1x16xf32> to vector<16xf32>
        %parallel_loop3A_560 = arith.mulf %parallel_loop3A_559, %parallel_loop3A_555 : vector<16xf32>
        %parallel_loop3A_561 = arith.index_cast %parallel_loop3A_444 : i32 to index
        %parallel_loop3A_562 = arith.constant 32 : index
        %parallel_loop3A_563 = tpu.vector_load %arg22[%parallel_loop3A_561, %parallel_loop3A_562] {strides = array<i32>} : memref<64x128xf32, #tpu.memory_space<vmem>>, vector<1x16xf32>,
        %parallel_loop3A_564 = vector.shape_cast %parallel_loop3A_563 : vector<1x16xf32> to vector<16xf32>
        %parallel_loop3A_565 = vector.shape_cast %parallel_loop3A_560 : vector<16xf32> to vector<1x16xf32>
        tpu.vector_store %arg22[%parallel_loop3A_561, %parallel_loop3A_562], %parallel_loop3A_565 {strides = array<i32>} : memref<64x128xf32, #tpu.memory_space<vmem>>, vector<1x16xf32>,
        %parallel_loop3A_566 = arith.constant 0 : i32
        %parallel_loop3A_567 = vector.broadcast %parallel_loop3A_566 : i32 to vector<16xi32>
        %parallel_loop3A_568 = arith.cmpi slt, %broadcast_in_dim3A_83, %parallel_loop3A_567 : vector<16xi32>
        %parallel_loop3A_569 = arith.constant 16 : i32
        %parallel_loop3A_570 = vector.broadcast %parallel_loop3A_569 : i32 to vector<16xi32>
        %parallel_loop3A_571 = arith.addi %broadcast_in_dim3A_83, %parallel_loop3A_570 : vector<16xi32>
        %parallel_loop3A_572 = arith.select %parallel_loop3A_568, %parallel_loop3A_571, %broadcast_in_dim3A_83 : vector<16xi1>, vector<16xi32>
        %parallel_loop3A_573 = vector.shape_cast %parallel_loop3A_572 : vector<16xi32> to vector<16x1xi32>
        %parallel_loop3A_574 = vector.shape_cast %parallel_loop3A_573 : vector<16x1xi32> to vector<16xi32>
        %parallel_loop3A_575 = tpu.dynamic_gather %parallel_loop3A_500[%parallel_loop3A_574] in [0] : vector<16xf32>, vector<16xi32> -> vector<16xf32>
        %parallel_loop3A_576 = arith.index_cast %parallel_loop3A_444 : i32 to index
        %parallel_loop3A_577 = arith.constant 48 : index
        %parallel_loop3A_578 = tpu.vector_load %arg22[%parallel_loop3A_576, %parallel_loop3A_577] {strides = array<i32>} : memref<64x128xf32, #tpu.memory_space<vmem>>, vector<1x16xf32>,
        %parallel_loop3A_579 = vector.shape_cast %parallel_loop3A_578 : vector<1x16xf32> to vector<16xf32>
        %parallel_loop3A_580 = arith.mulf %parallel_loop3A_579, %parallel_loop3A_575 : vector<16xf32>
        %parallel_loop3A_581 = arith.index_cast %parallel_loop3A_444 : i32 to index
        %parallel_loop3A_582 = arith.constant 48 : index
        %parallel_loop3A_583 = tpu.vector_load %arg22[%parallel_loop3A_581, %parallel_loop3A_582] {strides = array<i32>} : memref<64x128xf32, #tpu.memory_space<vmem>>, vector<1x16xf32>,
        %parallel_loop3A_584 = vector.shape_cast %parallel_loop3A_583 : vector<1x16xf32> to vector<16xf32>
        %parallel_loop3A_585 = vector.shape_cast %parallel_loop3A_580 : vector<16xf32> to vector<1x16xf32>
        tpu.vector_store %arg22[%parallel_loop3A_581, %parallel_loop3A_582], %parallel_loop3A_585 {strides = array<i32>} : memref<64x128xf32, #tpu.memory_space<vmem>>, vector<1x16xf32>,
        %parallel_loop3A_586 = arith.constant 0 : i32
        %parallel_loop3A_587 = vector.broadcast %parallel_loop3A_586 : i32 to vector<16xi32>
        %parallel_loop3A_588 = arith.cmpi slt, %broadcast_in_dim3A_85, %parallel_loop3A_587 : vector<16xi32>
        %parallel_loop3A_589 = arith.constant 16 : i32
        %parallel_loop3A_590 = vector.broadcast %parallel_loop3A_589 : i32 to vector<16xi32>
        %parallel_loop3A_591 = arith.addi %broadcast_in_dim3A_85, %parallel_loop3A_590 : vector<16xi32>
        %parallel_loop3A_592 = arith.select %parallel_loop3A_588, %parallel_loop3A_591, %broadcast_in_dim3A_85 : vector<16xi1>, vector<16xi32>
        %parallel_loop3A_593 = vector.shape_cast %parallel_loop3A_592 : vector<16xi32> to vector<16x1xi32>
        %parallel_loop3A_594 = vector.shape_cast %parallel_loop3A_593 : vector<16x1xi32> to vector<16xi32>
        %parallel_loop3A_595 = tpu.dynamic_gather %parallel_loop3A_500[%parallel_loop3A_594] in [0] : vector<16xf32>, vector<16xi32> -> vector<16xf32>
        %parallel_loop3A_596 = arith.index_cast %parallel_loop3A_444 : i32 to index
        %parallel_loop3A_597 = arith.constant 64 : index
        %parallel_loop3A_598 = tpu.vector_load %arg22[%parallel_loop3A_596, %parallel_loop3A_597] {strides = array<i32>} : memref<64x128xf32, #tpu.memory_space<vmem>>, vector<1x16xf32>,
        %parallel_loop3A_599 = vector.shape_cast %parallel_loop3A_598 : vector<1x16xf32> to vector<16xf32>
        %parallel_loop3A_600 = arith.mulf %parallel_loop3A_599, %parallel_loop3A_595 : vector<16xf32>
        %parallel_loop3A_601 = arith.index_cast %parallel_loop3A_444 : i32 to index
        %parallel_loop3A_602 = arith.constant 64 : index
        %parallel_loop3A_603 = tpu.vector_load %arg22[%parallel_loop3A_601, %parallel_loop3A_602] {strides = array<i32>} : memref<64x128xf32, #tpu.memory_space<vmem>>, vector<1x16xf32>,
        %parallel_loop3A_604 = vector.shape_cast %parallel_loop3A_603 : vector<1x16xf32> to vector<16xf32>
        %parallel_loop3A_605 = vector.shape_cast %parallel_loop3A_600 : vector<16xf32> to vector<1x16xf32>
        tpu.vector_store %arg22[%parallel_loop3A_601, %parallel_loop3A_602], %parallel_loop3A_605 {strides = array<i32>} : memref<64x128xf32, #tpu.memory_space<vmem>>, vector<1x16xf32>,
        %parallel_loop3A_606 = arith.constant 0 : i32
        %parallel_loop3A_607 = vector.broadcast %parallel_loop3A_606 : i32 to vector<16xi32>
        %parallel_loop3A_608 = arith.cmpi slt, %broadcast_in_dim3A_87, %parallel_loop3A_607 : vector<16xi32>
        %parallel_loop3A_609 = arith.constant 16 : i32
        %parallel_loop3A_610 = vector.broadcast %parallel_loop3A_609 : i32 to vector<16xi32>
        %parallel_loop3A_611 = arith.addi %broadcast_in_dim3A_87, %parallel_loop3A_610 : vector<16xi32>
        %parallel_loop3A_612 = arith.select %parallel_loop3A_608, %parallel_loop3A_611, %broadcast_in_dim3A_87 : vector<16xi1>, vector<16xi32>
        %parallel_loop3A_613 = vector.shape_cast %parallel_loop3A_612 : vector<16xi32> to vector<16x1xi32>
        %parallel_loop3A_614 = vector.shape_cast %parallel_loop3A_613 : vector<16x1xi32> to vector<16xi32>
        %parallel_loop3A_615 = tpu.dynamic_gather %parallel_loop3A_500[%parallel_loop3A_614] in [0] : vector<16xf32>, vector<16xi32> -> vector<16xf32>
        %parallel_loop3A_616 = arith.index_cast %parallel_loop3A_444 : i32 to index
        %parallel_loop3A_617 = arith.constant 80 : index
        %parallel_loop3A_618 = tpu.vector_load %arg22[%parallel_loop3A_616, %parallel_loop3A_617] {strides = array<i32>} : memref<64x128xf32, #tpu.memory_space<vmem>>, vector<1x16xf32>,
        %parallel_loop3A_619 = vector.shape_cast %parallel_loop3A_618 : vector<1x16xf32> to vector<16xf32>
        %parallel_loop3A_620 = arith.mulf %parallel_loop3A_619, %parallel_loop3A_615 : vector<16xf32>
        %parallel_loop3A_621 = arith.index_cast %parallel_loop3A_444 : i32 to index
        %parallel_loop3A_622 = arith.constant 80 : index
        %parallel_loop3A_623 = tpu.vector_load %arg22[%parallel_loop3A_621, %parallel_loop3A_622] {strides = array<i32>} : memref<64x128xf32, #tpu.memory_space<vmem>>, vector<1x16xf32>,
        %parallel_loop3A_624 = vector.shape_cast %parallel_loop3A_623 : vector<1x16xf32> to vector<16xf32>
        %parallel_loop3A_625 = vector.shape_cast %parallel_loop3A_620 : vector<16xf32> to vector<1x16xf32>
        tpu.vector_store %arg22[%parallel_loop3A_621, %parallel_loop3A_622], %parallel_loop3A_625 {strides = array<i32>} : memref<64x128xf32, #tpu.memory_space<vmem>>, vector<1x16xf32>,
        %parallel_loop3A_626 = arith.constant 0 : i32
        %parallel_loop3A_627 = vector.broadcast %parallel_loop3A_626 : i32 to vector<16xi32>
        %parallel_loop3A_628 = arith.cmpi slt, %broadcast_in_dim3A_89, %parallel_loop3A_627 : vector<16xi32>
        %parallel_loop3A_629 = arith.constant 16 : i32
        %parallel_loop3A_630 = vector.broadcast %parallel_loop3A_629 : i32 to vector<16xi32>
        %parallel_loop3A_631 = arith.addi %broadcast_in_dim3A_89, %parallel_loop3A_630 : vector<16xi32>
        %parallel_loop3A_632 = arith.select %parallel_loop3A_628, %parallel_loop3A_631, %broadcast_in_dim3A_89 : vector<16xi1>, vector<16xi32>
        %parallel_loop3A_633 = vector.shape_cast %parallel_loop3A_632 : vector<16xi32> to vector<16x1xi32>
        %parallel_loop3A_634 = vector.shape_cast %parallel_loop3A_633 : vector<16x1xi32> to vector<16xi32>
        %parallel_loop3A_635 = tpu.dynamic_gather %parallel_loop3A_500[%parallel_loop3A_634] in [0] : vector<16xf32>, vector<16xi32> -> vector<16xf32>
        %parallel_loop3A_636 = arith.index_cast %parallel_loop3A_444 : i32 to index
        %parallel_loop3A_637 = arith.constant 96 : index
        %parallel_loop3A_638 = tpu.vector_load %arg22[%parallel_loop3A_636, %parallel_loop3A_637] {strides = array<i32>} : memref<64x128xf32, #tpu.memory_space<vmem>>, vector<1x16xf32>,
        %parallel_loop3A_639 = vector.shape_cast %parallel_loop3A_638 : vector<1x16xf32> to vector<16xf32>
        %parallel_loop3A_640 = arith.mulf %parallel_loop3A_639, %parallel_loop3A_635 : vector<16xf32>
        %parallel_loop3A_641 = arith.index_cast %parallel_loop3A_444 : i32 to index
        %parallel_loop3A_642 = arith.constant 96 : index
        %parallel_loop3A_643 = tpu.vector_load %arg22[%parallel_loop3A_641, %parallel_loop3A_642] {strides = array<i32>} : memref<64x128xf32, #tpu.memory_space<vmem>>, vector<1x16xf32>,
        %parallel_loop3A_644 = vector.shape_cast %parallel_loop3A_643 : vector<1x16xf32> to vector<16xf32>
        %parallel_loop3A_645 = vector.shape_cast %parallel_loop3A_640 : vector<16xf32> to vector<1x16xf32>
        tpu.vector_store %arg22[%parallel_loop3A_641, %parallel_loop3A_642], %parallel_loop3A_645 {strides = array<i32>} : memref<64x128xf32, #tpu.memory_space<vmem>>, vector<1x16xf32>,
        %parallel_loop3A_646 = arith.constant 0 : i32
        %parallel_loop3A_647 = vector.broadcast %parallel_loop3A_646 : i32 to vector<16xi32>
        %parallel_loop3A_648 = arith.cmpi slt, %broadcast_in_dim3A_91, %parallel_loop3A_647 : vector<16xi32>
        %parallel_loop3A_649 = arith.constant 16 : i32
        %parallel_loop3A_650 = vector.broadcast %parallel_loop3A_649 : i32 to vector<16xi32>
        %parallel_loop3A_651 = arith.addi %broadcast_in_dim3A_91, %parallel_loop3A_650 : vector<16xi32>
        %parallel_loop3A_652 = arith.select %parallel_loop3A_648, %parallel_loop3A_651, %broadcast_in_dim3A_91 : vector<16xi1>, vector<16xi32>
        %parallel_loop3A_653 = vector.shape_cast %parallel_loop3A_652 : vector<16xi32> to vector<16x1xi32>
        %parallel_loop3A_654 = vector.shape_cast %parallel_loop3A_653 : vector<16x1xi32> to vector<16xi32>
        %parallel_loop3A_655 = tpu.dynamic_gather %parallel_loop3A_500[%parallel_loop3A_654] in [0] : vector<16xf32>, vector<16xi32> -> vector<16xf32>
        %parallel_loop3A_656 = arith.index_cast %parallel_loop3A_444 : i32 to index
        %parallel_loop3A_657 = arith.constant 112 : index
        %parallel_loop3A_658 = tpu.vector_load %arg22[%parallel_loop3A_656, %parallel_loop3A_657] {strides = array<i32>} : memref<64x128xf32, #tpu.memory_space<vmem>>, vector<1x16xf32>,
        %parallel_loop3A_659 = vector.shape_cast %parallel_loop3A_658 : vector<1x16xf32> to vector<16xf32>
        %parallel_loop3A_660 = arith.mulf %parallel_loop3A_659, %parallel_loop3A_655 : vector<16xf32>
        %parallel_loop3A_661 = arith.index_cast %parallel_loop3A_444 : i32 to index
        %parallel_loop3A_662 = arith.constant 112 : index
        %parallel_loop3A_663 = tpu.vector_load %arg22[%parallel_loop3A_661, %parallel_loop3A_662] {strides = array<i32>} : memref<64x128xf32, #tpu.memory_space<vmem>>, vector<1x16xf32>,
        %parallel_loop3A_664 = vector.shape_cast %parallel_loop3A_663 : vector<1x16xf32> to vector<16xf32>
        %parallel_loop3A_665 = vector.shape_cast %parallel_loop3A_660 : vector<16xf32> to vector<1x16xf32>
        tpu.vector_store %arg22[%parallel_loop3A_661, %parallel_loop3A_662], %parallel_loop3A_665 {strides = array<i32>} : memref<64x128xf32, #tpu.memory_space<vmem>>, vector<1x16xf32>,
      } {sc.loop_unroll_factor = 4 : i64, sc.parallel_access}
      %dma_start3A_391 = arith.constant 0 : i32
      %dma_start3A_392 = arith.constant 0 : i32
      %dma_start3A_393 = tpu.memref_slice %arg31[%dma_start3A_391, %dma_start3A_392] : memref<10000x16xf32, #tpu.memory_space<vmem_shared>> -> memref<10000x16xf32, #tpu.memory_space<vmem_shared>>
      tpu.enqueue_indirect_dma source(%arg21 : memref<64x16xf32, #tpu.memory_space<vmem>>) target(%dma_start3A_393 : memref<10000x16xf32, #tpu.memory_space<vmem_shared>>) offsets(%arg17 : memref<64xi32, #tpu.memory_space<vmem>>) semaphore(%arg33 : memref<!tpu.dma_semaphore, #tpu.memory_space<semaphore_mem>>) {add = true}
      %dma_start3A_394 = arith.constant 0 : i32
      %dma_start3A_395 = arith.constant 0 : i32
      %dma_start3A_396 = tpu.memref_slice %arg30[%dma_start3A_394, %dma_start3A_395] : memref<10000x128xf32, #tpu.memory_space<vmem_shared>> -> memref<10000x128xf32, #tpu.memory_space<vmem_shared>>
      tpu.enqueue_indirect_dma source(%arg22 : memref<64x128xf32, #tpu.memory_space<vmem>>) target(%dma_start3A_396 : memref<10000x128xf32, #tpu.memory_space<vmem_shared>>) offsets(%arg17 : memref<64xi32, #tpu.memory_space<vmem>>) semaphore(%arg33 : memref<!tpu.dma_semaphore, #tpu.memory_space<semaphore_mem>>) {add = true}
      %add3A_397 = arith.constant 2 : i32
      %add3A_398 = arith.addi %mul3A_304, %add3A_397 : i32
      %dma_wait3A_399 = arith.constant 0 : i32
      %dma_wait3A_400 = arith.constant 0 : i32
      %dma_wait3A_401 = tpu.memref_slice %arg4[%arg0, %dma_wait3A_399, %dma_wait3A_400] : memref<2x10000x16xf32, #tpu.memory_space<hbm>> -> memref<1x10000x16xf32, #tpu.memory_space<hbm>>
      %dma_wait3A_402 = tpu.memref_squeeze %dma_wait3A_401 : memref<1x10000x16xf32, #tpu.memory_space<hbm>> -> memref<10000x16xf32, #tpu.memory_space<hbm>>
      %dma_wait3A_403 = arith.constant 0 : i32
      %dma_wait3A_404 = arith.constant 0 : i32
      %dma_wait3A_405 = tpu.memref_slice %dma_wait3A_402[%dma_wait3A_403, %dma_wait3A_404] : memref<10000x16xf32, #tpu.memory_space<hbm>> -> memref<10000x16xf32, #tpu.memory_space<hbm>>
      tpu.wait_indirect_dma semaphore(%arg34 : memref<!tpu.dma_semaphore, #tpu.memory_space<semaphore_mem>>) src(%dma_wait3A_405 : memref<10000x16xf32, #tpu.memory_space<hbm>>) dst(%arg26 : memref<64x16xf32, #tpu.memory_space<vmem>>)
      %dma_wait3A_406 = arith.constant 0 : i32
      %dma_wait3A_407 = arith.constant 0 : i32
      %dma_wait3A_408 = tpu.memref_slice %arg4[%arg0, %dma_wait3A_406, %dma_wait3A_407] : memref<2x10000x16xf32, #tpu.memory_space<hbm>> -> memref<1x10000x16xf32, #tpu.memory_space<hbm>>
      %dma_wait3A_409 = tpu.memref_squeeze %dma_wait3A_408 : memref<1x10000x16xf32, #tpu.memory_space<hbm>> -> memref<10000x16xf32, #tpu.memory_space<hbm>>
      %dma_wait3A_410 = arith.constant 0 : i32
      %dma_wait3A_411 = arith.constant 0 : i32
      %dma_wait3A_412 = tpu.memref_slice %dma_wait3A_409[%dma_wait3A_410, %dma_wait3A_411] : memref<10000x16xf32, #tpu.memory_space<hbm>> -> memref<10000x16xf32, #tpu.memory_space<hbm>>
      tpu.wait_indirect_dma semaphore(%arg34 : memref<!tpu.dma_semaphore, #tpu.memory_space<semaphore_mem>>) src(%dma_wait3A_412 : memref<10000x16xf32, #tpu.memory_space<hbm>>) dst(%arg27 : memref<64x16xf32, #tpu.memory_space<vmem>>)
      %dma_wait3A_413 = arith.constant 0 : i32
      %dma_wait3A_414 = arith.constant 0 : i32
      %dma_wait3A_415 = tpu.memref_slice %arg6[%arg0, %dma_wait3A_413, %dma_wait3A_414] : memref<2x10000x128xf32, #tpu.memory_space<hbm>> -> memref<1x10000x128xf32, #tpu.memory_space<hbm>>
      %dma_wait3A_416 = tpu.memref_squeeze %dma_wait3A_415 : memref<1x10000x128xf32, #tpu.memory_space<hbm>> -> memref<10000x128xf32, #tpu.memory_space<hbm>>
      %dma_wait3A_417 = arith.constant 0 : i32
      %dma_wait3A_418 = arith.constant 0 : i32
      %dma_wait3A_419 = tpu.memref_slice %dma_wait3A_416[%dma_wait3A_417, %dma_wait3A_418] : memref<10000x128xf32, #tpu.memory_space<hbm>> -> memref<10000x128xf32, #tpu.memory_space<hbm>>
      tpu.wait_indirect_dma semaphore(%arg34 : memref<!tpu.dma_semaphore, #tpu.memory_space<semaphore_mem>>) src(%dma_wait3A_419 : memref<10000x128xf32, #tpu.memory_space<hbm>>) dst(%arg29 : memref<64x128xf32, #tpu.memory_space<vmem>>)
      %lt3A_420 = arith.constant 311 : i32
      %lt3A_421 = arith.cmpi slt, %add3A_398, %lt3A_420 : i32
      %convert_element_type3A_422 = arith.extui %lt3A_421 : i1 to i32
      %cond3A_423 = arith.constant 0 : i32
      %cond3A_424 = arith.cmpi ne, %convert_element_type3A_422, %cond3A_423 : i32
      scf.if %cond3A_424 {
        %add3A_444 = arith.constant 1 : i32
        %add3A_445 = arith.addi %add3A_398, %add3A_444 : i32
        %mul3A_446 = arith.constant 16 : i32
        %mul3A_447 = arith.muli %add3A_445, %mul3A_446 : i32
        %add3A_448 = arith.addi %arg1, %mul3A_447 : i32
        %dma_wait3A_449 = arith.constant 0 : i32
        %dma_wait3A_450 = arith.constant 0 : i32
        %dma_wait3A_451 = tpu.memref_slice %arg2[%arg0, %dma_wait3A_449, %dma_wait3A_450] : memref<2x5000x64xi32, #tpu.memory_space<hbm>> -> memref<1x5000x64xi32, #tpu.memory_space<hbm>>
        %dma_wait3A_452 = tpu.memref_squeeze %dma_wait3A_451 : memref<1x5000x64xi32, #tpu.memory_space<hbm>> -> memref<5000x64xi32, #tpu.memory_space<hbm>>
        %dma_wait3A_453 = arith.constant 0 : i32
        %dma_wait3A_454 = tpu.memref_slice %dma_wait3A_452[%add3A_448, %dma_wait3A_453] : memref<5000x64xi32, #tpu.memory_space<hbm>> -> memref<1x64xi32, #tpu.memory_space<hbm>>
        %dma_wait3A_455 = tpu.memref_squeeze %dma_wait3A_454 : memref<1x64xi32, #tpu.memory_space<hbm>> -> memref<64xi32, #tpu.memory_space<hbm>>
        %dma_wait3A_456 = arith.constant 0 : i32
        %dma_wait3A_457 = arith.constant 0 : i32
        %dma_wait3A_458 = tpu.memref_slice %arg2[%arg0, %dma_wait3A_456, %dma_wait3A_457] : memref<2x5000x64xi32, #tpu.memory_space<hbm>> -> memref<1x5000x64xi32, #tpu.memory_space<hbm>>
        %dma_wait3A_459 = tpu.memref_squeeze %dma_wait3A_458 : memref<1x5000x64xi32, #tpu.memory_space<hbm>> -> memref<5000x64xi32, #tpu.memory_space<hbm>>
        %dma_wait3A_460 = arith.constant 0 : i32
        %dma_wait3A_461 = tpu.memref_slice %dma_wait3A_459[%add3A_448, %dma_wait3A_460] : memref<5000x64xi32, #tpu.memory_space<hbm>> -> memref<1x64xi32, #tpu.memory_space<hbm>>
        %dma_wait3A_462 = tpu.memref_squeeze %dma_wait3A_461 : memref<1x64xi32, #tpu.memory_space<hbm>> -> memref<64xi32, #tpu.memory_space<hbm>>
        tpu.wait_dma2 semaphore(%arg32 : memref<!tpu.dma_semaphore, #tpu.memory_space<semaphore_mem>>) src(%dma_wait3A_462 : memref<64xi32, #tpu.memory_space<hbm>>) dst(%arg9 : memref<64xi32, #tpu.memory_space<vmem>>)
        %dma_wait3A_463 = arith.constant 0 : i32
        %dma_wait3A_464 = arith.constant 0 : i32
        %dma_wait3A_465 = tpu.memref_slice %arg3[%arg0, %dma_wait3A_463, %dma_wait3A_464] : memref<2x5000x64xi32, #tpu.memory_space<hbm>> -> memref<1x5000x64xi32, #tpu.memory_space<hbm>>
        %dma_wait3A_466 = tpu.memref_squeeze %dma_wait3A_465 : memref<1x5000x64xi32, #tpu.memory_space<hbm>> -> memref<5000x64xi32, #tpu.memory_space<hbm>>
        %dma_wait3A_467 = arith.constant 0 : i32
        %dma_wait3A_468 = tpu.memref_slice %dma_wait3A_466[%add3A_448, %dma_wait3A_467] : memref<5000x64xi32, #tpu.memory_space<hbm>> -> memref<1x64xi32, #tpu.memory_space<hbm>>
        %dma_wait3A_469 = tpu.memref_squeeze %dma_wait3A_468 : memref<1x64xi32, #tpu.memory_space<hbm>> -> memref<64xi32, #tpu.memory_space<hbm>>
        %dma_wait3A_470 = arith.constant 0 : i32
        %dma_wait3A_471 = arith.constant 0 : i32
        %dma_wait3A_472 = tpu.memref_slice %arg3[%arg0, %dma_wait3A_470, %dma_wait3A_471] : memref<2x5000x64xi32, #tpu.memory_space<hbm>> -> memref<1x5000x64xi32, #tpu.memory_space<hbm>>
        %dma_wait3A_473 = tpu.memref_squeeze %dma_wait3A_472 : memref<1x5000x64xi32, #tpu.memory_space<hbm>> -> memref<5000x64xi32, #tpu.memory_space<hbm>>
        %dma_wait3A_474 = arith.constant 0 : i32
        %dma_wait3A_475 = tpu.memref_slice %dma_wait3A_473[%add3A_448, %dma_wait3A_474] : memref<5000x64xi32, #tpu.memory_space<hbm>> -> memref<1x64xi32, #tpu.memory_space<hbm>>
        %dma_wait3A_476 = tpu.memref_squeeze %dma_wait3A_475 : memref<1x64xi32, #tpu.memory_space<hbm>> -> memref<64xi32, #tpu.memory_space<hbm>>
        tpu.wait_dma2 semaphore(%arg32 : memref<!tpu.dma_semaphore, #tpu.memory_space<semaphore_mem>>) src(%dma_wait3A_476 : memref<64xi32, #tpu.memory_space<hbm>>) dst(%arg10 : memref<64xi32, #tpu.memory_space<vmem>>)
        %mul3A_477 = arith.constant 4 : i32
        %mul3A_478 = arith.muli %add3A_448, %mul3A_477 : i32
        %dma_wait3A_479 = arith.constant 0 : i32
        %dma_wait3A_480 = arith.constant 0 : i32
        %dma_wait3A_481 = tpu.memref_slice %arg5[%arg0, %dma_wait3A_479, %dma_wait3A_480] : memref<2x20000x128xf32, #tpu.memory_space<hbm>> -> memref<1x20000x128xf32, #tpu.memory_space<hbm>>
        %dma_wait3A_482 = tpu.memref_squeeze %dma_wait3A_481 : memref<1x20000x128xf32, #tpu.memory_space<hbm>> -> memref<20000x128xf32, #tpu.memory_space<hbm>>
        %dma_wait3A_483 = arith.constant 0 : i32
        %dma_wait3A_484 = tpu.memref_slice %dma_wait3A_482[%mul3A_478, %dma_wait3A_483] : memref<20000x128xf32, #tpu.memory_space<hbm>> -> memref<4x128xf32, #tpu.memory_space<hbm>>
        %dma_wait3A_485 = arith.constant 0 : i32
        %dma_wait3A_486 = arith.constant 0 : i32
        %dma_wait3A_487 = tpu.memref_slice %arg5[%arg0, %dma_wait3A_485, %dma_wait3A_486] : memref<2x20000x128xf32, #tpu.memory_space<hbm>> -> memref<1x20000x128xf32, #tpu.memory_space<hbm>>
        %dma_wait3A_488 = tpu.memref_squeeze %dma_wait3A_487 : memref<1x20000x128xf32, #tpu.memory_space<hbm>> -> memref<20000x128xf32, #tpu.memory_space<hbm>>
        %dma_wait3A_489 = arith.constant 0 : i32
        %dma_wait3A_490 = tpu.memref_slice %dma_wait3A_488[%mul3A_478, %dma_wait3A_489] : memref<20000x128xf32, #tpu.memory_space<hbm>> -> memref<4x128xf32, #tpu.memory_space<hbm>>
        tpu.wait_dma2 semaphore(%arg32 : memref<!tpu.dma_semaphore, #tpu.memory_space<semaphore_mem>>) src(%dma_wait3A_490 : memref<4x128xf32, #tpu.memory_space<hbm>>) dst(%arg11 : memref<4x128xf32, #tpu.memory_space<vmem>>)
        %dma_start3A_491 = arith.constant 0 : i32
        %dma_start3A_492 = arith.constant 0 : i32
        %dma_start3A_493 = tpu.memref_slice %arg4[%arg0, %dma_start3A_491, %dma_start3A_492] : memref<2x10000x16xf32, #tpu.memory_space<hbm>> -> memref<1x10000x16xf32, #tpu.memory_space<hbm>>
        %dma_start3A_494 = tpu.memref_squeeze %dma_start3A_493 : memref<1x10000x16xf32, #tpu.memory_space<hbm>> -> memref<10000x16xf32, #tpu.memory_space<hbm>>
        %dma_start3A_495 = arith.constant 0 : i32
        %dma_start3A_496 = arith.constant 0 : i32
        %dma_start3A_497 = tpu.memref_slice %dma_start3A_494[%dma_start3A_495, %dma_start3A_496] : memref<10000x16xf32, #tpu.memory_space<hbm>> -> memref<10000x16xf32, #tpu.memory_space<hbm>>
        tpu.enqueue_indirect_dma source(%dma_start3A_497 : memref<10000x16xf32, #tpu.memory_space<hbm>>) target(%arg12 : memref<64x16xf32, #tpu.memory_space<vmem>>) offsets(%arg9 : memref<64xi32, #tpu.memory_space<vmem>>) semaphore(%arg32 : memref<!tpu.dma_semaphore, #tpu.memory_space<semaphore_mem>>)
        %dma_start3A_498 = arith.constant 0 : i32
        %dma_start3A_499 = arith.constant 0 : i32
        %dma_start3A_500 = tpu.memref_slice %arg4[%arg0, %dma_start3A_498, %dma_start3A_499] : memref<2x10000x16xf32, #tpu.memory_space<hbm>> -> memref<1x10000x16xf32, #tpu.memory_space<hbm>>
        %dma_start3A_501 = tpu.memref_squeeze %dma_start3A_500 : memref<1x10000x16xf32, #tpu.memory_space<hbm>> -> memref<10000x16xf32, #tpu.memory_space<hbm>>
        %dma_start3A_502 = arith.constant 0 : i32
        %dma_start3A_503 = arith.constant 0 : i32
        %dma_start3A_504 = tpu.memref_slice %dma_start3A_501[%dma_start3A_502, %dma_start3A_503] : memref<10000x16xf32, #tpu.memory_space<hbm>> -> memref<10000x16xf32, #tpu.memory_space<hbm>>
        tpu.enqueue_indirect_dma source(%dma_start3A_504 : memref<10000x16xf32, #tpu.memory_space<hbm>>) target(%arg13 : memref<64x16xf32, #tpu.memory_space<vmem>>) offsets(%arg10 : memref<64xi32, #tpu.memory_space<vmem>>) semaphore(%arg32 : memref<!tpu.dma_semaphore, #tpu.memory_space<semaphore_mem>>)
        %dma_start3A_505 = arith.constant 0 : i32
        %dma_start3A_506 = arith.constant 0 : i32
        %dma_start3A_507 = tpu.memref_slice %arg6[%arg0, %dma_start3A_505, %dma_start3A_506] : memref<2x10000x128xf32, #tpu.memory_space<hbm>> -> memref<1x10000x128xf32, #tpu.memory_space<hbm>>
        %dma_start3A_508 = tpu.memref_squeeze %dma_start3A_507 : memref<1x10000x128xf32, #tpu.memory_space<hbm>> -> memref<10000x128xf32, #tpu.memory_space<hbm>>
        %dma_start3A_509 = arith.constant 0 : i32
        %dma_start3A_510 = arith.constant 0 : i32
        %dma_start3A_511 = tpu.memref_slice %dma_start3A_508[%dma_start3A_509, %dma_start3A_510] : memref<10000x128xf32, #tpu.memory_space<hbm>> -> memref<10000x128xf32, #tpu.memory_space<hbm>>
        tpu.enqueue_indirect_dma source(%dma_start3A_511 : memref<10000x128xf32, #tpu.memory_space<hbm>>) target(%arg15 : memref<64x128xf32, #tpu.memory_space<vmem>>) offsets(%arg9 : memref<64xi32, #tpu.memory_space<vmem>>) semaphore(%arg32 : memref<!tpu.dma_semaphore, #tpu.memory_space<semaphore_mem>>)
      } else {
      }
      %ge3A_425 = arith.constant 1 : i32
      %ge3A_426 = arith.cmpi sge, %add3A_398, %ge3A_425 : i32
      %convert_element_type3A_427 = arith.extui %ge3A_426 : i1 to i32
      %cond3A_428 = arith.constant 0 : i32
      %cond3A_429 = arith.cmpi ne, %convert_element_type3A_427, %cond3A_428 : i32
      scf.if %cond3A_429 {
        %dma_wait3A_444 = arith.constant 0 : i32
        %dma_wait3A_445 = arith.constant 0 : i32
        %dma_wait3A_446 = tpu.memref_slice %arg31[%dma_wait3A_444, %dma_wait3A_445] : memref<10000x16xf32, #tpu.memory_space<vmem_shared>> -> memref<10000x16xf32, #tpu.memory_space<vmem_shared>>
        tpu.wait_indirect_dma semaphore(%arg33 : memref<!tpu.dma_semaphore, #tpu.memory_space<semaphore_mem>>) src(%arg21 : memref<64x16xf32, #tpu.memory_space<vmem>>) dst(%dma_wait3A_446 : memref<10000x16xf32, #tpu.memory_space<vmem_shared>>)
        %dma_wait3A_447 = arith.constant 0 : i32
        %dma_wait3A_448 = arith.constant 0 : i32
        %dma_wait3A_449 = tpu.memref_slice %arg30[%dma_wait3A_447, %dma_wait3A_448] : memref<10000x128xf32, #tpu.memory_space<vmem_shared>> -> memref<10000x128xf32, #tpu.memory_space<vmem_shared>>
        tpu.wait_indirect_dma semaphore(%arg33 : memref<!tpu.dma_semaphore, #tpu.memory_space<semaphore_mem>>) src(%arg22 : memref<64x128xf32, #tpu.memory_space<vmem>>) dst(%dma_wait3A_449 : memref<10000x128xf32, #tpu.memory_space<vmem_shared>>)
      } else {
      }
      %lt3A_430 = arith.constant 310 : i32
      %lt3A_431 = arith.cmpi slt, %add3A_398, %lt3A_430 : i32
      %convert_element_type3A_432 = arith.extui %lt3A_431 : i1 to i32
      %cond3A_433 = arith.constant 0 : i32
      %cond3A_434 = arith.cmpi ne, %convert_element_type3A_432, %cond3A_433 : i32
      scf.if %cond3A_434 {
        %add3A_444 = arith.constant 2 : i32
        %add3A_445 = arith.addi %add3A_398, %add3A_444 : i32
        %mul3A_446 = arith.constant 16 : i32
        %mul3A_447 = arith.muli %add3A_445, %mul3A_446 : i32
        %add3A_448 = arith.addi %arg1, %mul3A_447 : i32
        %dma_start3A_449 = arith.constant 0 : i32
        %dma_start3A_450 = arith.constant 0 : i32
        %dma_start3A_451 = tpu.memref_slice %arg2[%arg0, %dma_start3A_449, %dma_start3A_450] : memref<2x5000x64xi32, #tpu.memory_space<hbm>> -> memref<1x5000x64xi32, #tpu.memory_space<hbm>>
        %dma_start3A_452 = tpu.memref_squeeze %dma_start3A_451 : memref<1x5000x64xi32, #tpu.memory_space<hbm>> -> memref<5000x64xi32, #tpu.memory_space<hbm>>
        %dma_start3A_453 = arith.constant 0 : i32
        %dma_start3A_454 = tpu.memref_slice %dma_start3A_452[%add3A_448, %dma_start3A_453] : memref<5000x64xi32, #tpu.memory_space<hbm>> -> memref<1x64xi32, #tpu.memory_space<hbm>>
        %dma_start3A_455 = tpu.memref_squeeze %dma_start3A_454 : memref<1x64xi32, #tpu.memory_space<hbm>> -> memref<64xi32, #tpu.memory_space<hbm>>
        %dma_start3A_456 = arith.constant 0 : i32
        %dma_start3A_457 = arith.constant 0 : i32
        %dma_start3A_458 = tpu.memref_slice %arg2[%arg0, %dma_start3A_456, %dma_start3A_457] : memref<2x5000x64xi32, #tpu.memory_space<hbm>> -> memref<1x5000x64xi32, #tpu.memory_space<hbm>>
        %dma_start3A_459 = tpu.memref_squeeze %dma_start3A_458 : memref<1x5000x64xi32, #tpu.memory_space<hbm>> -> memref<5000x64xi32, #tpu.memory_space<hbm>>
        %dma_start3A_460 = arith.constant 0 : i32
        %dma_start3A_461 = tpu.memref_slice %dma_start3A_459[%add3A_448, %dma_start3A_460] : memref<5000x64xi32, #tpu.memory_space<hbm>> -> memref<1x64xi32, #tpu.memory_space<hbm>>
        %dma_start3A_462 = tpu.memref_squeeze %dma_start3A_461 : memref<1x64xi32, #tpu.memory_space<hbm>> -> memref<64xi32, #tpu.memory_space<hbm>>
        tpu.enqueue_dma source(%dma_start3A_462 : memref<64xi32, #tpu.memory_space<hbm>>) target(%arg16 : memref<64xi32, #tpu.memory_space<vmem>>) target_semaphore(%arg33 : memref<!tpu.dma_semaphore, #tpu.memory_space<semaphore_mem>>)
        %dma_start3A_463 = arith.constant 0 : i32
        %dma_start3A_464 = arith.constant 0 : i32
        %dma_start3A_465 = tpu.memref_slice %arg3[%arg0, %dma_start3A_463, %dma_start3A_464] : memref<2x5000x64xi32, #tpu.memory_space<hbm>> -> memref<1x5000x64xi32, #tpu.memory_space<hbm>>
        %dma_start3A_466 = tpu.memref_squeeze %dma_start3A_465 : memref<1x5000x64xi32, #tpu.memory_space<hbm>> -> memref<5000x64xi32, #tpu.memory_space<hbm>>
        %dma_start3A_467 = arith.constant 0 : i32
        %dma_start3A_468 = tpu.memref_slice %dma_start3A_466[%add3A_448, %dma_start3A_467] : memref<5000x64xi32, #tpu.memory_space<hbm>> -> memref<1x64xi32, #tpu.memory_space<hbm>>
        %dma_start3A_469 = tpu.memref_squeeze %dma_start3A_468 : memref<1x64xi32, #tpu.memory_space<hbm>> -> memref<64xi32, #tpu.memory_space<hbm>>
        %dma_start3A_470 = arith.constant 0 : i32
        %dma_start3A_471 = arith.constant 0 : i32
        %dma_start3A_472 = tpu.memref_slice %arg3[%arg0, %dma_start3A_470, %dma_start3A_471] : memref<2x5000x64xi32, #tpu.memory_space<hbm>> -> memref<1x5000x64xi32, #tpu.memory_space<hbm>>
        %dma_start3A_473 = tpu.memref_squeeze %dma_start3A_472 : memref<1x5000x64xi32, #tpu.memory_space<hbm>> -> memref<5000x64xi32, #tpu.memory_space<hbm>>
        %dma_start3A_474 = arith.constant 0 : i32
        %dma_start3A_475 = tpu.memref_slice %dma_start3A_473[%add3A_448, %dma_start3A_474] : memref<5000x64xi32, #tpu.memory_space<hbm>> -> memref<1x64xi32, #tpu.memory_space<hbm>>
        %dma_start3A_476 = tpu.memref_squeeze %dma_start3A_475 : memref<1x64xi32, #tpu.memory_space<hbm>> -> memref<64xi32, #tpu.memory_space<hbm>>
        tpu.enqueue_dma source(%dma_start3A_476 : memref<64xi32, #tpu.memory_space<hbm>>) target(%arg17 : memref<64xi32, #tpu.memory_space<vmem>>) target_semaphore(%arg33 : memref<!tpu.dma_semaphore, #tpu.memory_space<semaphore_mem>>)
        %mul3A_477 = arith.constant 4 : i32
        %mul3A_478 = arith.muli %add3A_448, %mul3A_477 : i32
        %dma_start3A_479 = arith.constant 0 : i32
        %dma_start3A_480 = arith.constant 0 : i32
        %dma_start3A_481 = tpu.memref_slice %arg5[%arg0, %dma_start3A_479, %dma_start3A_480] : memref<2x20000x128xf32, #tpu.memory_space<hbm>> -> memref<1x20000x128xf32, #tpu.memory_space<hbm>>
        %dma_start3A_482 = tpu.memref_squeeze %dma_start3A_481 : memref<1x20000x128xf32, #tpu.memory_space<hbm>> -> memref<20000x128xf32, #tpu.memory_space<hbm>>
        %dma_start3A_483 = arith.constant 0 : i32
        %dma_start3A_484 = tpu.memref_slice %dma_start3A_482[%mul3A_478, %dma_start3A_483] : memref<20000x128xf32, #tpu.memory_space<hbm>> -> memref<4x128xf32, #tpu.memory_space<hbm>>
        %dma_start3A_485 = arith.constant 0 : i32
        %dma_start3A_486 = arith.constant 0 : i32
        %dma_start3A_487 = tpu.memref_slice %arg5[%arg0, %dma_start3A_485, %dma_start3A_486] : memref<2x20000x128xf32, #tpu.memory_space<hbm>> -> memref<1x20000x128xf32, #tpu.memory_space<hbm>>
        %dma_start3A_488 = tpu.memref_squeeze %dma_start3A_487 : memref<1x20000x128xf32, #tpu.memory_space<hbm>> -> memref<20000x128xf32, #tpu.memory_space<hbm>>
        %dma_start3A_489 = arith.constant 0 : i32
        %dma_start3A_490 = tpu.memref_slice %dma_start3A_488[%mul3A_478, %dma_start3A_489] : memref<20000x128xf32, #tpu.memory_space<hbm>> -> memref<4x128xf32, #tpu.memory_space<hbm>>
        tpu.enqueue_dma source(%dma_start3A_490 : memref<4x128xf32, #tpu.memory_space<hbm>>) target(%arg18 : memref<4x128xf32, #tpu.memory_space<vmem>>) target_semaphore(%arg33 : memref<!tpu.dma_semaphore, #tpu.memory_space<semaphore_mem>>)
      } else {
      }
      %parallel_loop3A_435 = arith.constant 0 : i32
      %parallel_loop3A_436 = arith.constant 64 : i32
      %parallel_loop3A_437 = arith.constant 1 : i32
      scf.for %parallel_loop3A_444 = %parallel_loop3A_435 to %parallel_loop3A_436 step %parallel_loop3A_437  : i32 {
        %parallel_loop3A_445 = arith.index_cast %parallel_loop3A_444 : i32 to index
        %parallel_loop3A_446 = arith.constant 0 : index
        %parallel_loop3A_447 = tpu.vector_load %arg26[%parallel_loop3A_445, %parallel_loop3A_446] {strides = array<i32>} : memref<64x16xf32, #tpu.memory_space<vmem>>, vector<1x16xf32>,
        %parallel_loop3A_448 = vector.shape_cast %parallel_loop3A_447 : vector<1x16xf32> to vector<16xf32>
        %parallel_loop3A_449 = arith.index_cast %parallel_loop3A_444 : i32 to index
        %parallel_loop3A_450 = arith.constant 0 : index
        %parallel_loop3A_451 = tpu.vector_load %arg27[%parallel_loop3A_449, %parallel_loop3A_450] {strides = array<i32>} : memref<64x16xf32, #tpu.memory_space<vmem>>, vector<1x16xf32>,
        %parallel_loop3A_452 = vector.shape_cast %parallel_loop3A_451 : vector<1x16xf32> to vector<16xf32>
        %parallel_loop3A_453 = arith.constant 0 : i32
        %parallel_loop3A_454 = vector.broadcast %parallel_loop3A_453 : i32 to vector<16xi32>
        %parallel_loop3A_455 = arith.cmpi slt, %and3A_75, %parallel_loop3A_454 : vector<16xi32>
        %parallel_loop3A_456 = arith.constant 16 : i32
        %parallel_loop3A_457 = vector.broadcast %parallel_loop3A_456 : i32 to vector<16xi32>
        %parallel_loop3A_458 = arith.addi %and3A_75, %parallel_loop3A_457 : vector<16xi32>
        %parallel_loop3A_459 = arith.select %parallel_loop3A_455, %parallel_loop3A_458, %and3A_75 : vector<16xi1>, vector<16xi32>
        %parallel_loop3A_460 = vector.shape_cast %parallel_loop3A_459 : vector<16xi32> to vector<16x1xi32>
        %parallel_loop3A_461 = vector.shape_cast %parallel_loop3A_460 : vector<16x1xi32> to vector<16xi32>
        %parallel_loop3A_462 = tpu.dynamic_gather %parallel_loop3A_452[%parallel_loop3A_461] in [0] : vector<16xf32>, vector<16xi32> -> vector<16xf32>
        %parallel_loop3A_463 = arith.constant 15 : i32
        %parallel_loop3A_464 = arith.andi %parallel_loop3A_444, %parallel_loop3A_463 : i32
        %parallel_loop3A_465 = arith.constant 8 : i32
        %parallel_loop3A_466 = arith.muli %parallel_loop3A_464, %parallel_loop3A_465 : i32
        %parallel_loop3A_467 = arith.constant 112 : i32
        %parallel_loop3A_468 = arith.minsi %parallel_loop3A_466, %parallel_loop3A_467 : i32
        %parallel_loop3A_469 = arith.constant 4 : i32
        %parallel_loop3A_470 = arith.shrui %parallel_loop3A_444, %parallel_loop3A_469 : i32
        %parallel_loop3A_471 = arith.index_cast %parallel_loop3A_470 : i32 to index
        %parallel_loop3A_472 = arith.index_cast %parallel_loop3A_468 : i32 to index
        %parallel_loop3A_473 = tpu.vector_load %arg25[%parallel_loop3A_471, %parallel_loop3A_472] {strides = array<i32>} : memref<4x128xf32, #tpu.memory_space<vmem>>, vector<1x16xf32>,
        %parallel_loop3A_474 = vector.shape_cast %parallel_loop3A_473 : vector<1x16xf32> to vector<16xf32>
        %parallel_loop3A_475 = arith.subi %parallel_loop3A_466, %parallel_loop3A_468 : i32
        %parallel_loop3A_476 = vector.broadcast %parallel_loop3A_475 : i32 to vector<16xi32>
        %parallel_loop3A_477 = arith.addi %iota3A, %parallel_loop3A_476 : vector<16xi32>
        %parallel_loop3A_478 = arith.constant 15 : i32
        %parallel_loop3A_479 = vector.broadcast %parallel_loop3A_478 : i32 to vector<16xi32>
        %parallel_loop3A_480 = arith.andi %parallel_loop3A_477, %parallel_loop3A_479 : vector<16xi32>
        %parallel_loop3A_481 = arith.constant 0 : i32
        %parallel_loop3A_482 = vector.broadcast %parallel_loop3A_481 : i32 to vector<16xi32>
        %parallel_loop3A_483 = arith.cmpi slt, %parallel_loop3A_480, %parallel_loop3A_482 : vector<16xi32>
        %parallel_loop3A_484 = arith.constant 16 : i32
        %parallel_loop3A_485 = vector.broadcast %parallel_loop3A_484 : i32 to vector<16xi32>
        %parallel_loop3A_486 = arith.addi %parallel_loop3A_480, %parallel_loop3A_485 : vector<16xi32>
        %parallel_loop3A_487 = arith.select %parallel_loop3A_483, %parallel_loop3A_486, %parallel_loop3A_480 : vector<16xi1>, vector<16xi32>
        %parallel_loop3A_488 = vector.shape_cast %parallel_loop3A_487 : vector<16xi32> to vector<16x1xi32>
        %parallel_loop3A_489 = vector.shape_cast %parallel_loop3A_488 : vector<16x1xi32> to vector<16xi32>
        %parallel_loop3A_490 = tpu.dynamic_gather %parallel_loop3A_474[%parallel_loop3A_489] in [0] : vector<16xf32>, vector<16xi32> -> vector<16xf32>
        %parallel_loop3A_491 = arith.addf %parallel_loop3A_448, %parallel_loop3A_462 : vector<16xf32>
        %parallel_loop3A_492 = arith.addf %parallel_loop3A_491, %parallel_loop3A_490 : vector<16xf32>
        %parallel_loop3A_493 = arith.constant 0.000000e+00 : f32
        %parallel_loop3A_494 = vector.broadcast %parallel_loop3A_493 : f32 to vector<16xf32>
        %parallel_loop3A_495 = arith.cmpf oge, %parallel_loop3A_492, %parallel_loop3A_494 : vector<16xf32>
        %parallel_loop3A_496 = arith.constant 2.000000e-01 : f32
        %parallel_loop3A_497 = vector.broadcast %parallel_loop3A_496 : f32 to vector<16xf32>
        %parallel_loop3A_498 = arith.mulf %parallel_loop3A_497, %parallel_loop3A_492 : vector<16xf32>
        %parallel_loop3A_499 = arith.select %parallel_loop3A_495, %parallel_loop3A_492, %parallel_loop3A_498 : vector<16xi1>, vector<16xf32>
        %parallel_loop3A_500 = math.exp %parallel_loop3A_499 : vector<16xf32>
        %parallel_loop3A_501 = arith.index_cast %parallel_loop3A_444 : i32 to index
        %parallel_loop3A_502 = arith.constant 0 : index
        %parallel_loop3A_503 = tpu.vector_load %arg28[%parallel_loop3A_501, %parallel_loop3A_502] {strides = array<i32>} : memref<64x16xf32, #tpu.memory_space<vmem>>, vector<1x16xf32>,
        %parallel_loop3A_504 = vector.shape_cast %parallel_loop3A_503 : vector<1x16xf32> to vector<16xf32>
        %parallel_loop3A_505 = vector.shape_cast %parallel_loop3A_500 : vector<16xf32> to vector<1x16xf32>
        tpu.vector_store %arg28[%parallel_loop3A_501, %parallel_loop3A_502], %parallel_loop3A_505 {strides = array<i32>} : memref<64x16xf32, #tpu.memory_space<vmem>>, vector<1x16xf32>,
        %parallel_loop3A_506 = arith.constant 0 : i32
        %parallel_loop3A_507 = vector.broadcast %parallel_loop3A_506 : i32 to vector<16xi32>
        %parallel_loop3A_508 = arith.cmpi slt, %broadcast_in_dim3A_77, %parallel_loop3A_507 : vector<16xi32>
        %parallel_loop3A_509 = arith.constant 16 : i32
        %parallel_loop3A_510 = vector.broadcast %parallel_loop3A_509 : i32 to vector<16xi32>
        %parallel_loop3A_511 = arith.addi %broadcast_in_dim3A_77, %parallel_loop3A_510 : vector<16xi32>
        %parallel_loop3A_512 = arith.select %parallel_loop3A_508, %parallel_loop3A_511, %broadcast_in_dim3A_77 : vector<16xi1>, vector<16xi32>
        %parallel_loop3A_513 = vector.shape_cast %parallel_loop3A_512 : vector<16xi32> to vector<16x1xi32>
        %parallel_loop3A_514 = vector.shape_cast %parallel_loop3A_513 : vector<16x1xi32> to vector<16xi32>
        %parallel_loop3A_515 = tpu.dynamic_gather %parallel_loop3A_500[%parallel_loop3A_514] in [0] : vector<16xf32>, vector<16xi32> -> vector<16xf32>
        %parallel_loop3A_516 = arith.index_cast %parallel_loop3A_444 : i32 to index
        %parallel_loop3A_517 = arith.constant 0 : index
        %parallel_loop3A_518 = tpu.vector_load %arg29[%parallel_loop3A_516, %parallel_loop3A_517] {strides = array<i32>} : memref<64x128xf32, #tpu.memory_space<vmem>>, vector<1x16xf32>,
        %parallel_loop3A_519 = vector.shape_cast %parallel_loop3A_518 : vector<1x16xf32> to vector<16xf32>
        %parallel_loop3A_520 = arith.mulf %parallel_loop3A_519, %parallel_loop3A_515 : vector<16xf32>
        %parallel_loop3A_521 = arith.index_cast %parallel_loop3A_444 : i32 to index
        %parallel_loop3A_522 = arith.constant 0 : index
        %parallel_loop3A_523 = tpu.vector_load %arg29[%parallel_loop3A_521, %parallel_loop3A_522] {strides = array<i32>} : memref<64x128xf32, #tpu.memory_space<vmem>>, vector<1x16xf32>,
        %parallel_loop3A_524 = vector.shape_cast %parallel_loop3A_523 : vector<1x16xf32> to vector<16xf32>
        %parallel_loop3A_525 = vector.shape_cast %parallel_loop3A_520 : vector<16xf32> to vector<1x16xf32>
        tpu.vector_store %arg29[%parallel_loop3A_521, %parallel_loop3A_522], %parallel_loop3A_525 {strides = array<i32>} : memref<64x128xf32, #tpu.memory_space<vmem>>, vector<1x16xf32>,
        %parallel_loop3A_526 = arith.constant 0 : i32
        %parallel_loop3A_527 = vector.broadcast %parallel_loop3A_526 : i32 to vector<16xi32>
        %parallel_loop3A_528 = arith.cmpi slt, %broadcast_in_dim3A_79, %parallel_loop3A_527 : vector<16xi32>
        %parallel_loop3A_529 = arith.constant 16 : i32
        %parallel_loop3A_530 = vector.broadcast %parallel_loop3A_529 : i32 to vector<16xi32>
        %parallel_loop3A_531 = arith.addi %broadcast_in_dim3A_79, %parallel_loop3A_530 : vector<16xi32>
        %parallel_loop3A_532 = arith.select %parallel_loop3A_528, %parallel_loop3A_531, %broadcast_in_dim3A_79 : vector<16xi1>, vector<16xi32>
        %parallel_loop3A_533 = vector.shape_cast %parallel_loop3A_532 : vector<16xi32> to vector<16x1xi32>
        %parallel_loop3A_534 = vector.shape_cast %parallel_loop3A_533 : vector<16x1xi32> to vector<16xi32>
        %parallel_loop3A_535 = tpu.dynamic_gather %parallel_loop3A_500[%parallel_loop3A_534] in [0] : vector<16xf32>, vector<16xi32> -> vector<16xf32>
        %parallel_loop3A_536 = arith.index_cast %parallel_loop3A_444 : i32 to index
        %parallel_loop3A_537 = arith.constant 16 : index
        %parallel_loop3A_538 = tpu.vector_load %arg29[%parallel_loop3A_536, %parallel_loop3A_537] {strides = array<i32>} : memref<64x128xf32, #tpu.memory_space<vmem>>, vector<1x16xf32>,
        %parallel_loop3A_539 = vector.shape_cast %parallel_loop3A_538 : vector<1x16xf32> to vector<16xf32>
        %parallel_loop3A_540 = arith.mulf %parallel_loop3A_539, %parallel_loop3A_535 : vector<16xf32>
        %parallel_loop3A_541 = arith.index_cast %parallel_loop3A_444 : i32 to index
        %parallel_loop3A_542 = arith.constant 16 : index
        %parallel_loop3A_543 = tpu.vector_load %arg29[%parallel_loop3A_541, %parallel_loop3A_542] {strides = array<i32>} : memref<64x128xf32, #tpu.memory_space<vmem>>, vector<1x16xf32>,
        %parallel_loop3A_544 = vector.shape_cast %parallel_loop3A_543 : vector<1x16xf32> to vector<16xf32>
        %parallel_loop3A_545 = vector.shape_cast %parallel_loop3A_540 : vector<16xf32> to vector<1x16xf32>
        tpu.vector_store %arg29[%parallel_loop3A_541, %parallel_loop3A_542], %parallel_loop3A_545 {strides = array<i32>} : memref<64x128xf32, #tpu.memory_space<vmem>>, vector<1x16xf32>,
        %parallel_loop3A_546 = arith.constant 0 : i32
        %parallel_loop3A_547 = vector.broadcast %parallel_loop3A_546 : i32 to vector<16xi32>
        %parallel_loop3A_548 = arith.cmpi slt, %broadcast_in_dim3A_81, %parallel_loop3A_547 : vector<16xi32>
        %parallel_loop3A_549 = arith.constant 16 : i32
        %parallel_loop3A_550 = vector.broadcast %parallel_loop3A_549 : i32 to vector<16xi32>
        %parallel_loop3A_551 = arith.addi %broadcast_in_dim3A_81, %parallel_loop3A_550 : vector<16xi32>
        %parallel_loop3A_552 = arith.select %parallel_loop3A_548, %parallel_loop3A_551, %broadcast_in_dim3A_81 : vector<16xi1>, vector<16xi32>
        %parallel_loop3A_553 = vector.shape_cast %parallel_loop3A_552 : vector<16xi32> to vector<16x1xi32>
        %parallel_loop3A_554 = vector.shape_cast %parallel_loop3A_553 : vector<16x1xi32> to vector<16xi32>
        %parallel_loop3A_555 = tpu.dynamic_gather %parallel_loop3A_500[%parallel_loop3A_554] in [0] : vector<16xf32>, vector<16xi32> -> vector<16xf32>
        %parallel_loop3A_556 = arith.index_cast %parallel_loop3A_444 : i32 to index
        %parallel_loop3A_557 = arith.constant 32 : index
        %parallel_loop3A_558 = tpu.vector_load %arg29[%parallel_loop3A_556, %parallel_loop3A_557] {strides = array<i32>} : memref<64x128xf32, #tpu.memory_space<vmem>>, vector<1x16xf32>,
        %parallel_loop3A_559 = vector.shape_cast %parallel_loop3A_558 : vector<1x16xf32> to vector<16xf32>
        %parallel_loop3A_560 = arith.mulf %parallel_loop3A_559, %parallel_loop3A_555 : vector<16xf32>
        %parallel_loop3A_561 = arith.index_cast %parallel_loop3A_444 : i32 to index
        %parallel_loop3A_562 = arith.constant 32 : index
        %parallel_loop3A_563 = tpu.vector_load %arg29[%parallel_loop3A_561, %parallel_loop3A_562] {strides = array<i32>} : memref<64x128xf32, #tpu.memory_space<vmem>>, vector<1x16xf32>,
        %parallel_loop3A_564 = vector.shape_cast %parallel_loop3A_563 : vector<1x16xf32> to vector<16xf32>
        %parallel_loop3A_565 = vector.shape_cast %parallel_loop3A_560 : vector<16xf32> to vector<1x16xf32>
        tpu.vector_store %arg29[%parallel_loop3A_561, %parallel_loop3A_562], %parallel_loop3A_565 {strides = array<i32>} : memref<64x128xf32, #tpu.memory_space<vmem>>, vector<1x16xf32>,
        %parallel_loop3A_566 = arith.constant 0 : i32
        %parallel_loop3A_567 = vector.broadcast %parallel_loop3A_566 : i32 to vector<16xi32>
        %parallel_loop3A_568 = arith.cmpi slt, %broadcast_in_dim3A_83, %parallel_loop3A_567 : vector<16xi32>
        %parallel_loop3A_569 = arith.constant 16 : i32
        %parallel_loop3A_570 = vector.broadcast %parallel_loop3A_569 : i32 to vector<16xi32>
        %parallel_loop3A_571 = arith.addi %broadcast_in_dim3A_83, %parallel_loop3A_570 : vector<16xi32>
        %parallel_loop3A_572 = arith.select %parallel_loop3A_568, %parallel_loop3A_571, %broadcast_in_dim3A_83 : vector<16xi1>, vector<16xi32>
        %parallel_loop3A_573 = vector.shape_cast %parallel_loop3A_572 : vector<16xi32> to vector<16x1xi32>
        %parallel_loop3A_574 = vector.shape_cast %parallel_loop3A_573 : vector<16x1xi32> to vector<16xi32>
        %parallel_loop3A_575 = tpu.dynamic_gather %parallel_loop3A_500[%parallel_loop3A_574] in [0] : vector<16xf32>, vector<16xi32> -> vector<16xf32>
        %parallel_loop3A_576 = arith.index_cast %parallel_loop3A_444 : i32 to index
        %parallel_loop3A_577 = arith.constant 48 : index
        %parallel_loop3A_578 = tpu.vector_load %arg29[%parallel_loop3A_576, %parallel_loop3A_577] {strides = array<i32>} : memref<64x128xf32, #tpu.memory_space<vmem>>, vector<1x16xf32>,
        %parallel_loop3A_579 = vector.shape_cast %parallel_loop3A_578 : vector<1x16xf32> to vector<16xf32>
        %parallel_loop3A_580 = arith.mulf %parallel_loop3A_579, %parallel_loop3A_575 : vector<16xf32>
        %parallel_loop3A_581 = arith.index_cast %parallel_loop3A_444 : i32 to index
        %parallel_loop3A_582 = arith.constant 48 : index
        %parallel_loop3A_583 = tpu.vector_load %arg29[%parallel_loop3A_581, %parallel_loop3A_582] {strides = array<i32>} : memref<64x128xf32, #tpu.memory_space<vmem>>, vector<1x16xf32>,
        %parallel_loop3A_584 = vector.shape_cast %parallel_loop3A_583 : vector<1x16xf32> to vector<16xf32>
        %parallel_loop3A_585 = vector.shape_cast %parallel_loop3A_580 : vector<16xf32> to vector<1x16xf32>
        tpu.vector_store %arg29[%parallel_loop3A_581, %parallel_loop3A_582], %parallel_loop3A_585 {strides = array<i32>} : memref<64x128xf32, #tpu.memory_space<vmem>>, vector<1x16xf32>,
        %parallel_loop3A_586 = arith.constant 0 : i32
        %parallel_loop3A_587 = vector.broadcast %parallel_loop3A_586 : i32 to vector<16xi32>
        %parallel_loop3A_588 = arith.cmpi slt, %broadcast_in_dim3A_85, %parallel_loop3A_587 : vector<16xi32>
        %parallel_loop3A_589 = arith.constant 16 : i32
        %parallel_loop3A_590 = vector.broadcast %parallel_loop3A_589 : i32 to vector<16xi32>
        %parallel_loop3A_591 = arith.addi %broadcast_in_dim3A_85, %parallel_loop3A_590 : vector<16xi32>
        %parallel_loop3A_592 = arith.select %parallel_loop3A_588, %parallel_loop3A_591, %broadcast_in_dim3A_85 : vector<16xi1>, vector<16xi32>
        %parallel_loop3A_593 = vector.shape_cast %parallel_loop3A_592 : vector<16xi32> to vector<16x1xi32>
        %parallel_loop3A_594 = vector.shape_cast %parallel_loop3A_593 : vector<16x1xi32> to vector<16xi32>
        %parallel_loop3A_595 = tpu.dynamic_gather %parallel_loop3A_500[%parallel_loop3A_594] in [0] : vector<16xf32>, vector<16xi32> -> vector<16xf32>
        %parallel_loop3A_596 = arith.index_cast %parallel_loop3A_444 : i32 to index
        %parallel_loop3A_597 = arith.constant 64 : index
        %parallel_loop3A_598 = tpu.vector_load %arg29[%parallel_loop3A_596, %parallel_loop3A_597] {strides = array<i32>} : memref<64x128xf32, #tpu.memory_space<vmem>>, vector<1x16xf32>,
        %parallel_loop3A_599 = vector.shape_cast %parallel_loop3A_598 : vector<1x16xf32> to vector<16xf32>
        %parallel_loop3A_600 = arith.mulf %parallel_loop3A_599, %parallel_loop3A_595 : vector<16xf32>
        %parallel_loop3A_601 = arith.index_cast %parallel_loop3A_444 : i32 to index
        %parallel_loop3A_602 = arith.constant 64 : index
        %parallel_loop3A_603 = tpu.vector_load %arg29[%parallel_loop3A_601, %parallel_loop3A_602] {strides = array<i32>} : memref<64x128xf32, #tpu.memory_space<vmem>>, vector<1x16xf32>,
        %parallel_loop3A_604 = vector.shape_cast %parallel_loop3A_603 : vector<1x16xf32> to vector<16xf32>
        %parallel_loop3A_605 = vector.shape_cast %parallel_loop3A_600 : vector<16xf32> to vector<1x16xf32>
        tpu.vector_store %arg29[%parallel_loop3A_601, %parallel_loop3A_602], %parallel_loop3A_605 {strides = array<i32>} : memref<64x128xf32, #tpu.memory_space<vmem>>, vector<1x16xf32>,
        %parallel_loop3A_606 = arith.constant 0 : i32
        %parallel_loop3A_607 = vector.broadcast %parallel_loop3A_606 : i32 to vector<16xi32>
        %parallel_loop3A_608 = arith.cmpi slt, %broadcast_in_dim3A_87, %parallel_loop3A_607 : vector<16xi32>
        %parallel_loop3A_609 = arith.constant 16 : i32
        %parallel_loop3A_610 = vector.broadcast %parallel_loop3A_609 : i32 to vector<16xi32>
        %parallel_loop3A_611 = arith.addi %broadcast_in_dim3A_87, %parallel_loop3A_610 : vector<16xi32>
        %parallel_loop3A_612 = arith.select %parallel_loop3A_608, %parallel_loop3A_611, %broadcast_in_dim3A_87 : vector<16xi1>, vector<16xi32>
        %parallel_loop3A_613 = vector.shape_cast %parallel_loop3A_612 : vector<16xi32> to vector<16x1xi32>
        %parallel_loop3A_614 = vector.shape_cast %parallel_loop3A_613 : vector<16x1xi32> to vector<16xi32>
        %parallel_loop3A_615 = tpu.dynamic_gather %parallel_loop3A_500[%parallel_loop3A_614] in [0] : vector<16xf32>, vector<16xi32> -> vector<16xf32>
        %parallel_loop3A_616 = arith.index_cast %parallel_loop3A_444 : i32 to index
        %parallel_loop3A_617 = arith.constant 80 : index
        %parallel_loop3A_618 = tpu.vector_load %arg29[%parallel_loop3A_616, %parallel_loop3A_617] {strides = array<i32>} : memref<64x128xf32, #tpu.memory_space<vmem>>, vector<1x16xf32>,
        %parallel_loop3A_619 = vector.shape_cast %parallel_loop3A_618 : vector<1x16xf32> to vector<16xf32>
        %parallel_loop3A_620 = arith.mulf %parallel_loop3A_619, %parallel_loop3A_615 : vector<16xf32>
        %parallel_loop3A_621 = arith.index_cast %parallel_loop3A_444 : i32 to index
        %parallel_loop3A_622 = arith.constant 80 : index
        %parallel_loop3A_623 = tpu.vector_load %arg29[%parallel_loop3A_621, %parallel_loop3A_622] {strides = array<i32>} : memref<64x128xf32, #tpu.memory_space<vmem>>, vector<1x16xf32>,
        %parallel_loop3A_624 = vector.shape_cast %parallel_loop3A_623 : vector<1x16xf32> to vector<16xf32>
        %parallel_loop3A_625 = vector.shape_cast %parallel_loop3A_620 : vector<16xf32> to vector<1x16xf32>
        tpu.vector_store %arg29[%parallel_loop3A_621, %parallel_loop3A_622], %parallel_loop3A_625 {strides = array<i32>} : memref<64x128xf32, #tpu.memory_space<vmem>>, vector<1x16xf32>,
        %parallel_loop3A_626 = arith.constant 0 : i32
        %parallel_loop3A_627 = vector.broadcast %parallel_loop3A_626 : i32 to vector<16xi32>
        %parallel_loop3A_628 = arith.cmpi slt, %broadcast_in_dim3A_89, %parallel_loop3A_627 : vector<16xi32>
        %parallel_loop3A_629 = arith.constant 16 : i32
        %parallel_loop3A_630 = vector.broadcast %parallel_loop3A_629 : i32 to vector<16xi32>
        %parallel_loop3A_631 = arith.addi %broadcast_in_dim3A_89, %parallel_loop3A_630 : vector<16xi32>
        %parallel_loop3A_632 = arith.select %parallel_loop3A_628, %parallel_loop3A_631, %broadcast_in_dim3A_89 : vector<16xi1>, vector<16xi32>
        %parallel_loop3A_633 = vector.shape_cast %parallel_loop3A_632 : vector<16xi32> to vector<16x1xi32>
        %parallel_loop3A_634 = vector.shape_cast %parallel_loop3A_633 : vector<16x1xi32> to vector<16xi32>
        %parallel_loop3A_635 = tpu.dynamic_gather %parallel_loop3A_500[%parallel_loop3A_634] in [0] : vector<16xf32>, vector<16xi32> -> vector<16xf32>
        %parallel_loop3A_636 = arith.index_cast %parallel_loop3A_444 : i32 to index
        %parallel_loop3A_637 = arith.constant 96 : index
        %parallel_loop3A_638 = tpu.vector_load %arg29[%parallel_loop3A_636, %parallel_loop3A_637] {strides = array<i32>} : memref<64x128xf32, #tpu.memory_space<vmem>>, vector<1x16xf32>,
        %parallel_loop3A_639 = vector.shape_cast %parallel_loop3A_638 : vector<1x16xf32> to vector<16xf32>
        %parallel_loop3A_640 = arith.mulf %parallel_loop3A_639, %parallel_loop3A_635 : vector<16xf32>
        %parallel_loop3A_641 = arith.index_cast %parallel_loop3A_444 : i32 to index
        %parallel_loop3A_642 = arith.constant 96 : index
        %parallel_loop3A_643 = tpu.vector_load %arg29[%parallel_loop3A_641, %parallel_loop3A_642] {strides = array<i32>} : memref<64x128xf32, #tpu.memory_space<vmem>>, vector<1x16xf32>,
        %parallel_loop3A_644 = vector.shape_cast %parallel_loop3A_643 : vector<1x16xf32> to vector<16xf32>
        %parallel_loop3A_645 = vector.shape_cast %parallel_loop3A_640 : vector<16xf32> to vector<1x16xf32>
        tpu.vector_store %arg29[%parallel_loop3A_641, %parallel_loop3A_642], %parallel_loop3A_645 {strides = array<i32>} : memref<64x128xf32, #tpu.memory_space<vmem>>, vector<1x16xf32>,
        %parallel_loop3A_646 = arith.constant 0 : i32
        %parallel_loop3A_647 = vector.broadcast %parallel_loop3A_646 : i32 to vector<16xi32>
        %parallel_loop3A_648 = arith.cmpi slt, %broadcast_in_dim3A_91, %parallel_loop3A_647 : vector<16xi32>
        %parallel_loop3A_649 = arith.constant 16 : i32
        %parallel_loop3A_650 = vector.broadcast %parallel_loop3A_649 : i32 to vector<16xi32>
        %parallel_loop3A_651 = arith.addi %broadcast_in_dim3A_91, %parallel_loop3A_650 : vector<16xi32>
        %parallel_loop3A_652 = arith.select %parallel_loop3A_648, %parallel_loop3A_651, %broadcast_in_dim3A_91 : vector<16xi1>, vector<16xi32>
        %parallel_loop3A_653 = vector.shape_cast %parallel_loop3A_652 : vector<16xi32> to vector<16x1xi32>
        %parallel_loop3A_654 = vector.shape_cast %parallel_loop3A_653 : vector<16x1xi32> to vector<16xi32>
        %parallel_loop3A_655 = tpu.dynamic_gather %parallel_loop3A_500[%parallel_loop3A_654] in [0] : vector<16xf32>, vector<16xi32> -> vector<16xf32>
        %parallel_loop3A_656 = arith.index_cast %parallel_loop3A_444 : i32 to index
        %parallel_loop3A_657 = arith.constant 112 : index
        %parallel_loop3A_658 = tpu.vector_load %arg29[%parallel_loop3A_656, %parallel_loop3A_657] {strides = array<i32>} : memref<64x128xf32, #tpu.memory_space<vmem>>, vector<1x16xf32>,
        %parallel_loop3A_659 = vector.shape_cast %parallel_loop3A_658 : vector<1x16xf32> to vector<16xf32>
        %parallel_loop3A_660 = arith.mulf %parallel_loop3A_659, %parallel_loop3A_655 : vector<16xf32>
        %parallel_loop3A_661 = arith.index_cast %parallel_loop3A_444 : i32 to index
        %parallel_loop3A_662 = arith.constant 112 : index
        %parallel_loop3A_663 = tpu.vector_load %arg29[%parallel_loop3A_661, %parallel_loop3A_662] {strides = array<i32>} : memref<64x128xf32, #tpu.memory_space<vmem>>, vector<1x16xf32>,
        %parallel_loop3A_664 = vector.shape_cast %parallel_loop3A_663 : vector<1x16xf32> to vector<16xf32>
        %parallel_loop3A_665 = vector.shape_cast %parallel_loop3A_660 : vector<16xf32> to vector<1x16xf32>
        tpu.vector_store %arg29[%parallel_loop3A_661, %parallel_loop3A_662], %parallel_loop3A_665 {strides = array<i32>} : memref<64x128xf32, #tpu.memory_space<vmem>>, vector<1x16xf32>,
      } {sc.loop_unroll_factor = 4 : i64, sc.parallel_access}
      %dma_start3A_438 = arith.constant 0 : i32
      %dma_start3A_439 = arith.constant 0 : i32
      %dma_start3A_440 = tpu.memref_slice %arg31[%dma_start3A_438, %dma_start3A_439] : memref<10000x16xf32, #tpu.memory_space<vmem_shared>> -> memref<10000x16xf32, #tpu.memory_space<vmem_shared>>
      tpu.enqueue_indirect_dma source(%arg28 : memref<64x16xf32, #tpu.memory_space<vmem>>) target(%dma_start3A_440 : memref<10000x16xf32, #tpu.memory_space<vmem_shared>>) offsets(%arg24 : memref<64xi32, #tpu.memory_space<vmem>>) semaphore(%arg34 : memref<!tpu.dma_semaphore, #tpu.memory_space<semaphore_mem>>) {add = true}
      %dma_start3A_441 = arith.constant 0 : i32
      %dma_start3A_442 = arith.constant 0 : i32
      %dma_start3A_443 = tpu.memref_slice %arg30[%dma_start3A_441, %dma_start3A_442] : memref<10000x128xf32, #tpu.memory_space<vmem_shared>> -> memref<10000x128xf32, #tpu.memory_space<vmem_shared>>
      tpu.enqueue_indirect_dma source(%arg29 : memref<64x128xf32, #tpu.memory_space<vmem>>) target(%dma_start3A_443 : memref<10000x128xf32, #tpu.memory_space<vmem_shared>>) offsets(%arg24 : memref<64xi32, #tpu.memory_space<vmem>>) semaphore(%arg34 : memref<!tpu.dma_semaphore, #tpu.memory_space<semaphore_mem>>) {add = true}
    }
    %scan3A_242 = arith.constant 104 : i32
    %dma_wait3A_243 = arith.constant 0 : i32
    %dma_wait3A_244 = arith.constant 0 : i32
    %dma_wait3A_245 = tpu.memref_slice %arg31[%dma_wait3A_243, %dma_wait3A_244] : memref<10000x16xf32, #tpu.memory_space<vmem_shared>> -> memref<10000x16xf32, #tpu.memory_space<vmem_shared>>
    tpu.wait_indirect_dma semaphore(%arg34 : memref<!tpu.dma_semaphore, #tpu.memory_space<semaphore_mem>>) src(%arg28 : memref<64x16xf32, #tpu.memory_space<vmem>>) dst(%dma_wait3A_245 : memref<10000x16xf32, #tpu.memory_space<vmem_shared>>)
    %dma_wait3A_246 = arith.constant 0 : i32
    %dma_wait3A_247 = arith.constant 0 : i32
    %dma_wait3A_248 = tpu.memref_slice %arg30[%dma_wait3A_246, %dma_wait3A_247] : memref<10000x128xf32, #tpu.memory_space<vmem_shared>> -> memref<10000x128xf32, #tpu.memory_space<vmem_shared>>
    tpu.wait_indirect_dma semaphore(%arg34 : memref<!tpu.dma_semaphore, #tpu.memory_space<semaphore_mem>>) src(%arg29 : memref<64x128xf32, #tpu.memory_space<vmem>>) dst(%dma_wait3A_248 : memref<10000x128xf32, #tpu.memory_space<vmem_shared>>)
    %lt3A_249 = arith.constant 8 : i32
    %lt3A_250 = arith.cmpi slt, %arg1, %lt3A_249 : i32
    %convert_element_type3A_251 = arith.extui %lt3A_250 : i1 to i32
    %cond3A_252 = arith.constant 0 : i32
    %cond3A_253 = arith.cmpi ne, %convert_element_type3A_251, %cond3A_252 : i32
    scf.if %cond3A_253 {
      %add3A_298 = arith.constant 4992 : i32
      %add3A_299 = arith.addi %add3A_298, %arg1 : i32
      %dma_start3A_300 = arith.constant 0 : i32
      %dma_start3A_301 = arith.constant 0 : i32
      %dma_start3A_302 = tpu.memref_slice %arg2[%arg0, %dma_start3A_300, %dma_start3A_301] : memref<2x5000x64xi32, #tpu.memory_space<hbm>> -> memref<1x5000x64xi32, #tpu.memory_space<hbm>>
      %dma_start3A_303 = tpu.memref_squeeze %dma_start3A_302 : memref<1x5000x64xi32, #tpu.memory_space<hbm>> -> memref<5000x64xi32, #tpu.memory_space<hbm>>
      %dma_start3A_304 = arith.constant 0 : i32
      %dma_start3A_305 = tpu.memref_slice %dma_start3A_303[%add3A_299, %dma_start3A_304] : memref<5000x64xi32, #tpu.memory_space<hbm>> -> memref<1x64xi32, #tpu.memory_space<hbm>>
      %dma_start3A_306 = tpu.memref_squeeze %dma_start3A_305 : memref<1x64xi32, #tpu.memory_space<hbm>> -> memref<64xi32, #tpu.memory_space<hbm>>
      %dma_start3A_307 = arith.constant 0 : i32
      %dma_start3A_308 = arith.constant 0 : i32
      %dma_start3A_309 = tpu.memref_slice %arg2[%arg0, %dma_start3A_307, %dma_start3A_308] : memref<2x5000x64xi32, #tpu.memory_space<hbm>> -> memref<1x5000x64xi32, #tpu.memory_space<hbm>>
      %dma_start3A_310 = tpu.memref_squeeze %dma_start3A_309 : memref<1x5000x64xi32, #tpu.memory_space<hbm>> -> memref<5000x64xi32, #tpu.memory_space<hbm>>
      %dma_start3A_311 = arith.constant 0 : i32
      %dma_start3A_312 = tpu.memref_slice %dma_start3A_310[%add3A_299, %dma_start3A_311] : memref<5000x64xi32, #tpu.memory_space<hbm>> -> memref<1x64xi32, #tpu.memory_space<hbm>>
      %dma_start3A_313 = tpu.memref_squeeze %dma_start3A_312 : memref<1x64xi32, #tpu.memory_space<hbm>> -> memref<64xi32, #tpu.memory_space<hbm>>
      tpu.enqueue_dma source(%dma_start3A_313 : memref<64xi32, #tpu.memory_space<hbm>>) target(%arg9 : memref<64xi32, #tpu.memory_space<vmem>>) target_semaphore(%arg32 : memref<!tpu.dma_semaphore, #tpu.memory_space<semaphore_mem>>)
      %dma_start3A_314 = arith.constant 0 : i32
      %dma_start3A_315 = arith.constant 0 : i32
      %dma_start3A_316 = tpu.memref_slice %arg3[%arg0, %dma_start3A_314, %dma_start3A_315] : memref<2x5000x64xi32, #tpu.memory_space<hbm>> -> memref<1x5000x64xi32, #tpu.memory_space<hbm>>
      %dma_start3A_317 = tpu.memref_squeeze %dma_start3A_316 : memref<1x5000x64xi32, #tpu.memory_space<hbm>> -> memref<5000x64xi32, #tpu.memory_space<hbm>>
      %dma_start3A_318 = arith.constant 0 : i32
      %dma_start3A_319 = tpu.memref_slice %dma_start3A_317[%add3A_299, %dma_start3A_318] : memref<5000x64xi32, #tpu.memory_space<hbm>> -> memref<1x64xi32, #tpu.memory_space<hbm>>
      %dma_start3A_320 = tpu.memref_squeeze %dma_start3A_319 : memref<1x64xi32, #tpu.memory_space<hbm>> -> memref<64xi32, #tpu.memory_space<hbm>>
      %dma_start3A_321 = arith.constant 0 : i32
      %dma_start3A_322 = arith.constant 0 : i32
      %dma_start3A_323 = tpu.memref_slice %arg3[%arg0, %dma_start3A_321, %dma_start3A_322] : memref<2x5000x64xi32, #tpu.memory_space<hbm>> -> memref<1x5000x64xi32, #tpu.memory_space<hbm>>
      %dma_start3A_324 = tpu.memref_squeeze %dma_start3A_323 : memref<1x5000x64xi32, #tpu.memory_space<hbm>> -> memref<5000x64xi32, #tpu.memory_space<hbm>>
      %dma_start3A_325 = arith.constant 0 : i32
      %dma_start3A_326 = tpu.memref_slice %dma_start3A_324[%add3A_299, %dma_start3A_325] : memref<5000x64xi32, #tpu.memory_space<hbm>> -> memref<1x64xi32, #tpu.memory_space<hbm>>
      %dma_start3A_327 = tpu.memref_squeeze %dma_start3A_326 : memref<1x64xi32, #tpu.memory_space<hbm>> -> memref<64xi32, #tpu.memory_space<hbm>>
      tpu.enqueue_dma source(%dma_start3A_327 : memref<64xi32, #tpu.memory_space<hbm>>) target(%arg10 : memref<64xi32, #tpu.memory_space<vmem>>) target_semaphore(%arg32 : memref<!tpu.dma_semaphore, #tpu.memory_space<semaphore_mem>>)
      %mul3A_328 = arith.constant 4 : i32
      %mul3A_329 = arith.muli %add3A_299, %mul3A_328 : i32
      %dma_start3A_330 = arith.constant 0 : i32
      %dma_start3A_331 = arith.constant 0 : i32
      %dma_start3A_332 = tpu.memref_slice %arg5[%arg0, %dma_start3A_330, %dma_start3A_331] : memref<2x20000x128xf32, #tpu.memory_space<hbm>> -> memref<1x20000x128xf32, #tpu.memory_space<hbm>>
      %dma_start3A_333 = tpu.memref_squeeze %dma_start3A_332 : memref<1x20000x128xf32, #tpu.memory_space<hbm>> -> memref<20000x128xf32, #tpu.memory_space<hbm>>
      %dma_start3A_334 = arith.constant 0 : i32
      %dma_start3A_335 = tpu.memref_slice %dma_start3A_333[%mul3A_329, %dma_start3A_334] : memref<20000x128xf32, #tpu.memory_space<hbm>> -> memref<4x128xf32, #tpu.memory_space<hbm>>
      %dma_start3A_336 = arith.constant 0 : i32
      %dma_start3A_337 = arith.constant 0 : i32
      %dma_start3A_338 = tpu.memref_slice %arg5[%arg0, %dma_start3A_336, %dma_start3A_337] : memref<2x20000x128xf32, #tpu.memory_space<hbm>> -> memref<1x20000x128xf32, #tpu.memory_space<hbm>>
      %dma_start3A_339 = tpu.memref_squeeze %dma_start3A_338 : memref<1x20000x128xf32, #tpu.memory_space<hbm>> -> memref<20000x128xf32, #tpu.memory_space<hbm>>
      %dma_start3A_340 = arith.constant 0 : i32
      %dma_start3A_341 = tpu.memref_slice %dma_start3A_339[%mul3A_329, %dma_start3A_340] : memref<20000x128xf32, #tpu.memory_space<hbm>> -> memref<4x128xf32, #tpu.memory_space<hbm>>
      tpu.enqueue_dma source(%dma_start3A_341 : memref<4x128xf32, #tpu.memory_space<hbm>>) target(%arg11 : memref<4x128xf32, #tpu.memory_space<vmem>>) target_semaphore(%arg32 : memref<!tpu.dma_semaphore, #tpu.memory_space<semaphore_mem>>)
      %dma_wait3A_342 = arith.constant 0 : i32
      %dma_wait3A_343 = arith.constant 0 : i32
      %dma_wait3A_344 = tpu.memref_slice %arg2[%arg0, %dma_wait3A_342, %dma_wait3A_343] : memref<2x5000x64xi32, #tpu.memory_space<hbm>> -> memref<1x5000x64xi32, #tpu.memory_space<hbm>>
      %dma_wait3A_345 = tpu.memref_squeeze %dma_wait3A_344 : memref<1x5000x64xi32, #tpu.memory_space<hbm>> -> memref<5000x64xi32, #tpu.memory_space<hbm>>
      %dma_wait3A_346 = arith.constant 0 : i32
      %dma_wait3A_347 = tpu.memref_slice %dma_wait3A_345[%add3A_299, %dma_wait3A_346] : memref<5000x64xi32, #tpu.memory_space<hbm>> -> memref<1x64xi32, #tpu.memory_space<hbm>>
      %dma_wait3A_348 = tpu.memref_squeeze %dma_wait3A_347 : memref<1x64xi32, #tpu.memory_space<hbm>> -> memref<64xi32, #tpu.memory_space<hbm>>
      %dma_wait3A_349 = arith.constant 0 : i32
      %dma_wait3A_350 = arith.constant 0 : i32
      %dma_wait3A_351 = tpu.memref_slice %arg2[%arg0, %dma_wait3A_349, %dma_wait3A_350] : memref<2x5000x64xi32, #tpu.memory_space<hbm>> -> memref<1x5000x64xi32, #tpu.memory_space<hbm>>
      %dma_wait3A_352 = tpu.memref_squeeze %dma_wait3A_351 : memref<1x5000x64xi32, #tpu.memory_space<hbm>> -> memref<5000x64xi32, #tpu.memory_space<hbm>>
      %dma_wait3A_353 = arith.constant 0 : i32
      %dma_wait3A_354 = tpu.memref_slice %dma_wait3A_352[%add3A_299, %dma_wait3A_353] : memref<5000x64xi32, #tpu.memory_space<hbm>> -> memref<1x64xi32, #tpu.memory_space<hbm>>
      %dma_wait3A_355 = tpu.memref_squeeze %dma_wait3A_354 : memref<1x64xi32, #tpu.memory_space<hbm>> -> memref<64xi32, #tpu.memory_space<hbm>>
      tpu.wait_dma2 semaphore(%arg32 : memref<!tpu.dma_semaphore, #tpu.memory_space<semaphore_mem>>) src(%dma_wait3A_355 : memref<64xi32, #tpu.memory_space<hbm>>) dst(%arg9 : memref<64xi32, #tpu.memory_space<vmem>>)
      %dma_wait3A_356 = arith.constant 0 : i32
      %dma_wait3A_357 = arith.constant 0 : i32
      %dma_wait3A_358 = tpu.memref_slice %arg3[%arg0, %dma_wait3A_356, %dma_wait3A_357] : memref<2x5000x64xi32, #tpu.memory_space<hbm>> -> memref<1x5000x64xi32, #tpu.memory_space<hbm>>
      %dma_wait3A_359 = tpu.memref_squeeze %dma_wait3A_358 : memref<1x5000x64xi32, #tpu.memory_space<hbm>> -> memref<5000x64xi32, #tpu.memory_space<hbm>>
      %dma_wait3A_360 = arith.constant 0 : i32
      %dma_wait3A_361 = tpu.memref_slice %dma_wait3A_359[%add3A_299, %dma_wait3A_360] : memref<5000x64xi32, #tpu.memory_space<hbm>> -> memref<1x64xi32, #tpu.memory_space<hbm>>
      %dma_wait3A_362 = tpu.memref_squeeze %dma_wait3A_361 : memref<1x64xi32, #tpu.memory_space<hbm>> -> memref<64xi32, #tpu.memory_space<hbm>>
      %dma_wait3A_363 = arith.constant 0 : i32
      %dma_wait3A_364 = arith.constant 0 : i32
      %dma_wait3A_365 = tpu.memref_slice %arg3[%arg0, %dma_wait3A_363, %dma_wait3A_364] : memref<2x5000x64xi32, #tpu.memory_space<hbm>> -> memref<1x5000x64xi32, #tpu.memory_space<hbm>>
      %dma_wait3A_366 = tpu.memref_squeeze %dma_wait3A_365 : memref<1x5000x64xi32, #tpu.memory_space<hbm>> -> memref<5000x64xi32, #tpu.memory_space<hbm>>
      %dma_wait3A_367 = arith.constant 0 : i32
      %dma_wait3A_368 = tpu.memref_slice %dma_wait3A_366[%add3A_299, %dma_wait3A_367] : memref<5000x64xi32, #tpu.memory_space<hbm>> -> memref<1x64xi32, #tpu.memory_space<hbm>>
      %dma_wait3A_369 = tpu.memref_squeeze %dma_wait3A_368 : memref<1x64xi32, #tpu.memory_space<hbm>> -> memref<64xi32, #tpu.memory_space<hbm>>
      tpu.wait_dma2 semaphore(%arg32 : memref<!tpu.dma_semaphore, #tpu.memory_space<semaphore_mem>>) src(%dma_wait3A_369 : memref<64xi32, #tpu.memory_space<hbm>>) dst(%arg10 : memref<64xi32, #tpu.memory_space<vmem>>)
      %mul3A_370 = arith.constant 4 : i32
      %mul3A_371 = arith.muli %add3A_299, %mul3A_370 : i32
      %dma_wait3A_372 = arith.constant 0 : i32
      %dma_wait3A_373 = arith.constant 0 : i32
      %dma_wait3A_374 = tpu.memref_slice %arg5[%arg0, %dma_wait3A_372, %dma_wait3A_373] : memref<2x20000x128xf32, #tpu.memory_space<hbm>> -> memref<1x20000x128xf32, #tpu.memory_space<hbm>>
      %dma_wait3A_375 = tpu.memref_squeeze %dma_wait3A_374 : memref<1x20000x128xf32, #tpu.memory_space<hbm>> -> memref<20000x128xf32, #tpu.memory_space<hbm>>
      %dma_wait3A_376 = arith.constant 0 : i32
      %dma_wait3A_377 = tpu.memref_slice %dma_wait3A_375[%mul3A_371, %dma_wait3A_376] : memref<20000x128xf32, #tpu.memory_space<hbm>> -> memref<4x128xf32, #tpu.memory_space<hbm>>
      %dma_wait3A_378 = arith.constant 0 : i32
      %dma_wait3A_379 = arith.constant 0 : i32
      %dma_wait3A_380 = tpu.memref_slice %arg5[%arg0, %dma_wait3A_378, %dma_wait3A_379] : memref<2x20000x128xf32, #tpu.memory_space<hbm>> -> memref<1x20000x128xf32, #tpu.memory_space<hbm>>
      %dma_wait3A_381 = tpu.memref_squeeze %dma_wait3A_380 : memref<1x20000x128xf32, #tpu.memory_space<hbm>> -> memref<20000x128xf32, #tpu.memory_space<hbm>>
      %dma_wait3A_382 = arith.constant 0 : i32
      %dma_wait3A_383 = tpu.memref_slice %dma_wait3A_381[%mul3A_371, %dma_wait3A_382] : memref<20000x128xf32, #tpu.memory_space<hbm>> -> memref<4x128xf32, #tpu.memory_space<hbm>>
      tpu.wait_dma2 semaphore(%arg32 : memref<!tpu.dma_semaphore, #tpu.memory_space<semaphore_mem>>) src(%dma_wait3A_383 : memref<4x128xf32, #tpu.memory_space<hbm>>) dst(%arg11 : memref<4x128xf32, #tpu.memory_space<vmem>>)
      %dma_start3A_384 = arith.constant 0 : i32
      %dma_start3A_385 = arith.constant 0 : i32
      %dma_start3A_386 = tpu.memref_slice %arg4[%arg0, %dma_start3A_384, %dma_start3A_385] : memref<2x10000x16xf32, #tpu.memory_space<hbm>> -> memref<1x10000x16xf32, #tpu.memory_space<hbm>>
      %dma_start3A_387 = tpu.memref_squeeze %dma_start3A_386 : memref<1x10000x16xf32, #tpu.memory_space<hbm>> -> memref<10000x16xf32, #tpu.memory_space<hbm>>
      %dma_start3A_388 = arith.constant 0 : i32
      %dma_start3A_389 = arith.constant 0 : i32
      %dma_start3A_390 = tpu.memref_slice %dma_start3A_387[%dma_start3A_388, %dma_start3A_389] : memref<10000x16xf32, #tpu.memory_space<hbm>> -> memref<10000x16xf32, #tpu.memory_space<hbm>>
      tpu.enqueue_indirect_dma source(%dma_start3A_390 : memref<10000x16xf32, #tpu.memory_space<hbm>>) target(%arg12 : memref<64x16xf32, #tpu.memory_space<vmem>>) offsets(%arg9 : memref<64xi32, #tpu.memory_space<vmem>>) semaphore(%arg32 : memref<!tpu.dma_semaphore, #tpu.memory_space<semaphore_mem>>)
      %dma_start3A_391 = arith.constant 0 : i32
      %dma_start3A_392 = arith.constant 0 : i32
      %dma_start3A_393 = tpu.memref_slice %arg4[%arg0, %dma_start3A_391, %dma_start3A_392] : memref<2x10000x16xf32, #tpu.memory_space<hbm>> -> memref<1x10000x16xf32, #tpu.memory_space<hbm>>
      %dma_start3A_394 = tpu.memref_squeeze %dma_start3A_393 : memref<1x10000x16xf32, #tpu.memory_space<hbm>> -> memref<10000x16xf32, #tpu.memory_space<hbm>>
      %dma_start3A_395 = arith.constant 0 : i32
      %dma_start3A_396 = arith.constant 0 : i32
      %dma_start3A_397 = tpu.memref_slice %dma_start3A_394[%dma_start3A_395, %dma_start3A_396] : memref<10000x16xf32, #tpu.memory_space<hbm>> -> memref<10000x16xf32, #tpu.memory_space<hbm>>
      tpu.enqueue_indirect_dma source(%dma_start3A_397 : memref<10000x16xf32, #tpu.memory_space<hbm>>) target(%arg13 : memref<64x16xf32, #tpu.memory_space<vmem>>) offsets(%arg10 : memref<64xi32, #tpu.memory_space<vmem>>) semaphore(%arg32 : memref<!tpu.dma_semaphore, #tpu.memory_space<semaphore_mem>>)
      %dma_start3A_398 = arith.constant 0 : i32
      %dma_start3A_399 = arith.constant 0 : i32
      %dma_start3A_400 = tpu.memref_slice %arg6[%arg0, %dma_start3A_398, %dma_start3A_399] : memref<2x10000x128xf32, #tpu.memory_space<hbm>> -> memref<1x10000x128xf32, #tpu.memory_space<hbm>>
      %dma_start3A_401 = tpu.memref_squeeze %dma_start3A_400 : memref<1x10000x128xf32, #tpu.memory_space<hbm>> -> memref<10000x128xf32, #tpu.memory_space<hbm>>
      %dma_start3A_402 = arith.constant 0 : i32
      %dma_start3A_403 = arith.constant 0 : i32
      %dma_start3A_404 = tpu.memref_slice %dma_start3A_401[%dma_start3A_402, %dma_start3A_403] : memref<10000x128xf32, #tpu.memory_space<hbm>> -> memref<10000x128xf32, #tpu.memory_space<hbm>>
      tpu.enqueue_indirect_dma source(%dma_start3A_404 : memref<10000x128xf32, #tpu.memory_space<hbm>>) target(%arg15 : memref<64x128xf32, #tpu.memory_space<vmem>>) offsets(%arg9 : memref<64xi32, #tpu.memory_space<vmem>>) semaphore(%arg32 : memref<!tpu.dma_semaphore, #tpu.memory_space<semaphore_mem>>)
      %dma_wait3A_405 = arith.constant 0 : i32
      %dma_wait3A_406 = arith.constant 0 : i32
      %dma_wait3A_407 = tpu.memref_slice %arg4[%arg0, %dma_wait3A_405, %dma_wait3A_406] : memref<2x10000x16xf32, #tpu.memory_space<hbm>> -> memref<1x10000x16xf32, #tpu.memory_space<hbm>>
      %dma_wait3A_408 = tpu.memref_squeeze %dma_wait3A_407 : memref<1x10000x16xf32, #tpu.memory_space<hbm>> -> memref<10000x16xf32, #tpu.memory_space<hbm>>
      %dma_wait3A_409 = arith.constant 0 : i32
      %dma_wait3A_410 = arith.constant 0 : i32
      %dma_wait3A_411 = tpu.memref_slice %dma_wait3A_408[%dma_wait3A_409, %dma_wait3A_410] : memref<10000x16xf32, #tpu.memory_space<hbm>> -> memref<10000x16xf32, #tpu.memory_space<hbm>>
      tpu.wait_indirect_dma semaphore(%arg32 : memref<!tpu.dma_semaphore, #tpu.memory_space<semaphore_mem>>) src(%dma_wait3A_411 : memref<10000x16xf32, #tpu.memory_space<hbm>>) dst(%arg12 : memref<64x16xf32, #tpu.memory_space<vmem>>)
      %dma_wait3A_412 = arith.constant 0 : i32
      %dma_wait3A_413 = arith.constant 0 : i32
      %dma_wait3A_414 = tpu.memref_slice %arg4[%arg0, %dma_wait3A_412, %dma_wait3A_413] : memref<2x10000x16xf32, #tpu.memory_space<hbm>> -> memref<1x10000x16xf32, #tpu.memory_space<hbm>>
      %dma_wait3A_415 = tpu.memref_squeeze %dma_wait3A_414 : memref<1x10000x16xf32, #tpu.memory_space<hbm>> -> memref<10000x16xf32, #tpu.memory_space<hbm>>
      %dma_wait3A_416 = arith.constant 0 : i32
      %dma_wait3A_417 = arith.constant 0 : i32
      %dma_wait3A_418 = tpu.memref_slice %dma_wait3A_415[%dma_wait3A_416, %dma_wait3A_417] : memref<10000x16xf32, #tpu.memory_space<hbm>> -> memref<10000x16xf32, #tpu.memory_space<hbm>>
      tpu.wait_indirect_dma semaphore(%arg32 : memref<!tpu.dma_semaphore, #tpu.memory_space<semaphore_mem>>) src(%dma_wait3A_418 : memref<10000x16xf32, #tpu.memory_space<hbm>>) dst(%arg13 : memref<64x16xf32, #tpu.memory_space<vmem>>)
      %dma_wait3A_419 = arith.constant 0 : i32
      %dma_wait3A_420 = arith.constant 0 : i32
      %dma_wait3A_421 = tpu.memref_slice %arg6[%arg0, %dma_wait3A_419, %dma_wait3A_420] : memref<2x10000x128xf32, #tpu.memory_space<hbm>> -> memref<1x10000x128xf32, #tpu.memory_space<hbm>>
      %dma_wait3A_422 = tpu.memref_squeeze %dma_wait3A_421 : memref<1x10000x128xf32, #tpu.memory_space<hbm>> -> memref<10000x128xf32, #tpu.memory_space<hbm>>
      %dma_wait3A_423 = arith.constant 0 : i32
      %dma_wait3A_424 = arith.constant 0 : i32
      %dma_wait3A_425 = tpu.memref_slice %dma_wait3A_422[%dma_wait3A_423, %dma_wait3A_424] : memref<10000x128xf32, #tpu.memory_space<hbm>> -> memref<10000x128xf32, #tpu.memory_space<hbm>>
      tpu.wait_indirect_dma semaphore(%arg32 : memref<!tpu.dma_semaphore, #tpu.memory_space<semaphore_mem>>) src(%dma_wait3A_425 : memref<10000x128xf32, #tpu.memory_space<hbm>>) dst(%arg15 : memref<64x128xf32, #tpu.memory_space<vmem>>)
      %parallel_loop3A = arith.constant 0 : i32
      %parallel_loop3A_426 = arith.constant 64 : i32
      %parallel_loop3A_427 = arith.constant 1 : i32
      scf.for %parallel_loop3A_440 = %parallel_loop3A to %parallel_loop3A_426 step %parallel_loop3A_427  : i32 {
        %parallel_loop3A_441 = arith.index_cast %parallel_loop3A_440 : i32 to index
        %parallel_loop3A_442 = arith.constant 0 : index
        %parallel_loop3A_443 = tpu.vector_load %arg12[%parallel_loop3A_441, %parallel_loop3A_442] {strides = array<i32>} : memref<64x16xf32, #tpu.memory_space<vmem>>, vector<1x16xf32>,
        %parallel_loop3A_444 = vector.shape_cast %parallel_loop3A_443 : vector<1x16xf32> to vector<16xf32>
        %parallel_loop3A_445 = arith.index_cast %parallel_loop3A_440 : i32 to index
        %parallel_loop3A_446 = arith.constant 0 : index
        %parallel_loop3A_447 = tpu.vector_load %arg13[%parallel_loop3A_445, %parallel_loop3A_446] {strides = array<i32>} : memref<64x16xf32, #tpu.memory_space<vmem>>, vector<1x16xf32>,
        %parallel_loop3A_448 = vector.shape_cast %parallel_loop3A_447 : vector<1x16xf32> to vector<16xf32>
        %parallel_loop3A_449 = arith.constant 0 : i32
        %parallel_loop3A_450 = vector.broadcast %parallel_loop3A_449 : i32 to vector<16xi32>
        %parallel_loop3A_451 = arith.cmpi slt, %and3A_75, %parallel_loop3A_450 : vector<16xi32>
        %parallel_loop3A_452 = arith.constant 16 : i32
        %parallel_loop3A_453 = vector.broadcast %parallel_loop3A_452 : i32 to vector<16xi32>
        %parallel_loop3A_454 = arith.addi %and3A_75, %parallel_loop3A_453 : vector<16xi32>
        %parallel_loop3A_455 = arith.select %parallel_loop3A_451, %parallel_loop3A_454, %and3A_75 : vector<16xi1>, vector<16xi32>
        %parallel_loop3A_456 = vector.shape_cast %parallel_loop3A_455 : vector<16xi32> to vector<16x1xi32>
        %parallel_loop3A_457 = vector.shape_cast %parallel_loop3A_456 : vector<16x1xi32> to vector<16xi32>
        %parallel_loop3A_458 = tpu.dynamic_gather %parallel_loop3A_448[%parallel_loop3A_457] in [0] : vector<16xf32>, vector<16xi32> -> vector<16xf32>
        %parallel_loop3A_459 = arith.constant 15 : i32
        %parallel_loop3A_460 = arith.andi %parallel_loop3A_440, %parallel_loop3A_459 : i32
        %parallel_loop3A_461 = arith.constant 8 : i32
        %parallel_loop3A_462 = arith.muli %parallel_loop3A_460, %parallel_loop3A_461 : i32
        %parallel_loop3A_463 = arith.constant 112 : i32
        %parallel_loop3A_464 = arith.minsi %parallel_loop3A_462, %parallel_loop3A_463 : i32
        %parallel_loop3A_465 = arith.constant 4 : i32
        %parallel_loop3A_466 = arith.shrui %parallel_loop3A_440, %parallel_loop3A_465 : i32
        %parallel_loop3A_467 = arith.index_cast %parallel_loop3A_466 : i32 to index
        %parallel_loop3A_468 = arith.index_cast %parallel_loop3A_464 : i32 to index
        %parallel_loop3A_469 = tpu.vector_load %arg11[%parallel_loop3A_467, %parallel_loop3A_468] {strides = array<i32>} : memref<4x128xf32, #tpu.memory_space<vmem>>, vector<1x16xf32>,
        %parallel_loop3A_470 = vector.shape_cast %parallel_loop3A_469 : vector<1x16xf32> to vector<16xf32>
        %parallel_loop3A_471 = arith.subi %parallel_loop3A_462, %parallel_loop3A_464 : i32
        %parallel_loop3A_472 = vector.broadcast %parallel_loop3A_471 : i32 to vector<16xi32>
        %parallel_loop3A_473 = arith.addi %iota3A, %parallel_loop3A_472 : vector<16xi32>
        %parallel_loop3A_474 = arith.constant 15 : i32
        %parallel_loop3A_475 = vector.broadcast %parallel_loop3A_474 : i32 to vector<16xi32>
        %parallel_loop3A_476 = arith.andi %parallel_loop3A_473, %parallel_loop3A_475 : vector<16xi32>
        %parallel_loop3A_477 = arith.constant 0 : i32
        %parallel_loop3A_478 = vector.broadcast %parallel_loop3A_477 : i32 to vector<16xi32>
        %parallel_loop3A_479 = arith.cmpi slt, %parallel_loop3A_476, %parallel_loop3A_478 : vector<16xi32>
        %parallel_loop3A_480 = arith.constant 16 : i32
        %parallel_loop3A_481 = vector.broadcast %parallel_loop3A_480 : i32 to vector<16xi32>
        %parallel_loop3A_482 = arith.addi %parallel_loop3A_476, %parallel_loop3A_481 : vector<16xi32>
        %parallel_loop3A_483 = arith.select %parallel_loop3A_479, %parallel_loop3A_482, %parallel_loop3A_476 : vector<16xi1>, vector<16xi32>
        %parallel_loop3A_484 = vector.shape_cast %parallel_loop3A_483 : vector<16xi32> to vector<16x1xi32>
        %parallel_loop3A_485 = vector.shape_cast %parallel_loop3A_484 : vector<16x1xi32> to vector<16xi32>
        %parallel_loop3A_486 = tpu.dynamic_gather %parallel_loop3A_470[%parallel_loop3A_485] in [0] : vector<16xf32>, vector<16xi32> -> vector<16xf32>
        %parallel_loop3A_487 = arith.addf %parallel_loop3A_444, %parallel_loop3A_458 : vector<16xf32>
        %parallel_loop3A_488 = arith.addf %parallel_loop3A_487, %parallel_loop3A_486 : vector<16xf32>
        %parallel_loop3A_489 = arith.constant 0.000000e+00 : f32
        %parallel_loop3A_490 = vector.broadcast %parallel_loop3A_489 : f32 to vector<16xf32>
        %parallel_loop3A_491 = arith.cmpf oge, %parallel_loop3A_488, %parallel_loop3A_490 : vector<16xf32>
        %parallel_loop3A_492 = arith.constant 2.000000e-01 : f32
        %parallel_loop3A_493 = vector.broadcast %parallel_loop3A_492 : f32 to vector<16xf32>
        %parallel_loop3A_494 = arith.mulf %parallel_loop3A_493, %parallel_loop3A_488 : vector<16xf32>
        %parallel_loop3A_495 = arith.select %parallel_loop3A_491, %parallel_loop3A_488, %parallel_loop3A_494 : vector<16xi1>, vector<16xf32>
        %parallel_loop3A_496 = math.exp %parallel_loop3A_495 : vector<16xf32>
        %parallel_loop3A_497 = arith.index_cast %parallel_loop3A_440 : i32 to index
        %parallel_loop3A_498 = arith.constant 0 : index
        %parallel_loop3A_499 = tpu.vector_load %arg14[%parallel_loop3A_497, %parallel_loop3A_498] {strides = array<i32>} : memref<64x16xf32, #tpu.memory_space<vmem>>, vector<1x16xf32>,
        %parallel_loop3A_500 = vector.shape_cast %parallel_loop3A_499 : vector<1x16xf32> to vector<16xf32>
        %parallel_loop3A_501 = vector.shape_cast %parallel_loop3A_496 : vector<16xf32> to vector<1x16xf32>
        tpu.vector_store %arg14[%parallel_loop3A_497, %parallel_loop3A_498], %parallel_loop3A_501 {strides = array<i32>} : memref<64x16xf32, #tpu.memory_space<vmem>>, vector<1x16xf32>,
        %parallel_loop3A_502 = arith.constant 0 : i32
        %parallel_loop3A_503 = vector.broadcast %parallel_loop3A_502 : i32 to vector<16xi32>
        %parallel_loop3A_504 = arith.cmpi slt, %broadcast_in_dim3A_77, %parallel_loop3A_503 : vector<16xi32>
        %parallel_loop3A_505 = arith.constant 16 : i32
        %parallel_loop3A_506 = vector.broadcast %parallel_loop3A_505 : i32 to vector<16xi32>
        %parallel_loop3A_507 = arith.addi %broadcast_in_dim3A_77, %parallel_loop3A_506 : vector<16xi32>
        %parallel_loop3A_508 = arith.select %parallel_loop3A_504, %parallel_loop3A_507, %broadcast_in_dim3A_77 : vector<16xi1>, vector<16xi32>
        %parallel_loop3A_509 = vector.shape_cast %parallel_loop3A_508 : vector<16xi32> to vector<16x1xi32>
        %parallel_loop3A_510 = vector.shape_cast %parallel_loop3A_509 : vector<16x1xi32> to vector<16xi32>
        %parallel_loop3A_511 = tpu.dynamic_gather %parallel_loop3A_496[%parallel_loop3A_510] in [0] : vector<16xf32>, vector<16xi32> -> vector<16xf32>
        %parallel_loop3A_512 = arith.index_cast %parallel_loop3A_440 : i32 to index
        %parallel_loop3A_513 = arith.constant 0 : index
        %parallel_loop3A_514 = tpu.vector_load %arg15[%parallel_loop3A_512, %parallel_loop3A_513] {strides = array<i32>} : memref<64x128xf32, #tpu.memory_space<vmem>>, vector<1x16xf32>,
        %parallel_loop3A_515 = vector.shape_cast %parallel_loop3A_514 : vector<1x16xf32> to vector<16xf32>
        %parallel_loop3A_516 = arith.mulf %parallel_loop3A_515, %parallel_loop3A_511 : vector<16xf32>
        %parallel_loop3A_517 = arith.index_cast %parallel_loop3A_440 : i32 to index
        %parallel_loop3A_518 = arith.constant 0 : index
        %parallel_loop3A_519 = tpu.vector_load %arg15[%parallel_loop3A_517, %parallel_loop3A_518] {strides = array<i32>} : memref<64x128xf32, #tpu.memory_space<vmem>>, vector<1x16xf32>,
        %parallel_loop3A_520 = vector.shape_cast %parallel_loop3A_519 : vector<1x16xf32> to vector<16xf32>
        %parallel_loop3A_521 = vector.shape_cast %parallel_loop3A_516 : vector<16xf32> to vector<1x16xf32>
        tpu.vector_store %arg15[%parallel_loop3A_517, %parallel_loop3A_518], %parallel_loop3A_521 {strides = array<i32>} : memref<64x128xf32, #tpu.memory_space<vmem>>, vector<1x16xf32>,
        %parallel_loop3A_522 = arith.constant 0 : i32
        %parallel_loop3A_523 = vector.broadcast %parallel_loop3A_522 : i32 to vector<16xi32>
        %parallel_loop3A_524 = arith.cmpi slt, %broadcast_in_dim3A_79, %parallel_loop3A_523 : vector<16xi32>
        %parallel_loop3A_525 = arith.constant 16 : i32
        %parallel_loop3A_526 = vector.broadcast %parallel_loop3A_525 : i32 to vector<16xi32>
        %parallel_loop3A_527 = arith.addi %broadcast_in_dim3A_79, %parallel_loop3A_526 : vector<16xi32>
        %parallel_loop3A_528 = arith.select %parallel_loop3A_524, %parallel_loop3A_527, %broadcast_in_dim3A_79 : vector<16xi1>, vector<16xi32>
        %parallel_loop3A_529 = vector.shape_cast %parallel_loop3A_528 : vector<16xi32> to vector<16x1xi32>
        %parallel_loop3A_530 = vector.shape_cast %parallel_loop3A_529 : vector<16x1xi32> to vector<16xi32>
        %parallel_loop3A_531 = tpu.dynamic_gather %parallel_loop3A_496[%parallel_loop3A_530] in [0] : vector<16xf32>, vector<16xi32> -> vector<16xf32>
        %parallel_loop3A_532 = arith.index_cast %parallel_loop3A_440 : i32 to index
        %parallel_loop3A_533 = arith.constant 16 : index
        %parallel_loop3A_534 = tpu.vector_load %arg15[%parallel_loop3A_532, %parallel_loop3A_533] {strides = array<i32>} : memref<64x128xf32, #tpu.memory_space<vmem>>, vector<1x16xf32>,
        %parallel_loop3A_535 = vector.shape_cast %parallel_loop3A_534 : vector<1x16xf32> to vector<16xf32>
        %parallel_loop3A_536 = arith.mulf %parallel_loop3A_535, %parallel_loop3A_531 : vector<16xf32>
        %parallel_loop3A_537 = arith.index_cast %parallel_loop3A_440 : i32 to index
        %parallel_loop3A_538 = arith.constant 16 : index
        %parallel_loop3A_539 = tpu.vector_load %arg15[%parallel_loop3A_537, %parallel_loop3A_538] {strides = array<i32>} : memref<64x128xf32, #tpu.memory_space<vmem>>, vector<1x16xf32>,
        %parallel_loop3A_540 = vector.shape_cast %parallel_loop3A_539 : vector<1x16xf32> to vector<16xf32>
        %parallel_loop3A_541 = vector.shape_cast %parallel_loop3A_536 : vector<16xf32> to vector<1x16xf32>
        tpu.vector_store %arg15[%parallel_loop3A_537, %parallel_loop3A_538], %parallel_loop3A_541 {strides = array<i32>} : memref<64x128xf32, #tpu.memory_space<vmem>>, vector<1x16xf32>,
        %parallel_loop3A_542 = arith.constant 0 : i32
        %parallel_loop3A_543 = vector.broadcast %parallel_loop3A_542 : i32 to vector<16xi32>
        %parallel_loop3A_544 = arith.cmpi slt, %broadcast_in_dim3A_81, %parallel_loop3A_543 : vector<16xi32>
        %parallel_loop3A_545 = arith.constant 16 : i32
        %parallel_loop3A_546 = vector.broadcast %parallel_loop3A_545 : i32 to vector<16xi32>
        %parallel_loop3A_547 = arith.addi %broadcast_in_dim3A_81, %parallel_loop3A_546 : vector<16xi32>
        %parallel_loop3A_548 = arith.select %parallel_loop3A_544, %parallel_loop3A_547, %broadcast_in_dim3A_81 : vector<16xi1>, vector<16xi32>
        %parallel_loop3A_549 = vector.shape_cast %parallel_loop3A_548 : vector<16xi32> to vector<16x1xi32>
        %parallel_loop3A_550 = vector.shape_cast %parallel_loop3A_549 : vector<16x1xi32> to vector<16xi32>
        %parallel_loop3A_551 = tpu.dynamic_gather %parallel_loop3A_496[%parallel_loop3A_550] in [0] : vector<16xf32>, vector<16xi32> -> vector<16xf32>
        %parallel_loop3A_552 = arith.index_cast %parallel_loop3A_440 : i32 to index
        %parallel_loop3A_553 = arith.constant 32 : index
        %parallel_loop3A_554 = tpu.vector_load %arg15[%parallel_loop3A_552, %parallel_loop3A_553] {strides = array<i32>} : memref<64x128xf32, #tpu.memory_space<vmem>>, vector<1x16xf32>,
        %parallel_loop3A_555 = vector.shape_cast %parallel_loop3A_554 : vector<1x16xf32> to vector<16xf32>
        %parallel_loop3A_556 = arith.mulf %parallel_loop3A_555, %parallel_loop3A_551 : vector<16xf32>
        %parallel_loop3A_557 = arith.index_cast %parallel_loop3A_440 : i32 to index
        %parallel_loop3A_558 = arith.constant 32 : index
        %parallel_loop3A_559 = tpu.vector_load %arg15[%parallel_loop3A_557, %parallel_loop3A_558] {strides = array<i32>} : memref<64x128xf32, #tpu.memory_space<vmem>>, vector<1x16xf32>,
        %parallel_loop3A_560 = vector.shape_cast %parallel_loop3A_559 : vector<1x16xf32> to vector<16xf32>
        %parallel_loop3A_561 = vector.shape_cast %parallel_loop3A_556 : vector<16xf32> to vector<1x16xf32>
        tpu.vector_store %arg15[%parallel_loop3A_557, %parallel_loop3A_558], %parallel_loop3A_561 {strides = array<i32>} : memref<64x128xf32, #tpu.memory_space<vmem>>, vector<1x16xf32>,
        %parallel_loop3A_562 = arith.constant 0 : i32
        %parallel_loop3A_563 = vector.broadcast %parallel_loop3A_562 : i32 to vector<16xi32>
        %parallel_loop3A_564 = arith.cmpi slt, %broadcast_in_dim3A_83, %parallel_loop3A_563 : vector<16xi32>
        %parallel_loop3A_565 = arith.constant 16 : i32
        %parallel_loop3A_566 = vector.broadcast %parallel_loop3A_565 : i32 to vector<16xi32>
        %parallel_loop3A_567 = arith.addi %broadcast_in_dim3A_83, %parallel_loop3A_566 : vector<16xi32>
        %parallel_loop3A_568 = arith.select %parallel_loop3A_564, %parallel_loop3A_567, %broadcast_in_dim3A_83 : vector<16xi1>, vector<16xi32>
        %parallel_loop3A_569 = vector.shape_cast %parallel_loop3A_568 : vector<16xi32> to vector<16x1xi32>
        %parallel_loop3A_570 = vector.shape_cast %parallel_loop3A_569 : vector<16x1xi32> to vector<16xi32>
        %parallel_loop3A_571 = tpu.dynamic_gather %parallel_loop3A_496[%parallel_loop3A_570] in [0] : vector<16xf32>, vector<16xi32> -> vector<16xf32>
        %parallel_loop3A_572 = arith.index_cast %parallel_loop3A_440 : i32 to index
        %parallel_loop3A_573 = arith.constant 48 : index
        %parallel_loop3A_574 = tpu.vector_load %arg15[%parallel_loop3A_572, %parallel_loop3A_573] {strides = array<i32>} : memref<64x128xf32, #tpu.memory_space<vmem>>, vector<1x16xf32>,
        %parallel_loop3A_575 = vector.shape_cast %parallel_loop3A_574 : vector<1x16xf32> to vector<16xf32>
        %parallel_loop3A_576 = arith.mulf %parallel_loop3A_575, %parallel_loop3A_571 : vector<16xf32>
        %parallel_loop3A_577 = arith.index_cast %parallel_loop3A_440 : i32 to index
        %parallel_loop3A_578 = arith.constant 48 : index
        %parallel_loop3A_579 = tpu.vector_load %arg15[%parallel_loop3A_577, %parallel_loop3A_578] {strides = array<i32>} : memref<64x128xf32, #tpu.memory_space<vmem>>, vector<1x16xf32>,
        %parallel_loop3A_580 = vector.shape_cast %parallel_loop3A_579 : vector<1x16xf32> to vector<16xf32>
        %parallel_loop3A_581 = vector.shape_cast %parallel_loop3A_576 : vector<16xf32> to vector<1x16xf32>
        tpu.vector_store %arg15[%parallel_loop3A_577, %parallel_loop3A_578], %parallel_loop3A_581 {strides = array<i32>} : memref<64x128xf32, #tpu.memory_space<vmem>>, vector<1x16xf32>,
        %parallel_loop3A_582 = arith.constant 0 : i32
        %parallel_loop3A_583 = vector.broadcast %parallel_loop3A_582 : i32 to vector<16xi32>
        %parallel_loop3A_584 = arith.cmpi slt, %broadcast_in_dim3A_85, %parallel_loop3A_583 : vector<16xi32>
        %parallel_loop3A_585 = arith.constant 16 : i32
        %parallel_loop3A_586 = vector.broadcast %parallel_loop3A_585 : i32 to vector<16xi32>
        %parallel_loop3A_587 = arith.addi %broadcast_in_dim3A_85, %parallel_loop3A_586 : vector<16xi32>
        %parallel_loop3A_588 = arith.select %parallel_loop3A_584, %parallel_loop3A_587, %broadcast_in_dim3A_85 : vector<16xi1>, vector<16xi32>
        %parallel_loop3A_589 = vector.shape_cast %parallel_loop3A_588 : vector<16xi32> to vector<16x1xi32>
        %parallel_loop3A_590 = vector.shape_cast %parallel_loop3A_589 : vector<16x1xi32> to vector<16xi32>
        %parallel_loop3A_591 = tpu.dynamic_gather %parallel_loop3A_496[%parallel_loop3A_590] in [0] : vector<16xf32>, vector<16xi32> -> vector<16xf32>
        %parallel_loop3A_592 = arith.index_cast %parallel_loop3A_440 : i32 to index
        %parallel_loop3A_593 = arith.constant 64 : index
        %parallel_loop3A_594 = tpu.vector_load %arg15[%parallel_loop3A_592, %parallel_loop3A_593] {strides = array<i32>} : memref<64x128xf32, #tpu.memory_space<vmem>>, vector<1x16xf32>,
        %parallel_loop3A_595 = vector.shape_cast %parallel_loop3A_594 : vector<1x16xf32> to vector<16xf32>
        %parallel_loop3A_596 = arith.mulf %parallel_loop3A_595, %parallel_loop3A_591 : vector<16xf32>
        %parallel_loop3A_597 = arith.index_cast %parallel_loop3A_440 : i32 to index
        %parallel_loop3A_598 = arith.constant 64 : index
        %parallel_loop3A_599 = tpu.vector_load %arg15[%parallel_loop3A_597, %parallel_loop3A_598] {strides = array<i32>} : memref<64x128xf32, #tpu.memory_space<vmem>>, vector<1x16xf32>,
        %parallel_loop3A_600 = vector.shape_cast %parallel_loop3A_599 : vector<1x16xf32> to vector<16xf32>
        %parallel_loop3A_601 = vector.shape_cast %parallel_loop3A_596 : vector<16xf32> to vector<1x16xf32>
        tpu.vector_store %arg15[%parallel_loop3A_597, %parallel_loop3A_598], %parallel_loop3A_601 {strides = array<i32>} : memref<64x128xf32, #tpu.memory_space<vmem>>, vector<1x16xf32>,
        %parallel_loop3A_602 = arith.constant 0 : i32
        %parallel_loop3A_603 = vector.broadcast %parallel_loop3A_602 : i32 to vector<16xi32>
        %parallel_loop3A_604 = arith.cmpi slt, %broadcast_in_dim3A_87, %parallel_loop3A_603 : vector<16xi32>
        %parallel_loop3A_605 = arith.constant 16 : i32
        %parallel_loop3A_606 = vector.broadcast %parallel_loop3A_605 : i32 to vector<16xi32>
        %parallel_loop3A_607 = arith.addi %broadcast_in_dim3A_87, %parallel_loop3A_606 : vector<16xi32>
        %parallel_loop3A_608 = arith.select %parallel_loop3A_604, %parallel_loop3A_607, %broadcast_in_dim3A_87 : vector<16xi1>, vector<16xi32>
        %parallel_loop3A_609 = vector.shape_cast %parallel_loop3A_608 : vector<16xi32> to vector<16x1xi32>
        %parallel_loop3A_610 = vector.shape_cast %parallel_loop3A_609 : vector<16x1xi32> to vector<16xi32>
        %parallel_loop3A_611 = tpu.dynamic_gather %parallel_loop3A_496[%parallel_loop3A_610] in [0] : vector<16xf32>, vector<16xi32> -> vector<16xf32>
        %parallel_loop3A_612 = arith.index_cast %parallel_loop3A_440 : i32 to index
        %parallel_loop3A_613 = arith.constant 80 : index
        %parallel_loop3A_614 = tpu.vector_load %arg15[%parallel_loop3A_612, %parallel_loop3A_613] {strides = array<i32>} : memref<64x128xf32, #tpu.memory_space<vmem>>, vector<1x16xf32>,
        %parallel_loop3A_615 = vector.shape_cast %parallel_loop3A_614 : vector<1x16xf32> to vector<16xf32>
        %parallel_loop3A_616 = arith.mulf %parallel_loop3A_615, %parallel_loop3A_611 : vector<16xf32>
        %parallel_loop3A_617 = arith.index_cast %parallel_loop3A_440 : i32 to index
        %parallel_loop3A_618 = arith.constant 80 : index
        %parallel_loop3A_619 = tpu.vector_load %arg15[%parallel_loop3A_617, %parallel_loop3A_618] {strides = array<i32>} : memref<64x128xf32, #tpu.memory_space<vmem>>, vector<1x16xf32>,
        %parallel_loop3A_620 = vector.shape_cast %parallel_loop3A_619 : vector<1x16xf32> to vector<16xf32>
        %parallel_loop3A_621 = vector.shape_cast %parallel_loop3A_616 : vector<16xf32> to vector<1x16xf32>
        tpu.vector_store %arg15[%parallel_loop3A_617, %parallel_loop3A_618], %parallel_loop3A_621 {strides = array<i32>} : memref<64x128xf32, #tpu.memory_space<vmem>>, vector<1x16xf32>,
        %parallel_loop3A_622 = arith.constant 0 : i32
        %parallel_loop3A_623 = vector.broadcast %parallel_loop3A_622 : i32 to vector<16xi32>
        %parallel_loop3A_624 = arith.cmpi slt, %broadcast_in_dim3A_89, %parallel_loop3A_623 : vector<16xi32>
        %parallel_loop3A_625 = arith.constant 16 : i32
        %parallel_loop3A_626 = vector.broadcast %parallel_loop3A_625 : i32 to vector<16xi32>
        %parallel_loop3A_627 = arith.addi %broadcast_in_dim3A_89, %parallel_loop3A_626 : vector<16xi32>
        %parallel_loop3A_628 = arith.select %parallel_loop3A_624, %parallel_loop3A_627, %broadcast_in_dim3A_89 : vector<16xi1>, vector<16xi32>
        %parallel_loop3A_629 = vector.shape_cast %parallel_loop3A_628 : vector<16xi32> to vector<16x1xi32>
        %parallel_loop3A_630 = vector.shape_cast %parallel_loop3A_629 : vector<16x1xi32> to vector<16xi32>
        %parallel_loop3A_631 = tpu.dynamic_gather %parallel_loop3A_496[%parallel_loop3A_630] in [0] : vector<16xf32>, vector<16xi32> -> vector<16xf32>
        %parallel_loop3A_632 = arith.index_cast %parallel_loop3A_440 : i32 to index
        %parallel_loop3A_633 = arith.constant 96 : index
        %parallel_loop3A_634 = tpu.vector_load %arg15[%parallel_loop3A_632, %parallel_loop3A_633] {strides = array<i32>} : memref<64x128xf32, #tpu.memory_space<vmem>>, vector<1x16xf32>,
        %parallel_loop3A_635 = vector.shape_cast %parallel_loop3A_634 : vector<1x16xf32> to vector<16xf32>
        %parallel_loop3A_636 = arith.mulf %parallel_loop3A_635, %parallel_loop3A_631 : vector<16xf32>
        %parallel_loop3A_637 = arith.index_cast %parallel_loop3A_440 : i32 to index
        %parallel_loop3A_638 = arith.constant 96 : index
        %parallel_loop3A_639 = tpu.vector_load %arg15[%parallel_loop3A_637, %parallel_loop3A_638] {strides = array<i32>} : memref<64x128xf32, #tpu.memory_space<vmem>>, vector<1x16xf32>,
        %parallel_loop3A_640 = vector.shape_cast %parallel_loop3A_639 : vector<1x16xf32> to vector<16xf32>
        %parallel_loop3A_641 = vector.shape_cast %parallel_loop3A_636 : vector<16xf32> to vector<1x16xf32>
        tpu.vector_store %arg15[%parallel_loop3A_637, %parallel_loop3A_638], %parallel_loop3A_641 {strides = array<i32>} : memref<64x128xf32, #tpu.memory_space<vmem>>, vector<1x16xf32>,
        %parallel_loop3A_642 = arith.constant 0 : i32
        %parallel_loop3A_643 = vector.broadcast %parallel_loop3A_642 : i32 to vector<16xi32>
        %parallel_loop3A_644 = arith.cmpi slt, %broadcast_in_dim3A_91, %parallel_loop3A_643 : vector<16xi32>
        %parallel_loop3A_645 = arith.constant 16 : i32
        %parallel_loop3A_646 = vector.broadcast %parallel_loop3A_645 : i32 to vector<16xi32>
        %parallel_loop3A_647 = arith.addi %broadcast_in_dim3A_91, %parallel_loop3A_646 : vector<16xi32>
        %parallel_loop3A_648 = arith.select %parallel_loop3A_644, %parallel_loop3A_647, %broadcast_in_dim3A_91 : vector<16xi1>, vector<16xi32>
        %parallel_loop3A_649 = vector.shape_cast %parallel_loop3A_648 : vector<16xi32> to vector<16x1xi32>
        %parallel_loop3A_650 = vector.shape_cast %parallel_loop3A_649 : vector<16x1xi32> to vector<16xi32>
        %parallel_loop3A_651 = tpu.dynamic_gather %parallel_loop3A_496[%parallel_loop3A_650] in [0] : vector<16xf32>, vector<16xi32> -> vector<16xf32>
        %parallel_loop3A_652 = arith.index_cast %parallel_loop3A_440 : i32 to index
        %parallel_loop3A_653 = arith.constant 112 : index
        %parallel_loop3A_654 = tpu.vector_load %arg15[%parallel_loop3A_652, %parallel_loop3A_653] {strides = array<i32>} : memref<64x128xf32, #tpu.memory_space<vmem>>, vector<1x16xf32>,
        %parallel_loop3A_655 = vector.shape_cast %parallel_loop3A_654 : vector<1x16xf32> to vector<16xf32>
        %parallel_loop3A_656 = arith.mulf %parallel_loop3A_655, %parallel_loop3A_651 : vector<16xf32>
        %parallel_loop3A_657 = arith.index_cast %parallel_loop3A_440 : i32 to index
        %parallel_loop3A_658 = arith.constant 112 : index
        %parallel_loop3A_659 = tpu.vector_load %arg15[%parallel_loop3A_657, %parallel_loop3A_658] {strides = array<i32>} : memref<64x128xf32, #tpu.memory_space<vmem>>, vector<1x16xf32>,
        %parallel_loop3A_660 = vector.shape_cast %parallel_loop3A_659 : vector<1x16xf32> to vector<16xf32>
        %parallel_loop3A_661 = vector.shape_cast %parallel_loop3A_656 : vector<16xf32> to vector<1x16xf32>
        tpu.vector_store %arg15[%parallel_loop3A_657, %parallel_loop3A_658], %parallel_loop3A_661 {strides = array<i32>} : memref<64x128xf32, #tpu.memory_space<vmem>>, vector<1x16xf32>,
      } {sc.loop_unroll_factor = 4 : i64, sc.parallel_access}
      %dma_start3A_428 = arith.constant 0 : i32
      %dma_start3A_429 = arith.constant 0 : i32
      %dma_start3A_430 = tpu.memref_slice %arg31[%dma_start3A_428, %dma_start3A_429] : memref<10000x16xf32, #tpu.memory_space<vmem_shared>> -> memref<10000x16xf32, #tpu.memory_space<vmem_shared>>
      tpu.enqueue_indirect_dma source(%arg14 : memref<64x16xf32, #tpu.memory_space<vmem>>) target(%dma_start3A_430 : memref<10000x16xf32, #tpu.memory_space<vmem_shared>>) offsets(%arg10 : memref<64xi32, #tpu.memory_space<vmem>>) semaphore(%arg32 : memref<!tpu.dma_semaphore, #tpu.memory_space<semaphore_mem>>) {add = true}
      %dma_start3A_431 = arith.constant 0 : i32
      %dma_start3A_432 = arith.constant 0 : i32
      %dma_start3A_433 = tpu.memref_slice %arg30[%dma_start3A_431, %dma_start3A_432] : memref<10000x128xf32, #tpu.memory_space<vmem_shared>> -> memref<10000x128xf32, #tpu.memory_space<vmem_shared>>
      tpu.enqueue_indirect_dma source(%arg15 : memref<64x128xf32, #tpu.memory_space<vmem>>) target(%dma_start3A_433 : memref<10000x128xf32, #tpu.memory_space<vmem_shared>>) offsets(%arg10 : memref<64xi32, #tpu.memory_space<vmem>>) semaphore(%arg32 : memref<!tpu.dma_semaphore, #tpu.memory_space<semaphore_mem>>) {add = true}
      %dma_wait3A_434 = arith.constant 0 : i32
      %dma_wait3A_435 = arith.constant 0 : i32
      %dma_wait3A_436 = tpu.memref_slice %arg31[%dma_wait3A_434, %dma_wait3A_435] : memref<10000x16xf32, #tpu.memory_space<vmem_shared>> -> memref<10000x16xf32, #tpu.memory_space<vmem_shared>>
      tpu.wait_indirect_dma semaphore(%arg32 : memref<!tpu.dma_semaphore, #tpu.memory_space<semaphore_mem>>) src(%arg14 : memref<64x16xf32, #tpu.memory_space<vmem>>) dst(%dma_wait3A_436 : memref<10000x16xf32, #tpu.memory_space<vmem_shared>>)
      %dma_wait3A_437 = arith.constant 0 : i32
      %dma_wait3A_438 = arith.constant 0 : i32
      %dma_wait3A_439 = tpu.memref_slice %arg30[%dma_wait3A_437, %dma_wait3A_438] : memref<10000x128xf32, #tpu.memory_space<vmem_shared>> -> memref<10000x128xf32, #tpu.memory_space<vmem_shared>>
      tpu.wait_indirect_dma semaphore(%arg32 : memref<!tpu.dma_semaphore, #tpu.memory_space<semaphore_mem>>) src(%arg15 : memref<64x128xf32, #tpu.memory_space<vmem>>) dst(%dma_wait3A_439 : memref<10000x128xf32, #tpu.memory_space<vmem_shared>>)
    } else {
    }
    %barrier3A_254 = arith.constant 0 : index
    tpu.barrier barrier_id(%barrier3A_254)
    %mul3A_255 = arith.constant 624 : i32
    %mul3A_256 = arith.muli %arg1, %mul3A_255 : i32
    %dma_start3A_257 = arith.constant 0 : i32
    %dma_start3A_258 = arith.constant 0 : i32
    %dma_start3A_259 = tpu.memref_slice %arg7[%arg0, %dma_start3A_257, %dma_start3A_258] : memref<2x10000x128xf32, #tpu.memory_space<hbm>> -> memref<1x10000x128xf32, #tpu.memory_space<hbm>>
    %dma_start3A_260 = tpu.memref_squeeze %dma_start3A_259 : memref<1x10000x128xf32, #tpu.memory_space<hbm>> -> memref<10000x128xf32, #tpu.memory_space<hbm>>
    %dma_start3A_261 = arith.constant 0 : i32
    %dma_start3A_262 = tpu.memref_slice %dma_start3A_260[%mul3A_256, %dma_start3A_261] : memref<10000x128xf32, #tpu.memory_space<hbm>> -> memref<624x128xf32, #tpu.memory_space<hbm>>
    %dma_start3A_263 = arith.constant 0 : i32
    %dma_start3A_264 = tpu.memref_slice %arg30[%mul3A_256, %dma_start3A_263] : memref<10000x128xf32, #tpu.memory_space<vmem_shared>> -> memref<624x128xf32, #tpu.memory_space<vmem_shared>>
    tpu.enqueue_dma source(%dma_start3A_264 : memref<624x128xf32, #tpu.memory_space<vmem_shared>>) target(%dma_start3A_262 : memref<624x128xf32, #tpu.memory_space<hbm>>) target_semaphore(%arg35 : memref<!tpu.dma_semaphore, #tpu.memory_space<semaphore_mem>>)
    %dma_start3A_265 = arith.constant 0 : i32
    %dma_start3A_266 = arith.constant 0 : i32
    %dma_start3A_267 = tpu.memref_slice %arg8[%arg0, %dma_start3A_265, %dma_start3A_266] : memref<2x10000x16xf32, #tpu.memory_space<hbm>> -> memref<1x10000x16xf32, #tpu.memory_space<hbm>>
    %dma_start3A_268 = tpu.memref_squeeze %dma_start3A_267 : memref<1x10000x16xf32, #tpu.memory_space<hbm>> -> memref<10000x16xf32, #tpu.memory_space<hbm>>
    %dma_start3A_269 = arith.constant 0 : i32
    %dma_start3A_270 = tpu.memref_slice %dma_start3A_268[%mul3A_256, %dma_start3A_269] : memref<10000x16xf32, #tpu.memory_space<hbm>> -> memref<624x16xf32, #tpu.memory_space<hbm>>
    %dma_start3A_271 = arith.constant 0 : i32
    %dma_start3A_272 = tpu.memref_slice %arg31[%mul3A_256, %dma_start3A_271] : memref<10000x16xf32, #tpu.memory_space<vmem_shared>> -> memref<624x16xf32, #tpu.memory_space<vmem_shared>>
    tpu.enqueue_dma source(%dma_start3A_272 : memref<624x16xf32, #tpu.memory_space<vmem_shared>>) target(%dma_start3A_270 : memref<624x16xf32, #tpu.memory_space<hbm>>) target_semaphore(%arg35 : memref<!tpu.dma_semaphore, #tpu.memory_space<semaphore_mem>>)
    %eq3A = arith.constant 0 : i32
    %eq3A_273 = arith.cmpi eq, %arg1, %eq3A : i32
    %convert_element_type3A_274 = arith.extui %eq3A_273 : i1 to i32
    %cond3A_275 = arith.constant 0 : i32
    %cond3A_276 = arith.cmpi ne, %convert_element_type3A_274, %cond3A_275 : i32
    scf.if %cond3A_276 {
      %dma_start3A_298 = arith.constant 0 : i32
      %dma_start3A_299 = arith.constant 0 : i32
      %dma_start3A_300 = tpu.memref_slice %arg7[%arg0, %dma_start3A_298, %dma_start3A_299] : memref<2x10000x128xf32, #tpu.memory_space<hbm>> -> memref<1x10000x128xf32, #tpu.memory_space<hbm>>
      %dma_start3A_301 = tpu.memref_squeeze %dma_start3A_300 : memref<1x10000x128xf32, #tpu.memory_space<hbm>> -> memref<10000x128xf32, #tpu.memory_space<hbm>>
      %dma_start3A_302 = arith.constant 9984 : i32
      %dma_start3A_303 = arith.constant 0 : i32
      %dma_start3A_304 = tpu.memref_slice %dma_start3A_301[%dma_start3A_302, %dma_start3A_303] : memref<10000x128xf32, #tpu.memory_space<hbm>> -> memref<16x128xf32, #tpu.memory_space<hbm>>
      %dma_start3A_305 = arith.constant 9984 : i32
      %dma_start3A_306 = arith.constant 0 : i32
      %dma_start3A_307 = tpu.memref_slice %arg30[%dma_start3A_305, %dma_start3A_306] : memref<10000x128xf32, #tpu.memory_space<vmem_shared>> -> memref<16x128xf32, #tpu.memory_space<vmem_shared>>
      tpu.enqueue_dma source(%dma_start3A_307 : memref<16x128xf32, #tpu.memory_space<vmem_shared>>) target(%dma_start3A_304 : memref<16x128xf32, #tpu.memory_space<hbm>>) target_semaphore(%arg35 : memref<!tpu.dma_semaphore, #tpu.memory_space<semaphore_mem>>)
      %dma_start3A_308 = arith.constant 0 : i32
      %dma_start3A_309 = arith.constant 0 : i32
      %dma_start3A_310 = tpu.memref_slice %arg8[%arg0, %dma_start3A_308, %dma_start3A_309] : memref<2x10000x16xf32, #tpu.memory_space<hbm>> -> memref<1x10000x16xf32, #tpu.memory_space<hbm>>
      %dma_start3A_311 = tpu.memref_squeeze %dma_start3A_310 : memref<1x10000x16xf32, #tpu.memory_space<hbm>> -> memref<10000x16xf32, #tpu.memory_space<hbm>>
      %dma_start3A_312 = arith.constant 9984 : i32
      %dma_start3A_313 = arith.constant 0 : i32
      %dma_start3A_314 = tpu.memref_slice %dma_start3A_311[%dma_start3A_312, %dma_start3A_313] : memref<10000x16xf32, #tpu.memory_space<hbm>> -> memref<16x16xf32, #tpu.memory_space<hbm>>
      %dma_start3A_315 = arith.constant 9984 : i32
      %dma_start3A_316 = arith.constant 0 : i32
      %dma_start3A_317 = tpu.memref_slice %arg31[%dma_start3A_315, %dma_start3A_316] : memref<10000x16xf32, #tpu.memory_space<vmem_shared>> -> memref<16x16xf32, #tpu.memory_space<vmem_shared>>
      tpu.enqueue_dma source(%dma_start3A_317 : memref<16x16xf32, #tpu.memory_space<vmem_shared>>) target(%dma_start3A_314 : memref<16x16xf32, #tpu.memory_space<hbm>>) target_semaphore(%arg35 : memref<!tpu.dma_semaphore, #tpu.memory_space<semaphore_mem>>)
    } else {
    }
    %dma_wait3A_277 = arith.constant 0 : i32
    %dma_wait3A_278 = arith.constant 0 : i32
    %dma_wait3A_279 = tpu.memref_slice %arg7[%arg0, %dma_wait3A_277, %dma_wait3A_278] : memref<2x10000x128xf32, #tpu.memory_space<hbm>> -> memref<1x10000x128xf32, #tpu.memory_space<hbm>>
    %dma_wait3A_280 = tpu.memref_squeeze %dma_wait3A_279 : memref<1x10000x128xf32, #tpu.memory_space<hbm>> -> memref<10000x128xf32, #tpu.memory_space<hbm>>
    %dma_wait3A_281 = arith.constant 0 : i32
    %dma_wait3A_282 = tpu.memref_slice %dma_wait3A_280[%mul3A_256, %dma_wait3A_281] : memref<10000x128xf32, #tpu.memory_space<hbm>> -> memref<624x128xf32, #tpu.memory_space<hbm>>
    %dma_wait3A_283 = arith.constant 0 : i32
    %dma_wait3A_284 = tpu.memref_slice %arg30[%mul3A_256, %dma_wait3A_283] : memref<10000x128xf32, #tpu.memory_space<vmem_shared>> -> memref<624x128xf32, #tpu.memory_space<vmem_shared>>
    tpu.wait_dma2 semaphore(%arg35 : memref<!tpu.dma_semaphore, #tpu.memory_space<semaphore_mem>>) src(%dma_wait3A_284 : memref<624x128xf32, #tpu.memory_space<vmem_shared>>) dst(%dma_wait3A_282 : memref<624x128xf32, #tpu.memory_space<hbm>>)
    %dma_wait3A_285 = arith.constant 0 : i32
    %dma_wait3A_286 = arith.constant 0 : i32
    %dma_wait3A_287 = tpu.memref_slice %arg8[%arg0, %dma_wait3A_285, %dma_wait3A_286] : memref<2x10000x16xf32, #tpu.memory_space<hbm>> -> memref<1x10000x16xf32, #tpu.memory_space<hbm>>
    %dma_wait3A_288 = tpu.memref_squeeze %dma_wait3A_287 : memref<1x10000x16xf32, #tpu.memory_space<hbm>> -> memref<10000x16xf32, #tpu.memory_space<hbm>>
    %dma_wait3A_289 = arith.constant 0 : i32
    %dma_wait3A_290 = tpu.memref_slice %dma_wait3A_288[%mul3A_256, %dma_wait3A_289] : memref<10000x16xf32, #tpu.memory_space<hbm>> -> memref<624x16xf32, #tpu.memory_space<hbm>>
    %dma_wait3A_291 = arith.constant 0 : i32
    %dma_wait3A_292 = tpu.memref_slice %arg31[%mul3A_256, %dma_wait3A_291] : memref<10000x16xf32, #tpu.memory_space<vmem_shared>> -> memref<624x16xf32, #tpu.memory_space<vmem_shared>>
    tpu.wait_dma2 semaphore(%arg35 : memref<!tpu.dma_semaphore, #tpu.memory_space<semaphore_mem>>) src(%dma_wait3A_292 : memref<624x16xf32, #tpu.memory_space<vmem_shared>>) dst(%dma_wait3A_290 : memref<624x16xf32, #tpu.memory_space<hbm>>)
    %eq3A_293 = arith.constant 0 : i32
    %eq3A_294 = arith.cmpi eq, %arg1, %eq3A_293 : i32
    %convert_element_type3A_295 = arith.extui %eq3A_294 : i1 to i32
    %cond3A_296 = arith.constant 0 : i32
    %cond3A_297 = arith.cmpi ne, %convert_element_type3A_295, %cond3A_296 : i32
    scf.if %cond3A_297 {
      %dma_wait3A_298 = arith.constant 0 : i32
      %dma_wait3A_299 = arith.constant 0 : i32
      %dma_wait3A_300 = tpu.memref_slice %arg7[%arg0, %dma_wait3A_298, %dma_wait3A_299] : memref<2x10000x128xf32, #tpu.memory_space<hbm>> -> memref<1x10000x128xf32, #tpu.memory_space<hbm>>
      %dma_wait3A_301 = tpu.memref_squeeze %dma_wait3A_300 : memref<1x10000x128xf32, #tpu.memory_space<hbm>> -> memref<10000x128xf32, #tpu.memory_space<hbm>>
      %dma_wait3A_302 = arith.constant 9984 : i32
      %dma_wait3A_303 = arith.constant 0 : i32
      %dma_wait3A_304 = tpu.memref_slice %dma_wait3A_301[%dma_wait3A_302, %dma_wait3A_303] : memref<10000x128xf32, #tpu.memory_space<hbm>> -> memref<16x128xf32, #tpu.memory_space<hbm>>
      %dma_wait3A_305 = arith.constant 9984 : i32
      %dma_wait3A_306 = arith.constant 0 : i32
      %dma_wait3A_307 = tpu.memref_slice %arg30[%dma_wait3A_305, %dma_wait3A_306] : memref<10000x128xf32, #tpu.memory_space<vmem_shared>> -> memref<16x128xf32, #tpu.memory_space<vmem_shared>>
      tpu.wait_dma2 semaphore(%arg35 : memref<!tpu.dma_semaphore, #tpu.memory_space<semaphore_mem>>) src(%dma_wait3A_307 : memref<16x128xf32, #tpu.memory_space<vmem_shared>>) dst(%dma_wait3A_304 : memref<16x128xf32, #tpu.memory_space<hbm>>)
      %dma_wait3A_308 = arith.constant 0 : i32
      %dma_wait3A_309 = arith.constant 0 : i32
      %dma_wait3A_310 = tpu.memref_slice %arg8[%arg0, %dma_wait3A_308, %dma_wait3A_309] : memref<2x10000x16xf32, #tpu.memory_space<hbm>> -> memref<1x10000x16xf32, #tpu.memory_space<hbm>>
      %dma_wait3A_311 = tpu.memref_squeeze %dma_wait3A_310 : memref<1x10000x16xf32, #tpu.memory_space<hbm>> -> memref<10000x16xf32, #tpu.memory_space<hbm>>
      %dma_wait3A_312 = arith.constant 9984 : i32
      %dma_wait3A_313 = arith.constant 0 : i32
      %dma_wait3A_314 = tpu.memref_slice %dma_wait3A_311[%dma_wait3A_312, %dma_wait3A_313] : memref<10000x16xf32, #tpu.memory_space<hbm>> -> memref<16x16xf32, #tpu.memory_space<hbm>>
      %dma_wait3A_315 = arith.constant 9984 : i32
      %dma_wait3A_316 = arith.constant 0 : i32
      %dma_wait3A_317 = tpu.memref_slice %arg31[%dma_wait3A_315, %dma_wait3A_316] : memref<10000x16xf32, #tpu.memory_space<vmem_shared>> -> memref<16x16xf32, #tpu.memory_space<vmem_shared>>
      tpu.wait_dma2 semaphore(%arg35 : memref<!tpu.dma_semaphore, #tpu.memory_space<semaphore_mem>>) src(%dma_wait3A_317 : memref<16x16xf32, #tpu.memory_space<vmem_shared>>) dst(%dma_wait3A_314 : memref<16x16xf32, #tpu.memory_space<hbm>>)
    } else {
    }
    return
  }
}

module attributes {stable_mosaic.version = 14 : i64} {
  func.func @pre_body(%arg0: i32, %arg1: memref<1000x128xf32, #tpu.memory_space<vmem>>, %arg2: memref<2000x256xf32, #tpu.memory_space<vmem>>, %arg3: memref<128x128xf32, #tpu.memory_space<vmem>>, %arg4: memref<128x128xf32, #tpu.memory_space<vmem>>, %arg5: memref<128x32xf32, #tpu.memory_space<vmem>>, %arg6: memref<256x128xf32, #tpu.memory_space<vmem>>, %arg7: memref<256x128xf32, #tpu.memory_space<vmem>>, %arg8: memref<2x1000x128xf32, #tpu.memory_space<vmem>>, %arg9: memref<2x1000x16xf32, #tpu.memory_space<vmem>>, %arg10: memref<2x2000x128xf32, #tpu.memory_space<vmem>>) attributes {dimension_semantics = [#tpu.dimension_semantics<arbitrary>], iteration_bounds = array<i64: 10>, scalar_prefetch = 0 : i64, scratch_operands = 0 : i64, tpu.core_type = #tpu.core_type<tc>, window_params = [{transform_indices = @transform_0, window_bounds = array<i64: 1000, 128>}, {transform_indices = @transform_1, window_bounds = array<i64: 2000, 256>}, {pipeline_mode = #tpu.pipeline_mode<synchronous>, transform_indices = @transform_2, window_bounds = array<i64: 128, 128>}, {pipeline_mode = #tpu.pipeline_mode<synchronous>, transform_indices = @transform_3, window_bounds = array<i64: 128, 128>}, {pipeline_mode = #tpu.pipeline_mode<synchronous>, transform_indices = @transform_4, window_bounds = array<i64: 128, 32>}, {pipeline_mode = #tpu.pipeline_mode<synchronous>, transform_indices = @transform_5, window_bounds = array<i64: 256, 128>}, {pipeline_mode = #tpu.pipeline_mode<synchronous>, transform_indices = @transform_6, window_bounds = array<i64: 256, 128>}, {transform_indices = @transform_7, window_bounds = array<i64: 2, 1000, 128>}, {transform_indices = @transform_8, window_bounds = array<i64: 2, 1000, 16>}, {transform_indices = @transform_9, window_bounds = array<i64: 2, 2000, 128>}]} {
    %get3A = arith.constant 0 : index
    %get3A_0 = arith.constant 0 : index
    %get3A_1 = vector.load %arg1[%get3A, %get3A_0] : memref<1000x128xf32, #tpu.memory_space<vmem>>, vector<1000x128xf32>
    %get3A_2 = arith.constant 0 : index
    %get3A_3 = arith.constant 0 : index
    %get3A_4 = vector.load %arg3[%get3A_2, %get3A_3] : memref<128x128xf32, #tpu.memory_space<vmem>>, vector<128x128xf32>
    %dot_general3A = arith.constant dense<0.000000e+00> : vector<1000x128xf32>
    %dot_general3A_5 = tpu.matmul %get3A_1, %get3A_4, %dot_general3A {dimension_numbers = #tpu.dot_dimension_numbers<[1], [0], [0], [1], [0, 0, 1, 1], [], []>, transpose_lhs_hint = false} : vector<1000x128xf32>, vector<128x128xf32>, vector<1000x128xf32> -> vector<1000x128xf32>
    %swap3A = arith.constant 0 : index
    %swap3A_6 = arith.constant 0 : index
    %swap3A_7 = arith.constant 0 : index
    %swap3A_8 = vector.load %arg8[%swap3A, %swap3A_6, %swap3A_7] : memref<2x1000x128xf32, #tpu.memory_space<vmem>>, vector<1x1000x128xf32>
    %swap3A_9 = vector.shape_cast %swap3A_8 : vector<1x1000x128xf32> to vector<1000x128xf32>
    %swap3A_10 = vector.shape_cast %dot_general3A_5 : vector<1000x128xf32> to vector<1x1000x128xf32>
    tpu.vector_store %arg8[%swap3A, %swap3A_6, %swap3A_7], %swap3A_10 {strides = array<i32>} : memref<2x1000x128xf32, #tpu.memory_space<vmem>>, vector<1x1000x128xf32>,
    %get3A_11 = arith.constant 0 : index
    %get3A_12 = arith.constant 0 : index
    %get3A_13 = vector.load %arg4[%get3A_11, %get3A_12] : memref<128x128xf32, #tpu.memory_space<vmem>>, vector<128x128xf32>
    %dot_general3A_14 = arith.constant dense<0.000000e+00> : vector<1000x128xf32>
    %dot_general3A_15 = tpu.matmul %get3A_1, %get3A_13, %dot_general3A_14 {dimension_numbers = #tpu.dot_dimension_numbers<[1], [0], [0], [1], [0, 0, 1, 1], [], []>, transpose_lhs_hint = false} : vector<1000x128xf32>, vector<128x128xf32>, vector<1000x128xf32> -> vector<1000x128xf32>
    %swap3A_16 = arith.constant 1 : index
    %swap3A_17 = arith.constant 0 : index
    %swap3A_18 = arith.constant 0 : index
    %swap3A_19 = vector.load %arg8[%swap3A_16, %swap3A_17, %swap3A_18] : memref<2x1000x128xf32, #tpu.memory_space<vmem>>, vector<1x1000x128xf32>
    %swap3A_20 = vector.shape_cast %swap3A_19 : vector<1x1000x128xf32> to vector<1000x128xf32>
    %swap3A_21 = vector.shape_cast %dot_general3A_15 : vector<1000x128xf32> to vector<1x1000x128xf32>
    tpu.vector_store %arg8[%swap3A_16, %swap3A_17, %swap3A_18], %swap3A_21 {strides = array<i32>} : memref<2x1000x128xf32, #tpu.memory_space<vmem>>, vector<1x1000x128xf32>,
    %get3A_22 = arith.constant 0 : index
    %get3A_23 = arith.constant 0 : index
    %get3A_24 = vector.load %arg5[%get3A_22, %get3A_23] : memref<128x32xf32, #tpu.memory_space<vmem>>, vector<128x32xf32>
    %dot_general3A_25 = arith.constant dense<0.000000e+00> : vector<1000x32xf32>
    %dot_general3A_26 = tpu.matmul %get3A_1, %get3A_24, %dot_general3A_25 {dimension_numbers = #tpu.dot_dimension_numbers<[1], [0], [0], [1], [0, 0, 1, 1], [], []>, transpose_lhs_hint = false} : vector<1000x128xf32>, vector<128x32xf32>, vector<1000x32xf32> -> vector<1000x32xf32>
    %slice3A = vector.extract_strided_slice %dot_general3A_26 {offsets = [0, 0], sizes = [1000, 16], strides = [1, 1]} : vector<1000x32xf32> to vector<1000x16xf32>
    %swap3A_27 = arith.constant 0 : index
    %swap3A_28 = arith.constant 0 : index
    %swap3A_29 = arith.constant 0 : index
    %swap3A_30 = vector.load %arg9[%swap3A_27, %swap3A_28, %swap3A_29] : memref<2x1000x16xf32, #tpu.memory_space<vmem>>, vector<1x1000x16xf32>
    %swap3A_31 = vector.shape_cast %swap3A_30 : vector<1x1000x16xf32> to vector<1000x16xf32>
    %swap3A_32 = vector.shape_cast %slice3A : vector<1000x16xf32> to vector<1x1000x16xf32>
    tpu.vector_store %arg9[%swap3A_27, %swap3A_28, %swap3A_29], %swap3A_32 {strides = array<i32>} : memref<2x1000x16xf32, #tpu.memory_space<vmem>>, vector<1x1000x16xf32>,
    %slice3A_33 = vector.extract_strided_slice %dot_general3A_26 {offsets = [0, 16], sizes = [1000, 16], strides = [1, 1]} : vector<1000x32xf32> to vector<1000x16xf32>
    %swap3A_34 = arith.constant 1 : index
    %swap3A_35 = arith.constant 0 : index
    %swap3A_36 = arith.constant 0 : index
    %swap3A_37 = vector.load %arg9[%swap3A_34, %swap3A_35, %swap3A_36] : memref<2x1000x16xf32, #tpu.memory_space<vmem>>, vector<1x1000x16xf32>
    %swap3A_38 = vector.shape_cast %swap3A_37 : vector<1x1000x16xf32> to vector<1000x16xf32>
    %swap3A_39 = vector.shape_cast %slice3A_33 : vector<1000x16xf32> to vector<1x1000x16xf32>
    tpu.vector_store %arg9[%swap3A_34, %swap3A_35, %swap3A_36], %swap3A_39 {strides = array<i32>} : memref<2x1000x16xf32, #tpu.memory_space<vmem>>, vector<1x1000x16xf32>,
    %get3A_40 = arith.constant 0 : index
    %get3A_41 = arith.constant 0 : index
    %get3A_42 = vector.load %arg2[%get3A_40, %get3A_41] : memref<2000x256xf32, #tpu.memory_space<vmem>>, vector<2000x256xf32>
    %get3A_43 = arith.constant 0 : index
    %get3A_44 = arith.constant 0 : index
    %get3A_45 = vector.load %arg6[%get3A_43, %get3A_44] : memref<256x128xf32, #tpu.memory_space<vmem>>, vector<256x128xf32>
    %dot_general3A_46 = arith.constant dense<0.000000e+00> : vector<2000x128xf32>
    %dot_general3A_47 = tpu.matmul %get3A_42, %get3A_45, %dot_general3A_46 {dimension_numbers = #tpu.dot_dimension_numbers<[1], [0], [0], [1], [0, 0, 1, 1], [], []>, transpose_lhs_hint = false} : vector<2000x256xf32>, vector<256x128xf32>, vector<2000x128xf32> -> vector<2000x128xf32>
    %swap3A_48 = arith.constant 0 : index
    %swap3A_49 = arith.constant 0 : index
    %swap3A_50 = arith.constant 0 : index
    %swap3A_51 = vector.load %arg10[%swap3A_48, %swap3A_49, %swap3A_50] : memref<2x2000x128xf32, #tpu.memory_space<vmem>>, vector<1x2000x128xf32>
    %swap3A_52 = vector.shape_cast %swap3A_51 : vector<1x2000x128xf32> to vector<2000x128xf32>
    %swap3A_53 = vector.shape_cast %dot_general3A_47 : vector<2000x128xf32> to vector<1x2000x128xf32>
    tpu.vector_store %arg10[%swap3A_48, %swap3A_49, %swap3A_50], %swap3A_53 {strides = array<i32>} : memref<2x2000x128xf32, #tpu.memory_space<vmem>>, vector<1x2000x128xf32>,
    %get3A_54 = arith.constant 0 : index
    %get3A_55 = arith.constant 0 : index
    %get3A_56 = vector.load %arg7[%get3A_54, %get3A_55] : memref<256x128xf32, #tpu.memory_space<vmem>>, vector<256x128xf32>
    %dot_general3A_57 = arith.constant dense<0.000000e+00> : vector<2000x128xf32>
    %dot_general3A_58 = tpu.matmul %get3A_42, %get3A_56, %dot_general3A_57 {dimension_numbers = #tpu.dot_dimension_numbers<[1], [0], [0], [1], [0, 0, 1, 1], [], []>, transpose_lhs_hint = false} : vector<2000x256xf32>, vector<256x128xf32>, vector<2000x128xf32> -> vector<2000x128xf32>
    %swap3A_59 = arith.constant 1 : index
    %swap3A_60 = arith.constant 0 : index
    %swap3A_61 = arith.constant 0 : index
    %swap3A_62 = vector.load %arg10[%swap3A_59, %swap3A_60, %swap3A_61] : memref<2x2000x128xf32, #tpu.memory_space<vmem>>, vector<1x2000x128xf32>
    %swap3A_63 = vector.shape_cast %swap3A_62 : vector<1x2000x128xf32> to vector<2000x128xf32>
    %swap3A_64 = vector.shape_cast %dot_general3A_58 : vector<2000x128xf32> to vector<1x2000x128xf32>
    tpu.vector_store %arg10[%swap3A_59, %swap3A_60, %swap3A_61], %swap3A_64 {strides = array<i32>} : memref<2x2000x128xf32, #tpu.memory_space<vmem>>, vector<1x2000x128xf32>,
    return
  }
  func.func @transform_0(%arg0: i32) -> (i32, i32) {
    %c0_i32 = arith.constant 0 : i32
    %c0_i32_0 = arith.constant 0 : i32
    return %arg0, %c0_i32 : i32, i32
  }
  func.func @transform_1(%arg0: i32) -> (i32, i32) {
    %c0_i32 = arith.constant 0 : i32
    %c0_i32_0 = arith.constant 0 : i32
    return %arg0, %c0_i32 : i32, i32
  }
  func.func @transform_2(%arg0: i32) -> (i32, i32) {
    %c0_i32 = arith.constant 0 : i32
    %c0_i32_0 = arith.constant 0 : i32
    %c0_i32_1 = arith.constant 0 : i32
    return %c0_i32, %c0_i32_0 : i32, i32
  }
  func.func @transform_3(%arg0: i32) -> (i32, i32) {
    %c0_i32 = arith.constant 0 : i32
    %c0_i32_0 = arith.constant 0 : i32
    %c0_i32_1 = arith.constant 0 : i32
    return %c0_i32, %c0_i32_0 : i32, i32
  }
  func.func @transform_4(%arg0: i32) -> (i32, i32) {
    %c0_i32 = arith.constant 0 : i32
    %c0_i32_0 = arith.constant 0 : i32
    %c0_i32_1 = arith.constant 0 : i32
    return %c0_i32, %c0_i32_0 : i32, i32
  }
  func.func @transform_5(%arg0: i32) -> (i32, i32) {
    %c0_i32 = arith.constant 0 : i32
    %c0_i32_0 = arith.constant 0 : i32
    %c0_i32_1 = arith.constant 0 : i32
    return %c0_i32, %c0_i32_0 : i32, i32
  }
  func.func @transform_6(%arg0: i32) -> (i32, i32) {
    %c0_i32 = arith.constant 0 : i32
    %c0_i32_0 = arith.constant 0 : i32
    %c0_i32_1 = arith.constant 0 : i32
    return %c0_i32, %c0_i32_0 : i32, i32
  }
  func.func @transform_7(%arg0: i32) -> (i32, i32, i32) {
    %c0_i32 = arith.constant 0 : i32
    %c0_i32_0 = arith.constant 0 : i32
    %c0_i32_1 = arith.constant 0 : i32
    return %c0_i32, %arg0, %c0_i32_0 : i32, i32, i32
  }
  func.func @transform_8(%arg0: i32) -> (i32, i32, i32) {
    %c0_i32 = arith.constant 0 : i32
    %c0_i32_0 = arith.constant 0 : i32
    %c0_i32_1 = arith.constant 0 : i32
    return %c0_i32, %arg0, %c0_i32_0 : i32, i32, i32
  }
  func.func @transform_9(%arg0: i32) -> (i32, i32, i32) {
    %c0_i32 = arith.constant 0 : i32
    %c0_i32_0 = arith.constant 0 : i32
    %c0_i32_1 = arith.constant 0 : i32
    return %c0_i32, %arg0, %c0_i32_0 : i32, i32, i32
  }
}

module attributes {stable_mosaic.version = 14 : i64} {
  func.func @fin_body(%arg0: i32, %arg1: memref<2x1000x128xf32, #tpu.memory_space<vmem>>, %arg2: memref<2x1000x16xf32, #tpu.memory_space<vmem>>, %arg3: memref<1000x128xf32, #tpu.memory_space<vmem>>, %arg4: memref<128x128xf32, #tpu.memory_space<vmem>>, %arg5: memref<8x128xf32, #tpu.memory_space<vmem>>, %arg6: memref<1x128xf32, #tpu.memory_space<vmem>>, %arg7: memref<1x128xf32, #tpu.memory_space<vmem>>, %arg8: memref<1x128xf32, #tpu.memory_space<vmem>>, %arg9: memref<1000x128xf32, #tpu.memory_space<vmem>>) attributes {dimension_semantics = [#tpu.dimension_semantics<arbitrary>], iteration_bounds = array<i64: 10>, scalar_prefetch = 0 : i64, scratch_operands = 0 : i64, tpu.core_type = #tpu.core_type<tc>, window_params = [{transform_indices = @transform_0, window_bounds = array<i64: 2, 1000, 128>}, {transform_indices = @transform_1, window_bounds = array<i64: 2, 1000, 16>}, {transform_indices = @transform_2, window_bounds = array<i64: 1000, 128>}, {pipeline_mode = #tpu.pipeline_mode<synchronous>, transform_indices = @transform_3, window_bounds = array<i64: 128, 128>}, {pipeline_mode = #tpu.pipeline_mode<synchronous>, transform_indices = @transform_4, window_bounds = array<i64: 8, 128>}, {pipeline_mode = #tpu.pipeline_mode<synchronous>, transform_indices = @transform_5, window_bounds = array<i64: 1, 128>}, {pipeline_mode = #tpu.pipeline_mode<synchronous>, transform_indices = @transform_6, window_bounds = array<i64: 1, 128>}, {pipeline_mode = #tpu.pipeline_mode<synchronous>, transform_indices = @transform_7, window_bounds = array<i64: 1, 128>}, {transform_indices = @transform_8, window_bounds = array<i64: 1000, 128>}]} {
    %get3A = arith.constant 0 : index
    %get3A_0 = arith.constant 0 : index
    %get3A_1 = arith.constant 0 : index
    %get3A_2 = vector.load %arg2[%get3A, %get3A_0, %get3A_1] : memref<2x1000x16xf32, #tpu.memory_space<vmem>>, vector<1x1000x16xf32>
    %get3A_3 = vector.shape_cast %get3A_2 : vector<1x1000x16xf32> to vector<1000x16xf32>
    %slice3A = vector.extract_strided_slice %get3A_3 {offsets = [0, 0], sizes = [1000, 8], strides = [1, 1]} : vector<1000x16xf32> to vector<1000x8xf32>
    %add3A = arith.constant 9.99999971E-10 : f32
    %add3A_4 = vector.broadcast %add3A : f32 to vector<1000x8xf32>
    %add3A_5 = arith.addf %slice3A, %add3A_4 : vector<1000x8xf32>
    %div3A = arith.constant 1.000000e+00 : f32
    %div3A_6 = vector.broadcast %div3A : f32 to vector<1000x8xf32>
    %div3A_7 = arith.divf %div3A_6, %add3A_5 : vector<1000x8xf32>
    %get3A_8 = arith.constant 1 : index
    %get3A_9 = arith.constant 0 : index
    %get3A_10 = arith.constant 0 : index
    %get3A_11 = vector.load %arg2[%get3A_8, %get3A_9, %get3A_10] : memref<2x1000x16xf32, #tpu.memory_space<vmem>>, vector<1x1000x16xf32>
    %get3A_12 = vector.shape_cast %get3A_11 : vector<1x1000x16xf32> to vector<1000x16xf32>
    %slice3A_13 = vector.extract_strided_slice %get3A_12 {offsets = [0, 0], sizes = [1000, 8], strides = [1, 1]} : vector<1000x16xf32> to vector<1000x8xf32>
    %add3A_14 = arith.constant 9.99999971E-10 : f32
    %add3A_15 = vector.broadcast %add3A_14 : f32 to vector<1000x8xf32>
    %add3A_16 = arith.addf %slice3A_13, %add3A_15 : vector<1000x8xf32>
    %div3A_17 = arith.constant 1.000000e+00 : f32
    %div3A_18 = vector.broadcast %div3A_17 : f32 to vector<1000x8xf32>
    %div3A_19 = arith.divf %div3A_18, %add3A_16 : vector<1000x8xf32>
    %get3A_20 = arith.constant 0 : index
    %get3A_21 = arith.constant 0 : index
    %get3A_22 = vector.load %arg5[%get3A_20, %get3A_21] : memref<8x128xf32, #tpu.memory_space<vmem>>, vector<8x128xf32>
    %dot_general3A = arith.constant dense<0.000000e+00> : vector<1000x128xf32>
    %dot_general3A_23 = tpu.matmul %div3A_7, %get3A_22, %dot_general3A {dimension_numbers = #tpu.dot_dimension_numbers<[1], [0], [0], [1], [0, 0, 1, 1], [], []>, transpose_lhs_hint = false} : vector<1000x8xf32>, vector<8x128xf32>, vector<1000x128xf32> -> vector<1000x128xf32>
    %get3A_24 = arith.constant 0 : index
    %get3A_25 = arith.constant 0 : index
    %get3A_26 = vector.load %arg5[%get3A_24, %get3A_25] : memref<8x128xf32, #tpu.memory_space<vmem>>, vector<8x128xf32>
    %dot_general3A_27 = arith.constant dense<0.000000e+00> : vector<1000x128xf32>
    %dot_general3A_28 = tpu.matmul %div3A_19, %get3A_26, %dot_general3A_27 {dimension_numbers = #tpu.dot_dimension_numbers<[1], [0], [0], [1], [0, 0, 1, 1], [], []>, transpose_lhs_hint = false} : vector<1000x8xf32>, vector<8x128xf32>, vector<1000x128xf32> -> vector<1000x128xf32>
    %get3A_29 = arith.constant 0 : index
    %get3A_30 = arith.constant 0 : index
    %get3A_31 = arith.constant 0 : index
    %get3A_32 = vector.load %arg1[%get3A_29, %get3A_30, %get3A_31] : memref<2x1000x128xf32, #tpu.memory_space<vmem>>, vector<1x1000x128xf32>
    %get3A_33 = vector.shape_cast %get3A_32 : vector<1x1000x128xf32> to vector<1000x128xf32>
    %mul3A = arith.mulf %get3A_33, %dot_general3A_23 : vector<1000x128xf32>
    %get3A_34 = arith.constant 1 : index
    %get3A_35 = arith.constant 0 : index
    %get3A_36 = arith.constant 0 : index
    %get3A_37 = vector.load %arg1[%get3A_34, %get3A_35, %get3A_36] : memref<2x1000x128xf32, #tpu.memory_space<vmem>>, vector<1x1000x128xf32>
    %get3A_38 = vector.shape_cast %get3A_37 : vector<1x1000x128xf32> to vector<1000x128xf32>
    %mul3A_39 = arith.mulf %get3A_38, %dot_general3A_28 : vector<1000x128xf32>
    %add3A_40 = arith.addf %mul3A, %mul3A_39 : vector<1000x128xf32>
    %get3A_41 = arith.constant 0 : index
    %get3A_42 = arith.constant 0 : index
    %get3A_43 = vector.load %arg6[%get3A_41, %get3A_42] : memref<1x128xf32, #tpu.memory_space<vmem>>, vector<1x128xf32>
    %add3A_44 = vector.broadcast %get3A_43 : vector<1x128xf32> to vector<1000x128xf32>
    %add3A_45 = arith.addf %add3A_40, %add3A_44 : vector<1000x128xf32>
    %get3A_46 = arith.constant 0 : index
    %get3A_47 = arith.constant 0 : index
    %get3A_48 = vector.load %arg4[%get3A_46, %get3A_47] : memref<128x128xf32, #tpu.memory_space<vmem>>, vector<128x128xf32>
    %dot_general3A_49 = arith.constant dense<0.000000e+00> : vector<1000x128xf32>
    %dot_general3A_50 = tpu.matmul %add3A_45, %get3A_48, %dot_general3A_49 {dimension_numbers = #tpu.dot_dimension_numbers<[1], [0], [0], [1], [0, 0, 1, 1], [], []>, transpose_lhs_hint = false} : vector<1000x128xf32>, vector<128x128xf32>, vector<1000x128xf32> -> vector<1000x128xf32>
    %get3A_51 = arith.constant 0 : index
    %get3A_52 = arith.constant 0 : index
    %get3A_53 = vector.load %arg7[%get3A_51, %get3A_52] : memref<1x128xf32, #tpu.memory_space<vmem>>, vector<1x128xf32>
    %add3A_54 = vector.broadcast %get3A_53 : vector<1x128xf32> to vector<1000x128xf32>
    %add3A_55 = arith.addf %dot_general3A_50, %add3A_54 : vector<1000x128xf32>
    %get3A_56 = arith.constant 0 : index
    %get3A_57 = arith.constant 0 : index
    %get3A_58 = vector.load %arg3[%get3A_56, %get3A_57] : memref<1000x128xf32, #tpu.memory_space<vmem>>, vector<1000x128xf32>
    %add3A_59 = arith.addf %add3A_55, %get3A_58 : vector<1000x128xf32>
    %mul3A_60 = arith.mulf %add3A_59, %add3A_59 : vector<1000x128xf32>
    %reduce_sum3A = arith.constant dense<0.000000e+00> : vector<1000xf32>
    %reduce_sum3A_61 = vector.multi_reduction <add>, %mul3A_60, %reduce_sum3A [1] : vector<1000x128xf32> to vector<1000xf32>
    %broadcast_in_dim3A = vector.shape_cast %reduce_sum3A_61 : vector<1000xf32> to vector<1000x1xf32>
    %div3A_62 = arith.constant 1.280000e+02 : f32
    %div3A_63 = vector.broadcast %div3A_62 : f32 to vector<1000x1xf32>
    %div3A_64 = arith.divf %broadcast_in_dim3A, %div3A_63 : vector<1000x1xf32>
    %add3A_65 = arith.constant 9.99999997E-7 : f32
    %add3A_66 = vector.broadcast %add3A_65 : f32 to vector<1000x1xf32>
    %add3A_67 = arith.addf %div3A_64, %add3A_66 : vector<1000x1xf32>
    %sqrt3A = math.sqrt %add3A_67 : vector<1000x1xf32>
    %div3A_68 = vector.broadcast %sqrt3A : vector<1000x1xf32> to vector<1000x128xf32>
    %div3A_69 = arith.divf %add3A_59, %div3A_68 : vector<1000x128xf32>
    %get3A_70 = arith.constant 0 : index
    %get3A_71 = arith.constant 0 : index
    %get3A_72 = vector.load %arg8[%get3A_70, %get3A_71] : memref<1x128xf32, #tpu.memory_space<vmem>>, vector<1x128xf32>
    %mul3A_73 = vector.broadcast %get3A_72 : vector<1x128xf32> to vector<1000x128xf32>
    %mul3A_74 = arith.mulf %div3A_69, %mul3A_73 : vector<1000x128xf32>
    %swap3A = arith.constant 0 : index
    %swap3A_75 = arith.constant 0 : index
    %swap3A_76 = vector.load %arg9[%swap3A, %swap3A_75] : memref<1000x128xf32, #tpu.memory_space<vmem>>, vector<1000x128xf32>
    tpu.vector_store %arg9[%swap3A, %swap3A_75], %mul3A_74 {strides = array<i32>} : memref<1000x128xf32, #tpu.memory_space<vmem>>, vector<1000x128xf32>,
    return
  }
  func.func @transform_0(%arg0: i32) -> (i32, i32, i32) {
    %c0_i32 = arith.constant 0 : i32
    %c0_i32_0 = arith.constant 0 : i32
    %c0_i32_1 = arith.constant 0 : i32
    return %c0_i32, %arg0, %c0_i32_0 : i32, i32, i32
  }
  func.func @transform_1(%arg0: i32) -> (i32, i32, i32) {
    %c0_i32 = arith.constant 0 : i32
    %c0_i32_0 = arith.constant 0 : i32
    %c0_i32_1 = arith.constant 0 : i32
    return %c0_i32, %arg0, %c0_i32_0 : i32, i32, i32
  }
  func.func @transform_2(%arg0: i32) -> (i32, i32) {
    %c0_i32 = arith.constant 0 : i32
    %c0_i32_0 = arith.constant 0 : i32
    return %arg0, %c0_i32 : i32, i32
  }
  func.func @transform_3(%arg0: i32) -> (i32, i32) {
    %c0_i32 = arith.constant 0 : i32
    %c0_i32_0 = arith.constant 0 : i32
    %c0_i32_1 = arith.constant 0 : i32
    return %c0_i32, %c0_i32_0 : i32, i32
  }
  func.func @transform_4(%arg0: i32) -> (i32, i32) {
    %c0_i32 = arith.constant 0 : i32
    %c0_i32_0 = arith.constant 0 : i32
    %c0_i32_1 = arith.constant 0 : i32
    return %c0_i32, %c0_i32_0 : i32, i32
  }
  func.func @transform_5(%arg0: i32) -> (i32, i32) {
    %c0_i32 = arith.constant 0 : i32
    %c0_i32_0 = arith.constant 0 : i32
    %c0_i32_1 = arith.constant 0 : i32
    return %c0_i32, %c0_i32_0 : i32, i32
  }
  func.func @transform_6(%arg0: i32) -> (i32, i32) {
    %c0_i32 = arith.constant 0 : i32
    %c0_i32_0 = arith.constant 0 : i32
    %c0_i32_1 = arith.constant 0 : i32
    return %c0_i32, %c0_i32_0 : i32, i32
  }
  func.func @transform_7(%arg0: i32) -> (i32, i32) {
    %c0_i32 = arith.constant 0 : i32
    %c0_i32_0 = arith.constant 0 : i32
    %c0_i32_1 = arith.constant 0 : i32
    return %c0_i32, %c0_i32_0 : i32, i32
  }
  func.func @transform_8(%arg0: i32) -> (i32, i32) {
    %c0_i32 = arith.constant 0 : i32
    %c0_i32_0 = arith.constant 0 : i32
    return %arg0, %c0_i32 : i32, i32
  }
}

</mosaic_0001>

<sc_bundles>
// kernel: kernel.5.cloned.1.call-start
scs
__scs_entry_jumppad:
0x0: {  	(pc) =	sbr.rel $0x88, $3  }
0x1: {  	(tag) =	ssettag $0x0;
	lr =	simm.s32 $0x1  }
0x2: {  	[smem:$0x3F8E] =	sst lr;
	_ =	strace $0xD0000000  }
0x3: {  	_ = 	snop  }
0x4: {  	_ = 	snop  }
0x5: {  	_ = 	snop  }
0x6: {  	_ = 	snop  }
0x7: {  	_ = 	snop  }
__scs_overlays_trampoline_lowered:
0x8: {  	[smem:$0x3F9D] =	sst s0  }
0x9: {  	[smem:$0x3F9E] =	sst s1  }
0xa: {  	[smem:$0x3F9F] =	sst s2  }
0xb: {  	[smem:$0x3FA0] =	sst s3  }
0xc: {  	[smem:$0x3FA1] =	sst s4  }
0xd: {  	[smem:$0x3FA2] =	sst s5  }
0xe: {  	[smem:$0x3FA3] =	sst s6  }
0xf: {  	[smem:$0x3FA4] =	sst s7  }
0x10: {  	[smem:$0x3FA5] =	sst s8  }
0x11: {  	[smem:$0x3FA6] =	sst s9;
	s0 =	simm.s32 @!p0 $0x0  }
0x12: {  	s1 =	sld [smem:$0x3F8C];
	s0 =	simm.s32 @p0 $0x1  }
0x13: {  	[smem:$0x3FA7] =	sst s0;
	s0 =	simm.s32 @!p1 $0x0  }
0x14: {  	s2 =	sld [smem:$0x3F8B];
	s0 =	simm.s32 @p1 $0x1  }
0x15: {  	[smem:$0x3FA8] =	sst s0;
	s0 =	simm.s32 @!p2 $0x0  }
0x16: {  	s3 =	sld [smem:$0x3FDB];
	s0 =	simm.s32 @p2 $0x1  }
0x17: {  	s4 =	simm.s32 $0x1BF5;
	[smem:$0x3FAA] =	sst s0  }
0x18: {  	s0 =	sld [smem:$0x3F8D];
	_ =	swait.ge [sflag:s4], $0x0  }
0x19: {  	s7 =	sld [smem:$0x3F8E]  }
0x1a: {  	s8 =	sadd.s32 $0xFFFFE003, lr  }
0x1b: {  	s9 =	sadd.s32 $0xFFFFFEF7, lr;
	s5 =	simm.s32 $0xFFFFFFFF;
	p2 =	slt.u32 s8, $0xFFFFF086  }
0x1c: {  	p1 =	slt.u32 s9, $0xF7A;
	s5 =	simm.s32 @!p2 $0x0  }
0x1d: {  	s5 =	simm.s32 @p1 $0x1;
	p0 =	seq.s32 s7, s2  }
0x1e: {  	s7 =	smul.u32 @!p0 $0xF7A, s2;
	p2 =	seq.s32 @!p0 s5, $0x0  }
0x1f: {  	s9 =	smul.u32 $0xF7A, s1;
	s8 =	simm.s32 @!p0 $0x1BF5;
	p2 =	por !p2, p0  }
0x20: {  	[sflag:s8] =	ssyncset.s32 @!p0 $0xFFFFF086;
	s6 =	sadd.s32 @!p0 s3, s7;
	s7 =	simm.s32 @!p0 $0x108  }
0x21: {  	s3 =	sadd.s32 s3, s9;
	s6 =	sadd.s32 @!p0 $0x88, s6;
	s7 =	simm.s32 @p2 $0x1082  }
0x22: {  	[simem:s7], [sflag:s8] =	dma.local @!p0 [hbm:s6], $0xF7A  }
0x23: {  	s9 =	sor.u32 $0xD0000000, s2;
	s6 =	simm.s32 $0x108;
	_ =	swait.ge @!p0 [sflag:s8], $0x0  }
0x24: {  	s3 =	sadd.s32 $0x88, s3;
	s6 =	simm.s32 @!p1 $0x1082;
	[sflag:s4] =	ssyncset.s32 $0xFFFFF086  }
0x25: {  	[simem:s6], [sflag:s4] =	dma.local [hbm:s3], $0xF7A  }
0x26: {  	[smem:$0x3F8E] =	sst s1;
	(tag) =	ssettag s2;
	_ =	strace s9  }
0x27: {  	s1 =	sld [smem:$0x3F9E]  }
0x28: {  	s2 =	sld [smem:$0x3F9F]  }
0x29: {  	s4 =	sld [smem:$0x3FA1]  }
0x2a: {  	p0 =	seq.s32 s5, $0x0;
	s5 =	sld [smem:$0x3FA2]  }
0x2b: {  	s6 =	sld [smem:$0x3FA3]  }
0x2c: {  	s7 =	sld [smem:$0x3FA4]  }
0x2d: {  	s3 =	simm.s32 $0x108;
	s8 =	sld [smem:$0x3FA5]  }
0x2e: {  	s3 =	simm.s32 @!p0 $0x1082;
	s9 =	sld [smem:$0x3FA6]  }
0x2f: {  	lr =	sadd.s32 s0, s3;
	s0 =	sld [smem:$0x3F9D]  }
0x30: {  	s3 =	sld [smem:$0x3FA0]  }
0x31: {  	[smem:$0x3FA9] =	sst s10  }
0x32: {  	s10 =	sld [smem:$0x3FA7];
	_ =	sdelay $0x3  }
0x33: {  	p0 =	seq.s32 s10, $0x1;
	s10 =	sld [smem:$0x3FA9];
	_ =	sdelay $0x3  }
0x34: {  	[smem:$0x3FA9] =	sst s10  }
0x35: {  	s10 =	sld [smem:$0x3FA8];
	_ =	sdelay $0x3  }
0x36: {  	p1 =	seq.s32 s10, $0x1;
	s10 =	sld [smem:$0x3FA9];
	_ =	sdelay $0x3  }
0x37: {  	[smem:$0x3FA9] =	sst s10  }
0x38: {  	s10 =	sld [smem:$0x3FAA]  }
0x39: {  	_ = 	snop;
	(pc) =	sbr.ind lr, $3  }
0x3a: {  	_ = 	snop  }
0x3b: {  	_ = 	snop  }
0x3c: {  	p2 =	seq.s32 s10, $0x1;
	s10 =	sld [smem:$0x3FA9]  }
0x3d: {  	_ =	shalt  }
0x3e: {  	_ =	shalt  }
0x3f: {  	_ =	shalt  }
0x40: {  	_ =	shalt  }
0x41: {  	_ =	shalt  }
0x42: {  	_ =	shalt  }
0x43: {  	_ =	shalt  }
0x44: {  	_ =	shalt  }
0x45: {  	_ =	shalt  }
0x46: {  	_ =	shalt  }
0x47: {  	_ =	shalt  }
0x48: {  	_ =	shalt  }
0x49: {  	_ =	shalt  }
0x4a: {  	_ =	shalt  }
0x4b: {  	_ =	shalt  }
0x4c: {  	_ =	shalt  }
0x4d: {  	_ =	shalt  }
0x4e: {  	_ =	shalt  }
0x4f: {  	_ =	shalt  }
0x50: {  	_ =	shalt  }
0x51: {  	_ =	shalt  }
0x52: {  	_ =	shalt  }
0x53: {  	_ =	shalt  }
0x54: {  	_ =	shalt  }
0x55: {  	_ =	shalt  }
0x56: {  	_ =	shalt  }
0x57: {  	_ =	shalt  }
0x58: {  	_ =	shalt  }
0x59: {  	_ =	shalt  }
0x5a: {  	_ =	shalt  }
0x5b: {  	_ =	shalt  }
0x5c: {  	_ =	shalt  }
0x5d: {  	_ =	shalt  }
0x5e: {  	_ =	shalt  }
0x5f: {  	_ =	shalt  }
0x60: {  	_ =	shalt  }
0x61: {  	_ =	shalt  }
0x62: {  	_ =	shalt  }
0x63: {  	_ =	shalt  }
0x64: {  	_ =	shalt  }
0x65: {  	_ =	shalt  }
0x66: {  	_ =	shalt  }
0x67: {  	_ =	shalt  }
0x68: {  	_ =	shalt  }
0x69: {  	_ =	shalt  }
0x6a: {  	_ =	shalt  }
0x6b: {  	_ =	shalt  }
0x6c: {  	_ =	shalt  }
0x6d: {  	_ =	shalt  }
0x6e: {  	_ =	shalt  }
0x6f: {  	_ =	shalt  }
0x70: {  	_ =	shalt  }
0x71: {  	_ =	shalt  }
0x72: {  	_ =	shalt  }
0x73: {  	_ =	shalt  }
0x74: {  	_ =	shalt  }
0x75: {  	_ =	shalt  }
0x76: {  	_ =	shalt  }
0x77: {  	_ =	shalt  }
0x78: {  	_ =	shalt  }
0x79: {  	_ =	shalt  }
0x7a: {  	_ =	shalt  }
0x7b: {  	_ =	shalt  }
0x7c: {  	_ =	shalt  }
0x7d: {  	_ =	shalt  }
0x7e: {  	_ =	shalt  }
0x7f: {  	_ =	shalt  }
0x80: {  	_ =	shalt  }
0x81: {  	_ =	shalt  }
0x82: {  	_ =	shalt  }
0x83: {  	_ =	shalt  }
0x84: {  	_ =	shalt  }
0x85: {  	_ =	shalt  }
0x86: {  	_ =	shalt  }
0x87: {  	_ =	shalt  }
.Lfunc_end0:
.L_simem_size_0:
called_computation_lowered:
.L_overlay_start_0:
0x88: {  	s2 =	sld [smem:$0x3FD9]  }
0x89: {  	s3 =	sld [smem:$0x3FFE];
	_ =	sdelay $0x1  }
0x8a: {  	s1 =	srdreg.scid  }
0x8b: {  	s0 =	sand.u32 $0x1, s1  }
0x8c: {  	s17 =	sshll.u32 s0, $0xA;
	s2 =	sadd.s32 s3, s2  }
0x8d: {  	s2 =	sadd.s32 s2, s17  }
0x8e: {  	[smem:$0x3FB5] =	sst s2  }
0x8f: {  	_ = 	snop  }
0x90: {  	s2 =	sld [smem:$0x3FD0];
	(tm) =	ssettm $0x1  }
0x91: {  	s18 =	sld [smem:$0x3FFB];
	_ =	sdelay $0x3  }
0x92: {  	_ =	strace s18  }
0x93: {  	s3 =	sld [smem:$0x3FFC];
	_ =	sdelay $0x3  }
0x94: {  	_ =	strace s3  }
0x95: {  	s3 =	sld [smem:$0x3FFD];
	_ =	sdelay $0x3  }
0x96: {  	_ =	strace s3  }
0x97: {  	_ =	strace $0x8FFFFFFF  }
0x98: {  	s19 =	sld [smem:$0x3FDB];
	_ =	sdelay $0x1  }
0x99: {  	s4 =	simm.s32 $_scs_section_size  }
0x9a: {  	s5 =	simm.s32 $_size__tile_overlayer_lowered;
	s6 =	simm.s32 $_tile_overlayer_lowered  }
0x9b: {  	s22 =	simm.s32 $0x1BFF;
	s21 =	sshll.u32 s6, $0x1;
	s3 =	sadd.s32 s4, s19  }
0x9c: {  	s7 =	simm.s32 $0x0;
	s20 =	sshll.u32 s5, $0x1;
	s5 =	sadd.s32 s21, s3  }
0x9d: {  	[timem:s7], [sflag:s22] =	dma.local [hbm:s5], s20  }
0x9e: {  	_ =	swait.ge [sflag:s22], s20  }
0x9f: {  	s4 =	ssub.s32 $0x0, s20;
	[sflag:s22] =	ssyncset.done $0x0  }
0xa0: {  	[sflag:s22] =	ssyncadd.s32 s4;
	_ =	sdelay $0x1  }
0xa1: {  	s23 =	simm.s32 $0x1B8B  }
0xa2: {  	_ =	swait.ge [sflag:s23], $0x1  }
0xa3: {  	[sflag:s23] =	ssyncset.done $0x0  }
0xa4: {  	s25 =	simm.s32 $0x1B8E;
	s24 =	sld [smem:$0x3FFE];
	[sflag:s23] =	ssyncadd.s32 $0xFFFFFFFF  }
0xa5: {  	s26 =	simm.s32 $execute0_lowered;
	[smem:$0x3FD2] =	sst s25  }
0xa6: {  	s5 =	sshll.u32 s26, $0x1;
	_ =	strace $0x80000046;
	[dreg:$0x1] =	wrdreg $0xFFFFFFFF  }
0xa7: {  	s28 =	simm.s32 $_size_execute0_lowered;
	s3 =	sadd.s32 s3, s5;
	[dreg:$0x0] =	wrdreg $0x0  }
0xa8: {  	s5 =	sshll.u32 s28, $0x1;
	[dreg:$0x2] =	wrdreg s3  }
0xa9: {  	[dreg:$0x3] =	wrdreg s5  }
0xaa: {  	[dreg:$0x4] =	wrdreg $0xC0  }
0xab: {  	_ =	task [dreg:s7], $0x5FFFF  }
0xac: {  	[dreg:$0x1] =	wrdreg $0xFFFFFFFF  }
0xad: {  	[dreg:$0x0] =	wrdreg $0x60  }
0xae: {  	[dreg:$0x2] =	wrdreg s2  }
0xaf: {  	[dreg:$0x3] =	wrdreg s24  }
0xb0: {  	[dreg:$0x4] =	wrdreg $0x8B800  }
0xb1: {  	[dreg:$0x5] =	wrdreg $0x1C4000  }
0xb2: {  	[dreg:$0x6] =	wrdreg $0x9  }
0xb3: {  	_ =	task.clear_ibuf [dreg:s7], $0x7FFFF;
	_ =	strace $0x90000046  }
0xb4: {  	s29 =	simm.s32 $0x9;
	_ =	strace $0x80000048  }
0xb5: {  	_ =	swait.ge [sflag:s29], $0x1  }
0xb6: {  	[sflag:s29] =	ssyncadd.s32 $0xFFFFFFFF  }
0xb7: {  	_ =	strace $0x90000048  }
0xb8: {  	_ =	sfence  }
0xb9: {  	s30 =	sld [smem:$0x0];
	_ =	sdelay $0x2  }
0xba: {  	s31 =	sshll.u32 s1, $0xD;
	s1 =	sshrl.u32 s1, $0x2  }
0xbb: {  	s3 =	sand.u32 $0x4000, s31;
	s1 =	sadd.s32 s1, s30  }
0xbc: {  	s0 =	sor.u32 s3, s0;
	s1 =	sshll.u32 s1, $0x11  }
0xbd: {  	s0 =	sor.u32 s1, s0  }
0xbe: {  	s0 =	sadd.s32 $0x8F2B, s0  }
0xbf: {  	[sflag:s0] =	ssyncadd.remote.s32 $0x1  }
0xc0: {  	_ =	sfence.sel $0xFFFF  }
0xc1: {  	[dreg:$0x0] =	wrdreg $0xFFFFFFFF;
	(pc) =	sbr.abs _section_cstart, $3  }
0xc2: {  	[dreg:$0x1] =	wrdreg $0xFFFFFFFF  }
0xc3: {  	_ =	task.clear_ibuf [dreg:s7], $0x2FFFF;
	_ =	strace $0x9FFFFFFF  }
0xc4: {  	(tm) =	ssettm $0x7FFFFFFF  }
0xc5: {  	_ =	shalt  }
tec
execute0_lowered:
.L_overlay_start_1:
0x0: {  	(tag) =	ssettag $0x1  }
0x1: {  	s4 =	rddreg [dreg:$0x0];
	s16 =	stileid.u32  }
0x2: {  	s0 =	rddreg [dreg:$0x1];
	s13 =	sshll.u32 s16, $0x6  }
0x3: {  	s1 =	rddreg [dreg:$0x2];
	s7 =	simm.s32 $0x0;
	v39 =	vlaneseq.u32;
	s23 =	sor.u32 $0x800, s13  }
0x4: {  	s2 =	srdreg.scid;
	[smem:$0x7FF] =	sst s7;
	v1 =	vor.u32 $0x10, v39;
	v0 =	vor.u32 s23, v39  }
0x5: {  	s3 =	sand.u32 $0x1, s2;
	s2 =	rddreg [dreg:$0x3];
	v2 =	vor.u32 $0x20, v39;
	_ =	strace $0x80000047;
	[tilespmem:$0x1FD80] =	vst v0;
	v0 =	vor.u32 s23, v1  }
0x6: {  	v3 =	vor.u32 $0x30, v39;
	[tilespmem:$0x1FD90] =	vst v0;
	v0 =	vor.u32 s23, v2  }
0x7: {  	s12 =	sor.u32 $0xC00, s13;
	[tilespmem:$0x1FDA0] =	vst v0;
	v0 =	vor.u32 s23, v3  }
0x8: {  	[tilespmem:$0x1FDB0] =	vst v0;
	v0 =	vor.u32 s12, v39  }
0x9: {  	[tilespmem:$0x1FDC0] =	vst v0;
	v0 =	vor.u32 s12, v1  }
0xa: {  	[tilespmem:$0x1FDD0] =	vst v0;
	v0 =	vor.u32 s12, v2  }
0xb: {  	s14 =	sor.u32 $0x1000, s13;
	[tilespmem:$0x1FDE0] =	vst v0;
	v0 =	vor.u32 s12, v3  }
0xc: {  	[tilespmem:$0x1FDF0] =	vst v0;
	v0 =	vor.u32 s14, v39  }
0xd: {  	[tilespmem:$0x1FE00] =	vst v0;
	v0 =	vor.u32 s14, v1  }
0xe: {  	[tilespmem:$0x1FE10] =	vst v0;
	v0 =	vor.u32 s14, v2  }
0xf: {  	s17 =	sor.u32 $0x1400, s13;
	[tilespmem:$0x1FE20] =	vst v0;
	v0 =	vor.u32 s14, v3  }
0x10: {  	[tilespmem:$0x1FE30] =	vst v0;
	v0 =	vor.u32 s17, v39  }
0x11: {  	[tilespmem:$0x1FE40] =	vst v0;
	v0 =	vor.u32 s17, v1  }
0x12: {  	s28 =	simm.s32 $0x40;
	[tilespmem:$0x1FE50] =	vst v0;
	v0 =	vor.u32 s17, v2  }
0x13: {  	s31 =	simm.s32 $0x3D00;
	s11 =	sor.u32 $0x10, s16;
	s18 =	sor.u32 $0x1800, s13;
	[tilespmem:$0x1FE60] =	vst v0;
	v0 =	vor.u32 s17, v3  }
0x14: {  	s24 =	sshll.u32 s16, $0x3;
	s26 =	sor.u32 $0x20, s16;
	s29 =	sor.u32 $0x30, s16;
	[tilespmem:$0x1FE70] =	vst v0;
	v0 =	vor.u32 s18, v39  }
0x15: {  	s30 =	sor.u32 $0x40, s16;
	p1 =	sgt.u32 s16, $0xC;
	[dreg:$0x7] =	wrdreg s24;
	[tilespmem:$0x1FE80] =	vst v0;
	v0 =	vor.u32 s18, v1  }
0x16: {  	p2 =	sgt.u32 s16, $0x7;
	s5 =	smul.u32 $0x9C40, s3;
	[dreg:$0x9] =	wrdreg s26;
	[tilespmem:$0x1FE90] =	vst v0;
	v0 =	vor.u32 s18, v2  }
0x17: {  	s6 =	smul.u32 $0x4E200, s3;
	s19 =	sor.u32 $0x1C00, s13;
	[dreg:$0xa] =	wrdreg s29;
	[tilespmem:$0x1FEA0] =	vst v0;
	v0 =	vor.u32 s18, v3  }
0x18: {  	p0 =	sne.s32 s16, $0x0;
	s21 =	smul.u32 $0x27100, s3;
	[dreg:$0xb] =	wrdreg s30;
	[tilespmem:$0x1FEB0] =	vst v0;
	v0 =	vor.u32 s19, v39  }
0x19: {  	s8 =	smul.u32 $0x4E20, s3;
	s25 =	sshll.u32 s11, $0x3;
	[dreg:$0x5] =	wrdreg s13;
	[tilespmem:$0x1FEC0] =	vst v0;
	v0 =	vor.u32 s19, v1  }
0x1a: {  	s3 =	ssub.s32 $0x2, s3;
	s15 =	sshll.u32 s11, $0x6;
	[dreg:$0x8] =	wrdreg s25;
	[tilespmem:$0x1FED0] =	vst v0;
	v0 =	vor.u32 s19, v2  }
0x1b: {  	s20 =	sor.u32 $0x2000, s13;
	s22 =	sshrl.u32 s3, $0x1;
	[dreg:$0x6] =	wrdreg s15;
	[tilespmem:$0x1FEE0] =	vst v0;
	v0 =	vor.u32 s19, v3  }
0x1c: {  	s9 =	sadd.s32 s5, s0;
	s10 =	sadd.s32 s6, s0;
	s7 =	sadd.s32 s21, s0;
	[tilespmem:$0x1FEF0] =	vst v0;
	v0 =	vor.u32 s20, v39  }
0x1d: {  	s0 =	sadd.s32 s8, s0;
	s3 =	ssub.s32 s3, s22;
	s21 =	sor.u32 $0x2400, s13;
	[tilespmem:$0x1FF00] =	vst v0;
	v0 =	vor.u32 s20, v1  }
0x1e: {  	s6 =	sadd.s32 s4, s5;
	s5 =	sor.u32 $0x1380, s16;
	s8 =	sadd.s32 $0x4000, s9;
	[tilespmem:$0x1FF10] =	vst v0;
	v0 =	vor.u32 s20, v2  }
0x1f: {  	s9 =	sadd.s32 $0x65C00, s10;
	s11 =	sadd.s32 $0x150200, s0;
	s10 =	smul.u32 $0x13800, s16;
	[tilespmem:$0x1FF20] =	vst v0;
	v0 =	vor.u32 s20, v3  }
0x20: {  	s16 =	smul.u32 $0x2700, s16;
	s4 =	sshll.u32 s5, $0x6;
	s3 =	smax.u32 s3, $0x1;
	[tilespmem:$0x1FF30] =	vst v0;
	v0 =	vor.u32 s13, v39  }
0x21: {  	s23 =	sadd.s32 $0x17A00, s0;
	[dreg:$0xf] =	wrdreg s3;
	s25 =	sadd.s32 s4, s9;
	[tilespmem:$0x1FF40] =	vst v0;
	v0 =	vor.u32 s13, v1  }
0x22: {  	s3 =	sadd.s32 $0x138000, s1;
	s24 =	sshrl.u32 s16, $0x3;
	[dreg:$0x10] =	wrdreg s25;
	[tilespmem:$0x1FF50] =	vst v0;
	v0 =	vor.u32 s13, v2  }
0x23: {  	v8 =	vimm.s32 $0xFEDCBA98;
	v9 =	vimm.s32 $0x76543210;
	s22 =	sshrl.u32 s10, $0x3;
	[dreg:$0xe] =	wrdreg s23;
	s0 =	sadd.s32 s24, s23;
	[tilespmem:$0x1FF60] =	vst v0;
	v0 =	vor.u32 s13, v3  }
0x24: {  	v38 =	vimm.s32 $0x0;
	v44 =	vimm.s32 $0x1;
	s3 =	sshrl.u32 @!p0 s3, $0x3;
	[dreg:$0x13] =	wrdreg s0;
	s0 =	sadd.s32 $0x27000, s2;
	[tilespmem:$0x1FF70] =	vst v0;
	v0 =	vor.u32 s15, v39  }
0x25: {  	v45 =	vimm.s32 $0x2;
	v46 =	vimm.s32 $0x3;
	s25 =	simm.s32 $0x5D40;
	[dreg:$0x15] =	wrdreg s3;
	s0 =	sshrl.u32 @!p0 s0, $0x3;
	[tilespmem:$0x1FF80] =	vst v0;
	v0 =	vor.u32 s15, v1  }
0x26: {  	v47 =	vimm.s32 $0x4;
	v48 =	vimm.s32 $0x5;
	s24 =	simm.s32 $0x5D00;
	s12 =	sadd.s32 $0x102000, s7;
	[dreg:$0x16] =	wrdreg s0;
	[tilespmem:$0x1FF90] =	vst v0;
	v0 =	vor.u32 s15, v2  }
0x27: {  	v8 =	vunpack.c.l.s4.s8 v8;
	v4 =	vor.u32 s21, v39;
	s17 =	sshll.u32 s5, $0x3;
	s5 =	sadd.s32 s10, s1;
	s10 =	sadd.s32 s16, s2;
	[tilespmem:$0x1FFA0] =	vst v0;
	v0 =	vor.u32 s15, v3  }
.Ltmp0:
0x28: {  	v5 =	vor.u32 s21, v1;
	[dreg:$0xc] =	wrdreg s17;
	s29 =	sshrl.u32 s5, $0x3;
	v1 =	vunpack.c.l.s4.s8 v9;
	[tilespmem:$0x1FFB0] =	vst v0;
	v0 =	vmin.u32 v4, $0x270F;
	(pc) =	sbr.rel .LBB2_1-.Ltmp0, $4  }
0x29: {  	v6 =	vor.u32 s21, v2;
	s0 =	simm.s32 $0x2EC0;
	s30 =	sshrl.u32 s10, $0x3;
	[dreg:$0x12] =	wrdreg s29;
	v2 =	vunpack.c.0.s8.s32 v8;
	[tilespmem:$0x1FFC0] =	vst v0;
	v0 =	vmin.u32 v5, $0x270F  }
0x2a: {  	v7 =	vor.u32 s21, v3;
	s16 =	simm.s32 $0x1;
	[dreg:$0x14] =	wrdreg s30;
	s18 =	sadd.s32 $0x15A000, s7;
	v1 =	vunpack.c.0.s8.s32 v1;
	[tilespmem:$0x1FFD0] =	vst v0;
	v0 =	vmin.u32 v6, $0x270F  }
0x2b: {  	v49 =	vimm.s32 $0x6;
	s17 =	simm.s32 $0x3;
	[dreg:$0xd] =	wrdreg s18;
	s26 =	sadd.s32 s22, s18;
	v2 =	vand.u32 $0xF, v2;
	[tilespmem:$0x1FFE0] =	vst v0;
	v0 =	vmin.u32 v7, $0x270F  }
0x2c: {  	v50 =	vimm.s32 $0x7;
	s7 =	simm.s32 $0x0;
	[dreg:$0x11] =	wrdreg s26;
	s19 =	simm.s32 $0x2;
	v42 =	vcombine.low v2, v1;
	[tilespmem:$0x1FFF0] =	vst v0;
	v0 =	vimm.f32 $0.0e+00  }
.LBB2_15:
0x2d: {  	[bflag:$0x0] =	sbarrier.arrive $0xFFFF  }
0x2e: {  	s13 =	rddreg [dreg:$0x5]  }
0x2f: {  	s4 =	rddreg [dreg:$0x11]  }
0x30: {  	s5 =	rddreg [dreg:$0x12];
	s3 =	sor.u32 $0x1C04, s13  }
0x31: {  	[hbm:s4], [sflag:s3] =	dma.local [spmem:s5], $0x2700  }
0x32: {  	s4 =	rddreg [dreg:$0x13]  }
0x33: {  	s5 =	rddreg [dreg:$0x14]  }
0x34: {  	[hbm:s4], [sflag:s3] =	dma.local [spmem:s5], $0x4E0  }
0x35: {  	s4 =	simm.s32 @p0 $0x4  }
0x36: {  	_ =	swait.ge @p0 [sflag:s4], $0x2700  }
0x37: {  	[sflag:s4] =	ssyncset.done @p0 $0x0  }
0x38: {  	[sflag:s4] =	ssyncadd.s32 @p0 $0xFFFFD900  }
0x39: {  	_ =	swait.ge @p0 [sflag:s4], $0x4E0  }
0x3a: {  	[sflag:s4] =	ssyncset.done @p0 $0x0  }
0x3b: {  	[sflag:s4] =	ssyncadd.s32 @p0 $0xFFFFFB20;
	s4 =	rddreg [dreg:$0xd]  }
0x3c: {  	s5 =	rddreg [dreg:$0x15];
	s4 =	sadd.s32 @!p0 $0x27000, s4  }
0x3d: {  	[hbm:s4], [sflag:s3] =	dma.local @!p0 [spmem:s5], $0x100  }
0x3e: {  	s4 =	rddreg [dreg:$0xe]  }
0x3f: {  	s5 =	rddreg [dreg:$0x16];
	s4 =	sadd.s32 @!p0 $0x4E00, s4  }
0x40: {  	[hbm:s4], [sflag:s3] =	dma.local @!p0 [spmem:s5], $0x20  }
0x41: {  	s3 =	simm.s32 @!p0 $0x4  }
0x42: {  	_ =	swait.ge @!p0 [sflag:s3], $0x2700  }
0x43: {  	[sflag:s3] =	ssyncset.done @!p0 $0x0  }
0x44: {  	[sflag:s3] =	ssyncadd.s32 @!p0 $0xFFFFD900  }
0x45: {  	_ =	swait.ge @!p0 [sflag:s3], $0x4E0  }
0x46: {  	[sflag:s3] =	ssyncset.done @!p0 $0x0  }
0x47: {  	[sflag:s3] =	ssyncadd.s32 @!p0 $0xFFFFFB20  }
0x48: {  	_ =	swait.ge @!p0 [sflag:s3], $0x100  }
0x49: {  	[sflag:s3] =	ssyncset.done @!p0 $0x0  }
0x4a: {  	[sflag:s3] =	ssyncadd.s32 @!p0 $0xFFFFFF00  }
0x4b: {  	_ =	swait.ge @!p0 [sflag:s3], $0x20  }
0x4c: {  	s7 =	sadd.s32 $0x1, s7;
	s30 =	rddreg [dreg:$0xf]  }
0x4d: {  	p3 =	sne.s32 s7, s30  }
.Ltmp1:
0x4e: {  	_ = 	snop;
	(pc) =	sbr.rel @!p3 .LBB2_16-.Ltmp1, $3  }
0x4f: {  	_ =	sdelay $0x1  }
0x50: {  	[sflag:s3] =	ssyncset.done @!p0 $0x0  }
0x51: {  	v0 =	vimm.f32 $0.0e+00;
	[sflag:s3] =	ssyncadd.s32 @!p0 $0xFFFFFFE0  }
.LBB2_1:
0x52: {  	s3 =	simm.s32 $0xEC0  }
0x53: {  	[tilespmem:s3+$0xFFFFFFD0] =	vst v0  }
0x54: {  	[tilespmem:s3+$0xFFFFFFE0] =	vst v0  }
0x55: {  	[tilespmem:s3+$0xFFFFFFF0] =	vst v0  }
0x56: {  	[tilespmem:s3+$0x0] =	vst v0  }
0x57: {  	[tilespmem:s3+$0x10] =	vst v0  }
0x58: {  	[tilespmem:s3+$0x20] =	vst v0  }
0x59: {  	[tilespmem:s3+$0x30] =	vst v0  }
0x5a: {  	[dreg:$0x17] =	wrdreg s7;
	s5 =	simm.s32 $0x0;
	s4 =	simm.s32 $0x40;
	[tilespmem:s3+$0xFFFFFFC0] =	vst v0  }
.LBB2_2:
0x5b: {  	p3 =	sne.s32 s4, $0xFC0;
	[tilespmem:s5+$0xA80] =	vst v0;
	s3 =	sadd.s32 $0x80, s3  }
0x5c: {  	[tilespmem:s3+$0xFFFFFFD0] =	vst v0  }
0x5d: {  	[tilespmem:s3+$0xFFFFFFE0] =	vst v0  }
0x5e: {  	[tilespmem:s3+$0xFFFFFFF0] =	vst v0  }
.Ltmp2:
0x5f: {  	[tilespmem:s3+$0x0] =	vst v0;
	(pc) =	sbr.rel @p3 .LBB2_2-.Ltmp2, $4  }
0x60: {  	[tilespmem:s3+$0x10] =	vst v0  }
0x61: {  	[tilespmem:s3+$0x20] =	vst v0  }
0x62: {  	[tilespmem:s3+$0x30] =	vst v0  }
0x63: {  	s5 =	sshra.s32 s4, $0x2;
	s4 =	sadd.s32 $0x40, s4;
	[tilespmem:s3+$0xFFFFFFC0] =	vst v0  }
0x64: {  	v18 =	vld [tilespmem:$0x1FF40]  }
0x65: {  	v19 =	vld [tilespmem:$0x1FF50]  }
0x66: {  	v20 =	vld [tilespmem:$0x1FF60]  }
0x67: {  	v21 =	vld [tilespmem:$0x1FF70]  }
0x68: {  	[tilespmem:s5+$0xA80] =	vst v0  }
0x69: {  	[tilespmem:$0x0] =	vst v18  }
0x6a: {  	[tilespmem:$0x10] =	vst v19  }
0x6b: {  	[tilespmem:$0x20] =	vst v20  }
0x6c: {  	s3 =	simm.s32 $0x0;
	s7 =	simm.s32 $0xE80;
	s4 =	simm.s32 $0x4;
	[tilespmem:$0x30] =	vst v21  }
0x6d: {  	[spmem:s1] =	stream.indirect.scatter [tilespmem:s7], [sflag:$0x4], $0x80, s3, s28, $0xb8;
	[tilespmem:$0x1EB10] =	vst v63  }
0x6e: {  	_ =	swait.ge [sflag:s4], $0x2000  }
0x6f: {  	[sflag:s4] =	ssyncset.done $0x0  }
0x70: {  	s26 =	simm.s32 $0xA80;
	[sflag:s4] =	ssyncadd.s32 $0xFFFFE000  }
0x71: {  	[spmem:s2] =	stream.indirect.scatter [tilespmem:s26], [sflag:$0x4], $0x10, s3, s28, $0xb8;
	[tilespmem:$0x1EB10] =	vst v63  }
0x72: {  	_ =	swait.ge [sflag:s4], $0x400  }
0x73: {  	v22 =	vld [tilespmem:$0x1FF80]  }
0x74: {  	v23 =	vld [tilespmem:$0x1FF90]  }
0x75: {  	v24 =	vld [tilespmem:$0x1FFA0]  }
0x76: {  	[sflag:s4] =	ssyncset.done $0x0;
	v25 =	vld [tilespmem:$0x1FFB0]  }
0x77: {  	[sflag:s4] =	ssyncadd.s32 $0xFFFFFC00  }
0x78: {  	[tilespmem:$0x0] =	vst v22  }
0x79: {  	[tilespmem:$0x10] =	vst v23  }
0x7a: {  	[tilespmem:$0x20] =	vst v24  }
0x7b: {  	[tilespmem:$0x30] =	vst v25  }
0x7c: {  	[spmem:s1] =	stream.indirect.scatter [tilespmem:s7], [sflag:$0x4], $0x80, s3, s28, $0xb8;
	[tilespmem:$0x1EB10] =	vst v63  }
0x7d: {  	_ =	swait.ge [sflag:s4], $0x2000  }
0x7e: {  	[sflag:s4] =	ssyncset.done $0x0  }
0x7f: {  	[sflag:s4] =	ssyncadd.s32 $0xFFFFE000  }
0x80: {  	[spmem:s2] =	stream.indirect.scatter [tilespmem:s26], [sflag:$0x4], $0x10, s3, s28, $0xb8;
	[tilespmem:$0x1EB10] =	vst v63  }
0x81: {  	_ =	swait.ge [sflag:s4], $0x400  }
0x82: {  	v26 =	vld [tilespmem:$0x1FD80]  }
0x83: {  	v27 =	vld [tilespmem:$0x1FD90]  }
0x84: {  	v28 =	vld [tilespmem:$0x1FDA0]  }
0x85: {  	[sflag:s4] =	ssyncset.done $0x0;
	v29 =	vld [tilespmem:$0x1FDB0]  }
0x86: {  	[sflag:s4] =	ssyncadd.s32 $0xFFFFFC00  }
0x87: {  	[tilespmem:$0x0] =	vst v26  }
0x88: {  	[tilespmem:$0x10] =	vst v27  }
0x89: {  	[tilespmem:$0x20] =	vst v28  }
0x8a: {  	[tilespmem:$0x30] =	vst v29  }
0x8b: {  	[spmem:s1] =	stream.indirect.scatter [tilespmem:s7], [sflag:$0x4], $0x80, s3, s28, $0xb8;
	[tilespmem:$0x1EB10] =	vst v63  }
0x8c: {  	_ =	swait.ge [sflag:s4], $0x2000  }
0x8d: {  	[sflag:s4] =	ssyncset.done $0x0  }
0x8e: {  	[sflag:s4] =	ssyncadd.s32 $0xFFFFE000  }
0x8f: {  	[spmem:s2] =	stream.indirect.scatter [tilespmem:s26], [sflag:$0x4], $0x10, s3, s28, $0xb8;
	[tilespmem:$0x1EB10] =	vst v63  }
0x90: {  	_ =	swait.ge [sflag:s4], $0x400  }
0x91: {  	v30 =	vld [tilespmem:$0x1FDC0]  }
0x92: {  	v31 =	vld [tilespmem:$0x1FDD0]  }
0x93: {  	v32 =	vld [tilespmem:$0x1FDE0]  }
0x94: {  	[sflag:s4] =	ssyncset.done $0x0;
	v33 =	vld [tilespmem:$0x1FDF0]  }
0x95: {  	[sflag:s4] =	ssyncadd.s32 $0xFFFFFC00  }
0x96: {  	[tilespmem:$0x0] =	vst v30  }
0x97: {  	[tilespmem:$0x10] =	vst v31  }
0x98: {  	[tilespmem:$0x20] =	vst v32  }
0x99: {  	[tilespmem:$0x30] =	vst v33  }
0x9a: {  	[spmem:s1] =	stream.indirect.scatter [tilespmem:s7], [sflag:$0x4], $0x80, s3, s28, $0xb8;
	[tilespmem:$0x1EB10] =	vst v63  }
0x9b: {  	_ =	swait.ge [sflag:s4], $0x2000  }
0x9c: {  	[sflag:s4] =	ssyncset.done $0x0  }
0x9d: {  	[sflag:s4] =	ssyncadd.s32 $0xFFFFE000  }
0x9e: {  	[spmem:s2] =	stream.indirect.scatter [tilespmem:s26], [sflag:$0x4], $0x10, s3, s28, $0xb8;
	[tilespmem:$0x1EB10] =	vst v63  }
0x9f: {  	_ =	swait.ge [sflag:s4], $0x400  }
0xa0: {  	v34 =	vld [tilespmem:$0x1FE00]  }
0xa1: {  	v35 =	vld [tilespmem:$0x1FE10]  }
0xa2: {  	v36 =	vld [tilespmem:$0x1FE20]  }
0xa3: {  	[sflag:s4] =	ssyncset.done $0x0;
	v37 =	vld [tilespmem:$0x1FE30]  }
0xa4: {  	[sflag:s4] =	ssyncadd.s32 $0xFFFFFC00  }
0xa5: {  	[tilespmem:$0x0] =	vst v34  }
0xa6: {  	[tilespmem:$0x10] =	vst v35  }
0xa7: {  	[tilespmem:$0x20] =	vst v36  }
0xa8: {  	[tilespmem:$0x30] =	vst v37  }
0xa9: {  	[spmem:s1] =	stream.indirect.scatter [tilespmem:s7], [sflag:$0x4], $0x80, s3, s28, $0xb8;
	[tilespmem:$0x1EB10] =	vst v63  }
0xaa: {  	_ =	swait.ge [sflag:s4], $0x2000  }
0xab: {  	[sflag:s4] =	ssyncset.done $0x0  }
0xac: {  	[sflag:s4] =	ssyncadd.s32 $0xFFFFE000  }
0xad: {  	[spmem:s2] =	stream.indirect.scatter [tilespmem:s26], [sflag:$0x4], $0x10, s3, s28, $0xb8;
	[tilespmem:$0x1EB10] =	vst v63  }
0xae: {  	_ =	swait.ge [sflag:s4], $0x400  }
0xaf: {  	v40 =	vld [tilespmem:$0x1FE40]  }
0xb0: {  	v41 =	vld [tilespmem:$0x1FE50]  }
0xb1: {  	v43 =	vld [tilespmem:$0x1FE60]  }
0xb2: {  	[sflag:s4] =	ssyncset.done $0x0;
	v51 =	vld [tilespmem:$0x1FE70]  }
0xb3: {  	[sflag:s4] =	ssyncadd.s32 $0xFFFFFC00  }
0xb4: {  	[tilespmem:$0x0] =	vst v40  }
0xb5: {  	[tilespmem:$0x10] =	vst v41  }
0xb6: {  	[tilespmem:$0x20] =	vst v43  }
0xb7: {  	[tilespmem:$0x30] =	vst v51  }
0xb8: {  	[spmem:s1] =	stream.indirect.scatter [tilespmem:s7], [sflag:$0x4], $0x80, s3, s28, $0xb8;
	[tilespmem:$0x1EB10] =	vst v63  }
0xb9: {  	_ =	swait.ge [sflag:s4], $0x2000  }
0xba: {  	[sflag:s4] =	ssyncset.done $0x0  }
0xbb: {  	[sflag:s4] =	ssyncadd.s32 $0xFFFFE000  }
0xbc: {  	[spmem:s2] =	stream.indirect.scatter [tilespmem:s26], [sflag:$0x4], $0x10, s3, s28, $0xb8;
	[tilespmem:$0x1EB10] =	vst v63  }
0xbd: {  	_ =	swait.ge [sflag:s4], $0x400  }
0xbe: {  	v52 =	vld [tilespmem:$0x1FE80]  }
0xbf: {  	v53 =	vld [tilespmem:$0x1FE90]  }
0xc0: {  	v54 =	vld [tilespmem:$0x1FEA0]  }
0xc1: {  	[sflag:s4] =	ssyncset.done $0x0;
	v55 =	vld [tilespmem:$0x1FEB0]  }
0xc2: {  	[sflag:s4] =	ssyncadd.s32 $0xFFFFFC00  }
0xc3: {  	[tilespmem:$0x0] =	vst v52  }
0xc4: {  	[tilespmem:$0x10] =	vst v53  }
0xc5: {  	[tilespmem:$0x20] =	vst v54  }
0xc6: {  	[tilespmem:$0x30] =	vst v55  }
0xc7: {  	[spmem:s1] =	stream.indirect.scatter [tilespmem:s7], [sflag:$0x4], $0x80, s3, s28, $0xb8;
	[tilespmem:$0x1EB10] =	vst v63  }
0xc8: {  	_ =	swait.ge [sflag:s4], $0x2000  }
0xc9: {  	[sflag:s4] =	ssyncset.done $0x0  }
0xca: {  	[sflag:s4] =	ssyncadd.s32 $0xFFFFE000  }
0xcb: {  	[spmem:s2] =	stream.indirect.scatter [tilespmem:s26], [sflag:$0x4], $0x10, s3, s28, $0xb8;
	[tilespmem:$0x1EB10] =	vst v63  }
0xcc: {  	_ =	swait.ge [sflag:s4], $0x400  }
0xcd: {  	v56 =	vld [tilespmem:$0x1FEC0]  }
0xce: {  	v57 =	vld [tilespmem:$0x1FED0]  }
0xcf: {  	v58 =	vld [tilespmem:$0x1FEE0]  }
0xd0: {  	[sflag:s4] =	ssyncset.done $0x0;
	v59 =	vld [tilespmem:$0x1FEF0]  }
0xd1: {  	[sflag:s4] =	ssyncadd.s32 $0xFFFFFC00  }
0xd2: {  	[tilespmem:$0x0] =	vst v56  }
0xd3: {  	[tilespmem:$0x10] =	vst v57  }
0xd4: {  	[tilespmem:$0x20] =	vst v58  }
0xd5: {  	[tilespmem:$0x30] =	vst v59  }
0xd6: {  	[spmem:s1] =	stream.indirect.scatter [tilespmem:s7], [sflag:$0x4], $0x80, s3, s28, $0xb8;
	[tilespmem:$0x1EB10] =	vst v63  }
0xd7: {  	_ =	swait.ge [sflag:s4], $0x2000  }
0xd8: {  	[sflag:s4] =	ssyncset.done $0x0  }
0xd9: {  	[sflag:s4] =	ssyncadd.s32 $0xFFFFE000  }
0xda: {  	[spmem:s2] =	stream.indirect.scatter [tilespmem:s26], [sflag:$0x4], $0x10, s3, s28, $0xb8;
	[tilespmem:$0x1EB10] =	vst v63  }
0xdb: {  	_ =	swait.ge [sflag:s4], $0x400  }
0xdc: {  	v60 =	vld [tilespmem:$0x1FF00]  }
0xdd: {  	v61 =	vld [tilespmem:$0x1FF10]  }
0xde: {  	v62 =	vld [tilespmem:$0x1FF20]  }
0xdf: {  	[sflag:s4] =	ssyncset.done $0x0;
	v63 =	vld [tilespmem:$0x1FF30]  }
0xe0: {  	[sflag:s4] =	ssyncadd.s32 $0xFFFFFC00  }
0xe1: {  	[tilespmem:$0x0] =	vst v60  }
0xe2: {  	[tilespmem:$0x10] =	vst v61  }
0xe3: {  	[tilespmem:$0x20] =	vst v62  }
0xe4: {  	[tilespmem:$0x30] =	vst v63  }
0xe5: {  	[spmem:s1] =	stream.indirect.scatter [tilespmem:s7], [sflag:$0x4], $0x80, s3, s28, $0xb8;
	[tilespmem:$0x1EB10] =	vst v63  }
0xe6: {  	_ =	swait.ge [sflag:s4], $0x2000  }
0xe7: {  	[sflag:s4] =	ssyncset.done $0x0  }
0xe8: {  	[sflag:s4] =	ssyncadd.s32 $0xFFFFE000  }
0xe9: {  	[spmem:s2] =	stream.indirect.scatter [tilespmem:s26], [sflag:$0x4], $0x10, s3, s28, $0xb8;
	[tilespmem:$0x1EB10] =	vst v63  }
0xea: {  	_ =	swait.ge [sflag:s4], $0x400  }
0xeb: {  	v0 =	vld [tilespmem:$0x1FFC0];
	_ =	sdelay $0x2  }
0xec: {  	[sflag:s4] =	ssyncset.done $0x0  }
0xed: {  	[sflag:s4] =	ssyncadd.s32 $0xFFFFFC00  }
0xee: {  	[tilespmem:$0x0] =	vst @!p1 v0;
	v0 =	vld [tilespmem:$0x1FFD0];
	_ =	sdelay $0x4  }
0xef: {  	[tilespmem:$0x10] =	vst @!p1 v0;
	v0 =	vld [tilespmem:$0x1FFE0];
	_ =	sdelay $0x4  }
0xf0: {  	[tilespmem:$0x20] =	vst @!p1 v0;
	v0 =	vld [tilespmem:$0x1FFF0];
	_ =	sdelay $0x4  }
0xf1: {  	s5 =	simm.s32 @!p1 $0xE80;
	s3 =	simm.s32 @!p1 $0x40;
	s4 =	simm.s32 @!p1 $0x0;
	[tilespmem:$0x30] =	vst @!p1 v0  }
0xf2: {  	[spmem:s1] =	stream.indirect.scatter @!p1 [tilespmem:s5], [sflag:$0x4], $0x80, s4, s3, $0xb8;
	[tilespmem:$0x1EB10] =	vst v63  }
0xf3: {  	s5 =	simm.s32 @!p1 $0x4  }
0xf4: {  	_ =	swait.ge @!p1 [sflag:s5], $0x2000  }
0xf5: {  	[sflag:s5] =	ssyncset.done @!p1 $0x0  }
0xf6: {  	s10 =	simm.s32 @!p1 $0xA80;
	[sflag:s5] =	ssyncadd.s32 @!p1 $0xFFFFE000  }
0xf7: {  	[spmem:s2] =	stream.indirect.scatter @!p1 [tilespmem:s10], [sflag:$0x4], $0x10, s4, s3, $0xb8;
	[tilespmem:$0x1EB10] =	vst v63  }
0xf8: {  	_ =	swait.ge @!p1 [sflag:s5], $0x400  }
0xf9: {  	[sflag:s5] =	ssyncset.done @!p1 $0x0  }
0xfa: {  	[sflag:s5] =	ssyncadd.s32 @!p1 $0xFFFFFC00  }
0xfb: {  	[bflag:$0x0] =	sbarrier.arrive $0xFFFF  }
0xfc: {  	s29 =	rddreg [dreg:$0x7]  }
0xfd: {  	s3 =	simm.s32 $0x0;
	s30 =	sadd.s32 s29, s6  }
0xfe: {  	[tilespmem:s3], [sflag:$0x1] =	stream.linear.gather [hbm4b:s30+s3], $0x40, $0x38;
	[tilespmem:$0x1EB10] =	vst v63  }
0xff: {  	s10 =	sadd.s32 s29, s8  }
0x100: {  	[tilespmem:s28], [sflag:$0x1] =	stream.linear.gather [hbm4b:s10+s3], $0x40, $0x38;
	[tilespmem:$0x1EB10] =	vst v63  }
0x101: {  	s14 =	sadd.s32 s13, s9;
	s15 =	simm.s32 $0x80;
	s18 =	rddreg [dreg:$0x8]  }
0x102: {  	[tilespmem:s15], [sflag:$0x1] =	stream.linear.gather [hbm4b:s14+s3], $0x200, $0x38;
	[tilespmem:$0x1EB10] =	vst v63  }
0x103: {  	s21 =	simm.s32 $0x2E80;
	s20 =	sadd.s32 s18, s6  }
0x104: {  	[tilespmem:s21], [sflag:$0x2] =	stream.linear.gather [hbm4b:s20+s3], $0x40, $0x38;
	[tilespmem:$0x1EB10] =	vst v63  }
0x105: {  	s23 =	rddreg [dreg:$0x6];
	s22 =	sadd.s32 s18, s8  }
0x106: {  	[tilespmem:s0], [sflag:$0x2] =	stream.linear.gather [hbm4b:s22+s3], $0x40, $0x38;
	[tilespmem:$0x1EB10] =	vst v63  }
0x107: {  	s26 =	simm.s32 $0x2F00;
	s4 =	sadd.s32 s23, s9  }
0x108: {  	[tilespmem:s26], [sflag:$0x2] =	stream.linear.gather [hbm4b:s4+s3], $0x200, $0x38;
	[tilespmem:$0x1EB10] =	vst v63  }
0x109: {  	_ =	swait.ge [sflag:s16], $0x40  }
0x10a: {  	[sflag:s16] =	ssyncset.done $0x0  }
0x10b: {  	[sflag:s16] =	ssyncadd.s32 $0xFFFFFFC0  }
0x10c: {  	_ =	swait.ge [sflag:s16], $0x40  }
0x10d: {  	[sflag:s16] =	ssyncset.done $0x0  }
0x10e: {  	[sflag:s16] =	ssyncadd.s32 $0xFFFFFFC0  }
0x10f: {  	_ =	swait.ge [sflag:s16], $0x200  }
0x110: {  	[sflag:s16] =	ssyncset.done $0x0  }
0x111: {  	s29 =	simm.s32 $0x280;
	[sflag:s16] =	ssyncadd.s32 $0xFFFFFE00  }
0x112: {  	[tilespmem:s29], [sflag:$0x1] =	stream.indirect.gather [hbm4b:s11+s28], $0x10, s3, s28, $0xb8;
	[tilespmem:$0x1EB10] =	vst v63  }
0x113: {  	s30 =	simm.s32 $0x680  }
0x114: {  	[tilespmem:s30], [sflag:$0x1] =	stream.indirect.gather [hbm4b:s11+s28], $0x10, s28, s28, $0xb8;
	[tilespmem:$0x1EB10] =	vst v63  }
0x115: {  	s21 =	simm.s32 $0x0  }
0x116: {  	[tilespmem:s7], [sflag:$0x1] =	stream.indirect.gather [hbm4b:s12+s28], $0x80, s3, s28, $0xb8;
	[tilespmem:$0x1EB10] =	vst v63  }
.LBB2_4:
0x117: {  	_ =	swait.ge [sflag:s16], $0x400  }
0x118: {  	[sflag:s16] =	ssyncset.done $0x0  }
0x119: {  	[sflag:s16] =	ssyncadd.s32 $0xFFFFFC00  }
0x11a: {  	_ =	swait.ge [sflag:s16], $0x400  }
0x11b: {  	[sflag:s16] =	ssyncset.done $0x0  }
0x11c: {  	[sflag:s16] =	ssyncadd.s32 $0xFFFFFC00  }
0x11d: {  	_ =	swait.ge [sflag:s16], $0x2000  }
0x11e: {  	[sflag:s16] =	ssyncset.done $0x0  }
0x11f: {  	[sflag:s16] =	ssyncadd.s32 $0xFFFFE000  }
0x120: {  	_ =	swait.ge [sflag:s19], $0x40  }
0x121: {  	[sflag:s19] =	ssyncset.done $0x0  }
0x122: {  	[sflag:s19] =	ssyncadd.s32 $0xFFFFFFC0  }
0x123: {  	_ =	swait.ge [sflag:s19], $0x40  }
0x124: {  	[sflag:s19] =	ssyncset.done $0x0  }
0x125: {  	[sflag:s19] =	ssyncadd.s32 $0xFFFFFFC0  }
0x126: {  	_ =	swait.ge [sflag:s19], $0x200  }
0x127: {  	[sflag:s19] =	ssyncset.done $0x0  }
0x128: {  	s4 =	simm.s32 $0x2E80;
	s5 =	simm.s32 $0x3100;
	[sflag:s19] =	ssyncadd.s32 $0xFFFFFE00  }
0x129: {  	[tilespmem:s5], [sflag:$0x2] =	stream.indirect.gather [hbm4b:s11+s28], $0x10, s4, s28, $0xb8;
	[tilespmem:$0x1EB10] =	vst v63  }
0x12a: {  	s22 =	simm.s32 $0x3500  }
0x12b: {  	[tilespmem:s22], [sflag:$0x2] =	stream.indirect.gather [hbm4b:s11+s28], $0x10, s0, s28, $0xb8;
	[tilespmem:$0x1EB10] =	vst v63  }
0x12c: {  	p3 =	seq.s32 s21, $0x0  }
0x12d: {  	[tilespmem:s31], [sflag:$0x2] =	stream.indirect.gather [hbm4b:s12+s28], $0x80, s4, s28, $0xb8;
	[tilespmem:$0x1EB10] =	vst v63  }
0x12e: {  	s4 =	simm.s32 @!p3 $0x3  }
0x12f: {  	_ =	swait.ge @!p3 [sflag:s4], $0x400  }
0x130: {  	[sflag:s4] =	ssyncset.done @!p3 $0x0  }
0x131: {  	[sflag:s4] =	ssyncadd.s32 @!p3 $0xFFFFFC00  }
0x132: {  	s22 =	smul.u32 $0x30, s21;
	_ =	swait.ge @!p3 [sflag:s4], $0x2000  }
0x133: {  	s23 =	rddreg [dreg:$0x9]  }
0x134: {  	s5 =	sadd.s32 s23, s22  }
0x135: {  	[sflag:s4] =	ssyncset.done @!p3 $0x0;
	s10 =	sshll.u32 s5, $0x3  }
0x136: {  	[sflag:s4] =	ssyncadd.s32 @!p3 $0xFFFFE000;
	s26 =	sadd.s32 s6, s10  }
0x137: {  	[tilespmem:s24], [sflag:$0x3] =	stream.linear.gather [hbm4b:s26+s3], $0x40, $0x38;
	[tilespmem:$0x1EB10] =	vst v63  }
0x138: {  	s13 =	simm.s32 $0x18;
	s7 =	sshll.u32 s5, $0x6;
	s30 =	sadd.s32 s8, s10  }
0x139: {  	[tilespmem:s25], [sflag:$0x3] =	stream.linear.gather [hbm4b:s30+s3], $0x40, $0x38;
	[tilespmem:$0x1EB10] =	vst v63  }
0x13a: {  	s14 =	simm.s32 $0x6A0;
	s4 =	sadd.s32 s9, s7;
	s10 =	simm.s32 $0x5D80  }
0x13b: {  	[tilespmem:s10], [sflag:$0x3] =	stream.linear.gather [hbm4b:s4+s3], $0x200, $0x38;
	[tilespmem:$0x1EB10] =	vst v63  }
0x13c: {  	s15 =	sand.u32 $0x180, s3;
	s18 =	simm.s32 $0x2A0;
	s4 =	sand.u32 $0x78, s13;
	v1 =	vld [tilespmem:s14+$0x10]  }
0x13d: {  	s10 =	sadd.s32 $0x80, s15;
	s26 =	smin.u32 s4, $0x70;
	v2 =	vld [tilespmem:s18+$0x10]  }
0x13e: {  	v4 =	vld [tilespmem:s14+$0xFFFFFFE0];
	s29 =	sor.u32 s26, s10  }
0x13f: {  	v3 =	vld [tilespmem:s29+$0x0]  }
0x140: {  	v5 =	vld [tilespmem:s14+$0xFFFFFFF0];
	s29 =	simm.s32 $0x8  }
0x141: {  	v6 =	vld [tilespmem:s14+$0x0];
	s29 =	sand.u32 $0x68, s29  }
0x142: {  	s31 =	simm.s32 $0x10;
	v10 =	vld [tilespmem:s18+$0xFFFFFFE0];
	s4 =	ssub.s32 s4, s26;
	s23 =	sor.u32 s29, s10;
	v1 =	vperm.xlane v1, v42  }
0x143: {  	s20 =	sand.u32 $0x70, s31;
	v8 =	vadd.s32 s4, v39;
	v9 =	vld [tilespmem:s23+$0x0]  }
0x144: {  	s5 =	sor.u32 s20, s10;
	v3 =	vperm.xlane v3, v8;
	v1 =	vadd.f32 v1, v2;
	v8 =	vld [tilespmem:s18+$0xFFFFFFF0]  }
0x145: {  	s30 =	sand.u32 $0x60, s3;
	v2 =	vld [tilespmem:s5+$0x0]  }
0x146: {  	s30 =	sor.u32 s30, s10;
	v1 =	vadd.f32 v3, v1;
	v3 =	vld [tilespmem:s18+$0x0]  }
0x147: {  	v7 =	vld [tilespmem:s30+$0x0];
	v5 =	vperm.xlane v5, v42  }
0x148: {  	v6 =	vperm.xlane v6, v42;
	v11 =	vmul.f32 $2.000000030e-01, v1  }
0x149: {  	v9 =	vperm.xlane v9, v39;
	vm0 =	vge.f32 v1, $0.0e+00;
	v5 =	vadd.f32 v5, v8  }
0x14a: {  	v4 =	vperm.xlane v4, v42;
	v2 =	vperm.xlane v2, v39;
	v1 =	vsel vm0, v1, v11  }
0x14b: {  	v1 =	vmul.f32 $1.442695020e+00, v1;
	v3 =	vadd.f32 v6, v3;
	v5 =	vadd.f32 v9, v5  }
0x14c: {  	v7 =	vperm.xlane v7, v39;
	v4 =	vadd.f32 v4, v10  }
0x14d: {  	(erf) = vpow2.f32 v1;
	v1 =	vadd.f32 v2, v3;
	v3 =	vmul.f32 $2.000000030e-01, v5  }
0x14e: {  	vm11 =	vge.f32 v5, $0.0e+00  }
0x14f: {  	v2 =	vadd.f32 v7, v4;
	v4 =	vmul.f32 $2.000000030e-01, v1;
	v3 =	vsel vm11, v5, v3  }
0x150: {  	vm1 =	vge.f32 v1, $0.0e+00;
	v3 =	vmul.f32 $1.442695020e+00, v3  }
0x151: {  	v6 =	vmul.f32 $2.000000030e-01, v2;
	v1 =	vsel vm1, v1, v4  }
0x152: {  	v1 =	vmul.f32 $1.442695020e+00, v1;
	(erf) = vpow2.f32 v3  }
0x153: {  	vm12 =	vge.f32 v2, $0.0e+00  }
0x154: {  	s5 =	simm.s32 $0x2E0;
	v2 =	vsel vm12, v2, v6  }
0x155: {  	v63 =	vld [tilespmem:s5+$0x10];
	s18 =	simm.s32 $0x6E0;
	v2 =	vmul.f32 $1.442695020e+00, v2  }
0x156: {  	s4 =	simm.s32 $0xAA0;
	v62 =	vld [tilespmem:s18+$0xFFFFFFE0];
	(erf) = vpow2.f32 v1;
	v1 =	vpop (erf)  }
0x157: {  	s26 =	simm.s32 $0xF80;
	v54 =	vld [tilespmem:s18+$0x10];
	(erf) = vpow2.f32 v2;
	[tilespmem:s4+$0x10] =	vst v1  }
0x158: {  	v11 =	vperm.xlane v1, v38;
	v12 =	vperm.xlane v1, v44;
	v2 =	vld [tilespmem:s26+$0xF0]  }
0x159: {  	v14 =	vperm.xlane v1, v45;
	v15 =	vperm.xlane v1, v46;
	v8 =	vld [tilespmem:s26+$0x80]  }
0x15a: {  	v17 =	vperm.xlane v1, v47;
	v4 =	vperm.xlane v1, v50;
	v9 =	vld [tilespmem:s26+$0x90]  }
0x15b: {  	v20 =	vperm.xlane v1, v48;
	v21 =	vperm.xlane v1, v49;
	v10 =	vld [tilespmem:s26+$0xA0];
	v3 =	vpop (erf)  }
0x15c: {  	v13 =	vld [tilespmem:s26+$0xB0];
	v23 =	vperm.xlane v3, v38;
	v26 =	vperm.xlane v3, v44  }
0x15d: {  	s7 =	simm.s32 $0x20;
	s14 =	simm.s32 $0x38;
	v16 =	vld [tilespmem:s26+$0xC0];
	v6 =	vperm.xlane v3, v45;
	v57 =	vperm.xlane v3, v46  }
0x15e: {  	s15 =	sand.u32 $0x78, s14;
	s29 =	sand.u32 $0x180, s7;
	v19 =	vld [tilespmem:s26+$0xD0];
	v58 =	vperm.xlane v3, v47;
	v7 =	vperm.xlane v3, v48  }
0x15f: {  	s31 =	smin.u32 s15, $0x70;
	s29 =	sadd.s32 $0x80, s29;
	v22 =	vld [tilespmem:s26+$0xE0];
	[tilespmem:s4+$0xFFFFFFF0] =	vst v3;
	v5 =	vperm.xlane v3, v49;
	v61 =	vperm.xlane v3, v50  }
0x160: {  	s10 =	sand.u32 $0x60, s7;
	s13 =	sor.u32 s31, s29;
	v24 =	vmul.f32 v2, v4;
	v25 =	vld [tilespmem:s26+$0xFFFFFF80];
	v8 =	vmul.f32 v8, v11  }
0x161: {  	s10 =	sor.u32 s10, s29;
	v11 =	vld [tilespmem:s13+$0x0];
	v9 =	vmul.f32 v9, v12;
	v10 =	vmul.f32 v10, v14  }
0x162: {  	v18 =	vpop (erf);
	v12 =	vld [tilespmem:s10+$0x0];
	v13 =	vmul.f32 v13, v15;
	v15 =	vmul.f32 v16, v17  }
0x163: {  	v14 =	vld [tilespmem:s18+$0xFFFFFFF0];
	v16 =	vmul.f32 v19, v20;
	v20 =	vperm.xlane v54, v42;
	v1 =	vpop (erf)  }
0x164: {  	v17 =	vld [tilespmem:s18+$0x0];
	v2 =	vperm.xlane v18, v38;
	v3 =	vperm.xlane v18, v44;
	[tilespmem:s4+$0xFFFFFFE0] =	vst v1  }
0x165: {  	v4 =	vperm.xlane v18, v46;
	v51 =	vperm.xlane v18, v47;
	v27 =	vld [tilespmem:s26+$0xFFFFFF00]  }
0x166: {  	v52 =	vperm.xlane v18, v48;
	v53 =	vperm.xlane v18, v49;
	v30 =	vld [tilespmem:s26+$0xFFFFFF10]  }
0x167: {  	v54 =	vperm.xlane v18, v50;
	v28 =	vperm.xlane v1, v38;
	v33 =	vld [tilespmem:s26+$0xFFFFFF20]  }
0x168: {  	v29 =	vperm.xlane v1, v44;
	v31 =	vperm.xlane v1, v45;
	v36 =	vld [tilespmem:s26+$0xFFFFFF30]  }
0x169: {  	s20 =	simm.s32 $0x28;
	s23 =	simm.s32 $0x30;
	v32 =	vperm.xlane v1, v46;
	v34 =	vperm.xlane v1, v47;
	v56 =	vld [tilespmem:s26+$0xFFFFFF40]  }
0x16a: {  	s13 =	sand.u32 $0x68, s20;
	s10 =	sand.u32 $0x70, s23;
	v35 =	vperm.xlane v1, v48;
	v37 =	vperm.xlane v1, v49;
	v59 =	vld [tilespmem:s26+$0xFFFFFF50]  }
0x16b: {  	s13 =	sor.u32 s13, s29;
	s10 =	sor.u32 s10, s29;
	s29 =	ssub.s32 s15, s31;
	v55 =	vperm.xlane v1, v50;
	v60 =	vld [tilespmem:s26+$0xFFFFFF60];
	v23 =	vmul.f32 v25, v23  }
0x16c: {  	v25 =	vld [tilespmem:s26+$0xFFFFFFA0];
	v19 =	vmul.f32 v27, v28;
	v28 =	vmul.f32 v30, v29;
	v29 =	vadd.s32 s29, v39  }
0x16d: {  	v1 =	vperm.xlane v18, v45;
	v20 =	vadd.f32 v20, v63;
	v27 =	vld [tilespmem:s13+$0x0];
	v11 =	vperm.xlane v11, v29  }
0x16e: {  	[tilespmem:s4+$0x0] =	vst v18;
	v14 =	vperm.xlane v14, v42;
	v17 =	vperm.xlane v17, v42;
	v29 =	vld [tilespmem:s5+$0xFFFFFFF0]  }
0x16f: {  	[tilespmem:s26+$0xF0] =	vst v24;
	v12 =	vperm.xlane v12, v39;
	v30 =	vmul.f32 v33, v31;
	v31 =	vld [tilespmem:s10+$0x0];
	v11 =	vadd.f32 v11, v20  }
0x170: {  	v63 =	vmul.f32 v56, v34;
	[tilespmem:s26+$0xFFFFFF00] =	vst v19;
	v19 =	vmul.f32 v22, v21;
	v22 =	vld [tilespmem:s5+$0x0]  }
0x171: {  	[tilespmem:s26+$0x80] =	vst v8;
	v24 =	vmul.f32 v60, v37;
	v20 =	vld [tilespmem:s5+$0xFFFFFFE0];
	v18 =	vmul.f32 $2.000000030e-01, v11  }
0x172: {  	[tilespmem:s26+$0xFFFFFF10] =	vst v28;
	v28 =	vmul.f32 v36, v32;
	v36 =	vld [tilespmem:s26+$0xFFFFFF70];
	v6 =	vmul.f32 v25, v6;
	vm13 =	vge.f32 v11, $0.0e+00  }
0x173: {  	[tilespmem:s26+$0x90] =	vst v9;
	v25 =	vld [tilespmem:s26+$0x20];
	v8 =	vperm.xlane v27, v39;
	v14 =	vadd.f32 v14, v29;
	v11 =	vsel vm13, v11, v18  }
0x174: {  	v40 =	vld [tilespmem:s26+$0xFFFFFF90];
	[tilespmem:s26+$0xA0] =	vst v10;
	v21 =	vperm.xlane v62, v42;
	v11 =	vmul.f32 $1.442695020e+00, v11  }
0x175: {  	[tilespmem:s26+$0xB0] =	vst v13;
	v56 =	vld [tilespmem:s26+$0x50];
	v9 =	vperm.xlane v31, v39;
	v17 =	vadd.f32 v17, v22;
	v8 =	vadd.f32 v8, v14  }
0x176: {  	[tilespmem:s26+$0xFFFFFF20] =	vst v30;
	v30 =	vmul.f32 v59, v35;
	v18 =	vld [tilespmem:s26+$0xFFFFFFB0];
	v20 =	vadd.f32 v21, v20;
	(erf) = vpow2.f32 v11  }
0x177: {  	[tilespmem:s26+$0xC0] =	vst v15;
	v22 =	vld [tilespmem:s26+$0xFFFFFFC0];
	v10 =	vmul.f32 v36, v55;
	v9 =	vadd.f32 v9, v17;
	v13 =	vmul.f32 $2.000000030e-01, v8  }
0x178: {  	[tilespmem:s26+$0xD0] =	vst v16;
	v43 =	vmul.f32 v25, v1;
	v14 =	vld [tilespmem:s26+$0xFFFFFFE0];
	v12 =	vadd.f32 v12, v20;
	vm14 =	vge.f32 v8, $0.0e+00  }
0x179: {  	[tilespmem:s26+$0xFFFFFF80] =	vst v23;
	v21 =	vld [tilespmem:s26+$0x0];
	v17 =	vmul.f32 v40, v26;
	v15 =	vmul.f32 $2.000000030e-01, v9;
	v8 =	vsel vm14, v8, v13  }
0x17a: {  	[tilespmem:s26+$0xFFFFFF40] =	vst v63;
	v11 =	vld [tilespmem:s26+$0xFFFFFFD0];
	vm15 =	vge.f32 v9, $0.0e+00;
	v16 =	vmul.f32 $2.000000030e-01, v12;
	v8 =	vmul.f32 $1.442695020e+00, v8  }
0x17b: {  	[tilespmem:s26+$0xE0] =	vst v19;
	v20 =	vld [tilespmem:s26+$0xFFFFFFF0];
	vm2 =	vge.f32 v12, $0.0e+00;
	v19 =	vmul.f32 v18, v57;
	v9 =	vsel vm15, v9, v15  }
0x17c: {  	[tilespmem:s26+$0xFFFFFF60] =	vst v24;
	v15 =	vld [tilespmem:s26+$0x10];
	v12 =	vsel vm2, v12, v16;
	v9 =	vmul.f32 $1.442695020e+00, v9;
	(erf) = vpow2.f32 v8  }
0x17d: {  	[tilespmem:s26+$0xFFFFFF30] =	vst v28;
	v55 =	vld [tilespmem:s26+$0x70];
	v5 =	vmul.f32 v14, v5;
	v12 =	vmul.f32 $1.442695020e+00, v12  }
0x17e: {  	[tilespmem:s26+$0xFFFFFF50] =	vst v30;
	v57 =	vld [tilespmem:s26+$0x60];
	v2 =	vmul.f32 v21, v2;
	(erf) = vpow2.f32 v9  }
0x17f: {  	s4 =	simm.s32 $0xAE0;
	[tilespmem:s26+$0xFFFFFFA0] =	vst v6;
	v8 =	vld [tilespmem:s26+$0x30];
	v9 =	vmul.f32 v22, v58;
	(erf) = vpow2.f32 v12;
	v22 =	vpop (erf)  }
0x180: {  	s10 =	simm.s32 $0x1180;
	v7 =	vmul.f32 v11, v7;
	v20 =	vmul.f32 v20, v61;
	v58 =	vld [tilespmem:s26+$0x40];
	[tilespmem:s4+$0x10] =	vst v22  }
0x181: {  	[tilespmem:s26+$0xFFFFFF90] =	vst v17;
	v41 =	vmul.f32 v15, v3;
	v16 =	vperm.xlane v22, v38;
	v24 =	vld [tilespmem:s10+$0xF0]  }
0x182: {  	[tilespmem:s26+$0xFFFFFFB0] =	vst v19;
	v13 =	vperm.xlane v22, v44;
	v17 =	vperm.xlane v22, v45;
	v18 =	vld [tilespmem:s10+$0x80]  }
0x183: {  	[tilespmem:s26+$0xFFFFFFC0] =	vst v9;
	v12 =	vperm.xlane v22, v46;
	v9 =	vperm.xlane v22, v50;
	v19 =	vld [tilespmem:s10+$0x90]  }
0x184: {  	[tilespmem:s26+$0xFFFFFF70] =	vst v10;
	v14 =	vperm.xlane v22, v47;
	v11 =	vperm.xlane v22, v48;
	v23 =	vld [tilespmem:s10+$0xA0]  }
0x185: {  	[tilespmem:s26+$0xFFFFFFD0] =	vst v7;
	v10 =	vperm.xlane v22, v49;
	v59 =	vmul.f32 v8, v4;
	v22 =	vld [tilespmem:s10+$0xB0];
	v7 =	vpop (erf)  }
0x186: {  	[tilespmem:s26+$0xFFFFFFE0] =	vst v5;
	v28 =	vld [tilespmem:s10+$0xC0];
	v6 =	vperm.xlane v7, v38;
	v63 =	vperm.xlane v7, v44  }
0x187: {  	[tilespmem:s26+$0x0] =	vst v2;
	v30 =	vld [tilespmem:s10+$0xD0];
	v62 =	vperm.xlane v7, v45;
	v1 =	vmul.f32 v24, v9;
	v9 =	vpop (erf)  }
0x188: {  	v31 =	vld [tilespmem:s10+$0xE0];
	[tilespmem:s4+$0xFFFFFFF0] =	vst v7;
	v5 =	vperm.xlane v7, v46;
	v4 =	vperm.xlane v7, v48;
	v3 =	vpop (erf)  }
0x189: {  	v2 =	vperm.xlane v7, v50;
	v15 =	vld [tilespmem:s10+$0xFFFFFF80];
	v61 =	vperm.xlane v9, v38;
	[tilespmem:s4+$0xFFFFFFE0] =	vst v3  }
0x18a: {  	[tilespmem:s26+$0x30] =	vst v59;
	v60 =	vperm.xlane v9, v44;
	v59 =	vperm.xlane v9, v45;
	v32 =	vld [tilespmem:s10+$0xFFFFFF00]  }
0x18b: {  	[tilespmem:s26+$0x20] =	vst v43;
	v29 =	vperm.xlane v3, v38;
	v26 =	vperm.xlane v3, v44;
	v33 =	vld [tilespmem:s10+$0xFFFFFF10]  }
0x18c: {  	[tilespmem:s26+$0xFFFFFFF0] =	vst v20;
	v27 =	vperm.xlane v3, v45;
	v24 =	vperm.xlane v3, v46;
	v34 =	vld [tilespmem:s10+$0xFFFFFF20]  }
0x18d: {  	[tilespmem:s26+$0x10] =	vst v41;
	v25 =	vperm.xlane v3, v47;
	v21 =	vperm.xlane v3, v48;
	v35 =	vld [tilespmem:s10+$0xFFFFFF30]  }
0x18e: {  	[tilespmem:s4+$0x0] =	vst v9;
	v20 =	vperm.xlane v3, v49;
	v8 =	vperm.xlane v3, v50;
	v36 =	vld [tilespmem:s10+$0xFFFFFF40]  }
0x18f: {  	s31 =	simm.s32 $0x4;
	s29 =	simm.s32 $0x40;
	[tilespmem:s10+$0xF0] =	vst v1;
	v3 =	vperm.xlane v7, v47;
	v1 =	vperm.xlane v7, v49;
	v37 =	vld [tilespmem:s10+$0xFFFFFF50]  }
.LBB2_5:
0x190: {  	s13 =	sadd.s32 $0x18, s29;
	s31 =	sadd.s32 $0x4, s31;
	v38 =	vld [tilespmem:s10+$0xFFFFFF60];
	v7 =	vperm.xlane v9, v46;
	v39 =	vperm.xlane v9, v47;
	s18 =	sadd.s32 $0x40, s18  }
0x191: {  	s30 =	sand.u32 $0x180, s29;
	v41 =	vperm.xlane v9, v48;
	v0 =	vperm.xlane v9, v49;
	v40 =	vld [tilespmem:s18+$0xFFFFFFE0];
	s13 =	sand.u32 $0x78, s13;
	p3 =	slt.u32 s31, $0x3C  }
0x192: {  	v9 =	vperm.xlane v9, v50;
	v16 =	vmul.f32 v18, v16;
	s5 =	sadd.s32 $0x40, s5;
	s30 =	sadd.s32 $0x80, s30;
	v43 =	vld [tilespmem:s18+$0x10];
	s14 =	smin.u32 s13, $0x70  }
0x193: {  	s15 =	sadd.s32 $0x8, s29;
	s23 =	sadd.s32 $0x10, s29;
	v13 =	vmul.f32 v19, v13;
	v17 =	vmul.f32 v23, v17;
	v18 =	vld [tilespmem:s5+$0x10];
	s7 =	sor.u32 s14, s30  }
0x194: {  	s20 =	sand.u32 $0x60, s29;
	v12 =	vmul.f32 v22, v12;
	v14 =	vmul.f32 v28, v14;
	s15 =	sand.u32 $0x68, s15;
	s23 =	sand.u32 $0x70, s23;
	v19 =	vld [tilespmem:s7+$0x0];
	[tilespmem:s10+$0x80] =	vst v16  }
0x195: {  	v11 =	vmul.f32 v30, v11;
	v10 =	vmul.f32 v31, v10;
	s15 =	sor.u32 s15, s30;
	s7 =	sor.u32 s20, s30;
	s20 =	sor.u32 s23, s30;
	v16 =	vld [tilespmem:s18+$0xFFFFFFF0];
	[tilespmem:s10+$0x90] =	vst v13  }
0x196: {  	v23 =	vmul.f32 v32, v29;
	v22 =	vld [tilespmem:s18+$0x0]  }
0x197: {  	v26 =	vmul.f32 v33, v26;
	v13 =	vperm.xlane v40, v42;
	[tilespmem:s10+$0xA0] =	vst v17  }
0x198: {  	v27 =	vmul.f32 v34, v27;
	v40 =	vlaneseq.u32;
	v17 =	vld [tilespmem:s7+$0x0];
	v28 =	vperm.xlane v43, v42;
	s7 =	ssub.s32 s13, s14;
	[tilespmem:s10+$0xB0] =	vst v12  }
0x199: {  	v24 =	vmul.f32 v35, v24;
	v25 =	vmul.f32 v36, v25;
	v12 =	vld [tilespmem:s15+$0x0];
	v29 =	vadd.s32 s7, v40;
	[tilespmem:s10+$0xC0] =	vst v14  }
0x19a: {  	v21 =	vmul.f32 v37, v21;
	v14 =	vld [tilespmem:s20+$0x0];
	v19 =	vperm.xlane v19, v29;
	v18 =	vadd.f32 v28, v18;
	[tilespmem:s10+$0xD0] =	vst v11  }
0x19b: {  	v11 =	vld [tilespmem:s5+$0xFFFFFFF0];
	v16 =	vperm.xlane v16, v42;
	[tilespmem:s10+$0xE0] =	vst v10;
	v22 =	vperm.xlane v22, v42  }
0x19c: {  	v10 =	vld [tilespmem:s5+$0x0];
	v18 =	vadd.f32 v19, v18;
	[tilespmem:s10+$0xFFFFFF00] =	vst v23;
	v19 =	vmul.f32 v38, v20;
	v38 =	vimm.s32 $0x0  }
0x19d: {  	v6 =	vmul.f32 v15, v6;
	v20 =	vld [tilespmem:s5+$0xFFFFFFE0];
	v17 =	vperm.xlane v17, v40;
	[tilespmem:s10+$0xFFFFFF10] =	vst v26  }
0x19e: {  	v12 =	vperm.xlane v12, v40;
	v15 =	vmul.f32 $2.000000030e-01, v18;
	[tilespmem:s10+$0xFFFFFF20] =	vst v27;
	v23 =	vld [tilespmem:s10+$0xFFFFFF70]  }
0x19f: {  	v26 =	vmul.f32 v58, v51;
	v51 =	vmovc v39;
	vm0 =	vge.f32 v18, $0.0e+00;
	v14 =	vperm.xlane v14, v40;
	[tilespmem:s10+$0xFFFFFF30] =	vst v24;
	v24 =	vld [tilespmem:s10+$0xFFFFFF90]  }
0x1a0: {  	v11 =	vadd.f32 v16, v11;
	v15 =	vsel vm0, v18, v15;
	[tilespmem:s10+$0xFFFFFF40] =	vst v25;
	v16 =	vld [tilespmem:s10+$0xFFFFFFA0];
	v18 =	vmul.f32 v56, v52  }
0x1a1: {  	v52 =	vmovc v41;
	v10 =	vadd.f32 v22, v10;
	v15 =	vmul.f32 $1.442695020e+00, v15;
	[tilespmem:s10+$0xFFFFFF50] =	vst v21;
	v21 =	vld [tilespmem:s10+$0xFFFFFFB0];
	v22 =	vmul.f32 v57, v53  }
0x1a2: {  	v13 =	vadd.f32 v13, v20;
	v11 =	vadd.f32 v12, v11;
	[tilespmem:s10+$0xFFFFFF60] =	vst v19;
	v12 =	vld [tilespmem:s10+$0xFFFFFFC0];
	v19 =	vmul.f32 v55, v54  }
0x1a3: {  	v53 =	vmovc v0;
	v10 =	vadd.f32 v14, v10;
	(erf) = vpow2.f32 v15;
	v8 =	vmul.f32 v23, v8;
	[tilespmem:s10+$0xFFFFFF80] =	vst v6;
	v6 =	vld [tilespmem:s10+$0xFFFFFFD0]  }
0x1a4: {  	v54 =	vmovc v9;
	v0 =	vadd.f32 v17, v13;
	vm0 =	vge.f32 v11, $0.0e+00;
	v13 =	vmul.f32 $2.000000030e-01, v11;
	v14 =	vld [tilespmem:s10+$0xFFFFFFE0];
	[tilespmem:s26+$0x40] =	vst v26  }
0x1a5: {  	vm1 =	vge.f32 v10, $0.0e+00;
	v9 =	vmul.f32 $2.000000030e-01, v10;
	[tilespmem:s10+$0xFFFFFF70] =	vst v8;
	v8 =	vmul.f32 v24, v63;
	v15 =	vld [tilespmem:s10+$0xFFFFFFF0]  }
0x1a6: {  	vm2 =	vge.f32 v0, $0.0e+00;
	v17 =	vmul.f32 $2.000000030e-01, v0;
	v11 =	vsel vm0, v11, v13;
	v20 =	vld [tilespmem:s10+$0x0];
	[tilespmem:s26+$0x50] =	vst v18  }
0x1a7: {  	v11 =	vmul.f32 $1.442695020e+00, v11;
	v9 =	vsel vm1, v10, v9;
	[tilespmem:s10+$0xFFFFFF90] =	vst v8;
	v8 =	vmul.f32 v16, v62;
	v24 =	vld [tilespmem:s10+$0x10]  }
0x1a8: {  	v5 =	vmul.f32 v21, v5;
	v0 =	vsel vm2, v0, v17;
	v9 =	vmul.f32 $1.442695020e+00, v9;
	v21 =	vld [tilespmem:s10+$0x20];
	[tilespmem:s26+$0x60] =	vst v22  }
0x1a9: {  	v0 =	vmul.f32 $1.442695020e+00, v0;
	(erf) = vpow2.f32 v11;
	[tilespmem:s10+$0xFFFFFFA0] =	vst v8;
	v8 =	vld [tilespmem:s10+$0x30]  }
0x1aa: {  	v3 =	vmul.f32 v12, v3;
	(erf) = vpow2.f32 v9;
	[tilespmem:s10+$0xFFFFFFB0] =	vst v5;
	v58 =	vld [tilespmem:s10+$0x40]  }
0x1ab: {  	(erf) = vpow2.f32 v0;
	v0 =	vmul.f32 v6, v4;
	v56 =	vld [tilespmem:s10+$0x50];
	[tilespmem:s26+$0x70] =	vst v19;
	s26 =	smov.u32 s10  }
0x1ac: {  	s4 =	sadd.s32 $0x40, s4;
	v1 =	vmul.f32 v14, v1;
	v2 =	vmul.f32 v15, v2;
	v4 =	vpop (erf);
	[tilespmem:s10+$0xFFFFFFC0] =	vst v3;
	v57 =	vld [tilespmem:s10+$0x60]  }
0x1ad: {  	s10 =	sadd.s32 $0x200, s10;
	[tilespmem:s4+$0x10] =	vst v4;
	v16 =	vperm.xlane v4, v38;
	v13 =	vperm.xlane v4, v44;
	v55 =	vld [tilespmem:s26+$0x70]  }
0x1ae: {  	v17 =	vperm.xlane v4, v45;
	v12 =	vperm.xlane v4, v46;
	v3 =	vld [tilespmem:s10+$0xF0];
	[tilespmem:s26+$0xFFFFFFD0] =	vst v0  }
0x1af: {  	v14 =	vperm.xlane v4, v47;
	v11 =	vperm.xlane v4, v48;
	v18 =	vld [tilespmem:s10+$0x80];
	[tilespmem:s26+$0xFFFFFFE0] =	vst v1  }
0x1b0: {  	v10 =	vperm.xlane v4, v49;
	v0 =	vmul.f32 v20, v61;
	v19 =	vld [tilespmem:s10+$0x90];
	[tilespmem:s26+$0xFFFFFFF0] =	vst v2  }
0x1b1: {  	v1 =	vperm.xlane v4, v50;
	v2 =	vmul.f32 v24, v60;
	v23 =	vld [tilespmem:s10+$0xA0]  }
0x1b2: {  	v4 =	vmul.f32 v8, v7;
	v22 =	vld [tilespmem:s10+$0xB0];
	v37 =	vpop (erf);
	[tilespmem:s26+$0x0] =	vst v0;
	v0 =	vmul.f32 v21, v59  }
0x1b3: {  	[tilespmem:s4+$0xFFFFFFF0] =	vst v37;
	v6 =	vperm.xlane v37, v38;
	v28 =	vld [tilespmem:s10+$0xC0];
	v1 =	vmul.f32 v3, v1;
	v9 =	vpop (erf)  }
0x1b4: {  	v63 =	vperm.xlane v37, v44;
	v62 =	vperm.xlane v37, v45;
	[tilespmem:s4+$0x0] =	vst v9;
	v30 =	vld [tilespmem:s10+$0xD0];
	v3 =	vpop (erf)  }
0x1b5: {  	v29 =	vperm.xlane v3, v38;
	v26 =	vperm.xlane v3, v44;
	v31 =	vld [tilespmem:s10+$0xE0];
	[tilespmem:s10+$0xF0] =	vst v1  }
0x1b6: {  	v27 =	vperm.xlane v3, v45;
	v24 =	vperm.xlane v3, v46;
	[tilespmem:s4+$0xFFFFFFE0] =	vst v3;
	v15 =	vld [tilespmem:s10+$0xFFFFFF80]  }
0x1b7: {  	v25 =	vperm.xlane v3, v47;
	v21 =	vperm.xlane v3, v48;
	v32 =	vld [tilespmem:s10+$0xFFFFFF00];
	[tilespmem:s26+$0x10] =	vst v2  }
.Ltmp3:
0x1b8: {  	v20 =	vperm.xlane v3, v49;
	v8 =	vperm.xlane v3, v50;
	v33 =	vld [tilespmem:s10+$0xFFFFFF10];
	[tilespmem:s26+$0x20] =	vst v0;
	(pc) =	sbr.rel @p3 .LBB2_5-.Ltmp3, $4  }
0x1b9: {  	v5 =	vperm.xlane v37, v46;
	v3 =	vperm.xlane v37, v47;
	v34 =	vld [tilespmem:s10+$0xFFFFFF20];
	[tilespmem:s26+$0x30] =	vst v4  }
0x1ba: {  	v1 =	vperm.xlane v37, v49;
	v4 =	vperm.xlane v37, v48;
	v35 =	vld [tilespmem:s10+$0xFFFFFF30]  }
0x1bb: {  	v61 =	vperm.xlane v9, v38;
	v2 =	vperm.xlane v37, v50;
	v36 =	vld [tilespmem:s10+$0xFFFFFF40]  }
0x1bc: {  	s29 =	sadd.s32 $0x20, s29;
	v60 =	vperm.xlane v9, v44;
	v59 =	vperm.xlane v9, v45;
	v37 =	vld [tilespmem:s10+$0xFFFFFF50]  }
0x1bd: {  	v0 =	vmul.f32 v18, v16  }
0x1be: {  	v7 =	vmul.f32 v19, v13  }
0x1bf: {  	v13 =	vmul.f32 v23, v17;
	[tilespmem:s10+$0x80] =	vst v0  }
0x1c0: {  	v11 =	vmul.f32 v30, v11;
	[tilespmem:s10+$0x90] =	vst v7  }
0x1c1: {  	v6 =	vmul.f32 v15, v6;
	[tilespmem:s10+$0xA0] =	vst v13  }
0x1c2: {  	v0 =	vmul.f32 v22, v12;
	[tilespmem:s10+$0xD0] =	vst v11  }
0x1c3: {  	v7 =	vmul.f32 v28, v14;
	[tilespmem:s10+$0xFFFFFF80] =	vst v6  }
0x1c4: {  	v12 =	vmul.f32 v33, v26;
	[tilespmem:s10+$0xB0] =	vst v0  }
0x1c5: {  	v11 =	vmul.f32 v34, v27;
	[tilespmem:s10+$0xC0] =	vst v7  }
0x1c6: {  	v13 =	vmul.f32 v58, v51;
	[tilespmem:s10+$0xFFFFFF10] =	vst v12  }
0x1c7: {  	v0 =	vmul.f32 v32, v29;
	[tilespmem:s10+$0xFFFFFF20] =	vst v11  }
0x1c8: {  	v6 =	vmul.f32 v56, v52;
	v14 =	vld [tilespmem:s10+$0xFFFFFFF0];
	[tilespmem:s26+$0x40] =	vst v13  }
0x1c9: {  	v7 =	vld [tilespmem:s10+$0xFFFFFF60];
	[tilespmem:s10+$0xFFFFFF00] =	vst v0;
	v0 =	vmul.f32 v31, v10  }
0x1ca: {  	v12 =	vmul.f32 v37, v21;
	v13 =	vld [tilespmem:s10+$0xFFFFFFE0];
	[tilespmem:s26+$0x50] =	vst v6  }
0x1cb: {  	v10 =	vmul.f32 v35, v24;
	[tilespmem:s10+$0xE0] =	vst v0;
	v0 =	vld [tilespmem:s10+$0xFFFFFF70]  }
0x1cc: {  	v11 =	vmul.f32 v36, v25;
	[tilespmem:s10+$0xFFFFFF50] =	vst v12;
	v12 =	vld [tilespmem:s10+$0xFFFFFFB0]  }
0x1cd: {  	v2 =	vmul.f32 v14, v2;
	[tilespmem:s10+$0xFFFFFF30] =	vst v10;
	v10 =	vld [tilespmem:s10+$0xFFFFFF90]  }
0x1ce: {  	v6 =	vld [tilespmem:s10+$0x0];
	[tilespmem:s10+$0xFFFFFF40] =	vst v11;
	v7 =	vmul.f32 v7, v20  }
0x1cf: {  	v11 =	vld [tilespmem:s10+$0xFFFFFFA0];
	v1 =	vmul.f32 v13, v1;
	[tilespmem:s10+$0xFFFFFFF0] =	vst v2  }
0x1d0: {  	[tilespmem:s10+$0xFFFFFF60] =	vst v7;
	v7 =	vld [tilespmem:s10+$0xFFFFFFC0];
	v0 =	vmul.f32 v0, v8  }
0x1d1: {  	v5 =	vmul.f32 v12, v5;
	[tilespmem:s10+$0xFFFFFFE0] =	vst v1  }
0x1d2: {  	v8 =	vld [tilespmem:s10+$0xFFFFFFD0];
	[tilespmem:s10+$0xFFFFFF70] =	vst v0;
	v0 =	vmul.f32 v10, v63  }
0x1d3: {  	v1 =	vmul.f32 v6, v61;
	[tilespmem:s10+$0xFFFFFFB0] =	vst v5  }
0x1d4: {  	v5 =	vld [tilespmem:s10+$0x30];
	[tilespmem:s10+$0xFFFFFF90] =	vst v0;
	v0 =	vmul.f32 v11, v62  }
0x1d5: {  	[tilespmem:s10+$0x0] =	vst v1;
	v3 =	vmul.f32 v7, v3;
	v11 =	vld [tilespmem:s10+$0x10]  }
0x1d6: {  	v10 =	vmul.f32 v57, v53;
	[tilespmem:s10+$0xFFFFFFA0] =	vst v0;
	v0 =	vld [tilespmem:s10+$0x20]  }
0x1d7: {  	v6 =	vperm.xlane v9, v46;
	v4 =	vmul.f32 v8, v4;
	[tilespmem:s10+$0xFFFFFFC0] =	vst v3;
	v3 =	vld [tilespmem:s10+$0x50]  }
0x1d8: {  	v7 =	vld [tilespmem:s10+$0x40];
	[tilespmem:s26+$0x60] =	vst v10;
	v10 =	vmul.f32 v55, v54  }
0x1d9: {  	v5 =	vmul.f32 v5, v6;
	[tilespmem:s10+$0xFFFFFFD0] =	vst v4;
	v4 =	vld [tilespmem:s10+$0x60]  }
0x1da: {  	v1 =	vperm.xlane v9, v48;
	v8 =	vld [tilespmem:s10+$0x70];
	[tilespmem:s26+$0x70] =	vst v10;
	v2 =	vmul.f32 v11, v60  }
0x1db: {  	v10 =	vperm.xlane v9, v47;
	[tilespmem:s10+$0x30] =	vst v5;
	v0 =	vmul.f32 v0, v59  }
0x1dc: {  	v1 =	vmul.f32 v3, v1;
	[tilespmem:s10+$0x10] =	vst v2;
	v2 =	vperm.xlane v9, v49  }
0x1dd: {  	v6 =	vperm.xlane v9, v50;
	[tilespmem:s10+$0x20] =	vst v0;
	v0 =	vmul.f32 v7, v10  }
0x1de: {  	[tilespmem:s10+$0x50] =	vst v1;
	v2 =	vmul.f32 v4, v2  }
0x1df: {  	[tilespmem:s10+$0x40] =	vst v0;
	v0 =	vmul.f32 v8, v6  }
0x1e0: {  	[tilespmem:s10+$0x60] =	vst v2  }
0x1e1: {  	s4 =	simm.s32 $0xA80;
	[tilespmem:s10+$0x70] =	vst v0  }
0x1e2: {  	[spmem:s2] =	stream.indirect.scatter.add.f32 [tilespmem:s4], [sflag:$0x1], $0x10, s28, s28, $0xb8;
	[tilespmem:$0x1EB10] =	vst v63  }
0x1e3: {  	s23 =	simm.s32 $0xE80  }
0x1e4: {  	[spmem:s1] =	stream.indirect.scatter.add.f32 [tilespmem:s23], [sflag:$0x1], $0x80, s28, s28, $0xb8;
	[tilespmem:$0x1EB10] =	vst v63  }
0x1e5: {  	_ =	swait.ge [sflag:s19], $0x400  }
0x1e6: {  	[sflag:s19] =	ssyncset.done $0x0  }
0x1e7: {  	[sflag:s19] =	ssyncadd.s32 $0xFFFFFC00  }
0x1e8: {  	_ =	swait.ge [sflag:s19], $0x400  }
0x1e9: {  	[sflag:s19] =	ssyncset.done $0x0  }
0x1ea: {  	[sflag:s19] =	ssyncadd.s32 $0xFFFFFC00  }
0x1eb: {  	_ =	swait.ge [sflag:s19], $0x2000  }
0x1ec: {  	[sflag:s19] =	ssyncset.done $0x0  }
0x1ed: {  	[sflag:s19] =	ssyncadd.s32 $0xFFFFE000  }
0x1ee: {  	_ =	swait.ge [sflag:s17], $0x40  }
0x1ef: {  	[sflag:s17] =	ssyncset.done $0x0  }
0x1f0: {  	[sflag:s17] =	ssyncadd.s32 $0xFFFFFFC0  }
0x1f1: {  	_ =	swait.ge [sflag:s17], $0x40  }
0x1f2: {  	[sflag:s17] =	ssyncset.done $0x0  }
0x1f3: {  	[sflag:s17] =	ssyncadd.s32 $0xFFFFFFC0  }
0x1f4: {  	_ =	swait.ge [sflag:s17], $0x200  }
0x1f5: {  	[sflag:s17] =	ssyncset.done $0x0  }
0x1f6: {  	s26 =	simm.s32 $0x5F80;
	[sflag:s17] =	ssyncadd.s32 $0xFFFFFE00  }
0x1f7: {  	[tilespmem:s26], [sflag:$0x3] =	stream.indirect.gather [hbm4b:s11+s28], $0x10, s24, s28, $0xb8;
	[tilespmem:$0x1EB10] =	vst v63  }
0x1f8: {  	s30 =	simm.s32 $0x6380  }
0x1f9: {  	[tilespmem:s30], [sflag:$0x3] =	stream.indirect.gather [hbm4b:s11+s28], $0x10, s25, s28, $0xb8;
	[tilespmem:$0x1EB10] =	vst v63  }
0x1fa: {  	s5 =	simm.s32 $0x6B80  }
0x1fb: {  	[tilespmem:s5], [sflag:$0x3] =	stream.indirect.gather [hbm4b:s12+s28], $0x80, s24, s28, $0xb8;
	[tilespmem:$0x1EB10] =	vst v63  }
0x1fc: {  	_ =	swait.ge [sflag:s16], $0x400  }
0x1fd: {  	[sflag:s16] =	ssyncset.done $0x0  }
0x1fe: {  	[sflag:s16] =	ssyncadd.s32 $0xFFFFFC00  }
0x1ff: {  	_ =	swait.ge [sflag:s16], $0x2000  }
0x200: {  	p3 =	seq.s32 s21, $0x67;
	s4 =	rddreg [dreg:$0xa]  }
0x201: {  	s10 =	simm.s32 @!p3 $0x0;
	s4 =	sadd.s32 @!p3 s4, s22  }
0x202: {  	s26 =	simm.s32 $0x18;
	[sflag:s16] =	ssyncset.done $0x0;
	s5 =	sshll.u32 @!p3 s4, $0x3  }
0x203: {  	s30 =	simm.s32 $0x3520;
	[sflag:s16] =	ssyncadd.s32 $0xFFFFE000;
	s7 =	sadd.s32 @!p3 s6, s5  }
0x204: {  	[tilespmem:s10], [sflag:$0x1] =	stream.linear.gather @!p3 [hbm4b:s7+s10], $0x40, $0x38;
	[tilespmem:$0x1EB10] =	vst v63  }
0x205: {  	s4 =	sshll.u32 @!p3 s4, $0x6;
	s5 =	sadd.s32 @!p3 s8, s5;
	s7 =	simm.s32 @!p3 $0x40  }
0x206: {  	[tilespmem:s7], [sflag:$0x1] =	stream.linear.gather @!p3 [hbm4b:s5+s10], $0x40, $0x38;
	[tilespmem:$0x1EB10] =	vst v63  }
0x207: {  	s4 =	sadd.s32 @!p3 s9, s4;
	s5 =	simm.s32 @!p3 $0x80;
	s7 =	simm.s32 $0x0  }
0x208: {  	[tilespmem:s5], [sflag:$0x1] =	stream.linear.gather @!p3 [hbm4b:s4+s10], $0x200, $0x38;
	[tilespmem:$0x1EB10] =	vst v63  }
0x209: {  	s13 =	simm.s32 $0x3120;
	s20 =	sand.u32 $0x180, s7;
	s5 =	sand.u32 $0x78, s26;
	v0 =	vld [tilespmem:s30+$0x10]  }
0x20a: {  	s10 =	sadd.s32 $0x2F00, s20;
	s14 =	smin.u32 s5, $0x70;
	v1 =	vld [tilespmem:s13+$0x10]  }
0x20b: {  	v3 =	vld [tilespmem:s30+$0xFFFFFFE0];
	s15 =	sor.u32 s14, s10  }
0x20c: {  	v2 =	vld [tilespmem:s15+$0x0]  }
0x20d: {  	s23 =	simm.s32 $0x8;
	v4 =	vld [tilespmem:s30+$0xFFFFFFF0]  }
0x20e: {  	v5 =	vld [tilespmem:s30+$0x0];
	s15 =	sand.u32 $0x68, s23  }
0x20f: {  	s18 =	simm.s32 $0x10;
	v9 =	vld [tilespmem:s13+$0xFFFFFFE0];
	s5 =	ssub.s32 s5, s14;
	s30 =	sor.u32 s15, s10;
	v0 =	vperm.xlane v0, v42  }
0x210: {  	s4 =	sand.u32 $0x60, s7;
	s26 =	sand.u32 $0x70, s18;
	v7 =	vadd.s32 s5, v40;
	v8 =	vld [tilespmem:s30+$0x0]  }
0x211: {  	s4 =	sor.u32 s4, s10;
	s10 =	sor.u32 s26, s10;
	v2 =	vperm.xlane v2, v7;
	v0 =	vadd.f32 v0, v1;
	v7 =	vld [tilespmem:s13+$0xFFFFFFF0]  }
0x212: {  	v1 =	vld [tilespmem:s10+$0x0]  }
0x213: {  	v0 =	vadd.f32 v2, v0;
	v2 =	vld [tilespmem:s13+$0x0]  }
0x214: {  	v6 =	vld [tilespmem:s4+$0x0];
	v4 =	vperm.xlane v4, v42  }
0x215: {  	v5 =	vperm.xlane v5, v42;
	v10 =	vmul.f32 $2.000000030e-01, v0  }
0x216: {  	v8 =	vperm.xlane v8, v40;
	vm0 =	vge.f32 v0, $0.0e+00;
	v4 =	vadd.f32 v4, v7  }
0x217: {  	v3 =	vperm.xlane v3, v42;
	v1 =	vperm.xlane v1, v40;
	v0 =	vsel vm0, v0, v10  }
0x218: {  	v0 =	vmul.f32 $1.442695020e+00, v0;
	v2 =	vadd.f32 v5, v2;
	v4 =	vadd.f32 v8, v4  }
0x219: {  	v6 =	vperm.xlane v6, v40;
	v3 =	vadd.f32 v3, v9  }
0x21a: {  	(erf) = vpow2.f32 v0;
	v0 =	vadd.f32 v1, v2;
	v2 =	vmul.f32 $2.000000030e-01, v4  }
0x21b: {  	vm11 =	vge.f32 v4, $0.0e+00  }
0x21c: {  	v1 =	vadd.f32 v6, v3;
	v3 =	vmul.f32 $2.000000030e-01, v0;
	v2 =	vsel vm11, v4, v2  }
0x21d: {  	vm1 =	vge.f32 v0, $0.0e+00;
	v2 =	vmul.f32 $1.442695020e+00, v2  }
0x21e: {  	v5 =	vmul.f32 $2.000000030e-01, v1;
	v0 =	vsel vm1, v0, v3  }
0x21f: {  	v0 =	vmul.f32 $1.442695020e+00, v0;
	(erf) = vpow2.f32 v2  }
0x220: {  	vm12 =	vge.f32 v1, $0.0e+00  }
0x221: {  	s18 =	simm.s32 $0x3560;
	v1 =	vsel vm12, v1, v5  }
0x222: {  	v56 =	vld [tilespmem:s18+$0xFFFFFFE0];
	v1 =	vmul.f32 $1.442695020e+00, v1  }
0x223: {  	v62 =	vld [tilespmem:s18+$0x10];
	s4 =	simm.s32 $0x3920;
	s5 =	simm.s32 $0x3160;
	(erf) = vpow2.f32 v0;
	v0 =	vpop (erf)  }
0x224: {  	s26 =	simm.s32 $0x3E00;
	v63 =	vld [tilespmem:s5+$0x10];
	(erf) = vpow2.f32 v1;
	[tilespmem:s4+$0x10] =	vst v0  }
0x225: {  	v11 =	vperm.xlane v0, v38;
	v12 =	vperm.xlane v0, v44;
	v1 =	vld [tilespmem:s26+$0xF0]  }
0x226: {  	v14 =	vperm.xlane v0, v45;
	v15 =	vperm.xlane v0, v46;
	v8 =	vld [tilespmem:s26+$0x80]  }
0x227: {  	v17 =	vperm.xlane v0, v47;
	v3 =	vperm.xlane v0, v50;
	v9 =	vld [tilespmem:s26+$0x90]  }
0x228: {  	v20 =	vperm.xlane v0, v48;
	v0 =	vperm.xlane v0, v49;
	v10 =	vld [tilespmem:s26+$0xA0];
	v2 =	vpop (erf)  }
0x229: {  	s20 =	simm.s32 $0x38;
	s15 =	simm.s32 $0x20;
	v13 =	vld [tilespmem:s26+$0xB0];
	v22 =	vperm.xlane v2, v38;
	v25 =	vperm.xlane v2, v44  }
0x22a: {  	s23 =	sand.u32 $0x180, s15;
	s13 =	sand.u32 $0x78, s20;
	v16 =	vld [tilespmem:s26+$0xC0];
	v6 =	vperm.xlane v2, v45;
	v39 =	vperm.xlane v2, v46  }
0x22b: {  	s10 =	sadd.s32 $0x2F00, s23;
	s14 =	smin.u32 s13, $0x70;
	v19 =	vld [tilespmem:s26+$0xD0];
	v40 =	vperm.xlane v2, v47;
	v7 =	vperm.xlane v2, v48  }
0x22c: {  	s30 =	sor.u32 s14, s10;
	v21 =	vld [tilespmem:s26+$0xE0];
	v5 =	vperm.xlane v2, v49;
	v55 =	vperm.xlane v2, v50  }
0x22d: {  	s7 =	sand.u32 $0x60, s15;
	v61 =	vld [tilespmem:s30+$0x0];
	[tilespmem:s4+$0xFFFFFFF0] =	vst v2;
	v23 =	vmul.f32 v1, v3;
	v8 =	vmul.f32 v8, v11  }
0x22e: {  	s7 =	sor.u32 s7, s10;
	v24 =	vld [tilespmem:s26+$0xFFFFFF80];
	v9 =	vmul.f32 v9, v12;
	v10 =	vmul.f32 v10, v14  }
0x22f: {  	v11 =	vld [tilespmem:s7+$0x0];
	v13 =	vmul.f32 v13, v15;
	v14 =	vmul.f32 v16, v17  }
0x230: {  	v18 =	vpop (erf);
	v1 =	vimm.s32 $0x0;
	v12 =	vld [tilespmem:s18+$0xFFFFFFF0];
	v17 =	vperm.xlane v62, v42;
	v19 =	vmul.f32 v19, v20  }
0x231: {  	v15 =	vld [tilespmem:s18+$0x0];
	v0 =	vmul.f32 v21, v0;
	v4 =	vpop (erf);
	v2 =	vperm.xlane v18, v1  }
0x232: {  	v21 =	vld [tilespmem:s5+$0x0];
	v3 =	vperm.xlane v18, v44;
	v1 =	vperm.xlane v18, v45;
	[tilespmem:s4+$0xFFFFFFE0] =	vst v4  }
0x233: {  	v51 =	vperm.xlane v18, v47;
	v53 =	vperm.xlane v18, v48;
	v26 =	vld [tilespmem:s26+$0xFFFFFF00]  }
0x234: {  	v54 =	vperm.xlane v18, v49;
	v52 =	vperm.xlane v18, v50;
	v29 =	vld [tilespmem:s26+$0xFFFFFF10]  }
0x235: {  	v27 =	vperm.xlane v4, v38;
	v28 =	vperm.xlane v4, v44;
	v32 =	vld [tilespmem:s26+$0xFFFFFF20]  }
0x236: {  	v30 =	vperm.xlane v4, v45;
	v31 =	vperm.xlane v4, v46;
	v35 =	vld [tilespmem:s26+$0xFFFFFF30]  }
0x237: {  	s20 =	simm.s32 $0x28;
	v33 =	vperm.xlane v4, v47;
	v34 =	vperm.xlane v4, v48;
	v43 =	vld [tilespmem:s26+$0xFFFFFF60]  }
0x238: {  	v60 =	vlaneseq.u32;
	s15 =	sand.u32 $0x68, s20;
	s30 =	ssub.s32 s13, s14;
	v36 =	vperm.xlane v4, v49;
	v37 =	vperm.xlane v4, v50;
	v62 =	vld [tilespmem:s26+$0xFFFFFF70]  }
0x239: {  	s15 =	sor.u32 s15, s10;
	[tilespmem:s4+$0x0] =	vst v18;
	v4 =	vperm.xlane v18, v46;
	v41 =	vld [tilespmem:s26+$0xFFFFFF50];
	v16 =	vmul.f32 v26, v27;
	v27 =	vadd.s32 s30, v60  }
0x23a: {  	s23 =	simm.s32 $0x30;
	v17 =	vadd.f32 v17, v63;
	[tilespmem:s26+$0xF0] =	vst v23;
	v22 =	vmul.f32 v24, v22;
	v26 =	vld [tilespmem:s15+$0x0];
	v27 =	vperm.xlane v61, v27  }
0x23b: {  	s7 =	sand.u32 $0x70, s23;
	[tilespmem:s26+$0x80] =	vst v8;
	v20 =	vmul.f32 v29, v28;
	v29 =	vmul.f32 v32, v30;
	v30 =	vld [tilespmem:s5+$0xFFFFFFF0]  }
0x23c: {  	s7 =	sor.u32 s7, s10;
	[tilespmem:s26+$0xA0] =	vst v10;
	v38 =	vld [tilespmem:s26+$0xFFFFFF40];
	v12 =	vperm.xlane v12, v42;
	v15 =	vperm.xlane v15, v42;
	v17 =	vadd.f32 v27, v17  }
0x23d: {  	[tilespmem:s26+$0xFFFFFF80] =	vst v22;
	v28 =	vld [tilespmem:s7+$0x0];
	v23 =	vmul.f32 v43, v36;
	v10 =	vmul.f32 v62, v37  }
0x23e: {  	[tilespmem:s26+$0xFFFFFF10] =	vst v20;
	v20 =	vmul.f32 v35, v31;
	v27 =	vld [tilespmem:s5+$0xFFFFFFE0];
	v18 =	vmul.f32 $2.000000030e-01, v17  }
0x23f: {  	v24 =	vld [tilespmem:s26+$0xFFFFFFA0];
	[tilespmem:s26+$0xFFFFFF20] =	vst v29;
	v29 =	vmul.f32 v41, v34;
	v41 =	vlaneseq.u32;
	vm13 =	vge.f32 v17, $0.0e+00  }
0x240: {  	v22 =	vld [tilespmem:s26+$0x0];
	[tilespmem:s26+$0xFFFFFF00] =	vst v16;
	v8 =	vperm.xlane v26, v41;
	v12 =	vadd.f32 v12, v30;
	v17 =	vsel vm13, v17, v18  }
0x241: {  	v15 =	vadd.f32 v15, v21;
	v16 =	vperm.xlane v56, v42;
	[tilespmem:s26+$0xFFFFFF30] =	vst v20;
	v20 =	vld [tilespmem:s26+$0x20];
	v17 =	vmul.f32 $1.442695020e+00, v17  }
0x242: {  	v63 =	vld [tilespmem:s26+$0xFFFFFF90];
	[tilespmem:s26+$0x90] =	vst v9;
	v31 =	vmul.f32 v38, v33;
	v9 =	vperm.xlane v28, v41;
	v8 =	vadd.f32 v8, v12  }
0x243: {  	v21 =	vld [tilespmem:s26+$0xFFFFFFC0];
	v11 =	vperm.xlane v11, v41;
	v16 =	vadd.f32 v16, v27;
	(erf) = vpow2.f32 v17  }
0x244: {  	[tilespmem:s26+$0xB0] =	vst v13;
	v6 =	vmul.f32 v24, v6;
	v18 =	vld [tilespmem:s26+$0xFFFFFFB0];
	v9 =	vadd.f32 v9, v15;
	v13 =	vmul.f32 $2.000000030e-01, v8  }
0x245: {  	[tilespmem:s26+$0xC0] =	vst v14;
	v2 =	vmul.f32 v22, v2;
	v12 =	vld [tilespmem:s26+$0xFFFFFFD0];
	vm14 =	vge.f32 v8, $0.0e+00;
	v11 =	vadd.f32 v11, v16  }
0x246: {  	[tilespmem:s26+$0xD0] =	vst v19;
	v15 =	vld [tilespmem:s26+$0xFFFFFFE0];
	v14 =	vmul.f32 $2.000000030e-01, v9;
	v59 =	vmul.f32 v20, v1;
	v8 =	vsel vm14, v8, v13  }
0x247: {  	[tilespmem:s26+$0xE0] =	vst v0;
	vm15 =	vge.f32 v9, $0.0e+00;
	v16 =	vld [tilespmem:s26+$0xFFFFFFF0];
	v19 =	vmul.f32 $2.000000030e-01, v11;
	v0 =	vmul.f32 $1.442695020e+00, v8  }
0x248: {  	v17 =	vmul.f32 v63, v25;
	vm2 =	vge.f32 v11, $0.0e+00;
	v8 =	vsel vm15, v9, v14;
	v9 =	vld [tilespmem:s26+$0x10]  }
0x249: {  	[tilespmem:s26+$0xFFFFFF60] =	vst v23;
	v8 =	vmul.f32 $1.442695020e+00, v8;
	v11 =	vsel vm2, v11, v19;
	(erf) = vpow2.f32 v0;
	v0 =	vld [tilespmem:s26+$0x30]  }
0x24a: {  	v58 =	vld [tilespmem:s26+$0x40];
	[tilespmem:s26+$0xFFFFFF70] =	vst v10;
	v7 =	vmul.f32 v12, v7;
	v11 =	vmul.f32 $1.442695020e+00, v11  }
0x24b: {  	v57 =	vld [tilespmem:s26+$0x60];
	[tilespmem:s26+$0xFFFFFF40] =	vst v31;
	v5 =	vmul.f32 v15, v5;
	(erf) = vpow2.f32 v8  }
0x24c: {  	s4 =	simm.s32 $0x3960;
	v56 =	vld [tilespmem:s26+$0x50];
	[tilespmem:s26+$0xFFFFFFA0] =	vst v6;
	v8 =	vmul.f32 v21, v40;
	(erf) = vpow2.f32 v11;
	v21 =	vpop (erf)  }
0x24d: {  	s10 =	simm.s32 $0x4000;
	v19 =	vmul.f32 v18, v39;
	v15 =	vmul.f32 v16, v55;
	v55 =	vld [tilespmem:s26+$0x70];
	[tilespmem:s4+$0x10] =	vst v21  }
0x24e: {  	v38 =	vimm.s32 $0x0;
	[tilespmem:s26+$0x0] =	vst v2;
	v43 =	vmul.f32 v9, v3;
	v0 =	vmul.f32 v0, v4;
	v24 =	vld [tilespmem:s10+$0xF0]  }
0x24f: {  	[tilespmem:s26+$0xFFFFFF90] =	vst v17;
	v16 =	vperm.xlane v21, v38;
	v13 =	vperm.xlane v21, v44;
	v18 =	vld [tilespmem:s10+$0x80]  }
0x250: {  	[tilespmem:s26+$0xFFFFFFB0] =	vst v19;
	v17 =	vperm.xlane v21, v45;
	v12 =	vperm.xlane v21, v46;
	v19 =	vld [tilespmem:s10+$0x90]  }
0x251: {  	[tilespmem:s26+$0xFFFFFFD0] =	vst v7;
	v14 =	vperm.xlane v21, v47;
	v11 =	vperm.xlane v21, v48;
	v23 =	vld [tilespmem:s10+$0xA0]  }
0x252: {  	[tilespmem:s26+$0xFFFFFFC0] =	vst v8;
	v10 =	vperm.xlane v21, v49;
	v8 =	vperm.xlane v21, v50;
	v22 =	vld [tilespmem:s10+$0xB0];
	v7 =	vpop (erf)  }
0x253: {  	[tilespmem:s26+$0xFFFFFFE0] =	vst v5;
	v28 =	vld [tilespmem:s10+$0xC0];
	v6 =	vperm.xlane v7, v38;
	v63 =	vperm.xlane v7, v44  }
0x254: {  	[tilespmem:s26+$0xFFFFFFF0] =	vst v15;
	v30 =	vld [tilespmem:s10+$0xD0];
	v9 =	vpop (erf);
	v62 =	vperm.xlane v7, v45;
	v5 =	vperm.xlane v7, v46  }
0x255: {  	v31 =	vld [tilespmem:s10+$0xE0];
	[tilespmem:s4+$0xFFFFFFF0] =	vst v7;
	v4 =	vperm.xlane v7, v48;
	v2 =	vperm.xlane v7, v50;
	v3 =	vpop (erf)  }
0x256: {  	v15 =	vld [tilespmem:s10+$0xFFFFFF80];
	v61 =	vperm.xlane v9, v38;
	v60 =	vperm.xlane v9, v44;
	[tilespmem:s4+$0xFFFFFFE0] =	vst v3  }
0x257: {  	[tilespmem:s26+$0x20] =	vst v59;
	v59 =	vperm.xlane v9, v45;
	v1 =	vmul.f32 v24, v8;
	v32 =	vld [tilespmem:s10+$0xFFFFFF00]  }
0x258: {  	[tilespmem:s26+$0xFFFFFF50] =	vst v29;
	v29 =	vperm.xlane v3, v38;
	v26 =	vperm.xlane v3, v44;
	v33 =	vld [tilespmem:s10+$0xFFFFFF10]  }
0x259: {  	[tilespmem:s26+$0x10] =	vst v43;
	v27 =	vperm.xlane v3, v45;
	v24 =	vperm.xlane v3, v46;
	v34 =	vld [tilespmem:s10+$0xFFFFFF20]  }
0x25a: {  	[tilespmem:s26+$0x30] =	vst v0;
	v25 =	vperm.xlane v3, v47;
	v21 =	vperm.xlane v3, v48;
	v35 =	vld [tilespmem:s10+$0xFFFFFF30]  }
0x25b: {  	[tilespmem:s4+$0x0] =	vst v9;
	v20 =	vperm.xlane v3, v49;
	v8 =	vperm.xlane v3, v50;
	v36 =	vld [tilespmem:s10+$0xFFFFFF40]  }
0x25c: {  	s31 =	simm.s32 $0x4;
	s29 =	simm.s32 $0x40;
	v3 =	vperm.xlane v7, v47;
	[tilespmem:s10+$0xF0] =	vst v1;
	v1 =	vperm.xlane v7, v49;
	v37 =	vld [tilespmem:s10+$0xFFFFFF50]  }
.LBB2_7:
0x25d: {  	s7 =	sadd.s32 $0x18, s29;
	s31 =	sadd.s32 $0x4, s31;
	v0 =	vld [tilespmem:s10+$0xFFFFFF60];
	v7 =	vperm.xlane v9, v46;
	v38 =	vperm.xlane v9, v47;
	s18 =	sadd.s32 $0x40, s18  }
0x25e: {  	s13 =	sand.u32 $0x180, s29;
	v40 =	vperm.xlane v9, v48;
	v41 =	vperm.xlane v9, v49;
	v39 =	vld [tilespmem:s18+$0xFFFFFFE0];
	s7 =	sand.u32 $0x78, s7;
	p4 =	slt.u32 s31, $0x3C  }
0x25f: {  	v9 =	vperm.xlane v9, v50;
	v16 =	vmul.f32 v18, v16;
	s5 =	sadd.s32 $0x40, s5;
	s13 =	sadd.s32 $0x2F00, s13;
	v43 =	vld [tilespmem:s18+$0x10];
	s14 =	smin.u32 s7, $0x70  }
0x260: {  	s15 =	sadd.s32 $0x8, s29;
	s20 =	sadd.s32 $0x10, s29;
	v13 =	vmul.f32 v19, v13;
	v17 =	vmul.f32 v23, v17;
	v18 =	vld [tilespmem:s5+$0x10];
	s23 =	sor.u32 s14, s13  }
0x261: {  	s30 =	sand.u32 $0x60, s29;
	v12 =	vmul.f32 v22, v12;
	v14 =	vmul.f32 v28, v14;
	s15 =	sand.u32 $0x68, s15;
	s20 =	sand.u32 $0x70, s20;
	v19 =	vld [tilespmem:s23+$0x0];
	[tilespmem:s10+$0x80] =	vst v16  }
0x262: {  	v11 =	vmul.f32 v30, v11;
	v10 =	vmul.f32 v31, v10;
	s15 =	sor.u32 s15, s13;
	s23 =	sor.u32 s30, s13;
	s13 =	sor.u32 s20, s13;
	v16 =	vld [tilespmem:s18+$0xFFFFFFF0];
	[tilespmem:s10+$0x90] =	vst v13  }
0x263: {  	v23 =	vmul.f32 v32, v29;
	v13 =	vperm.xlane v39, v42;
	v22 =	vld [tilespmem:s18+$0x0];
	[tilespmem:s10+$0xA0] =	vst v17  }
0x264: {  	v26 =	vmul.f32 v33, v26;
	s7 =	ssub.s32 s7, s14;
	v39 =	vlaneseq.u32;
	v17 =	vld [tilespmem:s23+$0x0];
	v28 =	vperm.xlane v43, v42;
	[tilespmem:s10+$0xB0] =	vst v12  }
0x265: {  	v27 =	vmul.f32 v34, v27;
	v24 =	vmul.f32 v35, v24;
	v29 =	vadd.s32 s7, v39;
	v12 =	vld [tilespmem:s15+$0x0];
	[tilespmem:s10+$0xC0] =	vst v14  }
0x266: {  	v25 =	vmul.f32 v36, v25;
	v14 =	vld [tilespmem:s13+$0x0];
	v19 =	vperm.xlane v19, v29;
	v18 =	vadd.f32 v28, v18;
	[tilespmem:s10+$0xD0] =	vst v11  }
0x267: {  	v21 =	vmul.f32 v37, v21;
	v11 =	vld [tilespmem:s5+$0xFFFFFFF0];
	v16 =	vperm.xlane v16, v42;
	[tilespmem:s10+$0xE0] =	vst v10  }
0x268: {  	v0 =	vmul.f32 v0, v20;
	v10 =	vld [tilespmem:s5+$0x0];
	v22 =	vperm.xlane v22, v42;
	v18 =	vadd.f32 v19, v18;
	[tilespmem:s10+$0xFFFFFF00] =	vst v23  }
0x269: {  	v6 =	vmul.f32 v15, v6;
	v19 =	vld [tilespmem:s5+$0xFFFFFFE0];
	v17 =	vperm.xlane v17, v39;
	[tilespmem:s10+$0xFFFFFF10] =	vst v26  }
0x26a: {  	v12 =	vperm.xlane v12, v39;
	v15 =	vmul.f32 $2.000000030e-01, v18;
	[tilespmem:s10+$0xFFFFFF20] =	vst v27;
	v20 =	vld [tilespmem:s10+$0xFFFFFF70];
	vm0 =	vge.f32 v18, $0.0e+00  }
0x26b: {  	v14 =	vperm.xlane v14, v39;
	[tilespmem:s10+$0xFFFFFF30] =	vst v24;
	v23 =	vld [tilespmem:s10+$0xFFFFFF90];
	v24 =	vmul.f32 v58, v51;
	v51 =	vmovc v38;
	v38 =	vimm.s32 $0x0  }
0x26c: {  	v11 =	vadd.f32 v16, v11;
	v15 =	vsel vm0, v18, v15;
	[tilespmem:s10+$0xFFFFFF40] =	vst v25;
	v16 =	vld [tilespmem:s10+$0xFFFFFFA0];
	v18 =	vmul.f32 v56, v53  }
0x26d: {  	v53 =	vmovc v40;
	v10 =	vadd.f32 v22, v10;
	v15 =	vmul.f32 $1.442695020e+00, v15;
	[tilespmem:s10+$0xFFFFFF50] =	vst v21;
	v21 =	vld [tilespmem:s10+$0xFFFFFFB0];
	v22 =	vmul.f32 v57, v54  }
0x26e: {  	v13 =	vadd.f32 v13, v19;
	v11 =	vadd.f32 v12, v11;
	[tilespmem:s10+$0xFFFFFF60] =	vst v0;
	v0 =	vld [tilespmem:s10+$0xFFFFFFC0];
	v12 =	vmul.f32 v55, v52  }
0x26f: {  	v54 =	vmovc v41;
	v10 =	vadd.f32 v14, v10;
	(erf) = vpow2.f32 v15;
	v8 =	vmul.f32 v20, v8;
	[tilespmem:s10+$0xFFFFFF80] =	vst v6;
	v6 =	vld [tilespmem:s10+$0xFFFFFFD0]  }
0x270: {  	v52 =	vmovc v9;
	v13 =	vadd.f32 v17, v13;
	vm0 =	vge.f32 v11, $0.0e+00;
	v14 =	vmul.f32 $2.000000030e-01, v11;
	v15 =	vld [tilespmem:s10+$0xFFFFFFE0];
	[tilespmem:s26+$0x40] =	vst v24  }
0x271: {  	vm1 =	vge.f32 v10, $0.0e+00;
	v9 =	vmul.f32 $2.000000030e-01, v10;
	[tilespmem:s10+$0xFFFFFF70] =	vst v8;
	v8 =	vmul.f32 v23, v63;
	v17 =	vld [tilespmem:s10+$0xFFFFFFF0]  }
0x272: {  	vm2 =	vge.f32 v13, $0.0e+00;
	v19 =	vmul.f32 $2.000000030e-01, v13;
	v11 =	vsel vm0, v11, v14;
	v20 =	vld [tilespmem:s10+$0x0];
	[tilespmem:s26+$0x50] =	vst v18  }
0x273: {  	v11 =	vmul.f32 $1.442695020e+00, v11;
	v9 =	vsel vm1, v10, v9;
	[tilespmem:s10+$0xFFFFFF90] =	vst v8;
	v8 =	vmul.f32 v16, v62;
	v24 =	vld [tilespmem:s10+$0x10]  }
0x274: {  	v5 =	vmul.f32 v21, v5;
	v10 =	vsel vm2, v13, v19;
	v9 =	vmul.f32 $1.442695020e+00, v9;
	v21 =	vld [tilespmem:s10+$0x20];
	[tilespmem:s26+$0x60] =	vst v22  }
0x275: {  	v10 =	vmul.f32 $1.442695020e+00, v10;
	(erf) = vpow2.f32 v11;
	[tilespmem:s10+$0xFFFFFFA0] =	vst v8;
	v8 =	vld [tilespmem:s10+$0x30]  }
0x276: {  	v0 =	vmul.f32 v0, v3;
	(erf) = vpow2.f32 v9;
	[tilespmem:s10+$0xFFFFFFB0] =	vst v5;
	v58 =	vld [tilespmem:s10+$0x40]  }
0x277: {  	v3 =	vmul.f32 v6, v4;
	(erf) = vpow2.f32 v10;
	v56 =	vld [tilespmem:s10+$0x50];
	[tilespmem:s26+$0x70] =	vst v12;
	s26 =	smov.u32 s10  }
0x278: {  	s4 =	sadd.s32 $0x40, s4;
	v4 =	vpop (erf);
	[tilespmem:s10+$0xFFFFFFC0] =	vst v0;
	v0 =	vmul.f32 v15, v1;
	v1 =	vmul.f32 v17, v2;
	v57 =	vld [tilespmem:s10+$0x60]  }
0x279: {  	s10 =	sadd.s32 $0x200, s10;
	[tilespmem:s4+$0x10] =	vst v4;
	v16 =	vperm.xlane v4, v38;
	v13 =	vperm.xlane v4, v44;
	v55 =	vld [tilespmem:s26+$0x70]  }
0x27a: {  	v17 =	vperm.xlane v4, v45;
	v12 =	vperm.xlane v4, v46;
	v2 =	vld [tilespmem:s10+$0xF0];
	[tilespmem:s26+$0xFFFFFFD0] =	vst v3  }
0x27b: {  	v14 =	vperm.xlane v4, v47;
	v11 =	vperm.xlane v4, v48;
	v18 =	vld [tilespmem:s10+$0x80];
	[tilespmem:s26+$0xFFFFFFE0] =	vst v0  }
0x27c: {  	v10 =	vperm.xlane v4, v49;
	v0 =	vmul.f32 v20, v61;
	v19 =	vld [tilespmem:s10+$0x90];
	[tilespmem:s26+$0xFFFFFFF0] =	vst v1  }
0x27d: {  	v3 =	vmul.f32 v24, v60;
	v1 =	vperm.xlane v4, v50;
	v23 =	vld [tilespmem:s10+$0xA0]  }
0x27e: {  	v4 =	vmul.f32 v8, v7;
	v22 =	vld [tilespmem:s10+$0xB0];
	v37 =	vpop (erf);
	[tilespmem:s26+$0x0] =	vst v0;
	v0 =	vmul.f32 v21, v59  }
0x27f: {  	[tilespmem:s4+$0xFFFFFFF0] =	vst v37;
	v6 =	vperm.xlane v37, v38;
	v28 =	vld [tilespmem:s10+$0xC0];
	v1 =	vmul.f32 v2, v1;
	v9 =	vpop (erf)  }
0x280: {  	v63 =	vperm.xlane v37, v44;
	v62 =	vperm.xlane v37, v45;
	[tilespmem:s4+$0x0] =	vst v9;
	v30 =	vld [tilespmem:s10+$0xD0];
	v2 =	vpop (erf)  }
0x281: {  	v29 =	vperm.xlane v2, v38;
	v26 =	vperm.xlane v2, v44;
	v31 =	vld [tilespmem:s10+$0xE0];
	[tilespmem:s10+$0xF0] =	vst v1  }
0x282: {  	v27 =	vperm.xlane v2, v45;
	v24 =	vperm.xlane v2, v46;
	[tilespmem:s4+$0xFFFFFFE0] =	vst v2;
	v15 =	vld [tilespmem:s10+$0xFFFFFF80]  }
0x283: {  	v25 =	vperm.xlane v2, v47;
	v21 =	vperm.xlane v2, v48;
	v32 =	vld [tilespmem:s10+$0xFFFFFF00];
	[tilespmem:s26+$0x10] =	vst v3  }
.Ltmp4:
0x284: {  	v20 =	vperm.xlane v2, v49;
	v8 =	vperm.xlane v2, v50;
	v33 =	vld [tilespmem:s10+$0xFFFFFF10];
	[tilespmem:s26+$0x20] =	vst v0;
	(pc) =	sbr.rel @p4 .LBB2_7-.Ltmp4, $4  }
0x285: {  	v5 =	vperm.xlane v37, v46;
	v3 =	vperm.xlane v37, v47;
	v34 =	vld [tilespmem:s10+$0xFFFFFF20];
	[tilespmem:s26+$0x30] =	vst v4  }
0x286: {  	v1 =	vperm.xlane v37, v49;
	v4 =	vperm.xlane v37, v48;
	v35 =	vld [tilespmem:s10+$0xFFFFFF30]  }
0x287: {  	v61 =	vperm.xlane v9, v38;
	v2 =	vperm.xlane v37, v50;
	v36 =	vld [tilespmem:s10+$0xFFFFFF40]  }
0x288: {  	s29 =	sadd.s32 $0x20, s29;
	v60 =	vperm.xlane v9, v44;
	v59 =	vperm.xlane v9, v45;
	v37 =	vld [tilespmem:s10+$0xFFFFFF50]  }
0x289: {  	v0 =	vmul.f32 v18, v16  }
0x28a: {  	v7 =	vmul.f32 v19, v13  }
0x28b: {  	v13 =	vmul.f32 v23, v17;
	[tilespmem:s10+$0x80] =	vst v0  }
0x28c: {  	v11 =	vmul.f32 v30, v11;
	[tilespmem:s10+$0x90] =	vst v7  }
0x28d: {  	v6 =	vmul.f32 v15, v6;
	[tilespmem:s10+$0xA0] =	vst v13  }
0x28e: {  	v0 =	vmul.f32 v22, v12;
	[tilespmem:s10+$0xD0] =	vst v11  }
0x28f: {  	v7 =	vmul.f32 v28, v14;
	[tilespmem:s10+$0xFFFFFF80] =	vst v6  }
0x290: {  	v12 =	vmul.f32 v33, v26;
	[tilespmem:s10+$0xB0] =	vst v0  }
0x291: {  	v11 =	vmul.f32 v34, v27;
	[tilespmem:s10+$0xC0] =	vst v7  }
0x292: {  	v13 =	vmul.f32 v58, v51;
	[tilespmem:s10+$0xFFFFFF10] =	vst v12  }
0x293: {  	v0 =	vmul.f32 v32, v29;
	[tilespmem:s10+$0xFFFFFF20] =	vst v11  }
0x294: {  	v6 =	vmul.f32 v56, v53;
	v14 =	vld [tilespmem:s10+$0xFFFFFFF0];
	[tilespmem:s26+$0x40] =	vst v13  }
0x295: {  	v7 =	vld [tilespmem:s10+$0xFFFFFF60];
	[tilespmem:s10+$0xFFFFFF00] =	vst v0;
	v0 =	vmul.f32 v31, v10  }
0x296: {  	v12 =	vmul.f32 v37, v21;
	v13 =	vld [tilespmem:s10+$0xFFFFFFE0];
	[tilespmem:s26+$0x50] =	vst v6  }
0x297: {  	v10 =	vmul.f32 v35, v24;
	[tilespmem:s10+$0xE0] =	vst v0;
	v0 =	vld [tilespmem:s10+$0xFFFFFF70]  }
0x298: {  	v11 =	vmul.f32 v36, v25;
	[tilespmem:s10+$0xFFFFFF50] =	vst v12;
	v12 =	vld [tilespmem:s10+$0xFFFFFFB0]  }
0x299: {  	v2 =	vmul.f32 v14, v2;
	[tilespmem:s10+$0xFFFFFF30] =	vst v10;
	v10 =	vld [tilespmem:s10+$0xFFFFFF90]  }
0x29a: {  	v6 =	vld [tilespmem:s10+$0x0];
	[tilespmem:s10+$0xFFFFFF40] =	vst v11;
	v7 =	vmul.f32 v7, v20  }
0x29b: {  	v11 =	vld [tilespmem:s10+$0xFFFFFFA0];
	v1 =	vmul.f32 v13, v1;
	[tilespmem:s10+$0xFFFFFFF0] =	vst v2  }
0x29c: {  	[tilespmem:s10+$0xFFFFFF60] =	vst v7;
	v7 =	vld [tilespmem:s10+$0xFFFFFFC0];
	v0 =	vmul.f32 v0, v8  }
0x29d: {  	v5 =	vmul.f32 v12, v5;
	[tilespmem:s10+$0xFFFFFFE0] =	vst v1  }
0x29e: {  	v8 =	vld [tilespmem:s10+$0xFFFFFFD0];
	[tilespmem:s10+$0xFFFFFF70] =	vst v0;
	v0 =	vmul.f32 v10, v63  }
0x29f: {  	v1 =	vmul.f32 v6, v61;
	[tilespmem:s10+$0xFFFFFFB0] =	vst v5  }
0x2a0: {  	v5 =	vld [tilespmem:s10+$0x30];
	[tilespmem:s10+$0xFFFFFF90] =	vst v0;
	v0 =	vmul.f32 v11, v62  }
0x2a1: {  	[tilespmem:s10+$0x0] =	vst v1;
	v3 =	vmul.f32 v7, v3;
	v11 =	vld [tilespmem:s10+$0x10]  }
0x2a2: {  	v10 =	vmul.f32 v57, v54;
	[tilespmem:s10+$0xFFFFFFA0] =	vst v0;
	v0 =	vld [tilespmem:s10+$0x20]  }
0x2a3: {  	v6 =	vperm.xlane v9, v46;
	v4 =	vmul.f32 v8, v4;
	[tilespmem:s10+$0xFFFFFFC0] =	vst v3;
	v3 =	vld [tilespmem:s10+$0x50]  }
0x2a4: {  	v7 =	vld [tilespmem:s10+$0x40];
	[tilespmem:s26+$0x60] =	vst v10;
	v10 =	vmul.f32 v55, v52  }
0x2a5: {  	v5 =	vmul.f32 v5, v6;
	[tilespmem:s10+$0xFFFFFFD0] =	vst v4;
	v4 =	vld [tilespmem:s10+$0x60]  }
0x2a6: {  	v1 =	vperm.xlane v9, v48;
	v8 =	vld [tilespmem:s10+$0x70];
	[tilespmem:s26+$0x70] =	vst v10;
	v2 =	vmul.f32 v11, v60  }
0x2a7: {  	v10 =	vperm.xlane v9, v47;
	[tilespmem:s10+$0x30] =	vst v5;
	v0 =	vmul.f32 v0, v59  }
0x2a8: {  	v1 =	vmul.f32 v3, v1;
	[tilespmem:s10+$0x10] =	vst v2;
	v2 =	vperm.xlane v9, v49  }
0x2a9: {  	v6 =	vperm.xlane v9, v50;
	[tilespmem:s10+$0x20] =	vst v0;
	v0 =	vmul.f32 v7, v10  }
0x2aa: {  	[tilespmem:s10+$0x50] =	vst v1;
	v2 =	vmul.f32 v4, v2  }
0x2ab: {  	[tilespmem:s10+$0x40] =	vst v0;
	v0 =	vmul.f32 v8, v6  }
0x2ac: {  	[tilespmem:s10+$0x60] =	vst v2  }
0x2ad: {  	s4 =	simm.s32 $0x3900;
	[tilespmem:s10+$0x70] =	vst v0  }
0x2ae: {  	[spmem:s2] =	stream.indirect.scatter.add.f32 [tilespmem:s4], [sflag:$0x2], $0x10, s0, s28, $0xb8;
	[tilespmem:$0x1EB10] =	vst v63  }
0x2af: {  	s31 =	simm.s32 $0x3D00  }
0x2b0: {  	[spmem:s1] =	stream.indirect.scatter.add.f32 [tilespmem:s31], [sflag:$0x2], $0x80, s0, s28, $0xb8;
	[tilespmem:$0x1EB10] =	vst v63  }
0x2b1: {  	_ =	swait.ge [sflag:s17], $0x400  }
0x2b2: {  	[sflag:s17] =	ssyncset.done $0x0  }
0x2b3: {  	[sflag:s17] =	ssyncadd.s32 $0xFFFFFC00  }
0x2b4: {  	_ =	swait.ge [sflag:s17], $0x400  }
0x2b5: {  	[sflag:s17] =	ssyncset.done $0x0  }
0x2b6: {  	[sflag:s17] =	ssyncadd.s32 $0xFFFFFC00  }
0x2b7: {  	_ =	swait.ge [sflag:s17], $0x2000  }
0x2b8: {  	[sflag:s17] =	ssyncset.done $0x0  }
0x2b9: {  	s4 =	simm.s32 @p3 $0x2;
	[sflag:s17] =	ssyncadd.s32 $0xFFFFE000  }
0x2ba: {  	_ =	swait.ge @p3 [sflag:s4], $0x400  }
0x2bb: {  	[sflag:s4] =	ssyncset.done @p3 $0x0  }
0x2bc: {  	[sflag:s4] =	ssyncadd.s32 @p3 $0xFFFFFC00  }
0x2bd: {  	_ =	swait.ge @p3 [sflag:s4], $0x2000  }
0x2be: {  	[sflag:s4] =	ssyncset.done @p3 $0x0  }
0x2bf: {  	[sflag:s4] =	ssyncadd.s32 @p3 $0xFFFFE000;
	s4 =	simm.s32 @!p3 $0x1  }
0x2c0: {  	_ =	swait.ge @!p3 [sflag:s4], $0x40  }
0x2c1: {  	[sflag:s4] =	ssyncset.done @!p3 $0x0  }
0x2c2: {  	[sflag:s4] =	ssyncadd.s32 @!p3 $0xFFFFFFC0  }
0x2c3: {  	_ =	swait.ge @!p3 [sflag:s4], $0x40  }
0x2c4: {  	[sflag:s4] =	ssyncset.done @!p3 $0x0  }
0x2c5: {  	[sflag:s4] =	ssyncadd.s32 @!p3 $0xFFFFFFC0  }
0x2c6: {  	_ =	swait.ge @!p3 [sflag:s4], $0x200  }
0x2c7: {  	s5 =	simm.s32 @!p3 $0x0;
	[sflag:s4] =	ssyncset.done @!p3 $0x0  }
0x2c8: {  	s7 =	simm.s32 @!p3 $0x280;
	[sflag:s4] =	ssyncadd.s32 @!p3 $0xFFFFFE00;
	s4 =	simm.s32 @!p3 $0x40  }
0x2c9: {  	[tilespmem:s7], [sflag:$0x1] =	stream.indirect.gather @!p3 [hbm4b:s11+s4], $0x10, s5, s4, $0xb8;
	[tilespmem:$0x1EB10] =	vst v63  }
0x2ca: {  	s7 =	simm.s32 @!p3 $0x680  }
0x2cb: {  	[tilespmem:s7], [sflag:$0x1] =	stream.indirect.gather @!p3 [hbm4b:s11+s4], $0x10, s4, s4, $0xb8;
	[tilespmem:$0x1EB10] =	vst v63  }
0x2cc: {  	s7 =	simm.s32 @!p3 $0xE80  }
0x2cd: {  	[tilespmem:s7], [sflag:$0x1] =	stream.indirect.gather @!p3 [hbm4b:s12+s4], $0x80, s5, s4, $0xb8;
	[tilespmem:$0x1EB10] =	vst v63  }
0x2ce: {  	s4 =	simm.s32 @!p3 $0x2  }
0x2cf: {  	_ =	swait.ge @!p3 [sflag:s4], $0x400  }
0x2d0: {  	[sflag:s4] =	ssyncset.done @!p3 $0x0  }
0x2d1: {  	[sflag:s4] =	ssyncadd.s32 @!p3 $0xFFFFFC00  }
0x2d2: {  	_ =	swait.ge @!p3 [sflag:s4], $0x2000  }
0x2d3: {  	s7 =	rddreg [dreg:$0xb]  }
0x2d4: {  	s7 =	sadd.s32 @!p3 s7, s22  }
0x2d5: {  	[sflag:s4] =	ssyncset.done @!p3 $0x0;
	s10 =	sshll.u32 @!p3 s7, $0x3  }
0x2d6: {  	s13 =	simm.s32 @!p3 $0x2E80;
	[sflag:s4] =	ssyncadd.s32 @!p3 $0xFFFFE000;
	s4 =	sadd.s32 @!p3 s6, s10  }
0x2d7: {  	[tilespmem:s13], [sflag:$0x2] =	stream.linear.gather @!p3 [hbm4b:s4+s5], $0x40, $0x38;
	[tilespmem:$0x1EB10] =	vst v63  }
0x2d8: {  	s4 =	sadd.s32 @!p3 s8, s10;
	s10 =	simm.s32 @!p3 $0x2EC0  }
0x2d9: {  	[tilespmem:s10], [sflag:$0x2] =	stream.linear.gather @!p3 [hbm4b:s4+s5], $0x40, $0x38;
	[tilespmem:$0x1EB10] =	vst v63  }
0x2da: {  	s20 =	simm.s32 $0x18;
	s22 =	simm.s32 $0x63A0;
	s4 =	sshll.u32 @!p3 s7, $0x6  }
0x2db: {  	s13 =	simm.s32 $0x0;
	s7 =	simm.s32 @!p3 $0x2F00;
	s4 =	sadd.s32 @!p3 s9, s4  }
0x2dc: {  	[tilespmem:s7], [sflag:$0x2] =	stream.linear.gather @!p3 [hbm4b:s4+s5], $0x200, $0x38;
	[tilespmem:$0x1EB10] =	vst v63  }
0x2dd: {  	s26 =	simm.s32 $0x5FA0;
	s23 =	sand.u32 $0x180, s13;
	s5 =	sand.u32 $0x78, s20;
	v0 =	vld [tilespmem:s22+$0x10]  }
0x2de: {  	s10 =	sadd.s32 $0x5D80, s23;
	s14 =	smin.u32 s5, $0x70;
	v1 =	vld [tilespmem:s26+$0x10]  }
0x2df: {  	v3 =	vld [tilespmem:s22+$0xFFFFFFE0];
	s15 =	sor.u32 s14, s10  }
0x2e0: {  	v2 =	vld [tilespmem:s15+$0x0]  }
0x2e1: {  	s30 =	simm.s32 $0x8;
	v4 =	vld [tilespmem:s22+$0xFFFFFFF0]  }
0x2e2: {  	v5 =	vld [tilespmem:s22+$0x0];
	s15 =	sand.u32 $0x68, s30  }
0x2e3: {  	s18 =	simm.s32 $0x10;
	v9 =	vld [tilespmem:s26+$0xFFFFFFE0];
	s5 =	ssub.s32 s5, s14;
	s22 =	sor.u32 s15, s10;
	v0 =	vperm.xlane v0, v42  }
0x2e4: {  	s20 =	sand.u32 $0x70, s18;
	v7 =	vadd.s32 s5, v39;
	v8 =	vld [tilespmem:s22+$0x0]  }
0x2e5: {  	s23 =	sor.u32 s20, s10;
	v2 =	vperm.xlane v2, v7;
	v0 =	vadd.f32 v0, v1;
	v7 =	vld [tilespmem:s26+$0xFFFFFFF0]  }
0x2e6: {  	s4 =	sand.u32 $0x60, s13;
	v1 =	vld [tilespmem:s23+$0x0]  }
0x2e7: {  	s4 =	sor.u32 s4, s10;
	v0 =	vadd.f32 v2, v0;
	v2 =	vld [tilespmem:s26+$0x0]  }
0x2e8: {  	v6 =	vld [tilespmem:s4+$0x0];
	v4 =	vperm.xlane v4, v42  }
0x2e9: {  	v5 =	vperm.xlane v5, v42;
	v10 =	vmul.f32 $2.000000030e-01, v0  }
0x2ea: {  	v8 =	vperm.xlane v8, v39;
	vm0 =	vge.f32 v0, $0.0e+00;
	v4 =	vadd.f32 v4, v7  }
0x2eb: {  	v3 =	vperm.xlane v3, v42;
	v1 =	vperm.xlane v1, v39;
	v0 =	vsel vm0, v0, v10  }
0x2ec: {  	v0 =	vmul.f32 $1.442695020e+00, v0;
	v2 =	vadd.f32 v5, v2;
	v4 =	vadd.f32 v8, v4  }
0x2ed: {  	v6 =	vperm.xlane v6, v39;
	v3 =	vadd.f32 v3, v9  }
0x2ee: {  	(erf) = vpow2.f32 v0;
	v0 =	vadd.f32 v1, v2;
	v2 =	vmul.f32 $2.000000030e-01, v4  }
0x2ef: {  	vm11 =	vge.f32 v4, $0.0e+00  }
0x2f0: {  	v1 =	vadd.f32 v6, v3;
	v3 =	vmul.f32 $2.000000030e-01, v0;
	v2 =	vsel vm11, v4, v2  }
0x2f1: {  	vm1 =	vge.f32 v0, $0.0e+00;
	v2 =	vmul.f32 $1.442695020e+00, v2  }
0x2f2: {  	v5 =	vmul.f32 $2.000000030e-01, v1;
	v0 =	vsel vm1, v0, v3  }
0x2f3: {  	v0 =	vmul.f32 $1.442695020e+00, v0;
	(erf) = vpow2.f32 v2  }
0x2f4: {  	vm12 =	vge.f32 v1, $0.0e+00  }
0x2f5: {  	s18 =	simm.s32 $0x63E0;
	v1 =	vsel vm12, v1, v5  }
0x2f6: {  	v56 =	vld [tilespmem:s18+$0xFFFFFFE0];
	v1 =	vmul.f32 $1.442695020e+00, v1  }
0x2f7: {  	v62 =	vld [tilespmem:s18+$0x10];
	s4 =	simm.s32 $0x67A0;
	s5 =	simm.s32 $0x5FE0;
	(erf) = vpow2.f32 v0;
	v0 =	vpop (erf)  }
0x2f8: {  	v63 =	vld [tilespmem:s5+$0x10];
	s22 =	simm.s32 $0x6C80;
	(erf) = vpow2.f32 v1;
	[tilespmem:s4+$0x10] =	vst v0  }
0x2f9: {  	v11 =	vperm.xlane v0, v38;
	v12 =	vperm.xlane v0, v44;
	v1 =	vld [tilespmem:s22+$0xF0]  }
0x2fa: {  	v14 =	vperm.xlane v0, v45;
	v15 =	vperm.xlane v0, v46;
	v8 =	vld [tilespmem:s22+$0x80]  }
0x2fb: {  	v17 =	vperm.xlane v0, v47;
	v3 =	vperm.xlane v0, v50;
	v9 =	vld [tilespmem:s22+$0x90]  }
0x2fc: {  	v20 =	vperm.xlane v0, v48;
	v0 =	vperm.xlane v0, v49;
	v10 =	vld [tilespmem:s22+$0xA0];
	v2 =	vpop (erf)  }
0x2fd: {  	s10 =	simm.s32 $0x38;
	s26 =	simm.s32 $0x20;
	v13 =	vld [tilespmem:s22+$0xB0];
	v22 =	vperm.xlane v2, v38;
	v25 =	vperm.xlane v2, v44  }
0x2fe: {  	s14 =	sand.u32 $0x78, s10;
	s13 =	sand.u32 $0x180, s26;
	v16 =	vld [tilespmem:s22+$0xC0];
	v6 =	vperm.xlane v2, v45;
	v39 =	vperm.xlane v2, v46  }
0x2ff: {  	s30 =	smin.u32 s14, $0x70;
	s10 =	sadd.s32 $0x5D80, s13;
	v19 =	vld [tilespmem:s22+$0xD0];
	v40 =	vperm.xlane v2, v47;
	v7 =	vperm.xlane v2, v48  }
0x300: {  	s20 =	sor.u32 s30, s10;
	v21 =	vld [tilespmem:s22+$0xE0];
	v5 =	vperm.xlane v2, v49;
	v55 =	vperm.xlane v2, v50  }
0x301: {  	v61 =	vld [tilespmem:s20+$0x0];
	[tilespmem:s4+$0xFFFFFFF0] =	vst v2;
	v23 =	vmul.f32 v1, v3;
	v8 =	vmul.f32 v8, v11  }
0x302: {  	v24 =	vld [tilespmem:s22+$0xFFFFFF80];
	v9 =	vmul.f32 v9, v12;
	v10 =	vmul.f32 v10, v14  }
0x303: {  	s7 =	sand.u32 $0x60, s26;
	v11 =	vld [tilespmem:s18+$0xFFFFFFF0];
	v13 =	vmul.f32 v13, v15;
	v14 =	vmul.f32 v16, v17  }
0x304: {  	s7 =	sor.u32 s7, s10;
	v18 =	vpop (erf);
	v1 =	vimm.s32 $0x0;
	v12 =	vld [tilespmem:s18+$0x0];
	v17 =	vperm.xlane v62, v42;
	v19 =	vmul.f32 v19, v20  }
0x305: {  	v15 =	vld [tilespmem:s7+$0x0];
	v0 =	vmul.f32 v21, v0;
	v4 =	vpop (erf);
	v2 =	vperm.xlane v18, v1  }
0x306: {  	v21 =	vld [tilespmem:s5+$0x0];
	v3 =	vperm.xlane v18, v44;
	v1 =	vperm.xlane v18, v45;
	[tilespmem:s4+$0xFFFFFFE0] =	vst v4  }
0x307: {  	v51 =	vperm.xlane v18, v47;
	v53 =	vperm.xlane v18, v48;
	v26 =	vld [tilespmem:s22+$0xFFFFFF00]  }
0x308: {  	v54 =	vperm.xlane v18, v49;
	v52 =	vperm.xlane v18, v50;
	v29 =	vld [tilespmem:s22+$0xFFFFFF10]  }
0x309: {  	v27 =	vperm.xlane v4, v38;
	v28 =	vperm.xlane v4, v44;
	v32 =	vld [tilespmem:s22+$0xFFFFFF20]  }
0x30a: {  	v30 =	vperm.xlane v4, v45;
	v31 =	vperm.xlane v4, v46;
	v35 =	vld [tilespmem:s22+$0xFFFFFF30]  }
0x30b: {  	s23 =	simm.s32 $0x28;
	v33 =	vperm.xlane v4, v47;
	v34 =	vperm.xlane v4, v48;
	v43 =	vld [tilespmem:s22+$0xFFFFFF60]  }
0x30c: {  	v60 =	vlaneseq.u32;
	s15 =	sand.u32 $0x68, s23;
	s30 =	ssub.s32 s14, s30;
	v36 =	vperm.xlane v4, v49;
	v37 =	vperm.xlane v4, v50;
	v62 =	vld [tilespmem:s22+$0xFFFFFF70]  }
0x30d: {  	s15 =	sor.u32 s15, s10;
	[tilespmem:s4+$0x0] =	vst v18;
	v4 =	vperm.xlane v18, v46;
	v41 =	vld [tilespmem:s22+$0xFFFFFF50];
	v16 =	vmul.f32 v26, v27;
	v27 =	vadd.s32 s30, v60  }
0x30e: {  	s20 =	simm.s32 $0x30;
	v17 =	vadd.f32 v17, v63;
	[tilespmem:s22+$0xF0] =	vst v23;
	v22 =	vmul.f32 v24, v22;
	v26 =	vld [tilespmem:s15+$0x0];
	v27 =	vperm.xlane v61, v27  }
0x30f: {  	s20 =	sand.u32 $0x70, s20;
	[tilespmem:s22+$0x80] =	vst v8;
	v20 =	vmul.f32 v29, v28;
	v29 =	vmul.f32 v32, v30;
	v30 =	vld [tilespmem:s5+$0xFFFFFFF0]  }
0x310: {  	s26 =	sor.u32 s20, s10;
	[tilespmem:s22+$0xA0] =	vst v10;
	v38 =	vld [tilespmem:s22+$0xFFFFFF40];
	v11 =	vperm.xlane v11, v42;
	v12 =	vperm.xlane v12, v42;
	v17 =	vadd.f32 v27, v17  }
0x311: {  	[tilespmem:s22+$0xFFFFFF80] =	vst v22;
	v28 =	vld [tilespmem:s26+$0x0];
	v23 =	vmul.f32 v43, v36;
	v10 =	vmul.f32 v62, v37  }
0x312: {  	[tilespmem:s22+$0xFFFFFF10] =	vst v20;
	v20 =	vmul.f32 v35, v31;
	v27 =	vld [tilespmem:s5+$0xFFFFFFE0];
	v18 =	vmul.f32 $2.000000030e-01, v17  }
0x313: {  	v24 =	vld [tilespmem:s22+$0xFFFFFFA0];
	[tilespmem:s22+$0xFFFFFF20] =	vst v29;
	v29 =	vmul.f32 v41, v34;
	v41 =	vlaneseq.u32;
	vm13 =	vge.f32 v17, $0.0e+00  }
0x314: {  	v22 =	vld [tilespmem:s22+$0x0];
	[tilespmem:s22+$0xFFFFFF00] =	vst v16;
	v8 =	vperm.xlane v26, v41;
	v11 =	vadd.f32 v11, v30;
	v17 =	vsel vm13, v17, v18  }
0x315: {  	v12 =	vadd.f32 v12, v21;
	v16 =	vperm.xlane v56, v42;
	[tilespmem:s22+$0xFFFFFF30] =	vst v20;
	v20 =	vld [tilespmem:s22+$0x20];
	v17 =	vmul.f32 $1.442695020e+00, v17  }
0x316: {  	v63 =	vld [tilespmem:s22+$0xFFFFFF90];
	[tilespmem:s22+$0x90] =	vst v9;
	v31 =	vmul.f32 v38, v33;
	v9 =	vperm.xlane v28, v41;
	v8 =	vadd.f32 v8, v11  }
0x317: {  	v21 =	vld [tilespmem:s22+$0xFFFFFFC0];
	v15 =	vperm.xlane v15, v41;
	v16 =	vadd.f32 v16, v27;
	(erf) = vpow2.f32 v17  }
0x318: {  	[tilespmem:s22+$0xB0] =	vst v13;
	v6 =	vmul.f32 v24, v6;
	v18 =	vld [tilespmem:s22+$0xFFFFFFB0];
	v9 =	vadd.f32 v9, v12;
	v13 =	vmul.f32 $2.000000030e-01, v8  }
0x319: {  	[tilespmem:s22+$0xC0] =	vst v14;
	v2 =	vmul.f32 v22, v2;
	v11 =	vld [tilespmem:s22+$0xFFFFFFD0];
	vm14 =	vge.f32 v8, $0.0e+00;
	v12 =	vadd.f32 v15, v16  }
0x31a: {  	[tilespmem:s22+$0xD0] =	vst v19;
	v14 =	vmul.f32 $2.000000030e-01, v9;
	v59 =	vmul.f32 v20, v1;
	v15 =	vld [tilespmem:s22+$0xFFFFFFE0];
	v8 =	vsel vm14, v8, v13  }
0x31b: {  	[tilespmem:s22+$0xE0] =	vst v0;
	vm15 =	vge.f32 v9, $0.0e+00;
	v16 =	vld [tilespmem:s22+$0xFFFFFFF0];
	v19 =	vmul.f32 $2.000000030e-01, v12;
	v0 =	vmul.f32 $1.442695020e+00, v8  }
0x31c: {  	v17 =	vmul.f32 v63, v25;
	vm2 =	vge.f32 v12, $0.0e+00;
	v8 =	vsel vm15, v9, v14;
	v9 =	vld [tilespmem:s22+$0x10]  }
0x31d: {  	[tilespmem:s22+$0xFFFFFF60] =	vst v23;
	v8 =	vmul.f32 $1.442695020e+00, v8;
	v12 =	vsel vm2, v12, v19;
	(erf) = vpow2.f32 v0;
	v0 =	vld [tilespmem:s22+$0x30]  }
0x31e: {  	v58 =	vld [tilespmem:s22+$0x40];
	[tilespmem:s22+$0xFFFFFF70] =	vst v10;
	v7 =	vmul.f32 v11, v7;
	v12 =	vmul.f32 $1.442695020e+00, v12  }
0x31f: {  	v57 =	vld [tilespmem:s22+$0x60];
	[tilespmem:s22+$0xFFFFFF40] =	vst v31;
	v19 =	vmul.f32 v18, v39;
	(erf) = vpow2.f32 v8  }
0x320: {  	s4 =	simm.s32 $0x67E0;
	v56 =	vld [tilespmem:s22+$0x50];
	[tilespmem:s22+$0xFFFFFFA0] =	vst v6;
	v8 =	vmul.f32 v21, v40;
	(erf) = vpow2.f32 v12;
	v21 =	vpop (erf)  }
0x321: {  	s10 =	simm.s32 $0x6E80;
	v5 =	vmul.f32 v15, v5;
	v15 =	vmul.f32 v16, v55;
	v55 =	vld [tilespmem:s22+$0x70];
	[tilespmem:s4+$0x10] =	vst v21  }
0x322: {  	v38 =	vimm.s32 $0x0;
	[tilespmem:s22+$0x0] =	vst v2;
	v43 =	vmul.f32 v9, v3;
	v0 =	vmul.f32 v0, v4;
	v24 =	vld [tilespmem:s10+$0xF0]  }
0x323: {  	[tilespmem:s22+$0xFFFFFF90] =	vst v17;
	v16 =	vperm.xlane v21, v38;
	v13 =	vperm.xlane v21, v44;
	v18 =	vld [tilespmem:s10+$0x80]  }
0x324: {  	[tilespmem:s22+$0xFFFFFFB0] =	vst v19;
	v17 =	vperm.xlane v21, v45;
	v12 =	vperm.xlane v21, v46;
	v19 =	vld [tilespmem:s10+$0x90]  }
0x325: {  	[tilespmem:s22+$0xFFFFFFD0] =	vst v7;
	v14 =	vperm.xlane v21, v47;
	v11 =	vperm.xlane v21, v48;
	v23 =	vld [tilespmem:s10+$0xA0]  }
0x326: {  	[tilespmem:s22+$0xFFFFFFC0] =	vst v8;
	v10 =	vperm.xlane v21, v49;
	v8 =	vperm.xlane v21, v50;
	v22 =	vld [tilespmem:s10+$0xB0];
	v7 =	vpop (erf)  }
0x327: {  	[tilespmem:s22+$0xFFFFFFE0] =	vst v5;
	v28 =	vld [tilespmem:s10+$0xC0];
	v6 =	vperm.xlane v7, v38;
	v63 =	vperm.xlane v7, v44  }
0x328: {  	[tilespmem:s22+$0xFFFFFFF0] =	vst v15;
	v30 =	vld [tilespmem:s10+$0xD0];
	v9 =	vpop (erf);
	v62 =	vperm.xlane v7, v45;
	v5 =	vperm.xlane v7, v46  }
0x329: {  	v31 =	vld [tilespmem:s10+$0xE0];
	[tilespmem:s4+$0xFFFFFFF0] =	vst v7;
	v4 =	vperm.xlane v7, v48;
	v2 =	vperm.xlane v7, v50;
	v3 =	vpop (erf)  }
0x32a: {  	v15 =	vld [tilespmem:s10+$0xFFFFFF80];
	v61 =	vperm.xlane v9, v38;
	v60 =	vperm.xlane v9, v44;
	[tilespmem:s4+$0xFFFFFFE0] =	vst v3  }
0x32b: {  	[tilespmem:s22+$0x20] =	vst v59;
	v59 =	vperm.xlane v9, v45;
	v1 =	vmul.f32 v24, v8;
	v32 =	vld [tilespmem:s10+$0xFFFFFF00]  }
0x32c: {  	[tilespmem:s22+$0xFFFFFF50] =	vst v29;
	v29 =	vperm.xlane v3, v38;
	v26 =	vperm.xlane v3, v44;
	v33 =	vld [tilespmem:s10+$0xFFFFFF10]  }
0x32d: {  	[tilespmem:s22+$0x10] =	vst v43;
	v27 =	vperm.xlane v3, v45;
	v24 =	vperm.xlane v3, v46;
	v34 =	vld [tilespmem:s10+$0xFFFFFF20]  }
0x32e: {  	[tilespmem:s22+$0x30] =	vst v0;
	v25 =	vperm.xlane v3, v47;
	v21 =	vperm.xlane v3, v48;
	v35 =	vld [tilespmem:s10+$0xFFFFFF30]  }
0x32f: {  	[tilespmem:s4+$0x0] =	vst v9;
	v20 =	vperm.xlane v3, v49;
	v8 =	vperm.xlane v3, v50;
	v36 =	vld [tilespmem:s10+$0xFFFFFF40]  }
0x330: {  	s29 =	simm.s32 $0x40;
	s26 =	simm.s32 $0x4;
	v3 =	vperm.xlane v7, v47;
	[tilespmem:s10+$0xF0] =	vst v1;
	v1 =	vperm.xlane v7, v49;
	v37 =	vld [tilespmem:s10+$0xFFFFFF50]  }
.LBB2_9:
0x331: {  	s7 =	sadd.s32 $0x18, s29;
	s26 =	sadd.s32 $0x4, s26;
	v0 =	vld [tilespmem:s10+$0xFFFFFF60];
	v7 =	vperm.xlane v9, v46;
	v38 =	vperm.xlane v9, v47;
	s18 =	sadd.s32 $0x40, s18  }
0x332: {  	s13 =	sand.u32 $0x180, s29;
	v40 =	vperm.xlane v9, v48;
	v41 =	vperm.xlane v9, v49;
	v39 =	vld [tilespmem:s18+$0xFFFFFFE0];
	s7 =	sand.u32 $0x78, s7;
	p3 =	slt.u32 s26, $0x3C  }
0x333: {  	v9 =	vperm.xlane v9, v50;
	v16 =	vmul.f32 v18, v16;
	s5 =	sadd.s32 $0x40, s5;
	s13 =	sadd.s32 $0x5D80, s13;
	v43 =	vld [tilespmem:s18+$0x10];
	s14 =	smin.u32 s7, $0x70  }
0x334: {  	s15 =	sadd.s32 $0x8, s29;
	s20 =	sadd.s32 $0x10, s29;
	v13 =	vmul.f32 v19, v13;
	v17 =	vmul.f32 v23, v17;
	v18 =	vld [tilespmem:s5+$0x10];
	s23 =	sor.u32 s14, s13  }
0x335: {  	s30 =	sand.u32 $0x60, s29;
	v12 =	vmul.f32 v22, v12;
	v14 =	vmul.f32 v28, v14;
	s15 =	sand.u32 $0x68, s15;
	s20 =	sand.u32 $0x70, s20;
	v19 =	vld [tilespmem:s23+$0x0];
	[tilespmem:s10+$0x80] =	vst v16  }
0x336: {  	v11 =	vmul.f32 v30, v11;
	v10 =	vmul.f32 v31, v10;
	s15 =	sor.u32 s15, s13;
	s23 =	sor.u32 s30, s13;
	s13 =	sor.u32 s20, s13;
	v16 =	vld [tilespmem:s18+$0xFFFFFFF0];
	[tilespmem:s10+$0x90] =	vst v13  }
0x337: {  	v23 =	vmul.f32 v32, v29;
	v13 =	vperm.xlane v39, v42;
	v22 =	vld [tilespmem:s18+$0x0];
	[tilespmem:s10+$0xA0] =	vst v17  }
0x338: {  	v26 =	vmul.f32 v33, v26;
	s7 =	ssub.s32 s7, s14;
	v39 =	vlaneseq.u32;
	v17 =	vld [tilespmem:s23+$0x0];
	v28 =	vperm.xlane v43, v42;
	[tilespmem:s10+$0xB0] =	vst v12  }
0x339: {  	v27 =	vmul.f32 v34, v27;
	v24 =	vmul.f32 v35, v24;
	v29 =	vadd.s32 s7, v39;
	v12 =	vld [tilespmem:s15+$0x0];
	[tilespmem:s10+$0xC0] =	vst v14  }
0x33a: {  	v25 =	vmul.f32 v36, v25;
	v14 =	vld [tilespmem:s13+$0x0];
	v19 =	vperm.xlane v19, v29;
	v18 =	vadd.f32 v28, v18;
	[tilespmem:s10+$0xD0] =	vst v11  }
0x33b: {  	v21 =	vmul.f32 v37, v21;
	v11 =	vld [tilespmem:s5+$0xFFFFFFF0];
	v16 =	vperm.xlane v16, v42;
	[tilespmem:s10+$0xE0] =	vst v10  }
0x33c: {  	v0 =	vmul.f32 v0, v20;
	v10 =	vld [tilespmem:s5+$0x0];
	v22 =	vperm.xlane v22, v42;
	v18 =	vadd.f32 v19, v18;
	[tilespmem:s10+$0xFFFFFF00] =	vst v23  }
0x33d: {  	v6 =	vmul.f32 v15, v6;
	v19 =	vld [tilespmem:s5+$0xFFFFFFE0];
	v17 =	vperm.xlane v17, v39;
	[tilespmem:s10+$0xFFFFFF10] =	vst v26  }
0x33e: {  	v12 =	vperm.xlane v12, v39;
	v15 =	vmul.f32 $2.000000030e-01, v18;
	[tilespmem:s10+$0xFFFFFF20] =	vst v27;
	v20 =	vld [tilespmem:s10+$0xFFFFFF70];
	vm0 =	vge.f32 v18, $0.0e+00  }
0x33f: {  	v14 =	vperm.xlane v14, v39;
	[tilespmem:s10+$0xFFFFFF30] =	vst v24;
	v23 =	vld [tilespmem:s10+$0xFFFFFF90];
	v24 =	vmul.f32 v58, v51;
	v51 =	vmovc v38;
	v38 =	vimm.s32 $0x0  }
0x340: {  	v11 =	vadd.f32 v16, v11;
	v15 =	vsel vm0, v18, v15;
	[tilespmem:s10+$0xFFFFFF40] =	vst v25;
	v16 =	vld [tilespmem:s10+$0xFFFFFFA0];
	v18 =	vmul.f32 v56, v53  }
0x341: {  	v53 =	vmovc v40;
	v10 =	vadd.f32 v22, v10;
	v15 =	vmul.f32 $1.442695020e+00, v15;
	[tilespmem:s10+$0xFFFFFF50] =	vst v21;
	v21 =	vld [tilespmem:s10+$0xFFFFFFB0];
	v22 =	vmul.f32 v57, v54  }
0x342: {  	v13 =	vadd.f32 v13, v19;
	v11 =	vadd.f32 v12, v11;
	[tilespmem:s10+$0xFFFFFF60] =	vst v0;
	v0 =	vld [tilespmem:s10+$0xFFFFFFC0];
	v12 =	vmul.f32 v55, v52  }
0x343: {  	v54 =	vmovc v41;
	v10 =	vadd.f32 v14, v10;
	(erf) = vpow2.f32 v15;
	v8 =	vmul.f32 v20, v8;
	[tilespmem:s10+$0xFFFFFF80] =	vst v6;
	v6 =	vld [tilespmem:s10+$0xFFFFFFD0]  }
0x344: {  	v52 =	vmovc v9;
	v13 =	vadd.f32 v17, v13;
	vm0 =	vge.f32 v11, $0.0e+00;
	v14 =	vmul.f32 $2.000000030e-01, v11;
	v15 =	vld [tilespmem:s10+$0xFFFFFFE0];
	[tilespmem:s22+$0x40] =	vst v24  }
0x345: {  	vm1 =	vge.f32 v10, $0.0e+00;
	v9 =	vmul.f32 $2.000000030e-01, v10;
	[tilespmem:s10+$0xFFFFFF70] =	vst v8;
	v8 =	vmul.f32 v23, v63;
	v17 =	vld [tilespmem:s10+$0xFFFFFFF0]  }
0x346: {  	vm2 =	vge.f32 v13, $0.0e+00;
	v19 =	vmul.f32 $2.000000030e-01, v13;
	v11 =	vsel vm0, v11, v14;
	v20 =	vld [tilespmem:s10+$0x0];
	[tilespmem:s22+$0x50] =	vst v18  }
0x347: {  	v11 =	vmul.f32 $1.442695020e+00, v11;
	v9 =	vsel vm1, v10, v9;
	[tilespmem:s10+$0xFFFFFF90] =	vst v8;
	v8 =	vmul.f32 v16, v62;
	v24 =	vld [tilespmem:s10+$0x10]  }
0x348: {  	v5 =	vmul.f32 v21, v5;
	v10 =	vsel vm2, v13, v19;
	v9 =	vmul.f32 $1.442695020e+00, v9;
	v21 =	vld [tilespmem:s10+$0x20];
	[tilespmem:s22+$0x60] =	vst v22  }
0x349: {  	v10 =	vmul.f32 $1.442695020e+00, v10;
	(erf) = vpow2.f32 v11;
	[tilespmem:s10+$0xFFFFFFA0] =	vst v8;
	v8 =	vld [tilespmem:s10+$0x30]  }
0x34a: {  	v0 =	vmul.f32 v0, v3;
	(erf) = vpow2.f32 v9;
	[tilespmem:s10+$0xFFFFFFB0] =	vst v5;
	v58 =	vld [tilespmem:s10+$0x40]  }
0x34b: {  	v3 =	vmul.f32 v6, v4;
	(erf) = vpow2.f32 v10;
	v56 =	vld [tilespmem:s10+$0x50];
	[tilespmem:s22+$0x70] =	vst v12;
	s22 =	smov.u32 s10  }
0x34c: {  	s4 =	sadd.s32 $0x40, s4;
	v4 =	vpop (erf);
	[tilespmem:s10+$0xFFFFFFC0] =	vst v0;
	v0 =	vmul.f32 v15, v1;
	v1 =	vmul.f32 v17, v2;
	v57 =	vld [tilespmem:s10+$0x60]  }
0x34d: {  	s10 =	sadd.s32 $0x200, s10;
	[tilespmem:s4+$0x10] =	vst v4;
	v16 =	vperm.xlane v4, v38;
	v13 =	vperm.xlane v4, v44;
	v55 =	vld [tilespmem:s22+$0x70]  }
0x34e: {  	v17 =	vperm.xlane v4, v45;
	v12 =	vperm.xlane v4, v46;
	v2 =	vld [tilespmem:s10+$0xF0];
	[tilespmem:s22+$0xFFFFFFD0] =	vst v3  }
0x34f: {  	v14 =	vperm.xlane v4, v47;
	v11 =	vperm.xlane v4, v48;
	v18 =	vld [tilespmem:s10+$0x80];
	[tilespmem:s22+$0xFFFFFFE0] =	vst v0  }
0x350: {  	v10 =	vperm.xlane v4, v49;
	v0 =	vmul.f32 v20, v61;
	v19 =	vld [tilespmem:s10+$0x90];
	[tilespmem:s22+$0xFFFFFFF0] =	vst v1  }
0x351: {  	v3 =	vmul.f32 v24, v60;
	v1 =	vperm.xlane v4, v50;
	v23 =	vld [tilespmem:s10+$0xA0]  }
0x352: {  	v4 =	vmul.f32 v8, v7;
	v22 =	vld [tilespmem:s10+$0xB0];
	v37 =	vpop (erf);
	[tilespmem:s22+$0x0] =	vst v0;
	v0 =	vmul.f32 v21, v59  }
0x353: {  	[tilespmem:s4+$0xFFFFFFF0] =	vst v37;
	v6 =	vperm.xlane v37, v38;
	v28 =	vld [tilespmem:s10+$0xC0];
	v1 =	vmul.f32 v2, v1;
	v9 =	vpop (erf)  }
0x354: {  	v63 =	vperm.xlane v37, v44;
	v62 =	vperm.xlane v37, v45;
	[tilespmem:s4+$0x0] =	vst v9;
	v30 =	vld [tilespmem:s10+$0xD0];
	v2 =	vpop (erf)  }
0x355: {  	v29 =	vperm.xlane v2, v38;
	v26 =	vperm.xlane v2, v44;
	v31 =	vld [tilespmem:s10+$0xE0];
	[tilespmem:s10+$0xF0] =	vst v1  }
0x356: {  	v27 =	vperm.xlane v2, v45;
	v24 =	vperm.xlane v2, v46;
	[tilespmem:s4+$0xFFFFFFE0] =	vst v2;
	v15 =	vld [tilespmem:s10+$0xFFFFFF80]  }
0x357: {  	v25 =	vperm.xlane v2, v47;
	v21 =	vperm.xlane v2, v48;
	v32 =	vld [tilespmem:s10+$0xFFFFFF00];
	[tilespmem:s22+$0x10] =	vst v3  }
.Ltmp5:
0x358: {  	v20 =	vperm.xlane v2, v49;
	v8 =	vperm.xlane v2, v50;
	v33 =	vld [tilespmem:s10+$0xFFFFFF10];
	[tilespmem:s22+$0x20] =	vst v0;
	(pc) =	sbr.rel @p3 .LBB2_9-.Ltmp5, $4  }
0x359: {  	v5 =	vperm.xlane v37, v46;
	v3 =	vperm.xlane v37, v47;
	v34 =	vld [tilespmem:s10+$0xFFFFFF20];
	[tilespmem:s22+$0x30] =	vst v4  }
0x35a: {  	v1 =	vperm.xlane v37, v49;
	v4 =	vperm.xlane v37, v48;
	v35 =	vld [tilespmem:s10+$0xFFFFFF30]  }
0x35b: {  	v61 =	vperm.xlane v9, v38;
	v2 =	vperm.xlane v37, v50;
	v36 =	vld [tilespmem:s10+$0xFFFFFF40]  }
0x35c: {  	s29 =	sadd.s32 $0x20, s29;
	v60 =	vperm.xlane v9, v44;
	v59 =	vperm.xlane v9, v45;
	v37 =	vld [tilespmem:s10+$0xFFFFFF50]  }
0x35d: {  	v0 =	vmul.f32 v18, v16  }
0x35e: {  	v7 =	vmul.f32 v19, v13  }
0x35f: {  	v19 =	vmul.f32 v23, v17;
	[tilespmem:s10+$0x80] =	vst v0  }
0x360: {  	v23 =	vmul.f32 v22, v12;
	[tilespmem:s10+$0x90] =	vst v7  }
0x361: {  	v28 =	vmul.f32 v28, v14;
	[tilespmem:s10+$0xA0] =	vst v19  }
0x362: {  	v11 =	vmul.f32 v30, v11;
	[tilespmem:s10+$0xB0] =	vst v23  }
0x363: {  	v40 =	vmul.f32 v32, v29;
	[tilespmem:s10+$0xC0] =	vst v28  }
0x364: {  	v43 =	vmul.f32 v33, v26;
	[tilespmem:s10+$0xD0] =	vst v11  }
0x365: {  	v17 =	vmul.f32 v31, v10;
	[tilespmem:s10+$0xFFFFFF00] =	vst v40  }
0x366: {  	v6 =	vmul.f32 v15, v6;
	[tilespmem:s10+$0xFFFFFF10] =	vst v43  }
0x367: {  	v29 =	vmul.f32 v56, v53;
	[tilespmem:s10+$0xE0] =	vst v17  }
0x368: {  	v33 =	vmul.f32 v57, v54;
	[tilespmem:s10+$0xFFFFFF80] =	vst v6  }
0x369: {  	v16 =	vmul.f32 v34, v27;
	[tilespmem:s22+$0x50] =	vst v29  }
0x36a: {  	v41 =	vld [tilespmem:s10+$0xFFFFFF60];
	v27 =	vmul.f32 v58, v51;
	[tilespmem:s22+$0x60] =	vst v33  }
0x36b: {  	v22 =	vld [tilespmem:s10+$0xFFFFFF70];
	v18 =	vmul.f32 v35, v24;
	[tilespmem:s10+$0xFFFFFF20] =	vst v16  }
0x36c: {  	v26 =	vld [tilespmem:s10+$0xFFFFFFB0];
	v19 =	vmul.f32 v36, v25;
	[tilespmem:s22+$0x40] =	vst v27  }
0x36d: {  	v30 =	vld [tilespmem:s10+$0xFFFFFFD0];
	v23 =	vmul.f32 v37, v21;
	[tilespmem:s10+$0xFFFFFF30] =	vst v18  }
0x36e: {  	v31 =	vld [tilespmem:s10+$0xFFFFFFE0];
	v37 =	vmul.f32 v55, v52;
	[tilespmem:s10+$0xFFFFFF40] =	vst v19  }
0x36f: {  	v34 =	vld [tilespmem:s10+$0xFFFFFFF0];
	v7 =	vmul.f32 v41, v20;
	[tilespmem:s10+$0xFFFFFF50] =	vst v23  }
0x370: {  	v24 =	vld [tilespmem:s10+$0xFFFFFF90];
	v0 =	vmul.f32 v22, v8;
	[tilespmem:s22+$0x70] =	vst v37  }
0x371: {  	v28 =	vld [tilespmem:s10+$0xFFFFFFC0];
	v5 =	vmul.f32 v26, v5;
	[tilespmem:s10+$0xFFFFFF60] =	vst v7  }
0x372: {  	v40 =	vld [tilespmem:s10+$0x10];
	v4 =	vmul.f32 v30, v4;
	[tilespmem:s10+$0xFFFFFF70] =	vst v0  }
0x373: {  	v43 =	vld [tilespmem:s10+$0x30];
	v1 =	vmul.f32 v31, v1;
	[tilespmem:s10+$0xFFFFFFB0] =	vst v5  }
0x374: {  	v25 =	vld [tilespmem:s10+$0xFFFFFFA0];
	v2 =	vmul.f32 v34, v2;
	[tilespmem:s10+$0xFFFFFFD0] =	vst v4  }
0x375: {  	v36 =	vld [tilespmem:s10+$0x0];
	v32 =	vmul.f32 v24, v63;
	[tilespmem:s10+$0xFFFFFFE0] =	vst v1  }
0x376: {  	v51 =	vld [tilespmem:s10+$0x40];
	v55 =	vperm.xlane v9, v46;
	v3 =	vmul.f32 v28, v3;
	[tilespmem:s10+$0xFFFFFFF0] =	vst v2  }
0x377: {  	v53 =	vld [tilespmem:s10+$0x60];
	v57 =	vmul.f32 v40, v60;
	[tilespmem:s10+$0xFFFFFF90] =	vst v32  }
0x378: {  	v41 =	vld [tilespmem:s10+$0x20];
	v5 =	vmul.f32 v43, v55;
	[tilespmem:s10+$0xFFFFFFC0] =	vst v3  }
0x379: {  	v56 =	vld [tilespmem:s10+$0x70];
	v58 =	vperm.xlane v9, v47;
	v35 =	vmul.f32 v25, v62;
	[tilespmem:s10+$0x10] =	vst v57  }
0x37a: {  	v52 =	vld [tilespmem:s10+$0x50];
	v60 =	vperm.xlane v9, v49;
	v54 =	vmul.f32 v36, v61;
	[tilespmem:s10+$0x30] =	vst v5  }
0x37b: {  	v61 =	vmul.f32 v51, v58;
	[tilespmem:s10+$0xFFFFFFA0] =	vst v35  }
0x37c: {  	v62 =	vperm.xlane v9, v50;
	v2 =	vmul.f32 v53, v60;
	[tilespmem:s10+$0x0] =	vst v54  }
0x37d: {  	v0 =	vmul.f32 v41, v59;
	v59 =	vperm.xlane v9, v48;
	[tilespmem:s10+$0x40] =	vst v61  }
0x37e: {  	s21 =	sadd.s32 $0x1, s21;
	v63 =	vmul.f32 v56, v62;
	[tilespmem:s10+$0x60] =	vst v2  }
0x37f: {  	p3 =	sne.s32 s21, $0x68;
	[tilespmem:s10+$0x20] =	vst v0;
	v1 =	vmul.f32 v52, v59  }
.Ltmp6:
0x380: {  	[tilespmem:s10+$0x70] =	vst v63;
	(pc) =	sbr.rel @p3 .LBB2_4-.Ltmp6, $4  }
0x381: {  	s4 =	simm.s32 $0x6780;
	[tilespmem:s10+$0x50] =	vst v1  }
0x382: {  	[spmem:s2] =	stream.indirect.scatter.add.f32 [tilespmem:s4], [sflag:$0x3], $0x10, s25, s28, $0xb8;
	[tilespmem:$0x1EB10] =	vst v63  }
0x383: {  	s30 =	simm.s32 $0x6B80  }
0x384: {  	[spmem:s1] =	stream.indirect.scatter.add.f32 [tilespmem:s30], [sflag:$0x3], $0x80, s25, s28, $0xb8;
	[tilespmem:$0x1EB10] =	vst v63  }
0x385: {  	_ =	swait.ge [sflag:s17], $0x400  }
.Ltmp7:
0x386: {  	[sflag:s17] =	ssyncset.done $0x0;
	(pc) =	sbr.rel @p2 .LBB2_15-.Ltmp7, $4  }
0x387: {  	[sflag:s17] =	ssyncadd.s32 $0xFFFFFC00  }
0x388: {  	_ =	swait.ge [sflag:s17], $0x2000  }
0x389: {  	[sflag:s17] =	ssyncset.done $0x0  }
0x38a: {  	s7 =	rddreg [dreg:$0x17];
	[sflag:s17] =	ssyncadd.s32 $0xFFFFE000  }
0x38b: {  	s5 =	rddreg [dreg:$0xc]  }
0x38c: {  	s4 =	simm.s32 $0x0;
	s3 =	sadd.s32 s5, s6  }
0x38d: {  	[tilespmem:s4], [sflag:$0x1] =	stream.linear.gather [hbm4b:s3+s4], $0x40, $0x38;
	[tilespmem:$0x1EB10] =	vst v63  }
0x38e: {  	s13 =	sadd.s32 s5, s8  }
0x38f: {  	[tilespmem:s28], [sflag:$0x1] =	stream.linear.gather [hbm4b:s13+s4], $0x40, $0x38;
	[tilespmem:$0x1EB10] =	vst v63  }
0x390: {  	s14 =	rddreg [dreg:$0x10];
	s15 =	simm.s32 $0x80  }
0x391: {  	[tilespmem:s15], [sflag:$0x1] =	stream.linear.gather [hbm4b:s14+s4], $0x200, $0x38;
	[tilespmem:$0x1EB10] =	vst v63  }
0x392: {  	_ =	swait.ge [sflag:s16], $0x40  }
0x393: {  	[sflag:s16] =	ssyncset.done $0x0  }
0x394: {  	[sflag:s16] =	ssyncadd.s32 $0xFFFFFFC0  }
0x395: {  	_ =	swait.ge [sflag:s16], $0x40  }
0x396: {  	[sflag:s16] =	ssyncset.done $0x0  }
0x397: {  	[sflag:s16] =	ssyncadd.s32 $0xFFFFFFC0  }
0x398: {  	_ =	swait.ge [sflag:s16], $0x200  }
0x399: {  	[sflag:s16] =	ssyncset.done $0x0  }
0x39a: {  	s18 =	simm.s32 $0x280;
	[sflag:s16] =	ssyncadd.s32 $0xFFFFFE00  }
0x39b: {  	[tilespmem:s18], [sflag:$0x1] =	stream.indirect.gather [hbm4b:s11+s28], $0x10, s4, s28, $0xb8;
	[tilespmem:$0x1EB10] =	vst v63  }
0x39c: {  	s20 =	simm.s32 $0x680  }
0x39d: {  	[tilespmem:s20], [sflag:$0x1] =	stream.indirect.gather [hbm4b:s11+s28], $0x10, s28, s28, $0xb8;
	[tilespmem:$0x1EB10] =	vst v63  }
0x39e: {  	s21 =	simm.s32 $0xE80  }
0x39f: {  	[tilespmem:s21], [sflag:$0x1] =	stream.indirect.gather [hbm4b:s12+s28], $0x80, s4, s28, $0xb8;
	[tilespmem:$0x1EB10] =	vst v63  }
0x3a0: {  	_ =	swait.ge [sflag:s16], $0x400  }
0x3a1: {  	[sflag:s16] =	ssyncset.done $0x0  }
0x3a2: {  	[sflag:s16] =	ssyncadd.s32 $0xFFFFFC00  }
0x3a3: {  	_ =	swait.ge [sflag:s16], $0x400  }
0x3a4: {  	[sflag:s16] =	ssyncset.done $0x0  }
0x3a5: {  	[sflag:s16] =	ssyncadd.s32 $0xFFFFFC00  }
0x3a6: {  	_ =	swait.ge [sflag:s16], $0x2000  }
0x3a7: {  	s22 =	simm.s32 $0x18;
	s23 =	simm.s32 $0x6A0;
	[sflag:s16] =	ssyncset.done $0x0  }
0x3a8: {  	s7 =	sand.u32 $0x180, s4;
	s3 =	sand.u32 $0x78, s22;
	[sflag:s16] =	ssyncadd.s32 $0xFFFFE000  }
0x3a9: {  	s10 =	simm.s32 $0x2A0;
	s7 =	sadd.s32 $0x80, s7;
	s13 =	smin.u32 s3, $0x70;
	v0 =	vld [tilespmem:s23+$0x10]  }
0x3aa: {  	s14 =	sor.u32 s13, s7;
	v1 =	vld [tilespmem:s10+$0x10]  }
0x3ab: {  	v2 =	vld [tilespmem:s14+$0x0]  }
0x3ac: {  	v3 =	vld [tilespmem:s23+$0xFFFFFFE0]  }
0x3ad: {  	s26 =	simm.s32 $0x8;
	s4 =	sand.u32 $0x60, s4;
	v4 =	vld [tilespmem:s23+$0xFFFFFFF0]  }
0x3ae: {  	s4 =	sor.u32 s4, s7;
	s14 =	sand.u32 $0x68, s26;
	v5 =	vld [tilespmem:s23+$0x0]  }
0x3af: {  	s3 =	ssub.s32 s3, s13;
	s15 =	simm.s32 $0x10;
	v6 =	vld [tilespmem:s4+$0x0];
	s30 =	sor.u32 s14, s7;
	v0 =	vperm.xlane v0, v42  }
0x3b0: {  	v7 =	vadd.s32 s3, v39;
	s29 =	sand.u32 $0x70, s15;
	v8 =	vld [tilespmem:s30+$0x0]  }
0x3b1: {  	s7 =	sor.u32 s29, s7;
	v2 =	vperm.xlane v2, v7;
	v7 =	vld [tilespmem:s10+$0xFFFFFFF0];
	v0 =	vadd.f32 v0, v1  }
0x3b2: {  	v1 =	vld [tilespmem:s7+$0x0]  }
0x3b3: {  	v0 =	vadd.f32 v2, v0;
	v2 =	vld [tilespmem:s10+$0x0]  }
0x3b4: {  	v9 =	vld [tilespmem:s10+$0xFFFFFFE0];
	v4 =	vperm.xlane v4, v42  }
0x3b5: {  	v5 =	vperm.xlane v5, v42;
	v10 =	vmul.f32 $2.000000030e-01, v0  }
0x3b6: {  	v8 =	vperm.xlane v8, v39;
	v4 =	vadd.f32 v4, v7;
	vm0 =	vge.f32 v0, $0.0e+00  }
0x3b7: {  	v3 =	vperm.xlane v3, v42;
	v1 =	vperm.xlane v1, v39;
	v0 =	vsel vm0, v0, v10  }
0x3b8: {  	v4 =	vadd.f32 v8, v4;
	v0 =	vmul.f32 $1.442695020e+00, v0;
	v2 =	vadd.f32 v5, v2  }
0x3b9: {  	v6 =	vperm.xlane v6, v39;
	v3 =	vadd.f32 v3, v9  }
0x3ba: {  	(erf) = vpow2.f32 v0;
	v0 =	vadd.f32 v1, v2;
	v2 =	vmul.f32 $2.000000030e-01, v4  }
0x3bb: {  	vm11 =	vge.f32 v4, $0.0e+00  }
0x3bc: {  	v1 =	vadd.f32 v6, v3;
	v3 =	vmul.f32 $2.000000030e-01, v0;
	v2 =	vsel vm11, v4, v2  }
0x3bd: {  	vm1 =	vge.f32 v0, $0.0e+00;
	v2 =	vmul.f32 $1.442695020e+00, v2  }
0x3be: {  	v0 =	vsel vm1, v0, v3  }
0x3bf: {  	v0 =	vmul.f32 $1.442695020e+00, v0;
	(erf) = vpow2.f32 v2  }
0x3c0: {  	v5 =	vmul.f32 $2.000000030e-01, v1  }
0x3c1: {  	vm12 =	vge.f32 v1, $0.0e+00  }
0x3c2: {  	s18 =	simm.s32 $0x6E0;
	v1 =	vsel vm12, v1, v5  }
0x3c3: {  	s4 =	simm.s32 $0xAA0;
	v56 =	vld [tilespmem:s18+$0xFFFFFFE0];
	v1 =	vmul.f32 $1.442695020e+00, v1;
	(erf) = vpow2.f32 v0;
	v0 =	vpop (erf)  }
0x3c4: {  	s3 =	simm.s32 $0xF80;
	v54 =	vld [tilespmem:s18+$0x10];
	[tilespmem:s4+$0x10] =	vst v0  }
0x3c5: {  	(erf) = vpow2.f32 v1;
	v11 =	vperm.xlane v0, v38;
	v1 =	vld [tilespmem:s3+$0xF0]  }
0x3c6: {  	v12 =	vperm.xlane v0, v44;
	v14 =	vperm.xlane v0, v45;
	v8 =	vld [tilespmem:s3+$0x80]  }
0x3c7: {  	v15 =	vperm.xlane v0, v46;
	v17 =	vperm.xlane v0, v47;
	v9 =	vld [tilespmem:s3+$0x90]  }
0x3c8: {  	v3 =	vperm.xlane v0, v50;
	v20 =	vperm.xlane v0, v48;
	v10 =	vld [tilespmem:s3+$0xA0];
	v2 =	vpop (erf)  }
0x3c9: {  	v0 =	vperm.xlane v0, v49;
	v13 =	vld [tilespmem:s3+$0xB0];
	v22 =	vperm.xlane v2, v38  }
0x3ca: {  	v16 =	vld [tilespmem:s3+$0xC0];
	v25 =	vperm.xlane v2, v44;
	v6 =	vperm.xlane v2, v45  }
0x3cb: {  	s15 =	simm.s32 $0x38;
	s14 =	simm.s32 $0x20;
	v19 =	vld [tilespmem:s3+$0xD0];
	v61 =	vperm.xlane v2, v46;
	v40 =	vperm.xlane v2, v47  }
0x3cc: {  	s5 =	simm.s32 $0x2E0;
	s21 =	sand.u32 $0x78, s15;
	s20 =	sand.u32 $0x180, s14;
	v21 =	vld [tilespmem:s3+$0xE0];
	v7 =	vperm.xlane v2, v48;
	v5 =	vperm.xlane v2, v49  }
0x3cd: {  	s22 =	smin.u32 s21, $0x70;
	v57 =	vld [tilespmem:s5+$0x10];
	s10 =	sadd.s32 $0x80, s20;
	[tilespmem:s4+$0xFFFFFFF0] =	vst v2;
	v55 =	vperm.xlane v2, v50;
	v23 =	vmul.f32 v1, v3  }
0x3ce: {  	s23 =	sor.u32 s22, s10;
	v24 =	vld [tilespmem:s3+$0xFFFFFF80];
	v8 =	vmul.f32 v8, v11;
	v9 =	vmul.f32 v9, v12  }
0x3cf: {  	v11 =	vld [tilespmem:s23+$0x0];
	v10 =	vmul.f32 v10, v14;
	v13 =	vmul.f32 v13, v15  }
0x3d0: {  	s7 =	sand.u32 $0x60, s14;
	v12 =	vld [tilespmem:s18+$0xFFFFFFF0];
	v15 =	vmul.f32 v16, v17;
	v16 =	vmul.f32 v19, v20  }
0x3d1: {  	s7 =	sor.u32 s7, s10;
	v18 =	vpop (erf);
	v1 =	vimm.s32 $0x0;
	v14 =	vld [tilespmem:s18+$0x0];
	v20 =	vperm.xlane v54, v42;
	v0 =	vmul.f32 v21, v0  }
0x3d2: {  	v17 =	vld [tilespmem:s7+$0x0];
	v4 =	vpop (erf);
	v2 =	vperm.xlane v18, v1;
	v3 =	vperm.xlane v18, v44  }
0x3d3: {  	v21 =	vld [tilespmem:s5+$0x0];
	v1 =	vperm.xlane v18, v45;
	v51 =	vperm.xlane v18, v47;
	[tilespmem:s4+$0xFFFFFFE0] =	vst v4  }
0x3d4: {  	v52 =	vperm.xlane v18, v48;
	v53 =	vperm.xlane v18, v49;
	v26 =	vld [tilespmem:s3+$0xFFFFFF00]  }
0x3d5: {  	v54 =	vperm.xlane v18, v50;
	v27 =	vperm.xlane v4, v38;
	v29 =	vld [tilespmem:s3+$0xFFFFFF10]  }
0x3d6: {  	v28 =	vperm.xlane v4, v44;
	v30 =	vperm.xlane v4, v45;
	v32 =	vld [tilespmem:s3+$0xFFFFFF20]  }
0x3d7: {  	v31 =	vperm.xlane v4, v46;
	v33 =	vperm.xlane v4, v47;
	v41 =	vld [tilespmem:s3+$0xFFFFFF50]  }
0x3d8: {  	s26 =	simm.s32 $0x28;
	v34 =	vperm.xlane v4, v48;
	v36 =	vperm.xlane v4, v49;
	v43 =	vld [tilespmem:s3+$0xFFFFFF60]  }
0x3d9: {  	v58 =	vlaneseq.u32;
	s15 =	sand.u32 $0x68, s26;
	s30 =	ssub.s32 s21, s22;
	v37 =	vperm.xlane v4, v50;
	v62 =	vld [tilespmem:s3+$0xFFFFFF70];
	v22 =	vmul.f32 v24, v22  }
0x3da: {  	s20 =	simm.s32 $0x30;
	s15 =	sor.u32 s15, s10;
	v24 =	vld [tilespmem:s3+$0xFFFFFFA0];
	v19 =	vmul.f32 v26, v27;
	v27 =	vmul.f32 v29, v28;
	v28 =	vadd.s32 s30, v58  }
0x3db: {  	s20 =	sand.u32 $0x70, s20;
	[tilespmem:s4+$0x0] =	vst v18;
	v4 =	vperm.xlane v18, v46;
	v20 =	vadd.f32 v20, v57;
	v26 =	vld [tilespmem:s15+$0x0];
	v11 =	vperm.xlane v11, v28  }
0x3dc: {  	s29 =	sor.u32 s20, s10;
	[tilespmem:s3+$0xF0] =	vst v23;
	v12 =	vperm.xlane v12, v42;
	v14 =	vperm.xlane v14, v42;
	v28 =	vld [tilespmem:s5+$0xFFFFFFF0]  }
0x3dd: {  	[tilespmem:s3+$0xA0] =	vst v10;
	v29 =	vmul.f32 v32, v30;
	v30 =	vld [tilespmem:s29+$0x0];
	v23 =	vmul.f32 v43, v36;
	v11 =	vadd.f32 v11, v20  }
0x3de: {  	v35 =	vld [tilespmem:s3+$0xFFFFFF30];
	v10 =	vmul.f32 v62, v37;
	[tilespmem:s3+$0xFFFFFF00] =	vst v19;
	v19 =	vperm.xlane v56, v42  }
0x3df: {  	[tilespmem:s3+$0xFFFFFF20] =	vst v29;
	v29 =	vmul.f32 v41, v34;
	v20 =	vld [tilespmem:s5+$0xFFFFFFE0];
	v18 =	vmul.f32 $2.000000030e-01, v11  }
0x3e0: {  	v60 =	vld [tilespmem:s3+$0xFFFFFF40];
	v41 =	vlaneseq.u32;
	v6 =	vmul.f32 v24, v6;
	vm13 =	vge.f32 v11, $0.0e+00  }
0x3e1: {  	[tilespmem:s3+$0x80] =	vst v8;
	v24 =	vld [tilespmem:s3+$0x20];
	v8 =	vperm.xlane v26, v41;
	v12 =	vadd.f32 v12, v28;
	v11 =	vsel vm13, v11, v18  }
0x3e2: {  	v63 =	vld [tilespmem:s3+$0xFFFFFF90];
	[tilespmem:s3+$0x90] =	vst v9;
	v14 =	vadd.f32 v14, v21;
	v9 =	vperm.xlane v30, v41;
	v11 =	vmul.f32 $1.442695020e+00, v11  }
0x3e3: {  	v57 =	vld [tilespmem:s3+$0x60];
	[tilespmem:s3+$0xFFFFFF10] =	vst v27;
	v27 =	vmul.f32 v35, v31;
	v17 =	vperm.xlane v17, v41;
	v8 =	vadd.f32 v8, v12  }
0x3e4: {  	[tilespmem:s3+$0xB0] =	vst v13;
	v9 =	vadd.f32 v9, v14;
	v14 =	vld [tilespmem:s3+$0xFFFFFFE0];
	v19 =	vadd.f32 v19, v20;
	(erf) = vpow2.f32 v11  }
0x3e5: {  	[tilespmem:s3+$0xC0] =	vst v15;
	v21 =	vld [tilespmem:s3+$0xFFFFFFC0];
	v31 =	vmul.f32 v60, v33;
	v13 =	vmul.f32 $2.000000030e-01, v8  }
0x3e6: {  	[tilespmem:s3+$0xD0] =	vst v16;
	v18 =	vld [tilespmem:s3+$0xFFFFFFB0];
	v59 =	vmul.f32 v24, v1;
	v12 =	vadd.f32 v17, v19;
	vm14 =	vge.f32 v8, $0.0e+00  }
0x3e7: {  	[tilespmem:s3+$0xE0] =	vst v0;
	v20 =	vld [tilespmem:s3+$0x0];
	v15 =	vmul.f32 $2.000000030e-01, v9;
	v17 =	vmul.f32 v63, v25;
	v8 =	vsel vm14, v8, v13  }
0x3e8: {  	[tilespmem:s3+$0xFFFFFF80] =	vst v22;
	vm15 =	vge.f32 v9, $0.0e+00;
	v11 =	vld [tilespmem:s3+$0xFFFFFFD0];
	v16 =	vmul.f32 $2.000000030e-01, v12;
	v0 =	vmul.f32 $1.442695020e+00, v8  }
0x3e9: {  	[tilespmem:s3+$0xFFFFFF60] =	vst v23;
	v19 =	vld [tilespmem:s3+$0xFFFFFFF0];
	vm2 =	vge.f32 v12, $0.0e+00;
	v5 =	vmul.f32 v14, v5;
	v8 =	vsel vm15, v9, v15  }
0x3ea: {  	[tilespmem:s3+$0xFFFFFF70] =	vst v10;
	v9 =	vld [tilespmem:s3+$0x10];
	v12 =	vsel vm2, v12, v16;
	v8 =	vmul.f32 $1.442695020e+00, v8;
	(erf) = vpow2.f32 v0  }
0x3eb: {  	v58 =	vld [tilespmem:s3+$0x40];
	[tilespmem:s3+$0xFFFFFF30] =	vst v27;
	v15 =	vmul.f32 v18, v61;
	v12 =	vmul.f32 $1.442695020e+00, v12  }
0x3ec: {  	v56 =	vld [tilespmem:s3+$0x50];
	[tilespmem:s3+$0xFFFFFF40] =	vst v31;
	v2 =	vmul.f32 v20, v2;
	(erf) = vpow2.f32 v8  }
0x3ed: {  	s4 =	simm.s32 $0xAE0;
	[tilespmem:s3+$0xFFFFFF50] =	vst v29;
	v0 =	vld [tilespmem:s3+$0x30];
	v8 =	vmul.f32 v21, v40;
	(erf) = vpow2.f32 v12;
	v21 =	vpop (erf)  }
0x3ee: {  	s10 =	simm.s32 $0x1180;
	v38 =	vimm.s32 $0x0;
	v7 =	vmul.f32 v11, v7;
	v25 =	vmul.f32 v19, v55;
	v55 =	vld [tilespmem:s3+$0x70];
	[tilespmem:s4+$0x10] =	vst v21  }
0x3ef: {  	[tilespmem:s3+$0xFFFFFFA0] =	vst v6;
	v43 =	vmul.f32 v9, v3;
	v16 =	vperm.xlane v21, v38;
	v26 =	vld [tilespmem:s10+$0xF0]  }
0x3f0: {  	[tilespmem:s3+$0xFFFFFF90] =	vst v17;
	v13 =	vperm.xlane v21, v44;
	v17 =	vperm.xlane v21, v45;
	v18 =	vld [tilespmem:s10+$0x80]  }
0x3f1: {  	[tilespmem:s3+$0xFFFFFFE0] =	vst v5;
	v12 =	vperm.xlane v21, v46;
	v14 =	vperm.xlane v21, v47;
	v19 =	vld [tilespmem:s10+$0x90]  }
0x3f2: {  	[tilespmem:s3+$0xFFFFFFD0] =	vst v7;
	v11 =	vperm.xlane v21, v48;
	v10 =	vperm.xlane v21, v49;
	v23 =	vld [tilespmem:s10+$0xA0]  }
0x3f3: {  	[tilespmem:s3+$0xFFFFFFC0] =	vst v8;
	v8 =	vperm.xlane v21, v50;
	v0 =	vmul.f32 v0, v4;
	v22 =	vld [tilespmem:s10+$0xB0];
	v7 =	vpop (erf)  }
0x3f4: {  	[tilespmem:s3+$0xFFFFFFB0] =	vst v15;
	v28 =	vld [tilespmem:s10+$0xC0];
	v6 =	vperm.xlane v7, v38;
	v63 =	vperm.xlane v7, v44  }
0x3f5: {  	[tilespmem:s3+$0x0] =	vst v2;
	v30 =	vld [tilespmem:s10+$0xD0];
	v9 =	vpop (erf);
	v62 =	vperm.xlane v7, v45;
	v5 =	vperm.xlane v7, v46  }
0x3f6: {  	v31 =	vld [tilespmem:s10+$0xE0];
	[tilespmem:s4+$0xFFFFFFF0] =	vst v7;
	v4 =	vperm.xlane v7, v48;
	v2 =	vperm.xlane v7, v50;
	v3 =	vpop (erf)  }
0x3f7: {  	v1 =	vmul.f32 v26, v8;
	v15 =	vld [tilespmem:s10+$0xFFFFFF80];
	v61 =	vperm.xlane v9, v38;
	[tilespmem:s4+$0xFFFFFFE0] =	vst v3  }
0x3f8: {  	[tilespmem:s3+$0x20] =	vst v59;
	v60 =	vperm.xlane v9, v44;
	v59 =	vperm.xlane v9, v45;
	v32 =	vld [tilespmem:s10+$0xFFFFFF00]  }
0x3f9: {  	[tilespmem:s3+$0xFFFFFFF0] =	vst v25;
	v29 =	vperm.xlane v3, v38;
	v26 =	vperm.xlane v3, v44;
	v33 =	vld [tilespmem:s10+$0xFFFFFF10]  }
0x3fa: {  	[tilespmem:s3+$0x10] =	vst v43;
	v27 =	vperm.xlane v3, v45;
	v24 =	vperm.xlane v3, v46;
	v34 =	vld [tilespmem:s10+$0xFFFFFF20]  }
0x3fb: {  	[tilespmem:s3+$0x30] =	vst v0;
	v25 =	vperm.xlane v3, v47;
	v21 =	vperm.xlane v3, v48;
	v35 =	vld [tilespmem:s10+$0xFFFFFF30]  }
0x3fc: {  	[tilespmem:s4+$0x0] =	vst v9;
	v20 =	vperm.xlane v3, v49;
	v8 =	vperm.xlane v3, v50;
	v36 =	vld [tilespmem:s10+$0xFFFFFF40]  }
0x3fd: {  	s21 =	simm.s32 $0x4;
	s22 =	simm.s32 $0x40;
	v3 =	vperm.xlane v7, v47;
	[tilespmem:s10+$0xF0] =	vst v1;
	v1 =	vperm.xlane v7, v49;
	v37 =	vld [tilespmem:s10+$0xFFFFFF50]  }
.LBB2_13:
0x3fe: {  	s7 =	sadd.s32 $0x18, s22;
	s21 =	sadd.s32 $0x4, s21;
	v0 =	vld [tilespmem:s10+$0xFFFFFF60];
	v7 =	vperm.xlane v9, v46;
	v38 =	vperm.xlane v9, v47;
	s18 =	sadd.s32 $0x40, s18  }
0x3ff: {  	s13 =	sand.u32 $0x180, s22;
	v40 =	vperm.xlane v9, v48;
	v41 =	vperm.xlane v9, v49;
	v39 =	vld [tilespmem:s18+$0xFFFFFFE0];
	s7 =	sand.u32 $0x78, s7;
	p3 =	slt.u32 s21, $0x3C  }
0x400: {  	v9 =	vperm.xlane v9, v50;
	v16 =	vmul.f32 v18, v16;
	s5 =	sadd.s32 $0x40, s5;
	s13 =	sadd.s32 $0x80, s13;
	v43 =	vld [tilespmem:s18+$0x10];
	s14 =	smin.u32 s7, $0x70  }
0x401: {  	s15 =	sadd.s32 $0x8, s22;
	s20 =	sadd.s32 $0x10, s22;
	v13 =	vmul.f32 v19, v13;
	v17 =	vmul.f32 v23, v17;
	v18 =	vld [tilespmem:s5+$0x10];
	s23 =	sor.u32 s14, s13  }
0x402: {  	s26 =	sand.u32 $0x60, s22;
	v12 =	vmul.f32 v22, v12;
	v14 =	vmul.f32 v28, v14;
	s15 =	sand.u32 $0x68, s15;
	s20 =	sand.u32 $0x70, s20;
	v19 =	vld [tilespmem:s23+$0x0];
	[tilespmem:s10+$0x80] =	vst v16  }
0x403: {  	v11 =	vmul.f32 v30, v11;
	v10 =	vmul.f32 v31, v10;
	s15 =	sor.u32 s15, s13;
	s23 =	sor.u32 s26, s13;
	s13 =	sor.u32 s20, s13;
	v16 =	vld [tilespmem:s18+$0xFFFFFFF0];
	[tilespmem:s10+$0x90] =	vst v13  }
0x404: {  	v23 =	vmul.f32 v32, v29;
	v13 =	vperm.xlane v39, v42;
	v22 =	vld [tilespmem:s18+$0x0];
	[tilespmem:s10+$0xA0] =	vst v17  }
0x405: {  	v26 =	vmul.f32 v33, v26;
	s7 =	ssub.s32 s7, s14;
	v39 =	vlaneseq.u32;
	v17 =	vld [tilespmem:s23+$0x0];
	v28 =	vperm.xlane v43, v42;
	[tilespmem:s10+$0xB0] =	vst v12  }
0x406: {  	v27 =	vmul.f32 v34, v27;
	v24 =	vmul.f32 v35, v24;
	v29 =	vadd.s32 s7, v39;
	v12 =	vld [tilespmem:s15+$0x0];
	[tilespmem:s10+$0xC0] =	vst v14  }
0x407: {  	v25 =	vmul.f32 v36, v25;
	v14 =	vld [tilespmem:s13+$0x0];
	v19 =	vperm.xlane v19, v29;
	v18 =	vadd.f32 v28, v18;
	[tilespmem:s10+$0xD0] =	vst v11  }
0x408: {  	v21 =	vmul.f32 v37, v21;
	v11 =	vld [tilespmem:s5+$0xFFFFFFF0];
	v16 =	vperm.xlane v16, v42;
	[tilespmem:s10+$0xE0] =	vst v10  }
0x409: {  	v0 =	vmul.f32 v0, v20;
	v10 =	vld [tilespmem:s5+$0x0];
	v22 =	vperm.xlane v22, v42;
	v18 =	vadd.f32 v19, v18;
	[tilespmem:s10+$0xFFFFFF00] =	vst v23  }
0x40a: {  	v6 =	vmul.f32 v15, v6;
	v19 =	vld [tilespmem:s5+$0xFFFFFFE0];
	v17 =	vperm.xlane v17, v39;
	[tilespmem:s10+$0xFFFFFF10] =	vst v26  }
0x40b: {  	v12 =	vperm.xlane v12, v39;
	v15 =	vmul.f32 $2.000000030e-01, v18;
	[tilespmem:s10+$0xFFFFFF20] =	vst v27;
	v20 =	vld [tilespmem:s10+$0xFFFFFF70];
	vm0 =	vge.f32 v18, $0.0e+00  }
0x40c: {  	v14 =	vperm.xlane v14, v39;
	[tilespmem:s10+$0xFFFFFF30] =	vst v24;
	v23 =	vld [tilespmem:s10+$0xFFFFFF90];
	v24 =	vmul.f32 v58, v51;
	v51 =	vmovc v38;
	v38 =	vimm.s32 $0x0  }
0x40d: {  	v11 =	vadd.f32 v16, v11;
	v15 =	vsel vm0, v18, v15;
	[tilespmem:s10+$0xFFFFFF40] =	vst v25;
	v16 =	vld [tilespmem:s10+$0xFFFFFFA0];
	v18 =	vmul.f32 v56, v52  }
0x40e: {  	v52 =	vmovc v40;
	v10 =	vadd.f32 v22, v10;
	v15 =	vmul.f32 $1.442695020e+00, v15;
	[tilespmem:s10+$0xFFFFFF50] =	vst v21;
	v21 =	vld [tilespmem:s10+$0xFFFFFFB0];
	v22 =	vmul.f32 v57, v53  }
0x40f: {  	v13 =	vadd.f32 v13, v19;
	v11 =	vadd.f32 v12, v11;
	[tilespmem:s10+$0xFFFFFF60] =	vst v0;
	v0 =	vld [tilespmem:s10+$0xFFFFFFC0];
	v12 =	vmul.f32 v55, v54  }
0x410: {  	v53 =	vmovc v41;
	v10 =	vadd.f32 v14, v10;
	(erf) = vpow2.f32 v15;
	v8 =	vmul.f32 v20, v8;
	[tilespmem:s10+$0xFFFFFF80] =	vst v6;
	v6 =	vld [tilespmem:s10+$0xFFFFFFD0]  }
0x411: {  	v54 =	vmovc v9;
	v13 =	vadd.f32 v17, v13;
	vm0 =	vge.f32 v11, $0.0e+00;
	v14 =	vmul.f32 $2.000000030e-01, v11;
	v15 =	vld [tilespmem:s10+$0xFFFFFFE0];
	[tilespmem:s3+$0x40] =	vst v24  }
0x412: {  	vm1 =	vge.f32 v10, $0.0e+00;
	v9 =	vmul.f32 $2.000000030e-01, v10;
	[tilespmem:s10+$0xFFFFFF70] =	vst v8;
	v8 =	vmul.f32 v23, v63;
	v17 =	vld [tilespmem:s10+$0xFFFFFFF0]  }
0x413: {  	vm2 =	vge.f32 v13, $0.0e+00;
	v19 =	vmul.f32 $2.000000030e-01, v13;
	v11 =	vsel vm0, v11, v14;
	v20 =	vld [tilespmem:s10+$0x0];
	[tilespmem:s3+$0x50] =	vst v18  }
0x414: {  	v11 =	vmul.f32 $1.442695020e+00, v11;
	v9 =	vsel vm1, v10, v9;
	[tilespmem:s10+$0xFFFFFF90] =	vst v8;
	v8 =	vmul.f32 v16, v62;
	v24 =	vld [tilespmem:s10+$0x10]  }
0x415: {  	v5 =	vmul.f32 v21, v5;
	v10 =	vsel vm2, v13, v19;
	v9 =	vmul.f32 $1.442695020e+00, v9;
	v21 =	vld [tilespmem:s10+$0x20];
	[tilespmem:s3+$0x60] =	vst v22  }
0x416: {  	v10 =	vmul.f32 $1.442695020e+00, v10;
	(erf) = vpow2.f32 v11;
	[tilespmem:s10+$0xFFFFFFA0] =	vst v8;
	v8 =	vld [tilespmem:s10+$0x30]  }
0x417: {  	v0 =	vmul.f32 v0, v3;
	(erf) = vpow2.f32 v9;
	[tilespmem:s10+$0xFFFFFFB0] =	vst v5;
	v58 =	vld [tilespmem:s10+$0x40]  }
0x418: {  	v3 =	vmul.f32 v6, v4;
	(erf) = vpow2.f32 v10;
	v56 =	vld [tilespmem:s10+$0x50];
	[tilespmem:s3+$0x70] =	vst v12;
	s3 =	smov.u32 s10  }
0x419: {  	s4 =	sadd.s32 $0x40, s4;
	v4 =	vpop (erf);
	[tilespmem:s10+$0xFFFFFFC0] =	vst v0;
	v0 =	vmul.f32 v15, v1;
	v1 =	vmul.f32 v17, v2;
	v57 =	vld [tilespmem:s10+$0x60]  }
0x41a: {  	s10 =	sadd.s32 $0x200, s10;
	[tilespmem:s4+$0x10] =	vst v4;
	v16 =	vperm.xlane v4, v38;
	v13 =	vperm.xlane v4, v44;
	v55 =	vld [tilespmem:s3+$0x70]  }
0x41b: {  	v17 =	vperm.xlane v4, v45;
	v12 =	vperm.xlane v4, v46;
	v2 =	vld [tilespmem:s10+$0xF0];
	[tilespmem:s3+$0xFFFFFFD0] =	vst v3  }
0x41c: {  	v14 =	vperm.xlane v4, v47;
	v11 =	vperm.xlane v4, v48;
	v18 =	vld [tilespmem:s10+$0x80];
	[tilespmem:s3+$0xFFFFFFE0] =	vst v0  }
0x41d: {  	v10 =	vperm.xlane v4, v49;
	v0 =	vmul.f32 v20, v61;
	v19 =	vld [tilespmem:s10+$0x90];
	[tilespmem:s3+$0xFFFFFFF0] =	vst v1  }
0x41e: {  	v3 =	vmul.f32 v24, v60;
	v1 =	vperm.xlane v4, v50;
	v23 =	vld [tilespmem:s10+$0xA0]  }
0x41f: {  	v4 =	vmul.f32 v8, v7;
	v22 =	vld [tilespmem:s10+$0xB0];
	v37 =	vpop (erf);
	[tilespmem:s3+$0x0] =	vst v0;
	v0 =	vmul.f32 v21, v59  }
0x420: {  	[tilespmem:s4+$0xFFFFFFF0] =	vst v37;
	v6 =	vperm.xlane v37, v38;
	v28 =	vld [tilespmem:s10+$0xC0];
	v1 =	vmul.f32 v2, v1;
	v9 =	vpop (erf)  }
0x421: {  	v63 =	vperm.xlane v37, v44;
	v62 =	vperm.xlane v37, v45;
	[tilespmem:s4+$0x0] =	vst v9;
	v30 =	vld [tilespmem:s10+$0xD0];
	v2 =	vpop (erf)  }
0x422: {  	v29 =	vperm.xlane v2, v38;
	v26 =	vperm.xlane v2, v44;
	v31 =	vld [tilespmem:s10+$0xE0];
	[tilespmem:s10+$0xF0] =	vst v1  }
0x423: {  	v27 =	vperm.xlane v2, v45;
	v24 =	vperm.xlane v2, v46;
	[tilespmem:s4+$0xFFFFFFE0] =	vst v2;
	v15 =	vld [tilespmem:s10+$0xFFFFFF80]  }
0x424: {  	v25 =	vperm.xlane v2, v47;
	v21 =	vperm.xlane v2, v48;
	v32 =	vld [tilespmem:s10+$0xFFFFFF00];
	[tilespmem:s3+$0x10] =	vst v3  }
.Ltmp8:
0x425: {  	v20 =	vperm.xlane v2, v49;
	v8 =	vperm.xlane v2, v50;
	v33 =	vld [tilespmem:s10+$0xFFFFFF10];
	[tilespmem:s3+$0x20] =	vst v0;
	(pc) =	sbr.rel @p3 .LBB2_13-.Ltmp8, $4  }
0x426: {  	v5 =	vperm.xlane v37, v46;
	v3 =	vperm.xlane v37, v47;
	v34 =	vld [tilespmem:s10+$0xFFFFFF20];
	[tilespmem:s3+$0x30] =	vst v4  }
0x427: {  	v1 =	vperm.xlane v37, v49;
	v4 =	vperm.xlane v37, v48;
	v35 =	vld [tilespmem:s10+$0xFFFFFF30]  }
0x428: {  	v61 =	vperm.xlane v9, v38;
	v2 =	vperm.xlane v37, v50;
	v36 =	vld [tilespmem:s10+$0xFFFFFF40]  }
0x429: {  	s22 =	sadd.s32 $0x20, s22;
	v60 =	vperm.xlane v9, v44;
	v59 =	vperm.xlane v9, v45;
	v37 =	vld [tilespmem:s10+$0xFFFFFF50]  }
0x42a: {  	v0 =	vmul.f32 v18, v16  }
0x42b: {  	v7 =	vmul.f32 v19, v13  }
0x42c: {  	v19 =	vmul.f32 v23, v17;
	[tilespmem:s10+$0x80] =	vst v0  }
0x42d: {  	v23 =	vmul.f32 v22, v12;
	[tilespmem:s10+$0x90] =	vst v7  }
0x42e: {  	v28 =	vmul.f32 v28, v14;
	[tilespmem:s10+$0xA0] =	vst v19  }
0x42f: {  	v11 =	vmul.f32 v30, v11;
	[tilespmem:s10+$0xB0] =	vst v23  }
0x430: {  	v40 =	vmul.f32 v32, v29;
	[tilespmem:s10+$0xC0] =	vst v28  }
0x431: {  	v43 =	vmul.f32 v33, v26;
	[tilespmem:s10+$0xD0] =	vst v11  }
0x432: {  	v17 =	vmul.f32 v31, v10;
	[tilespmem:s10+$0xFFFFFF00] =	vst v40  }
0x433: {  	v6 =	vmul.f32 v15, v6;
	[tilespmem:s10+$0xFFFFFF10] =	vst v43  }
0x434: {  	v29 =	vmul.f32 v56, v52;
	[tilespmem:s10+$0xE0] =	vst v17  }
0x435: {  	v33 =	vmul.f32 v57, v53;
	[tilespmem:s10+$0xFFFFFF80] =	vst v6  }
0x436: {  	v16 =	vmul.f32 v34, v27;
	[tilespmem:s3+$0x50] =	vst v29  }
0x437: {  	v41 =	vld [tilespmem:s10+$0xFFFFFF60];
	v27 =	vmul.f32 v58, v51;
	[tilespmem:s3+$0x60] =	vst v33  }
0x438: {  	v22 =	vld [tilespmem:s10+$0xFFFFFF70];
	v18 =	vmul.f32 v35, v24;
	[tilespmem:s10+$0xFFFFFF20] =	vst v16  }
0x439: {  	v26 =	vld [tilespmem:s10+$0xFFFFFFB0];
	v19 =	vmul.f32 v36, v25;
	[tilespmem:s3+$0x40] =	vst v27  }
0x43a: {  	v30 =	vld [tilespmem:s10+$0xFFFFFFD0];
	v23 =	vmul.f32 v37, v21;
	[tilespmem:s10+$0xFFFFFF30] =	vst v18  }
0x43b: {  	v31 =	vld [tilespmem:s10+$0xFFFFFFE0];
	v37 =	vmul.f32 v55, v54;
	[tilespmem:s10+$0xFFFFFF40] =	vst v19  }
0x43c: {  	v34 =	vld [tilespmem:s10+$0xFFFFFFF0];
	v7 =	vmul.f32 v41, v20;
	[tilespmem:s10+$0xFFFFFF50] =	vst v23  }
0x43d: {  	v24 =	vld [tilespmem:s10+$0xFFFFFF90];
	v0 =	vmul.f32 v22, v8;
	[tilespmem:s3+$0x70] =	vst v37  }
0x43e: {  	v28 =	vld [tilespmem:s10+$0xFFFFFFC0];
	v5 =	vmul.f32 v26, v5;
	[tilespmem:s10+$0xFFFFFF60] =	vst v7  }
0x43f: {  	v40 =	vld [tilespmem:s10+$0x10];
	v4 =	vmul.f32 v30, v4;
	[tilespmem:s10+$0xFFFFFF70] =	vst v0  }
0x440: {  	v43 =	vld [tilespmem:s10+$0x30];
	v1 =	vmul.f32 v31, v1;
	[tilespmem:s10+$0xFFFFFFB0] =	vst v5  }
0x441: {  	v25 =	vld [tilespmem:s10+$0xFFFFFFA0];
	v2 =	vmul.f32 v34, v2;
	[tilespmem:s10+$0xFFFFFFD0] =	vst v4  }
0x442: {  	v36 =	vld [tilespmem:s10+$0x0];
	v32 =	vmul.f32 v24, v63;
	[tilespmem:s10+$0xFFFFFFE0] =	vst v1  }
0x443: {  	v51 =	vld [tilespmem:s10+$0x40];
	v55 =	vperm.xlane v9, v46;
	v3 =	vmul.f32 v28, v3;
	[tilespmem:s10+$0xFFFFFFF0] =	vst v2  }
0x444: {  	v53 =	vld [tilespmem:s10+$0x60];
	v57 =	vmul.f32 v40, v60;
	[tilespmem:s10+$0xFFFFFF90] =	vst v32  }
0x445: {  	v41 =	vld [tilespmem:s10+$0x20];
	v5 =	vmul.f32 v43, v55;
	[tilespmem:s10+$0xFFFFFFC0] =	vst v3  }
0x446: {  	v56 =	vld [tilespmem:s10+$0x70];
	v58 =	vperm.xlane v9, v47;
	v35 =	vmul.f32 v25, v62;
	[tilespmem:s10+$0x10] =	vst v57  }
0x447: {  	v52 =	vld [tilespmem:s10+$0x50];
	v60 =	vperm.xlane v9, v49;
	v54 =	vmul.f32 v36, v61;
	[tilespmem:s10+$0x30] =	vst v5  }
0x448: {  	v61 =	vmul.f32 v51, v58;
	[tilespmem:s10+$0xFFFFFFA0] =	vst v35  }
0x449: {  	v62 =	vperm.xlane v9, v50;
	v2 =	vmul.f32 v53, v60;
	[tilespmem:s10+$0x0] =	vst v54  }
0x44a: {  	v0 =	vmul.f32 v41, v59;
	v59 =	vperm.xlane v9, v48;
	[tilespmem:s10+$0x40] =	vst v61  }
0x44b: {  	v63 =	vmul.f32 v56, v62;
	[tilespmem:s10+$0x60] =	vst v2  }
0x44c: {  	[tilespmem:s10+$0x20] =	vst v0;
	v1 =	vmul.f32 v52, v59  }
0x44d: {  	[tilespmem:s10+$0x70] =	vst v63  }
0x44e: {  	s29 =	simm.s32 $0xA80;
	[tilespmem:s10+$0x50] =	vst v1  }
0x44f: {  	[spmem:s2] =	stream.indirect.scatter.add.f32 [tilespmem:s29], [sflag:$0x1], $0x10, s28, s28, $0xb8;
	[tilespmem:$0x1EB10] =	vst v63  }
0x450: {  	s30 =	simm.s32 $0xE80  }
0x451: {  	[spmem:s1] =	stream.indirect.scatter.add.f32 [tilespmem:s30], [sflag:$0x1], $0x80, s28, s28, $0xb8;
	[tilespmem:$0x1EB10] =	vst v63  }
0x452: {  	_ =	swait.ge [sflag:s16], $0x400  }
.Ltmp9:
0x453: {  	[sflag:s16] =	ssyncset.done $0x0;
	(pc) =	sbr.rel .LBB2_15-.Ltmp9, $4  }
0x454: {  	[sflag:s16] =	ssyncadd.s32 $0xFFFFFC00  }
0x455: {  	_ =	swait.ge [sflag:s16], $0x2000  }
0x456: {  	[sflag:s16] =	ssyncset.done $0x0  }
0x457: {  	s7 =	rddreg [dreg:$0x17];
	[sflag:s16] =	ssyncadd.s32 $0xFFFFE000  }
.LBB2_16:
0x458: {  	_ =	sfence.sel $0x180000  }
0x459: {  	[bflag:$0x0] =	sbarrier.arrive $0xFFFF  }
0x45a: {  	_ =	strace $0x90000047  }
0x45b: {  	[bflag:$0x2] =	sbarrier.arrive $0xFFFF  }
0x45c: {  	s0 =	rddreg [dreg:$0x4]  }
0x45d: {  	s0 =	sadd.s32 @!p0 $0x100000, s0  }
0x45e: {  	[sflag:s0] =	ssyncadd.tile.s32 @!p0 $0x1;
	_ =	shalt  }
.Lfunc_end2:
_tile_overlayer_lowered:
.L_overlay_start_2:
0x45f: {  	(tag) =	ssettag $0x2  }
0x460: {  	s0 =	rddreg [dreg:$0x0];
	s2 =	stileid.u32  }
0x461: {  	s1 =	rddreg [dreg:$0x1];
	p0 =	sne.s32 s2, $0x0  }
0x462: {  	s3 =	rddreg [dreg:$0x2];
	[bflag:$0x3] =	sbarrier.arrive $0xFFFF;
	s2 =	simm.s32 @!p0 $0x1C05  }
0x463: {  	[timem:s3], [sflag:s2] =	dma.local @!p0 [hbm:s0], s1  }
0x464: {  	s0 =	simm.s32 @!p0 $0x5  }
0x465: {  	_ =	swait.ge @!p0 [sflag:s0], s1  }
0x466: {  	s1 =	ssub.s32 @!p0 $0x0, s1;
	[sflag:s0] =	ssyncset.done @!p0 $0x0  }
0x467: {  	[sflag:s0] =	ssyncadd.s32 @!p0 s1  }
0x468: {  	[bflag:$0x3] =	sbarrier.arrive $0xFFFF  }
0x469: {  	_ =	shalt  }

</sc_bundles>
